<compile_context>
chip_gen: v7x
topology: tpu7x:2x2x1
jax: 0.10.2.dev20260603
libtpu: 0.0.44.dev20260713+nightly
codegen_flags: <defaults>
</compile_context>

<pallas_src>
import functools

import jax
import jax.numpy as jnp
from jax import lax
from jax.experimental import pallas as pl
from jax.experimental.pallas import tpu as pltpu
from jax.experimental.pallas import tpu_sc as plsc

N = 4096
K = 4096
BS = 128
NE = 8
BATCH = 4
NC, NS, L = 2, 16, 16
NW = NC * NS
ROWS_W = N // NW
BPR = (K * 3) // 8
KBPR = K // BS
CLUSTERS = K // 32
RG2 = 2
CHUNK_R = L * RG2
NPASS = ROWS_W // CHUNK_R


def _sc_body(x_hbm, pk_hbm, cb_hbm, out_hbm, x_v, pk_v, cb_v, y_v):
    cid = lax.axis_index("c")
    sid = lax.axis_index("s")
    wid = cid * NS + sid
    r0 = wid * ROWS_W

    pltpu.sync_copy(x_hbm, x_v)
    pltpu.sync_copy(cb_hbm.at[pl.ds(r0 * KBPR * NE, ROWS_W * KBPR * NE)], cb_v)

    lanes = lax.iota(jnp.int32, L)

    def pass_body(p, _):
        pltpu.sync_copy(
            pk_hbm.at[pl.ds((r0 + p * CHUNK_R) * BPR, CHUNK_R * BPR)], pk_v)
        pkbase = [lanes * BPR + rg * (L * BPR) for rg in range(RG2)]
        cbbase = [(lanes + p * CHUNK_R + rg * L) * (KBPR * NE)
                  for rg in range(RG2)]

        def cl_body(c, accs):
            accs = list(accs)
            kb8 = (c >> 2) << 3
            cbi0 = [cbbase[rg] + kb8 for rg in range(RG2)]
            xvecs = [[x_v[pl.ds(b * K + c * 32, L)],
                      x_v[pl.ds(b * K + c * 32 + L, L)]] for b in range(BATCH)]
            for gg in range(4):
                g3 = c * 12 + gg * 3
                bits = []
                for rg in range(RG2):
                    i0 = pkbase[rg] + g3
                    b0 = plsc.load_gather(pk_v, [i0])
                    b1 = plsc.load_gather(pk_v, [i0 + 1])
                    b2 = plsc.load_gather(pk_v, [i0 + 2])
                    bits.append(b0 | (b1 << 8) | (b2 << 16))
                for j in range(8):
                    jj = gg * 8 + j
                    xs = [xvecs[b][jj // L][jj % L] for b in range(BATCH)]
                    for rg in range(RG2):
                        code = (bits[rg] >> (3 * j)) & 7
                        cv = plsc.load_gather(cb_v, [cbi0[rg] + code])
                        for b in range(BATCH):
                            i = rg * BATCH + b
                            accs[i] = accs[i] + cv * xs[b]
            return tuple(accs)

        acc0 = tuple(jnp.zeros((L,), jnp.float32) for _ in range(RG2 * BATCH))
        accs = lax.fori_loop(0, CLUSTERS, cl_body, acc0)
        for rg in range(RG2):
            for b in range(BATCH):
                y_v[pl.ds(b * ROWS_W + p * CHUNK_R + rg * L, L)] = (
                    accs[rg * BATCH + b])
        return 0

    lax.fori_loop(0, NPASS, pass_body, 0)
    for b in range(BATCH):
        pltpu.sync_copy(y_v.at[pl.ds(b * ROWS_W, ROWS_W)],
                        out_hbm.at[pl.ds(b * N + r0, ROWS_W)])


_sc_kernel = functools.partial(
    pl.kernel,
    out_type=jax.ShapeDtypeStruct((BATCH * N,), jnp.float32),
    mesh=plsc.VectorSubcoreMesh(
        core_axis_name="c", subcore_axis_name="s",
        num_cores=NC, num_subcores=NS),
    compiler_params=pltpu.CompilerParams(
        needs_layout_passes=False, use_tc_tiling_on_sc=False),
    scratch_types=[
        pltpu.VMEM((BATCH * K,), jnp.float32),
        pltpu.VMEM((CHUNK_R * BPR,), jnp.int32),
        pltpu.VMEM((ROWS_W * KBPR * NE,), jnp.float32),
        pltpu.VMEM((BATCH * ROWS_W,), jnp.float32),
    ],
)(_sc_body)


@jax.jit
def kernel(x, packed_indices, codebook):
    y_flat = _sc_kernel(x.reshape(-1), packed_indices, codebook.reshape(-1))
    return y_flat.reshape(BATCH, N)

# --- scband reference (transcript-rebuilt; emitter-appended) ---
"""Pipeline reference for scband-packed-linear-85950885528451 (READ-ONLY COPY).

The authoritative reference and input builder live on the scoring server;
editing this copy changes nothing except your own understanding.
"""

import jax, jax.numpy as jnp
import numpy as np

N = 4096  # out_features
K = 4096  # in_features
BS = 128  # block size (weights per codebook block)
NE = 8    # codebook entries per block (3-bit indices)
BATCH = 4


def setup_inputs(seed: int = 0) -> dict:
    key = jax.random.key(seed)
    k1, k2, k3 = jax.random.split(key, 3)
    x = jax.random.normal(k1, (BATCH, K), dtype=jnp.float32)
    num_blocks = (N * K) // BS
    # raw 3-bit indices in [0, 8)
    idx = jax.random.randint(k2, (num_blocks * BS,), 0, NE, dtype=jnp.int32)
    # pack 8 indices -> 3 bytes (same layout as pack_indices_to_3bit)
    groups = idx.reshape(-1, 8)
    shifts = (jnp.arange(8) * 3).astype(jnp.int32)
    bits24 = jnp.sum(groups << shifts[None, :], axis=1)  # 3-bit fields are disjoint, sum == OR
    b0 = bits24 & 255
    b1 = (bits24 >> 8) & 255
    b2 = (bits24 >> 16) & 255
    packed_indices = jnp.stack([b0, b1, b2], axis=1).reshape(-1).astype(jnp.int32)
    codebook = jax.random.normal(k3, (num_blocks, NE), dtype=jnp.float32)
    return {"x": x, "packed_indices": packed_indices, "codebook": codebook}


def reference(x, packed_indices, codebook):
    # Faithful translation of PackedLinear.forward (batch > 1 path):
    # unpack 3-bit indices from bytes, gather per-block codebook values,
    # reassemble dense weight, then matmul.
    num_blocks = codebook.shape[0]
    n_groups = packed_indices.shape[0] // 3
    packed = packed_indices.reshape(n_groups, 3).astype(jnp.int32)
    bits24 = packed[:, 0] | (packed[:, 1] << 8) | (packed[:, 2] << 16)
    shifts = (jnp.arange(8) * 3).astype(jnp.int32)
    indices = (bits24[:, None] >> shifts[None, :]) & 7  # (n_groups, 8)
    total_idx = num_blocks * BS
    indices = indices.reshape(-1)[:total_idx].reshape(num_blocks, BS)
    # gather: w[b, j] = codebook[b, indices[b, j]]
    w = jnp.take_along_axis(codebook, indices, axis=1)  # (num_blocks, BS)
    total = N * K
    w = w.reshape(-1)[:total].reshape(N, K)
    y = x @ w.T  # (BATCH, N)
    return y

if __name__ == "__main__":
    import jax
    _d = setup_inputs()
    print(jax.jit(kernel)(*tuple(_d.values())))

</pallas_src>

<mosaic_0001>
#map = affine_map<(d0, d1) -> (0)>
module attributes {stable_mosaic.version = 14 : i64} {
  func.func @_sc_body(%arg0: i32, %arg1: i32, %arg2: memref<16384xf32, #tpu.memory_space<hbm>>, %arg3: memref<6291456xi32, #tpu.memory_space<hbm>>, %arg4: memref<1048576xf32, #tpu.memory_space<hbm>>, %arg5: memref<16384xf32, #tpu.memory_space<hbm>>, %arg6: memref<16384xf32, #tpu.memory_space<vmem>>, %arg7: memref<49152xi32, #tpu.memory_space<vmem>>, %arg8: memref<32768xf32, #tpu.memory_space<vmem>>, %arg9: memref<512xf32, #tpu.memory_space<vmem>>) attributes {dimension_semantics = [#tpu.dimension_semantics<core_parallel>, #tpu.dimension_semantics<subcore_parallel>], iteration_bounds = array<i64: 2, 16>, scalar_prefetch = 0 : i64, scratch_operands = 4 : i64, tpu.core_type = #tpu.core_type<sc_vector_subcore>, window_params = [{transform_indices = #map}, {transform_indices = #map}, {transform_indices = #map}, {transform_indices = #map}]} {
    %mul3A = arith.constant 16 : i32
    %mul3A_0 = arith.muli %arg0, %mul3A : i32
    %add3A = arith.addi %mul3A_0, %arg1 : i32
    %mul3A_1 = arith.constant 128 : i32
    %mul3A_2 = arith.muli %add3A, %mul3A_1 : i32
    "tpu.region"() ({
      %run_scoped3A = tpu.sem_alloc : memref<!tpu.dma_semaphore, #tpu.memory_space<semaphore_mem>>
      tpu.enqueue_dma source(%arg2 : memref<16384xf32, #tpu.memory_space<hbm>>) target(%arg6 : memref<16384xf32, #tpu.memory_space<vmem>>) target_semaphore(%run_scoped3A : memref<!tpu.dma_semaphore, #tpu.memory_space<semaphore_mem>>)
      tpu.wait_dma2 semaphore(%run_scoped3A : memref<!tpu.dma_semaphore, #tpu.memory_space<semaphore_mem>>) src(%arg2 : memref<16384xf32, #tpu.memory_space<hbm>>) dst(%arg6 : memref<16384xf32, #tpu.memory_space<vmem>>)
      tpu.yield
    }) : () -> ()
    %mul3A_3 = arith.constant 32 : i32
    %mul3A_4 = arith.muli %mul3A_2, %mul3A_3 : i32
    %mul3A_5 = arith.constant 8 : i32
    %mul3A_6 = arith.muli %mul3A_4, %mul3A_5 : i32
    "tpu.region"() ({
      %run_scoped3A = tpu.sem_alloc : memref<!tpu.dma_semaphore, #tpu.memory_space<semaphore_mem>>
      %dma_start3A = tpu.memref_slice %arg4[%mul3A_6] : memref<1048576xf32, #tpu.memory_space<hbm>> -> memref<32768xf32, #tpu.memory_space<hbm>>
      %dma_start3A_21 = tpu.memref_slice %arg4[%mul3A_6] : memref<1048576xf32, #tpu.memory_space<hbm>> -> memref<32768xf32, #tpu.memory_space<hbm>>
      tpu.enqueue_dma source(%dma_start3A_21 : memref<32768xf32, #tpu.memory_space<hbm>>) target(%arg8 : memref<32768xf32, #tpu.memory_space<vmem>>) target_semaphore(%run_scoped3A : memref<!tpu.dma_semaphore, #tpu.memory_space<semaphore_mem>>)
      %dma_wait3A = tpu.memref_slice %arg4[%mul3A_6] : memref<1048576xf32, #tpu.memory_space<hbm>> -> memref<32768xf32, #tpu.memory_space<hbm>>
      %dma_wait3A_22 = tpu.memref_slice %arg4[%mul3A_6] : memref<1048576xf32, #tpu.memory_space<hbm>> -> memref<32768xf32, #tpu.memory_space<hbm>>
      tpu.wait_dma2 semaphore(%run_scoped3A : memref<!tpu.dma_semaphore, #tpu.memory_space<semaphore_mem>>) src(%dma_wait3A_22 : memref<32768xf32, #tpu.memory_space<hbm>>) dst(%arg8 : memref<32768xf32, #tpu.memory_space<vmem>>)
      tpu.yield
    }) : () -> ()
    %iota3A = tpu.iota {dimensions = array<i32: 0>} : vector<16xi32>
    %scan3A = arith.constant 0 : i32
    %scan3A_7 = arith.constant 0 : i32
    %scan3A_8 = arith.constant 4 : i32
    %scan3A_9 = arith.addi %scan3A_7, %scan3A_8 : i32
    %scan3A_10 = arith.constant 1 : i32
    %scan3A_11 = scf.for %scan3A_21 = %scan3A_7 to %scan3A_9 step %scan3A_10 iter_args(%scan3A_22 = %scan3A) -> (i32)  : i32 {
      %mul3A_23 = arith.constant 32 : i32
      %mul3A_24 = arith.muli %scan3A_21, %mul3A_23 : i32
      %add3A_25 = arith.addi %mul3A_2, %mul3A_24 : i32
      %mul3A_26 = arith.constant 1536 : i32
      %mul3A_27 = arith.muli %add3A_25, %mul3A_26 : i32
      "tpu.region"() ({
        %run_scoped3A = tpu.sem_alloc : memref<!tpu.dma_semaphore, #tpu.memory_space<semaphore_mem>>
        %dma_start3A = tpu.memref_slice %arg3[%mul3A_27] : memref<6291456xi32, #tpu.memory_space<hbm>> -> memref<49152xi32, #tpu.memory_space<hbm>>
        %dma_start3A_145 = tpu.memref_slice %arg3[%mul3A_27] : memref<6291456xi32, #tpu.memory_space<hbm>> -> memref<49152xi32, #tpu.memory_space<hbm>>
        tpu.enqueue_dma source(%dma_start3A_145 : memref<49152xi32, #tpu.memory_space<hbm>>) target(%arg7 : memref<49152xi32, #tpu.memory_space<vmem>>) target_semaphore(%run_scoped3A : memref<!tpu.dma_semaphore, #tpu.memory_space<semaphore_mem>>)
        %dma_wait3A = tpu.memref_slice %arg3[%mul3A_27] : memref<6291456xi32, #tpu.memory_space<hbm>> -> memref<49152xi32, #tpu.memory_space<hbm>>
        %dma_wait3A_146 = tpu.memref_slice %arg3[%mul3A_27] : memref<6291456xi32, #tpu.memory_space<hbm>> -> memref<49152xi32, #tpu.memory_space<hbm>>
        tpu.wait_dma2 semaphore(%run_scoped3A : memref<!tpu.dma_semaphore, #tpu.memory_space<semaphore_mem>>) src(%dma_wait3A_146 : memref<49152xi32, #tpu.memory_space<hbm>>) dst(%arg7 : memref<49152xi32, #tpu.memory_space<vmem>>)
        tpu.yield
      }) : () -> ()
      %mul3A_28 = arith.constant 1536 : i32
      %mul3A_29 = vector.broadcast %mul3A_28 : i32 to vector<16xi32>
      %mul3A_30 = arith.muli %iota3A, %mul3A_29 : vector<16xi32>
      %add3A_31 = arith.constant 0 : i32
      %add3A_32 = vector.broadcast %add3A_31 : i32 to vector<16xi32>
      %add3A_33 = arith.addi %mul3A_30, %add3A_32 : vector<16xi32>
      %mul3A_34 = arith.constant 1536 : i32
      %mul3A_35 = vector.broadcast %mul3A_34 : i32 to vector<16xi32>
      %mul3A_36 = arith.muli %iota3A, %mul3A_35 : vector<16xi32>
      %add3A_37 = arith.constant 24576 : i32
      %add3A_38 = vector.broadcast %add3A_37 : i32 to vector<16xi32>
      %add3A_39 = arith.addi %mul3A_36, %add3A_38 : vector<16xi32>
      %mul3A_40 = arith.constant 32 : i32
      %mul3A_41 = arith.muli %scan3A_21, %mul3A_40 : i32
      %add3A_42 = vector.broadcast %mul3A_41 : i32 to vector<16xi32>
      %add3A_43 = arith.addi %iota3A, %add3A_42 : vector<16xi32>
      %add3A_44 = arith.constant 0 : i32
      %add3A_45 = vector.broadcast %add3A_44 : i32 to vector<16xi32>
      %add3A_46 = arith.addi %add3A_43, %add3A_45 : vector<16xi32>
      %mul3A_47 = arith.constant 256 : i32
      %mul3A_48 = vector.broadcast %mul3A_47 : i32 to vector<16xi32>
      %mul3A_49 = arith.muli %add3A_46, %mul3A_48 : vector<16xi32>
      %mul3A_50 = arith.constant 32 : i32
      %mul3A_51 = arith.muli %scan3A_21, %mul3A_50 : i32
      %add3A_52 = vector.broadcast %mul3A_51 : i32 to vector<16xi32>
      %add3A_53 = arith.addi %iota3A, %add3A_52 : vector<16xi32>
      %add3A_54 = arith.constant 16 : i32
      %add3A_55 = vector.broadcast %add3A_54 : i32 to vector<16xi32>
      %add3A_56 = arith.addi %add3A_53, %add3A_55 : vector<16xi32>
      %mul3A_57 = arith.constant 256 : i32
      %mul3A_58 = vector.broadcast %mul3A_57 : i32 to vector<16xi32>
      %mul3A_59 = arith.muli %add3A_56, %mul3A_58 : vector<16xi32>
      %broadcast_in_dim3A = arith.constant 0.000000e+00 : f32
      %broadcast_in_dim3A_60 = vector.broadcast %broadcast_in_dim3A : f32 to vector<16xf32>
      %broadcast_in_dim3A_61 = arith.constant 0.000000e+00 : f32
      %broadcast_in_dim3A_62 = vector.broadcast %broadcast_in_dim3A_61 : f32 to vector<16xf32>
      %broadcast_in_dim3A_63 = arith.constant 0.000000e+00 : f32
      %broadcast_in_dim3A_64 = vector.broadcast %broadcast_in_dim3A_63 : f32 to vector<16xf32>
      %broadcast_in_dim3A_65 = arith.constant 0.000000e+00 : f32
      %broadcast_in_dim3A_66 = vector.broadcast %broadcast_in_dim3A_65 : f32 to vector<16xf32>
      %broadcast_in_dim3A_67 = arith.constant 0.000000e+00 : f32
      %broadcast_in_dim3A_68 = vector.broadcast %broadcast_in_dim3A_67 : f32 to vector<16xf32>
      %broadcast_in_dim3A_69 = arith.constant 0.000000e+00 : f32
      %broadcast_in_dim3A_70 = vector.broadcast %broadcast_in_dim3A_69 : f32 to vector<16xf32>
      %broadcast_in_dim3A_71 = arith.constant 0.000000e+00 : f32
      %broadcast_in_dim3A_72 = vector.broadcast %broadcast_in_dim3A_71 : f32 to vector<16xf32>
      %broadcast_in_dim3A_73 = arith.constant 0.000000e+00 : f32
      %broadcast_in_dim3A_74 = vector.broadcast %broadcast_in_dim3A_73 : f32 to vector<16xf32>
      %scan3A_75 = arith.constant 0 : i32
      %scan3A_76 = arith.constant 128 : i32
      %scan3A_77 = arith.addi %scan3A_75, %scan3A_76 : i32
      %scan3A_78 = arith.constant 1 : i32
      %scan3A_79:8 = scf.for %scan3A_145 = %scan3A_75 to %scan3A_77 step %scan3A_78 iter_args(%scan3A_146 = %broadcast_in_dim3A_60, %scan3A_147 = %broadcast_in_dim3A_62, %scan3A_148 = %broadcast_in_dim3A_64, %scan3A_149 = %broadcast_in_dim3A_66, %scan3A_150 = %broadcast_in_dim3A_68, %scan3A_151 = %broadcast_in_dim3A_70, %scan3A_152 = %broadcast_in_dim3A_72, %scan3A_153 = %broadcast_in_dim3A_74) -> (vector<16xf32>, vector<16xf32>, vector<16xf32>, vector<16xf32>, vector<16xf32>, vector<16xf32>, vector<16xf32>, vector<16xf32>)  : i32 {
        %shift_right_arithmetic3A = arith.constant 2 : i32
        %shift_right_arithmetic3A_154 = arith.shrsi %scan3A_145, %shift_right_arithmetic3A : i32
        %shift_left3A = arith.constant 3 : i32
        %shift_left3A_155 = arith.shli %shift_right_arithmetic3A_154, %shift_left3A : i32
        %add3A_156 = vector.broadcast %shift_left3A_155 : i32 to vector<16xi32>
        %add3A_157 = arith.addi %mul3A_49, %add3A_156 : vector<16xi32>
        %add3A_158 = vector.broadcast %shift_left3A_155 : i32 to vector<16xi32>
        %add3A_159 = arith.addi %mul3A_59, %add3A_158 : vector<16xi32>
        %mul3A_160 = arith.constant 32 : i32
        %mul3A_161 = arith.muli %scan3A_145, %mul3A_160 : i32
        %add3A_162 = arith.constant 0 : i32
        %add3A_163 = arith.addi %add3A_162, %mul3A_161 : i32
        %get3A = arith.index_cast %add3A_163 : i32 to index
        %get3A_164 = tpu.vector_load %arg6[%get3A] {strides = array<i32>} : memref<16384xf32, #tpu.memory_space<vmem>>, vector<16xf32>,
        %mul3A_165 = arith.constant 32 : i32
        %mul3A_166 = arith.muli %scan3A_145, %mul3A_165 : i32
        %add3A_167 = arith.constant 0 : i32
        %add3A_168 = arith.addi %add3A_167, %mul3A_166 : i32
        %add3A_169 = arith.constant 16 : i32
        %add3A_170 = arith.addi %add3A_168, %add3A_169 : i32
        %get3A_171 = arith.index_cast %add3A_170 : i32 to index
        %get3A_172 = tpu.vector_load %arg6[%get3A_171] {strides = array<i32>} : memref<16384xf32, #tpu.memory_space<vmem>>, vector<16xf32>,
        %mul3A_173 = arith.constant 32 : i32
        %mul3A_174 = arith.muli %scan3A_145, %mul3A_173 : i32
        %add3A_175 = arith.constant 4096 : i32
        %add3A_176 = arith.addi %add3A_175, %mul3A_174 : i32
        %get3A_177 = arith.index_cast %add3A_176 : i32 to index
        %get3A_178 = tpu.vector_load %arg6[%get3A_177] {strides = array<i32>} : memref<16384xf32, #tpu.memory_space<vmem>>, vector<16xf32>,
        %mul3A_179 = arith.constant 32 : i32
        %mul3A_180 = arith.muli %scan3A_145, %mul3A_179 : i32
        %add3A_181 = arith.constant 4096 : i32
        %add3A_182 = arith.addi %add3A_181, %mul3A_180 : i32
        %add3A_183 = arith.constant 16 : i32
        %add3A_184 = arith.addi %add3A_182, %add3A_183 : i32
        %get3A_185 = arith.index_cast %add3A_184 : i32 to index
        %get3A_186 = tpu.vector_load %arg6[%get3A_185] {strides = array<i32>} : memref<16384xf32, #tpu.memory_space<vmem>>, vector<16xf32>,
        %mul3A_187 = arith.constant 32 : i32
        %mul3A_188 = arith.muli %scan3A_145, %mul3A_187 : i32
        %add3A_189 = arith.constant 8192 : i32
        %add3A_190 = arith.addi %add3A_189, %mul3A_188 : i32
        %get3A_191 = arith.index_cast %add3A_190 : i32 to index
        %get3A_192 = tpu.vector_load %arg6[%get3A_191] {strides = array<i32>} : memref<16384xf32, #tpu.memory_space<vmem>>, vector<16xf32>,
        %mul3A_193 = arith.constant 32 : i32
        %mul3A_194 = arith.muli %scan3A_145, %mul3A_193 : i32
        %add3A_195 = arith.constant 8192 : i32
        %add3A_196 = arith.addi %add3A_195, %mul3A_194 : i32
        %add3A_197 = arith.constant 16 : i32
        %add3A_198 = arith.addi %add3A_196, %add3A_197 : i32
        %get3A_199 = arith.index_cast %add3A_198 : i32 to index
        %get3A_200 = tpu.vector_load %arg6[%get3A_199] {strides = array<i32>} : memref<16384xf32, #tpu.memory_space<vmem>>, vector<16xf32>,
        %mul3A_201 = arith.constant 32 : i32
        %mul3A_202 = arith.muli %scan3A_145, %mul3A_201 : i32
        %add3A_203 = arith.constant 12288 : i32
        %add3A_204 = arith.addi %add3A_203, %mul3A_202 : i32
        %get3A_205 = arith.index_cast %add3A_204 : i32 to index
        %get3A_206 = tpu.vector_load %arg6[%get3A_205] {strides = array<i32>} : memref<16384xf32, #tpu.memory_space<vmem>>, vector<16xf32>,
        %mul3A_207 = arith.constant 32 : i32
        %mul3A_208 = arith.muli %scan3A_145, %mul3A_207 : i32
        %add3A_209 = arith.constant 12288 : i32
        %add3A_210 = arith.addi %add3A_209, %mul3A_208 : i32
        %add3A_211 = arith.constant 16 : i32
        %add3A_212 = arith.addi %add3A_210, %add3A_211 : i32
        %get3A_213 = arith.index_cast %add3A_212 : i32 to index
        %get3A_214 = tpu.vector_load %arg6[%get3A_213] {strides = array<i32>} : memref<16384xf32, #tpu.memory_space<vmem>>, vector<16xf32>,
        %mul3A_215 = arith.constant 12 : i32
        %mul3A_216 = arith.muli %scan3A_145, %mul3A_215 : i32
        %add3A_217 = arith.constant 0 : i32
        %add3A_218 = arith.addi %mul3A_216, %add3A_217 : i32
        %add3A_219 = vector.broadcast %add3A_218 : i32 to vector<16xi32>
        %add3A_220 = arith.addi %add3A_33, %add3A_219 : vector<16xi32>
        %gather3A = tpu.vector_load_idx %arg7[%add3A_220] : memref<49152xi32, #tpu.memory_space<vmem>>[vector<16xi32>], vector<16xi32>,
        %add3A_221 = arith.constant 1 : i32
        %add3A_222 = vector.broadcast %add3A_221 : i32 to vector<16xi32>
        %add3A_223 = arith.addi %add3A_220, %add3A_222 : vector<16xi32>
        %gather3A_224 = tpu.vector_load_idx %arg7[%add3A_223] : memref<49152xi32, #tpu.memory_space<vmem>>[vector<16xi32>], vector<16xi32>,
        %add3A_225 = arith.constant 2 : i32
        %add3A_226 = vector.broadcast %add3A_225 : i32 to vector<16xi32>
        %add3A_227 = arith.addi %add3A_220, %add3A_226 : vector<16xi32>
        %gather3A_228 = tpu.vector_load_idx %arg7[%add3A_227] : memref<49152xi32, #tpu.memory_space<vmem>>[vector<16xi32>], vector<16xi32>,
        %shift_left3A_229 = arith.constant 8 : i32
        %shift_left3A_230 = vector.broadcast %shift_left3A_229 : i32 to vector<16xi32>
        %shift_left3A_231 = arith.shli %gather3A_224, %shift_left3A_230 : vector<16xi32>
        %or3A = arith.ori %gather3A, %shift_left3A_231 : vector<16xi32>
        %shift_left3A_232 = arith.constant 16 : i32
        %shift_left3A_233 = vector.broadcast %shift_left3A_232 : i32 to vector<16xi32>
        %shift_left3A_234 = arith.shli %gather3A_228, %shift_left3A_233 : vector<16xi32>
        %or3A_235 = arith.ori %or3A, %shift_left3A_234 : vector<16xi32>
        %add3A_236 = vector.broadcast %add3A_218 : i32 to vector<16xi32>
        %add3A_237 = arith.addi %add3A_39, %add3A_236 : vector<16xi32>
        %gather3A_238 = tpu.vector_load_idx %arg7[%add3A_237] : memref<49152xi32, #tpu.memory_space<vmem>>[vector<16xi32>], vector<16xi32>,
        %add3A_239 = arith.constant 1 : i32
        %add3A_240 = vector.broadcast %add3A_239 : i32 to vector<16xi32>
        %add3A_241 = arith.addi %add3A_237, %add3A_240 : vector<16xi32>
        %gather3A_242 = tpu.vector_load_idx %arg7[%add3A_241] : memref<49152xi32, #tpu.memory_space<vmem>>[vector<16xi32>], vector<16xi32>,
        %add3A_243 = arith.constant 2 : i32
        %add3A_244 = vector.broadcast %add3A_243 : i32 to vector<16xi32>
        %add3A_245 = arith.addi %add3A_237, %add3A_244 : vector<16xi32>
        %gather3A_246 = tpu.vector_load_idx %arg7[%add3A_245] : memref<49152xi32, #tpu.memory_space<vmem>>[vector<16xi32>], vector<16xi32>,
        %shift_left3A_247 = arith.constant 8 : i32
        %shift_left3A_248 = vector.broadcast %shift_left3A_247 : i32 to vector<16xi32>
        %shift_left3A_249 = arith.shli %gather3A_242, %shift_left3A_248 : vector<16xi32>
        %or3A_250 = arith.ori %gather3A_238, %shift_left3A_249 : vector<16xi32>
        %shift_left3A_251 = arith.constant 16 : i32
        %shift_left3A_252 = vector.broadcast %shift_left3A_251 : i32 to vector<16xi32>
        %shift_left3A_253 = arith.shli %gather3A_246, %shift_left3A_252 : vector<16xi32>
        %or3A_254 = arith.ori %or3A_250, %shift_left3A_253 : vector<16xi32>
        %slice3A = vector.extract_strided_slice %get3A_164 {offsets = [0], sizes = [1], strides = [1]} : vector<16xf32> to vector<1xf32>
        %squeeze3A = vector.extract %slice3A[0] : f32 from vector<1xf32>
        %slice3A_255 = vector.extract_strided_slice %get3A_178 {offsets = [0], sizes = [1], strides = [1]} : vector<16xf32> to vector<1xf32>
        %squeeze3A_256 = vector.extract %slice3A_255[0] : f32 from vector<1xf32>
        %slice3A_257 = vector.extract_strided_slice %get3A_192 {offsets = [0], sizes = [1], strides = [1]} : vector<16xf32> to vector<1xf32>
        %squeeze3A_258 = vector.extract %slice3A_257[0] : f32 from vector<1xf32>
        %slice3A_259 = vector.extract_strided_slice %get3A_206 {offsets = [0], sizes = [1], strides = [1]} : vector<16xf32> to vector<1xf32>
        %squeeze3A_260 = vector.extract %slice3A_259[0] : f32 from vector<1xf32>
        %shift_right_arithmetic3A_261 = arith.constant 0 : i32
        %shift_right_arithmetic3A_262 = vector.broadcast %shift_right_arithmetic3A_261 : i32 to vector<16xi32>
        %shift_right_arithmetic3A_263 = arith.shrsi %or3A_235, %shift_right_arithmetic3A_262 : vector<16xi32>
        %and3A = arith.constant 7 : i32
        %and3A_264 = vector.broadcast %and3A : i32 to vector<16xi32>
        %and3A_265 = arith.andi %shift_right_arithmetic3A_263, %and3A_264 : vector<16xi32>
        %add3A_266 = arith.addi %add3A_157, %and3A_265 : vector<16xi32>
        %gather3A_267 = tpu.vector_load_idx %arg8[%add3A_266] : memref<32768xf32, #tpu.memory_space<vmem>>[vector<16xi32>], vector<16xf32>,
        %mul3A_268 = vector.broadcast %squeeze3A : f32 to vector<16xf32>
        %mul3A_269 = arith.mulf %gather3A_267, %mul3A_268 : vector<16xf32>
        %add3A_270 = arith.addf %scan3A_146, %mul3A_269 : vector<16xf32>
        %mul3A_271 = vector.broadcast %squeeze3A_256 : f32 to vector<16xf32>
        %mul3A_272 = arith.mulf %gather3A_267, %mul3A_271 : vector<16xf32>
        %add3A_273 = arith.addf %scan3A_147, %mul3A_272 : vector<16xf32>
        %mul3A_274 = vector.broadcast %squeeze3A_258 : f32 to vector<16xf32>
        %mul3A_275 = arith.mulf %gather3A_267, %mul3A_274 : vector<16xf32>
        %add3A_276 = arith.addf %scan3A_148, %mul3A_275 : vector<16xf32>
        %mul3A_277 = vector.broadcast %squeeze3A_260 : f32 to vector<16xf32>
        %mul3A_278 = arith.mulf %gather3A_267, %mul3A_277 : vector<16xf32>
        %add3A_279 = arith.addf %scan3A_149, %mul3A_278 : vector<16xf32>
        %shift_right_arithmetic3A_280 = arith.constant 0 : i32
        %shift_right_arithmetic3A_281 = vector.broadcast %shift_right_arithmetic3A_280 : i32 to vector<16xi32>
        %shift_right_arithmetic3A_282 = arith.shrsi %or3A_254, %shift_right_arithmetic3A_281 : vector<16xi32>
        %and3A_283 = arith.constant 7 : i32
        %and3A_284 = vector.broadcast %and3A_283 : i32 to vector<16xi32>
        %and3A_285 = arith.andi %shift_right_arithmetic3A_282, %and3A_284 : vector<16xi32>
        %add3A_286 = arith.addi %add3A_159, %and3A_285 : vector<16xi32>
        %gather3A_287 = tpu.vector_load_idx %arg8[%add3A_286] : memref<32768xf32, #tpu.memory_space<vmem>>[vector<16xi32>], vector<16xf32>,
        %mul3A_288 = vector.broadcast %squeeze3A : f32 to vector<16xf32>
        %mul3A_289 = arith.mulf %gather3A_287, %mul3A_288 : vector<16xf32>
        %add3A_290 = arith.addf %scan3A_150, %mul3A_289 : vector<16xf32>
        %mul3A_291 = vector.broadcast %squeeze3A_256 : f32 to vector<16xf32>
        %mul3A_292 = arith.mulf %gather3A_287, %mul3A_291 : vector<16xf32>
        %add3A_293 = arith.addf %scan3A_151, %mul3A_292 : vector<16xf32>
        %mul3A_294 = vector.broadcast %squeeze3A_258 : f32 to vector<16xf32>
        %mul3A_295 = arith.mulf %gather3A_287, %mul3A_294 : vector<16xf32>
        %add3A_296 = arith.addf %scan3A_152, %mul3A_295 : vector<16xf32>
        %mul3A_297 = vector.broadcast %squeeze3A_260 : f32 to vector<16xf32>
        %mul3A_298 = arith.mulf %gather3A_287, %mul3A_297 : vector<16xf32>
        %add3A_299 = arith.addf %scan3A_153, %mul3A_298 : vector<16xf32>
        %slice3A_300 = vector.extract_strided_slice %get3A_164 {offsets = [1], sizes = [1], strides = [1]} : vector<16xf32> to vector<1xf32>
        %squeeze3A_301 = vector.extract %slice3A_300[0] : f32 from vector<1xf32>
        %slice3A_302 = vector.extract_strided_slice %get3A_178 {offsets = [1], sizes = [1], strides = [1]} : vector<16xf32> to vector<1xf32>
        %squeeze3A_303 = vector.extract %slice3A_302[0] : f32 from vector<1xf32>
        %slice3A_304 = vector.extract_strided_slice %get3A_192 {offsets = [1], sizes = [1], strides = [1]} : vector<16xf32> to vector<1xf32>
        %squeeze3A_305 = vector.extract %slice3A_304[0] : f32 from vector<1xf32>
        %slice3A_306 = vector.extract_strided_slice %get3A_206 {offsets = [1], sizes = [1], strides = [1]} : vector<16xf32> to vector<1xf32>
        %squeeze3A_307 = vector.extract %slice3A_306[0] : f32 from vector<1xf32>
        %shift_right_arithmetic3A_308 = arith.constant 3 : i32
        %shift_right_arithmetic3A_309 = vector.broadcast %shift_right_arithmetic3A_308 : i32 to vector<16xi32>
        %shift_right_arithmetic3A_310 = arith.shrsi %or3A_235, %shift_right_arithmetic3A_309 : vector<16xi32>
        %and3A_311 = arith.constant 7 : i32
        %and3A_312 = vector.broadcast %and3A_311 : i32 to vector<16xi32>
        %and3A_313 = arith.andi %shift_right_arithmetic3A_310, %and3A_312 : vector<16xi32>
        %add3A_314 = arith.addi %add3A_157, %and3A_313 : vector<16xi32>
        %gather3A_315 = tpu.vector_load_idx %arg8[%add3A_314] : memref<32768xf32, #tpu.memory_space<vmem>>[vector<16xi32>], vector<16xf32>,
        %mul3A_316 = vector.broadcast %squeeze3A_301 : f32 to vector<16xf32>
        %mul3A_317 = arith.mulf %gather3A_315, %mul3A_316 : vector<16xf32>
        %add3A_318 = arith.addf %add3A_270, %mul3A_317 : vector<16xf32>
        %mul3A_319 = vector.broadcast %squeeze3A_303 : f32 to vector<16xf32>
        %mul3A_320 = arith.mulf %gather3A_315, %mul3A_319 : vector<16xf32>
        %add3A_321 = arith.addf %add3A_273, %mul3A_320 : vector<16xf32>
        %mul3A_322 = vector.broadcast %squeeze3A_305 : f32 to vector<16xf32>
        %mul3A_323 = arith.mulf %gather3A_315, %mul3A_322 : vector<16xf32>
        %add3A_324 = arith.addf %add3A_276, %mul3A_323 : vector<16xf32>
        %mul3A_325 = vector.broadcast %squeeze3A_307 : f32 to vector<16xf32>
        %mul3A_326 = arith.mulf %gather3A_315, %mul3A_325 : vector<16xf32>
        %add3A_327 = arith.addf %add3A_279, %mul3A_326 : vector<16xf32>
        %shift_right_arithmetic3A_328 = arith.constant 3 : i32
        %shift_right_arithmetic3A_329 = vector.broadcast %shift_right_arithmetic3A_328 : i32 to vector<16xi32>
        %shift_right_arithmetic3A_330 = arith.shrsi %or3A_254, %shift_right_arithmetic3A_329 : vector<16xi32>
        %and3A_331 = arith.constant 7 : i32
        %and3A_332 = vector.broadcast %and3A_331 : i32 to vector<16xi32>
        %and3A_333 = arith.andi %shift_right_arithmetic3A_330, %and3A_332 : vector<16xi32>
        %add3A_334 = arith.addi %add3A_159, %and3A_333 : vector<16xi32>
        %gather3A_335 = tpu.vector_load_idx %arg8[%add3A_334] : memref<32768xf32, #tpu.memory_space<vmem>>[vector<16xi32>], vector<16xf32>,
        %mul3A_336 = vector.broadcast %squeeze3A_301 : f32 to vector<16xf32>
        %mul3A_337 = arith.mulf %gather3A_335, %mul3A_336 : vector<16xf32>
        %add3A_338 = arith.addf %add3A_290, %mul3A_337 : vector<16xf32>
        %mul3A_339 = vector.broadcast %squeeze3A_303 : f32 to vector<16xf32>
        %mul3A_340 = arith.mulf %gather3A_335, %mul3A_339 : vector<16xf32>
        %add3A_341 = arith.addf %add3A_293, %mul3A_340 : vector<16xf32>
        %mul3A_342 = vector.broadcast %squeeze3A_305 : f32 to vector<16xf32>
        %mul3A_343 = arith.mulf %gather3A_335, %mul3A_342 : vector<16xf32>
        %add3A_344 = arith.addf %add3A_296, %mul3A_343 : vector<16xf32>
        %mul3A_345 = vector.broadcast %squeeze3A_307 : f32 to vector<16xf32>
        %mul3A_346 = arith.mulf %gather3A_335, %mul3A_345 : vector<16xf32>
        %add3A_347 = arith.addf %add3A_299, %mul3A_346 : vector<16xf32>
        %slice3A_348 = vector.extract_strided_slice %get3A_164 {offsets = [2], sizes = [1], strides = [1]} : vector<16xf32> to vector<1xf32>
        %squeeze3A_349 = vector.extract %slice3A_348[0] : f32 from vector<1xf32>
        %slice3A_350 = vector.extract_strided_slice %get3A_178 {offsets = [2], sizes = [1], strides = [1]} : vector<16xf32> to vector<1xf32>
        %squeeze3A_351 = vector.extract %slice3A_350[0] : f32 from vector<1xf32>
        %slice3A_352 = vector.extract_strided_slice %get3A_192 {offsets = [2], sizes = [1], strides = [1]} : vector<16xf32> to vector<1xf32>
        %squeeze3A_353 = vector.extract %slice3A_352[0] : f32 from vector<1xf32>
        %slice3A_354 = vector.extract_strided_slice %get3A_206 {offsets = [2], sizes = [1], strides = [1]} : vector<16xf32> to vector<1xf32>
        %squeeze3A_355 = vector.extract %slice3A_354[0] : f32 from vector<1xf32>
        %shift_right_arithmetic3A_356 = arith.constant 6 : i32
        %shift_right_arithmetic3A_357 = vector.broadcast %shift_right_arithmetic3A_356 : i32 to vector<16xi32>
        %shift_right_arithmetic3A_358 = arith.shrsi %or3A_235, %shift_right_arithmetic3A_357 : vector<16xi32>
        %and3A_359 = arith.constant 7 : i32
        %and3A_360 = vector.broadcast %and3A_359 : i32 to vector<16xi32>
        %and3A_361 = arith.andi %shift_right_arithmetic3A_358, %and3A_360 : vector<16xi32>
        %add3A_362 = arith.addi %add3A_157, %and3A_361 : vector<16xi32>
        %gather3A_363 = tpu.vector_load_idx %arg8[%add3A_362] : memref<32768xf32, #tpu.memory_space<vmem>>[vector<16xi32>], vector<16xf32>,
        %mul3A_364 = vector.broadcast %squeeze3A_349 : f32 to vector<16xf32>
        %mul3A_365 = arith.mulf %gather3A_363, %mul3A_364 : vector<16xf32>
        %add3A_366 = arith.addf %add3A_318, %mul3A_365 : vector<16xf32>
        %mul3A_367 = vector.broadcast %squeeze3A_351 : f32 to vector<16xf32>
        %mul3A_368 = arith.mulf %gather3A_363, %mul3A_367 : vector<16xf32>
        %add3A_369 = arith.addf %add3A_321, %mul3A_368 : vector<16xf32>
        %mul3A_370 = vector.broadcast %squeeze3A_353 : f32 to vector<16xf32>
        %mul3A_371 = arith.mulf %gather3A_363, %mul3A_370 : vector<16xf32>
        %add3A_372 = arith.addf %add3A_324, %mul3A_371 : vector<16xf32>
        %mul3A_373 = vector.broadcast %squeeze3A_355 : f32 to vector<16xf32>
        %mul3A_374 = arith.mulf %gather3A_363, %mul3A_373 : vector<16xf32>
        %add3A_375 = arith.addf %add3A_327, %mul3A_374 : vector<16xf32>
        %shift_right_arithmetic3A_376 = arith.constant 6 : i32
        %shift_right_arithmetic3A_377 = vector.broadcast %shift_right_arithmetic3A_376 : i32 to vector<16xi32>
        %shift_right_arithmetic3A_378 = arith.shrsi %or3A_254, %shift_right_arithmetic3A_377 : vector<16xi32>
        %and3A_379 = arith.constant 7 : i32
        %and3A_380 = vector.broadcast %and3A_379 : i32 to vector<16xi32>
        %and3A_381 = arith.andi %shift_right_arithmetic3A_378, %and3A_380 : vector<16xi32>
        %add3A_382 = arith.addi %add3A_159, %and3A_381 : vector<16xi32>
        %gather3A_383 = tpu.vector_load_idx %arg8[%add3A_382] : memref<32768xf32, #tpu.memory_space<vmem>>[vector<16xi32>], vector<16xf32>,
        %mul3A_384 = vector.broadcast %squeeze3A_349 : f32 to vector<16xf32>
        %mul3A_385 = arith.mulf %gather3A_383, %mul3A_384 : vector<16xf32>
        %add3A_386 = arith.addf %add3A_338, %mul3A_385 : vector<16xf32>
        %mul3A_387 = vector.broadcast %squeeze3A_351 : f32 to vector<16xf32>
        %mul3A_388 = arith.mulf %gather3A_383, %mul3A_387 : vector<16xf32>
        %add3A_389 = arith.addf %add3A_341, %mul3A_388 : vector<16xf32>
        %mul3A_390 = vector.broadcast %squeeze3A_353 : f32 to vector<16xf32>
        %mul3A_391 = arith.mulf %gather3A_383, %mul3A_390 : vector<16xf32>
        %add3A_392 = arith.addf %add3A_344, %mul3A_391 : vector<16xf32>
        %mul3A_393 = vector.broadcast %squeeze3A_355 : f32 to vector<16xf32>
        %mul3A_394 = arith.mulf %gather3A_383, %mul3A_393 : vector<16xf32>
        %add3A_395 = arith.addf %add3A_347, %mul3A_394 : vector<16xf32>
        %slice3A_396 = vector.extract_strided_slice %get3A_164 {offsets = [3], sizes = [1], strides = [1]} : vector<16xf32> to vector<1xf32>
        %squeeze3A_397 = vector.extract %slice3A_396[0] : f32 from vector<1xf32>
        %slice3A_398 = vector.extract_strided_slice %get3A_178 {offsets = [3], sizes = [1], strides = [1]} : vector<16xf32> to vector<1xf32>
        %squeeze3A_399 = vector.extract %slice3A_398[0] : f32 from vector<1xf32>
        %slice3A_400 = vector.extract_strided_slice %get3A_192 {offsets = [3], sizes = [1], strides = [1]} : vector<16xf32> to vector<1xf32>
        %squeeze3A_401 = vector.extract %slice3A_400[0] : f32 from vector<1xf32>
        %slice3A_402 = vector.extract_strided_slice %get3A_206 {offsets = [3], sizes = [1], strides = [1]} : vector<16xf32> to vector<1xf32>
        %squeeze3A_403 = vector.extract %slice3A_402[0] : f32 from vector<1xf32>
        %shift_right_arithmetic3A_404 = arith.constant 9 : i32
        %shift_right_arithmetic3A_405 = vector.broadcast %shift_right_arithmetic3A_404 : i32 to vector<16xi32>
        %shift_right_arithmetic3A_406 = arith.shrsi %or3A_235, %shift_right_arithmetic3A_405 : vector<16xi32>
        %and3A_407 = arith.constant 7 : i32
        %and3A_408 = vector.broadcast %and3A_407 : i32 to vector<16xi32>
        %and3A_409 = arith.andi %shift_right_arithmetic3A_406, %and3A_408 : vector<16xi32>
        %add3A_410 = arith.addi %add3A_157, %and3A_409 : vector<16xi32>
        %gather3A_411 = tpu.vector_load_idx %arg8[%add3A_410] : memref<32768xf32, #tpu.memory_space<vmem>>[vector<16xi32>], vector<16xf32>,
        %mul3A_412 = vector.broadcast %squeeze3A_397 : f32 to vector<16xf32>
        %mul3A_413 = arith.mulf %gather3A_411, %mul3A_412 : vector<16xf32>
        %add3A_414 = arith.addf %add3A_366, %mul3A_413 : vector<16xf32>
        %mul3A_415 = vector.broadcast %squeeze3A_399 : f32 to vector<16xf32>
        %mul3A_416 = arith.mulf %gather3A_411, %mul3A_415 : vector<16xf32>
        %add3A_417 = arith.addf %add3A_369, %mul3A_416 : vector<16xf32>
        %mul3A_418 = vector.broadcast %squeeze3A_401 : f32 to vector<16xf32>
        %mul3A_419 = arith.mulf %gather3A_411, %mul3A_418 : vector<16xf32>
        %add3A_420 = arith.addf %add3A_372, %mul3A_419 : vector<16xf32>
        %mul3A_421 = vector.broadcast %squeeze3A_403 : f32 to vector<16xf32>
        %mul3A_422 = arith.mulf %gather3A_411, %mul3A_421 : vector<16xf32>
        %add3A_423 = arith.addf %add3A_375, %mul3A_422 : vector<16xf32>
        %shift_right_arithmetic3A_424 = arith.constant 9 : i32
        %shift_right_arithmetic3A_425 = vector.broadcast %shift_right_arithmetic3A_424 : i32 to vector<16xi32>
        %shift_right_arithmetic3A_426 = arith.shrsi %or3A_254, %shift_right_arithmetic3A_425 : vector<16xi32>
        %and3A_427 = arith.constant 7 : i32
        %and3A_428 = vector.broadcast %and3A_427 : i32 to vector<16xi32>
        %and3A_429 = arith.andi %shift_right_arithmetic3A_426, %and3A_428 : vector<16xi32>
        %add3A_430 = arith.addi %add3A_159, %and3A_429 : vector<16xi32>
        %gather3A_431 = tpu.vector_load_idx %arg8[%add3A_430] : memref<32768xf32, #tpu.memory_space<vmem>>[vector<16xi32>], vector<16xf32>,
        %mul3A_432 = vector.broadcast %squeeze3A_397 : f32 to vector<16xf32>
        %mul3A_433 = arith.mulf %gather3A_431, %mul3A_432 : vector<16xf32>
        %add3A_434 = arith.addf %add3A_386, %mul3A_433 : vector<16xf32>
        %mul3A_435 = vector.broadcast %squeeze3A_399 : f32 to vector<16xf32>
        %mul3A_436 = arith.mulf %gather3A_431, %mul3A_435 : vector<16xf32>
        %add3A_437 = arith.addf %add3A_389, %mul3A_436 : vector<16xf32>
        %mul3A_438 = vector.broadcast %squeeze3A_401 : f32 to vector<16xf32>
        %mul3A_439 = arith.mulf %gather3A_431, %mul3A_438 : vector<16xf32>
        %add3A_440 = arith.addf %add3A_392, %mul3A_439 : vector<16xf32>
        %mul3A_441 = vector.broadcast %squeeze3A_403 : f32 to vector<16xf32>
        %mul3A_442 = arith.mulf %gather3A_431, %mul3A_441 : vector<16xf32>
        %add3A_443 = arith.addf %add3A_395, %mul3A_442 : vector<16xf32>
        %slice3A_444 = vector.extract_strided_slice %get3A_164 {offsets = [4], sizes = [1], strides = [1]} : vector<16xf32> to vector<1xf32>
        %squeeze3A_445 = vector.extract %slice3A_444[0] : f32 from vector<1xf32>
        %slice3A_446 = vector.extract_strided_slice %get3A_178 {offsets = [4], sizes = [1], strides = [1]} : vector<16xf32> to vector<1xf32>
        %squeeze3A_447 = vector.extract %slice3A_446[0] : f32 from vector<1xf32>
        %slice3A_448 = vector.extract_strided_slice %get3A_192 {offsets = [4], sizes = [1], strides = [1]} : vector<16xf32> to vector<1xf32>
        %squeeze3A_449 = vector.extract %slice3A_448[0] : f32 from vector<1xf32>
        %slice3A_450 = vector.extract_strided_slice %get3A_206 {offsets = [4], sizes = [1], strides = [1]} : vector<16xf32> to vector<1xf32>
        %squeeze3A_451 = vector.extract %slice3A_450[0] : f32 from vector<1xf32>
        %shift_right_arithmetic3A_452 = arith.constant 12 : i32
        %shift_right_arithmetic3A_453 = vector.broadcast %shift_right_arithmetic3A_452 : i32 to vector<16xi32>
        %shift_right_arithmetic3A_454 = arith.shrsi %or3A_235, %shift_right_arithmetic3A_453 : vector<16xi32>
        %and3A_455 = arith.constant 7 : i32
        %and3A_456 = vector.broadcast %and3A_455 : i32 to vector<16xi32>
        %and3A_457 = arith.andi %shift_right_arithmetic3A_454, %and3A_456 : vector<16xi32>
        %add3A_458 = arith.addi %add3A_157, %and3A_457 : vector<16xi32>
        %gather3A_459 = tpu.vector_load_idx %arg8[%add3A_458] : memref<32768xf32, #tpu.memory_space<vmem>>[vector<16xi32>], vector<16xf32>,
        %mul3A_460 = vector.broadcast %squeeze3A_445 : f32 to vector<16xf32>
        %mul3A_461 = arith.mulf %gather3A_459, %mul3A_460 : vector<16xf32>
        %add3A_462 = arith.addf %add3A_414, %mul3A_461 : vector<16xf32>
        %mul3A_463 = vector.broadcast %squeeze3A_447 : f32 to vector<16xf32>
        %mul3A_464 = arith.mulf %gather3A_459, %mul3A_463 : vector<16xf32>
        %add3A_465 = arith.addf %add3A_417, %mul3A_464 : vector<16xf32>
        %mul3A_466 = vector.broadcast %squeeze3A_449 : f32 to vector<16xf32>
        %mul3A_467 = arith.mulf %gather3A_459, %mul3A_466 : vector<16xf32>
        %add3A_468 = arith.addf %add3A_420, %mul3A_467 : vector<16xf32>
        %mul3A_469 = vector.broadcast %squeeze3A_451 : f32 to vector<16xf32>
        %mul3A_470 = arith.mulf %gather3A_459, %mul3A_469 : vector<16xf32>
        %add3A_471 = arith.addf %add3A_423, %mul3A_470 : vector<16xf32>
        %shift_right_arithmetic3A_472 = arith.constant 12 : i32
        %shift_right_arithmetic3A_473 = vector.broadcast %shift_right_arithmetic3A_472 : i32 to vector<16xi32>
        %shift_right_arithmetic3A_474 = arith.shrsi %or3A_254, %shift_right_arithmetic3A_473 : vector<16xi32>
        %and3A_475 = arith.constant 7 : i32
        %and3A_476 = vector.broadcast %and3A_475 : i32 to vector<16xi32>
        %and3A_477 = arith.andi %shift_right_arithmetic3A_474, %and3A_476 : vector<16xi32>
        %add3A_478 = arith.addi %add3A_159, %and3A_477 : vector<16xi32>
        %gather3A_479 = tpu.vector_load_idx %arg8[%add3A_478] : memref<32768xf32, #tpu.memory_space<vmem>>[vector<16xi32>], vector<16xf32>,
        %mul3A_480 = vector.broadcast %squeeze3A_445 : f32 to vector<16xf32>
        %mul3A_481 = arith.mulf %gather3A_479, %mul3A_480 : vector<16xf32>
        %add3A_482 = arith.addf %add3A_434, %mul3A_481 : vector<16xf32>
        %mul3A_483 = vector.broadcast %squeeze3A_447 : f32 to vector<16xf32>
        %mul3A_484 = arith.mulf %gather3A_479, %mul3A_483 : vector<16xf32>
        %add3A_485 = arith.addf %add3A_437, %mul3A_484 : vector<16xf32>
        %mul3A_486 = vector.broadcast %squeeze3A_449 : f32 to vector<16xf32>
        %mul3A_487 = arith.mulf %gather3A_479, %mul3A_486 : vector<16xf32>
        %add3A_488 = arith.addf %add3A_440, %mul3A_487 : vector<16xf32>
        %mul3A_489 = vector.broadcast %squeeze3A_451 : f32 to vector<16xf32>
        %mul3A_490 = arith.mulf %gather3A_479, %mul3A_489 : vector<16xf32>
        %add3A_491 = arith.addf %add3A_443, %mul3A_490 : vector<16xf32>
        %slice3A_492 = vector.extract_strided_slice %get3A_164 {offsets = [5], sizes = [1], strides = [1]} : vector<16xf32> to vector<1xf32>
        %squeeze3A_493 = vector.extract %slice3A_492[0] : f32 from vector<1xf32>
        %slice3A_494 = vector.extract_strided_slice %get3A_178 {offsets = [5], sizes = [1], strides = [1]} : vector<16xf32> to vector<1xf32>
        %squeeze3A_495 = vector.extract %slice3A_494[0] : f32 from vector<1xf32>
        %slice3A_496 = vector.extract_strided_slice %get3A_192 {offsets = [5], sizes = [1], strides = [1]} : vector<16xf32> to vector<1xf32>
        %squeeze3A_497 = vector.extract %slice3A_496[0] : f32 from vector<1xf32>
        %slice3A_498 = vector.extract_strided_slice %get3A_206 {offsets = [5], sizes = [1], strides = [1]} : vector<16xf32> to vector<1xf32>
        %squeeze3A_499 = vector.extract %slice3A_498[0] : f32 from vector<1xf32>
        %shift_right_arithmetic3A_500 = arith.constant 15 : i32
        %shift_right_arithmetic3A_501 = vector.broadcast %shift_right_arithmetic3A_500 : i32 to vector<16xi32>
        %shift_right_arithmetic3A_502 = arith.shrsi %or3A_235, %shift_right_arithmetic3A_501 : vector<16xi32>
        %and3A_503 = arith.constant 7 : i32
        %and3A_504 = vector.broadcast %and3A_503 : i32 to vector<16xi32>
        %and3A_505 = arith.andi %shift_right_arithmetic3A_502, %and3A_504 : vector<16xi32>
        %add3A_506 = arith.addi %add3A_157, %and3A_505 : vector<16xi32>
        %gather3A_507 = tpu.vector_load_idx %arg8[%add3A_506] : memref<32768xf32, #tpu.memory_space<vmem>>[vector<16xi32>], vector<16xf32>,
        %mul3A_508 = vector.broadcast %squeeze3A_493 : f32 to vector<16xf32>
        %mul3A_509 = arith.mulf %gather3A_507, %mul3A_508 : vector<16xf32>
        %add3A_510 = arith.addf %add3A_462, %mul3A_509 : vector<16xf32>
        %mul3A_511 = vector.broadcast %squeeze3A_495 : f32 to vector<16xf32>
        %mul3A_512 = arith.mulf %gather3A_507, %mul3A_511 : vector<16xf32>
        %add3A_513 = arith.addf %add3A_465, %mul3A_512 : vector<16xf32>
        %mul3A_514 = vector.broadcast %squeeze3A_497 : f32 to vector<16xf32>
        %mul3A_515 = arith.mulf %gather3A_507, %mul3A_514 : vector<16xf32>
        %add3A_516 = arith.addf %add3A_468, %mul3A_515 : vector<16xf32>
        %mul3A_517 = vector.broadcast %squeeze3A_499 : f32 to vector<16xf32>
        %mul3A_518 = arith.mulf %gather3A_507, %mul3A_517 : vector<16xf32>
        %add3A_519 = arith.addf %add3A_471, %mul3A_518 : vector<16xf32>
        %shift_right_arithmetic3A_520 = arith.constant 15 : i32
        %shift_right_arithmetic3A_521 = vector.broadcast %shift_right_arithmetic3A_520 : i32 to vector<16xi32>
        %shift_right_arithmetic3A_522 = arith.shrsi %or3A_254, %shift_right_arithmetic3A_521 : vector<16xi32>
        %and3A_523 = arith.constant 7 : i32
        %and3A_524 = vector.broadcast %and3A_523 : i32 to vector<16xi32>
        %and3A_525 = arith.andi %shift_right_arithmetic3A_522, %and3A_524 : vector<16xi32>
        %add3A_526 = arith.addi %add3A_159, %and3A_525 : vector<16xi32>
        %gather3A_527 = tpu.vector_load_idx %arg8[%add3A_526] : memref<32768xf32, #tpu.memory_space<vmem>>[vector<16xi32>], vector<16xf32>,
        %mul3A_528 = vector.broadcast %squeeze3A_493 : f32 to vector<16xf32>
        %mul3A_529 = arith.mulf %gather3A_527, %mul3A_528 : vector<16xf32>
        %add3A_530 = arith.addf %add3A_482, %mul3A_529 : vector<16xf32>
        %mul3A_531 = vector.broadcast %squeeze3A_495 : f32 to vector<16xf32>
        %mul3A_532 = arith.mulf %gather3A_527, %mul3A_531 : vector<16xf32>
        %add3A_533 = arith.addf %add3A_485, %mul3A_532 : vector<16xf32>
        %mul3A_534 = vector.broadcast %squeeze3A_497 : f32 to vector<16xf32>
        %mul3A_535 = arith.mulf %gather3A_527, %mul3A_534 : vector<16xf32>
        %add3A_536 = arith.addf %add3A_488, %mul3A_535 : vector<16xf32>
        %mul3A_537 = vector.broadcast %squeeze3A_499 : f32 to vector<16xf32>
        %mul3A_538 = arith.mulf %gather3A_527, %mul3A_537 : vector<16xf32>
        %add3A_539 = arith.addf %add3A_491, %mul3A_538 : vector<16xf32>
        %slice3A_540 = vector.extract_strided_slice %get3A_164 {offsets = [6], sizes = [1], strides = [1]} : vector<16xf32> to vector<1xf32>
        %squeeze3A_541 = vector.extract %slice3A_540[0] : f32 from vector<1xf32>
        %slice3A_542 = vector.extract_strided_slice %get3A_178 {offsets = [6], sizes = [1], strides = [1]} : vector<16xf32> to vector<1xf32>
        %squeeze3A_543 = vector.extract %slice3A_542[0] : f32 from vector<1xf32>
        %slice3A_544 = vector.extract_strided_slice %get3A_192 {offsets = [6], sizes = [1], strides = [1]} : vector<16xf32> to vector<1xf32>
        %squeeze3A_545 = vector.extract %slice3A_544[0] : f32 from vector<1xf32>
        %slice3A_546 = vector.extract_strided_slice %get3A_206 {offsets = [6], sizes = [1], strides = [1]} : vector<16xf32> to vector<1xf32>
        %squeeze3A_547 = vector.extract %slice3A_546[0] : f32 from vector<1xf32>
        %shift_right_arithmetic3A_548 = arith.constant 18 : i32
        %shift_right_arithmetic3A_549 = vector.broadcast %shift_right_arithmetic3A_548 : i32 to vector<16xi32>
        %shift_right_arithmetic3A_550 = arith.shrsi %or3A_235, %shift_right_arithmetic3A_549 : vector<16xi32>
        %and3A_551 = arith.constant 7 : i32
        %and3A_552 = vector.broadcast %and3A_551 : i32 to vector<16xi32>
        %and3A_553 = arith.andi %shift_right_arithmetic3A_550, %and3A_552 : vector<16xi32>
        %add3A_554 = arith.addi %add3A_157, %and3A_553 : vector<16xi32>
        %gather3A_555 = tpu.vector_load_idx %arg8[%add3A_554] : memref<32768xf32, #tpu.memory_space<vmem>>[vector<16xi32>], vector<16xf32>,
        %mul3A_556 = vector.broadcast %squeeze3A_541 : f32 to vector<16xf32>
        %mul3A_557 = arith.mulf %gather3A_555, %mul3A_556 : vector<16xf32>
        %add3A_558 = arith.addf %add3A_510, %mul3A_557 : vector<16xf32>
        %mul3A_559 = vector.broadcast %squeeze3A_543 : f32 to vector<16xf32>
        %mul3A_560 = arith.mulf %gather3A_555, %mul3A_559 : vector<16xf32>
        %add3A_561 = arith.addf %add3A_513, %mul3A_560 : vector<16xf32>
        %mul3A_562 = vector.broadcast %squeeze3A_545 : f32 to vector<16xf32>
        %mul3A_563 = arith.mulf %gather3A_555, %mul3A_562 : vector<16xf32>
        %add3A_564 = arith.addf %add3A_516, %mul3A_563 : vector<16xf32>
        %mul3A_565 = vector.broadcast %squeeze3A_547 : f32 to vector<16xf32>
        %mul3A_566 = arith.mulf %gather3A_555, %mul3A_565 : vector<16xf32>
        %add3A_567 = arith.addf %add3A_519, %mul3A_566 : vector<16xf32>
        %shift_right_arithmetic3A_568 = arith.constant 18 : i32
        %shift_right_arithmetic3A_569 = vector.broadcast %shift_right_arithmetic3A_568 : i32 to vector<16xi32>
        %shift_right_arithmetic3A_570 = arith.shrsi %or3A_254, %shift_right_arithmetic3A_569 : vector<16xi32>
        %and3A_571 = arith.constant 7 : i32
        %and3A_572 = vector.broadcast %and3A_571 : i32 to vector<16xi32>
        %and3A_573 = arith.andi %shift_right_arithmetic3A_570, %and3A_572 : vector<16xi32>
        %add3A_574 = arith.addi %add3A_159, %and3A_573 : vector<16xi32>
        %gather3A_575 = tpu.vector_load_idx %arg8[%add3A_574] : memref<32768xf32, #tpu.memory_space<vmem>>[vector<16xi32>], vector<16xf32>,
        %mul3A_576 = vector.broadcast %squeeze3A_541 : f32 to vector<16xf32>
        %mul3A_577 = arith.mulf %gather3A_575, %mul3A_576 : vector<16xf32>
        %add3A_578 = arith.addf %add3A_530, %mul3A_577 : vector<16xf32>
        %mul3A_579 = vector.broadcast %squeeze3A_543 : f32 to vector<16xf32>
        %mul3A_580 = arith.mulf %gather3A_575, %mul3A_579 : vector<16xf32>
        %add3A_581 = arith.addf %add3A_533, %mul3A_580 : vector<16xf32>
        %mul3A_582 = vector.broadcast %squeeze3A_545 : f32 to vector<16xf32>
        %mul3A_583 = arith.mulf %gather3A_575, %mul3A_582 : vector<16xf32>
        %add3A_584 = arith.addf %add3A_536, %mul3A_583 : vector<16xf32>
        %mul3A_585 = vector.broadcast %squeeze3A_547 : f32 to vector<16xf32>
        %mul3A_586 = arith.mulf %gather3A_575, %mul3A_585 : vector<16xf32>
        %add3A_587 = arith.addf %add3A_539, %mul3A_586 : vector<16xf32>
        %slice3A_588 = vector.extract_strided_slice %get3A_164 {offsets = [7], sizes = [1], strides = [1]} : vector<16xf32> to vector<1xf32>
        %squeeze3A_589 = vector.extract %slice3A_588[0] : f32 from vector<1xf32>
        %slice3A_590 = vector.extract_strided_slice %get3A_178 {offsets = [7], sizes = [1], strides = [1]} : vector<16xf32> to vector<1xf32>
        %squeeze3A_591 = vector.extract %slice3A_590[0] : f32 from vector<1xf32>
        %slice3A_592 = vector.extract_strided_slice %get3A_192 {offsets = [7], sizes = [1], strides = [1]} : vector<16xf32> to vector<1xf32>
        %squeeze3A_593 = vector.extract %slice3A_592[0] : f32 from vector<1xf32>
        %slice3A_594 = vector.extract_strided_slice %get3A_206 {offsets = [7], sizes = [1], strides = [1]} : vector<16xf32> to vector<1xf32>
        %squeeze3A_595 = vector.extract %slice3A_594[0] : f32 from vector<1xf32>
        %shift_right_arithmetic3A_596 = arith.constant 21 : i32
        %shift_right_arithmetic3A_597 = vector.broadcast %shift_right_arithmetic3A_596 : i32 to vector<16xi32>
        %shift_right_arithmetic3A_598 = arith.shrsi %or3A_235, %shift_right_arithmetic3A_597 : vector<16xi32>
        %and3A_599 = arith.constant 7 : i32
        %and3A_600 = vector.broadcast %and3A_599 : i32 to vector<16xi32>
        %and3A_601 = arith.andi %shift_right_arithmetic3A_598, %and3A_600 : vector<16xi32>
        %add3A_602 = arith.addi %add3A_157, %and3A_601 : vector<16xi32>
        %gather3A_603 = tpu.vector_load_idx %arg8[%add3A_602] : memref<32768xf32, #tpu.memory_space<vmem>>[vector<16xi32>], vector<16xf32>,
        %mul3A_604 = vector.broadcast %squeeze3A_589 : f32 to vector<16xf32>
        %mul3A_605 = arith.mulf %gather3A_603, %mul3A_604 : vector<16xf32>
        %add3A_606 = arith.addf %add3A_558, %mul3A_605 : vector<16xf32>
        %mul3A_607 = vector.broadcast %squeeze3A_591 : f32 to vector<16xf32>
        %mul3A_608 = arith.mulf %gather3A_603, %mul3A_607 : vector<16xf32>
        %add3A_609 = arith.addf %add3A_561, %mul3A_608 : vector<16xf32>
        %mul3A_610 = vector.broadcast %squeeze3A_593 : f32 to vector<16xf32>
        %mul3A_611 = arith.mulf %gather3A_603, %mul3A_610 : vector<16xf32>
        %add3A_612 = arith.addf %add3A_564, %mul3A_611 : vector<16xf32>
        %mul3A_613 = vector.broadcast %squeeze3A_595 : f32 to vector<16xf32>
        %mul3A_614 = arith.mulf %gather3A_603, %mul3A_613 : vector<16xf32>
        %add3A_615 = arith.addf %add3A_567, %mul3A_614 : vector<16xf32>
        %shift_right_arithmetic3A_616 = arith.constant 21 : i32
        %shift_right_arithmetic3A_617 = vector.broadcast %shift_right_arithmetic3A_616 : i32 to vector<16xi32>
        %shift_right_arithmetic3A_618 = arith.shrsi %or3A_254, %shift_right_arithmetic3A_617 : vector<16xi32>
        %and3A_619 = arith.constant 7 : i32
        %and3A_620 = vector.broadcast %and3A_619 : i32 to vector<16xi32>
        %and3A_621 = arith.andi %shift_right_arithmetic3A_618, %and3A_620 : vector<16xi32>
        %add3A_622 = arith.addi %add3A_159, %and3A_621 : vector<16xi32>
        %gather3A_623 = tpu.vector_load_idx %arg8[%add3A_622] : memref<32768xf32, #tpu.memory_space<vmem>>[vector<16xi32>], vector<16xf32>,
        %mul3A_624 = vector.broadcast %squeeze3A_589 : f32 to vector<16xf32>
        %mul3A_625 = arith.mulf %gather3A_623, %mul3A_624 : vector<16xf32>
        %add3A_626 = arith.addf %add3A_578, %mul3A_625 : vector<16xf32>
        %mul3A_627 = vector.broadcast %squeeze3A_591 : f32 to vector<16xf32>
        %mul3A_628 = arith.mulf %gather3A_623, %mul3A_627 : vector<16xf32>
        %add3A_629 = arith.addf %add3A_581, %mul3A_628 : vector<16xf32>
        %mul3A_630 = vector.broadcast %squeeze3A_593 : f32 to vector<16xf32>
        %mul3A_631 = arith.mulf %gather3A_623, %mul3A_630 : vector<16xf32>
        %add3A_632 = arith.addf %add3A_584, %mul3A_631 : vector<16xf32>
        %mul3A_633 = vector.broadcast %squeeze3A_595 : f32 to vector<16xf32>
        %mul3A_634 = arith.mulf %gather3A_623, %mul3A_633 : vector<16xf32>
        %add3A_635 = arith.addf %add3A_587, %mul3A_634 : vector<16xf32>
        %mul3A_636 = arith.constant 12 : i32
        %mul3A_637 = arith.muli %scan3A_145, %mul3A_636 : i32
        %add3A_638 = arith.constant 3 : i32
        %add3A_639 = arith.addi %mul3A_637, %add3A_638 : i32
        %add3A_640 = vector.broadcast %add3A_639 : i32 to vector<16xi32>
        %add3A_641 = arith.addi %add3A_33, %add3A_640 : vector<16xi32>
        %gather3A_642 = tpu.vector_load_idx %arg7[%add3A_641] : memref<49152xi32, #tpu.memory_space<vmem>>[vector<16xi32>], vector<16xi32>,
        %add3A_643 = arith.constant 1 : i32
        %add3A_644 = vector.broadcast %add3A_643 : i32 to vector<16xi32>
        %add3A_645 = arith.addi %add3A_641, %add3A_644 : vector<16xi32>
        %gather3A_646 = tpu.vector_load_idx %arg7[%add3A_645] : memref<49152xi32, #tpu.memory_space<vmem>>[vector<16xi32>], vector<16xi32>,
        %add3A_647 = arith.constant 2 : i32
        %add3A_648 = vector.broadcast %add3A_647 : i32 to vector<16xi32>
        %add3A_649 = arith.addi %add3A_641, %add3A_648 : vector<16xi32>
        %gather3A_650 = tpu.vector_load_idx %arg7[%add3A_649] : memref<49152xi32, #tpu.memory_space<vmem>>[vector<16xi32>], vector<16xi32>,
        %shift_left3A_651 = arith.constant 8 : i32
        %shift_left3A_652 = vector.broadcast %shift_left3A_651 : i32 to vector<16xi32>
        %shift_left3A_653 = arith.shli %gather3A_646, %shift_left3A_652 : vector<16xi32>
        %or3A_654 = arith.ori %gather3A_642, %shift_left3A_653 : vector<16xi32>
        %shift_left3A_655 = arith.constant 16 : i32
        %shift_left3A_656 = vector.broadcast %shift_left3A_655 : i32 to vector<16xi32>
        %shift_left3A_657 = arith.shli %gather3A_650, %shift_left3A_656 : vector<16xi32>
        %or3A_658 = arith.ori %or3A_654, %shift_left3A_657 : vector<16xi32>
        %add3A_659 = vector.broadcast %add3A_639 : i32 to vector<16xi32>
        %add3A_660 = arith.addi %add3A_39, %add3A_659 : vector<16xi32>
        %gather3A_661 = tpu.vector_load_idx %arg7[%add3A_660] : memref<49152xi32, #tpu.memory_space<vmem>>[vector<16xi32>], vector<16xi32>,
        %add3A_662 = arith.constant 1 : i32
        %add3A_663 = vector.broadcast %add3A_662 : i32 to vector<16xi32>
        %add3A_664 = arith.addi %add3A_660, %add3A_663 : vector<16xi32>
        %gather3A_665 = tpu.vector_load_idx %arg7[%add3A_664] : memref<49152xi32, #tpu.memory_space<vmem>>[vector<16xi32>], vector<16xi32>,
        %add3A_666 = arith.constant 2 : i32
        %add3A_667 = vector.broadcast %add3A_666 : i32 to vector<16xi32>
        %add3A_668 = arith.addi %add3A_660, %add3A_667 : vector<16xi32>
        %gather3A_669 = tpu.vector_load_idx %arg7[%add3A_668] : memref<49152xi32, #tpu.memory_space<vmem>>[vector<16xi32>], vector<16xi32>,
        %shift_left3A_670 = arith.constant 8 : i32
        %shift_left3A_671 = vector.broadcast %shift_left3A_670 : i32 to vector<16xi32>
        %shift_left3A_672 = arith.shli %gather3A_665, %shift_left3A_671 : vector<16xi32>
        %or3A_673 = arith.ori %gather3A_661, %shift_left3A_672 : vector<16xi32>
        %shift_left3A_674 = arith.constant 16 : i32
        %shift_left3A_675 = vector.broadcast %shift_left3A_674 : i32 to vector<16xi32>
        %shift_left3A_676 = arith.shli %gather3A_669, %shift_left3A_675 : vector<16xi32>
        %or3A_677 = arith.ori %or3A_673, %shift_left3A_676 : vector<16xi32>
        %slice3A_678 = vector.extract_strided_slice %get3A_164 {offsets = [8], sizes = [1], strides = [1]} : vector<16xf32> to vector<1xf32>
        %squeeze3A_679 = vector.extract %slice3A_678[0] : f32 from vector<1xf32>
        %slice3A_680 = vector.extract_strided_slice %get3A_178 {offsets = [8], sizes = [1], strides = [1]} : vector<16xf32> to vector<1xf32>
        %squeeze3A_681 = vector.extract %slice3A_680[0] : f32 from vector<1xf32>
        %slice3A_682 = vector.extract_strided_slice %get3A_192 {offsets = [8], sizes = [1], strides = [1]} : vector<16xf32> to vector<1xf32>
        %squeeze3A_683 = vector.extract %slice3A_682[0] : f32 from vector<1xf32>
        %slice3A_684 = vector.extract_strided_slice %get3A_206 {offsets = [8], sizes = [1], strides = [1]} : vector<16xf32> to vector<1xf32>
        %squeeze3A_685 = vector.extract %slice3A_684[0] : f32 from vector<1xf32>
        %shift_right_arithmetic3A_686 = arith.constant 0 : i32
        %shift_right_arithmetic3A_687 = vector.broadcast %shift_right_arithmetic3A_686 : i32 to vector<16xi32>
        %shift_right_arithmetic3A_688 = arith.shrsi %or3A_658, %shift_right_arithmetic3A_687 : vector<16xi32>
        %and3A_689 = arith.constant 7 : i32
        %and3A_690 = vector.broadcast %and3A_689 : i32 to vector<16xi32>
        %and3A_691 = arith.andi %shift_right_arithmetic3A_688, %and3A_690 : vector<16xi32>
        %add3A_692 = arith.addi %add3A_157, %and3A_691 : vector<16xi32>
        %gather3A_693 = tpu.vector_load_idx %arg8[%add3A_692] : memref<32768xf32, #tpu.memory_space<vmem>>[vector<16xi32>], vector<16xf32>,
        %mul3A_694 = vector.broadcast %squeeze3A_679 : f32 to vector<16xf32>
        %mul3A_695 = arith.mulf %gather3A_693, %mul3A_694 : vector<16xf32>
        %add3A_696 = arith.addf %add3A_606, %mul3A_695 : vector<16xf32>
        %mul3A_697 = vector.broadcast %squeeze3A_681 : f32 to vector<16xf32>
        %mul3A_698 = arith.mulf %gather3A_693, %mul3A_697 : vector<16xf32>
        %add3A_699 = arith.addf %add3A_609, %mul3A_698 : vector<16xf32>
        %mul3A_700 = vector.broadcast %squeeze3A_683 : f32 to vector<16xf32>
        %mul3A_701 = arith.mulf %gather3A_693, %mul3A_700 : vector<16xf32>
        %add3A_702 = arith.addf %add3A_612, %mul3A_701 : vector<16xf32>
        %mul3A_703 = vector.broadcast %squeeze3A_685 : f32 to vector<16xf32>
        %mul3A_704 = arith.mulf %gather3A_693, %mul3A_703 : vector<16xf32>
        %add3A_705 = arith.addf %add3A_615, %mul3A_704 : vector<16xf32>
        %shift_right_arithmetic3A_706 = arith.constant 0 : i32
        %shift_right_arithmetic3A_707 = vector.broadcast %shift_right_arithmetic3A_706 : i32 to vector<16xi32>
        %shift_right_arithmetic3A_708 = arith.shrsi %or3A_677, %shift_right_arithmetic3A_707 : vector<16xi32>
        %and3A_709 = arith.constant 7 : i32
        %and3A_710 = vector.broadcast %and3A_709 : i32 to vector<16xi32>
        %and3A_711 = arith.andi %shift_right_arithmetic3A_708, %and3A_710 : vector<16xi32>
        %add3A_712 = arith.addi %add3A_159, %and3A_711 : vector<16xi32>
        %gather3A_713 = tpu.vector_load_idx %arg8[%add3A_712] : memref<32768xf32, #tpu.memory_space<vmem>>[vector<16xi32>], vector<16xf32>,
        %mul3A_714 = vector.broadcast %squeeze3A_679 : f32 to vector<16xf32>
        %mul3A_715 = arith.mulf %gather3A_713, %mul3A_714 : vector<16xf32>
        %add3A_716 = arith.addf %add3A_626, %mul3A_715 : vector<16xf32>
        %mul3A_717 = vector.broadcast %squeeze3A_681 : f32 to vector<16xf32>
        %mul3A_718 = arith.mulf %gather3A_713, %mul3A_717 : vector<16xf32>
        %add3A_719 = arith.addf %add3A_629, %mul3A_718 : vector<16xf32>
        %mul3A_720 = vector.broadcast %squeeze3A_683 : f32 to vector<16xf32>
        %mul3A_721 = arith.mulf %gather3A_713, %mul3A_720 : vector<16xf32>
        %add3A_722 = arith.addf %add3A_632, %mul3A_721 : vector<16xf32>
        %mul3A_723 = vector.broadcast %squeeze3A_685 : f32 to vector<16xf32>
        %mul3A_724 = arith.mulf %gather3A_713, %mul3A_723 : vector<16xf32>
        %add3A_725 = arith.addf %add3A_635, %mul3A_724 : vector<16xf32>
        %slice3A_726 = vector.extract_strided_slice %get3A_164 {offsets = [9], sizes = [1], strides = [1]} : vector<16xf32> to vector<1xf32>
        %squeeze3A_727 = vector.extract %slice3A_726[0] : f32 from vector<1xf32>
        %slice3A_728 = vector.extract_strided_slice %get3A_178 {offsets = [9], sizes = [1], strides = [1]} : vector<16xf32> to vector<1xf32>
        %squeeze3A_729 = vector.extract %slice3A_728[0] : f32 from vector<1xf32>
        %slice3A_730 = vector.extract_strided_slice %get3A_192 {offsets = [9], sizes = [1], strides = [1]} : vector<16xf32> to vector<1xf32>
        %squeeze3A_731 = vector.extract %slice3A_730[0] : f32 from vector<1xf32>
        %slice3A_732 = vector.extract_strided_slice %get3A_206 {offsets = [9], sizes = [1], strides = [1]} : vector<16xf32> to vector<1xf32>
        %squeeze3A_733 = vector.extract %slice3A_732[0] : f32 from vector<1xf32>
        %shift_right_arithmetic3A_734 = arith.constant 3 : i32
        %shift_right_arithmetic3A_735 = vector.broadcast %shift_right_arithmetic3A_734 : i32 to vector<16xi32>
        %shift_right_arithmetic3A_736 = arith.shrsi %or3A_658, %shift_right_arithmetic3A_735 : vector<16xi32>
        %and3A_737 = arith.constant 7 : i32
        %and3A_738 = vector.broadcast %and3A_737 : i32 to vector<16xi32>
        %and3A_739 = arith.andi %shift_right_arithmetic3A_736, %and3A_738 : vector<16xi32>
        %add3A_740 = arith.addi %add3A_157, %and3A_739 : vector<16xi32>
        %gather3A_741 = tpu.vector_load_idx %arg8[%add3A_740] : memref<32768xf32, #tpu.memory_space<vmem>>[vector<16xi32>], vector<16xf32>,
        %mul3A_742 = vector.broadcast %squeeze3A_727 : f32 to vector<16xf32>
        %mul3A_743 = arith.mulf %gather3A_741, %mul3A_742 : vector<16xf32>
        %add3A_744 = arith.addf %add3A_696, %mul3A_743 : vector<16xf32>
        %mul3A_745 = vector.broadcast %squeeze3A_729 : f32 to vector<16xf32>
        %mul3A_746 = arith.mulf %gather3A_741, %mul3A_745 : vector<16xf32>
        %add3A_747 = arith.addf %add3A_699, %mul3A_746 : vector<16xf32>
        %mul3A_748 = vector.broadcast %squeeze3A_731 : f32 to vector<16xf32>
        %mul3A_749 = arith.mulf %gather3A_741, %mul3A_748 : vector<16xf32>
        %add3A_750 = arith.addf %add3A_702, %mul3A_749 : vector<16xf32>
        %mul3A_751 = vector.broadcast %squeeze3A_733 : f32 to vector<16xf32>
        %mul3A_752 = arith.mulf %gather3A_741, %mul3A_751 : vector<16xf32>
        %add3A_753 = arith.addf %add3A_705, %mul3A_752 : vector<16xf32>
        %shift_right_arithmetic3A_754 = arith.constant 3 : i32
        %shift_right_arithmetic3A_755 = vector.broadcast %shift_right_arithmetic3A_754 : i32 to vector<16xi32>
        %shift_right_arithmetic3A_756 = arith.shrsi %or3A_677, %shift_right_arithmetic3A_755 : vector<16xi32>
        %and3A_757 = arith.constant 7 : i32
        %and3A_758 = vector.broadcast %and3A_757 : i32 to vector<16xi32>
        %and3A_759 = arith.andi %shift_right_arithmetic3A_756, %and3A_758 : vector<16xi32>
        %add3A_760 = arith.addi %add3A_159, %and3A_759 : vector<16xi32>
        %gather3A_761 = tpu.vector_load_idx %arg8[%add3A_760] : memref<32768xf32, #tpu.memory_space<vmem>>[vector<16xi32>], vector<16xf32>,
        %mul3A_762 = vector.broadcast %squeeze3A_727 : f32 to vector<16xf32>
        %mul3A_763 = arith.mulf %gather3A_761, %mul3A_762 : vector<16xf32>
        %add3A_764 = arith.addf %add3A_716, %mul3A_763 : vector<16xf32>
        %mul3A_765 = vector.broadcast %squeeze3A_729 : f32 to vector<16xf32>
        %mul3A_766 = arith.mulf %gather3A_761, %mul3A_765 : vector<16xf32>
        %add3A_767 = arith.addf %add3A_719, %mul3A_766 : vector<16xf32>
        %mul3A_768 = vector.broadcast %squeeze3A_731 : f32 to vector<16xf32>
        %mul3A_769 = arith.mulf %gather3A_761, %mul3A_768 : vector<16xf32>
        %add3A_770 = arith.addf %add3A_722, %mul3A_769 : vector<16xf32>
        %mul3A_771 = vector.broadcast %squeeze3A_733 : f32 to vector<16xf32>
        %mul3A_772 = arith.mulf %gather3A_761, %mul3A_771 : vector<16xf32>
        %add3A_773 = arith.addf %add3A_725, %mul3A_772 : vector<16xf32>
        %slice3A_774 = vector.extract_strided_slice %get3A_164 {offsets = [10], sizes = [1], strides = [1]} : vector<16xf32> to vector<1xf32>
        %squeeze3A_775 = vector.extract %slice3A_774[0] : f32 from vector<1xf32>
        %slice3A_776 = vector.extract_strided_slice %get3A_178 {offsets = [10], sizes = [1], strides = [1]} : vector<16xf32> to vector<1xf32>
        %squeeze3A_777 = vector.extract %slice3A_776[0] : f32 from vector<1xf32>
        %slice3A_778 = vector.extract_strided_slice %get3A_192 {offsets = [10], sizes = [1], strides = [1]} : vector<16xf32> to vector<1xf32>
        %squeeze3A_779 = vector.extract %slice3A_778[0] : f32 from vector<1xf32>
        %slice3A_780 = vector.extract_strided_slice %get3A_206 {offsets = [10], sizes = [1], strides = [1]} : vector<16xf32> to vector<1xf32>
        %squeeze3A_781 = vector.extract %slice3A_780[0] : f32 from vector<1xf32>
        %shift_right_arithmetic3A_782 = arith.constant 6 : i32
        %shift_right_arithmetic3A_783 = vector.broadcast %shift_right_arithmetic3A_782 : i32 to vector<16xi32>
        %shift_right_arithmetic3A_784 = arith.shrsi %or3A_658, %shift_right_arithmetic3A_783 : vector<16xi32>
        %and3A_785 = arith.constant 7 : i32
        %and3A_786 = vector.broadcast %and3A_785 : i32 to vector<16xi32>
        %and3A_787 = arith.andi %shift_right_arithmetic3A_784, %and3A_786 : vector<16xi32>
        %add3A_788 = arith.addi %add3A_157, %and3A_787 : vector<16xi32>
        %gather3A_789 = tpu.vector_load_idx %arg8[%add3A_788] : memref<32768xf32, #tpu.memory_space<vmem>>[vector<16xi32>], vector<16xf32>,
        %mul3A_790 = vector.broadcast %squeeze3A_775 : f32 to vector<16xf32>
        %mul3A_791 = arith.mulf %gather3A_789, %mul3A_790 : vector<16xf32>
        %add3A_792 = arith.addf %add3A_744, %mul3A_791 : vector<16xf32>
        %mul3A_793 = vector.broadcast %squeeze3A_777 : f32 to vector<16xf32>
        %mul3A_794 = arith.mulf %gather3A_789, %mul3A_793 : vector<16xf32>
        %add3A_795 = arith.addf %add3A_747, %mul3A_794 : vector<16xf32>
        %mul3A_796 = vector.broadcast %squeeze3A_779 : f32 to vector<16xf32>
        %mul3A_797 = arith.mulf %gather3A_789, %mul3A_796 : vector<16xf32>
        %add3A_798 = arith.addf %add3A_750, %mul3A_797 : vector<16xf32>
        %mul3A_799 = vector.broadcast %squeeze3A_781 : f32 to vector<16xf32>
        %mul3A_800 = arith.mulf %gather3A_789, %mul3A_799 : vector<16xf32>
        %add3A_801 = arith.addf %add3A_753, %mul3A_800 : vector<16xf32>
        %shift_right_arithmetic3A_802 = arith.constant 6 : i32
        %shift_right_arithmetic3A_803 = vector.broadcast %shift_right_arithmetic3A_802 : i32 to vector<16xi32>
        %shift_right_arithmetic3A_804 = arith.shrsi %or3A_677, %shift_right_arithmetic3A_803 : vector<16xi32>
        %and3A_805 = arith.constant 7 : i32
        %and3A_806 = vector.broadcast %and3A_805 : i32 to vector<16xi32>
        %and3A_807 = arith.andi %shift_right_arithmetic3A_804, %and3A_806 : vector<16xi32>
        %add3A_808 = arith.addi %add3A_159, %and3A_807 : vector<16xi32>
        %gather3A_809 = tpu.vector_load_idx %arg8[%add3A_808] : memref<32768xf32, #tpu.memory_space<vmem>>[vector<16xi32>], vector<16xf32>,
        %mul3A_810 = vector.broadcast %squeeze3A_775 : f32 to vector<16xf32>
        %mul3A_811 = arith.mulf %gather3A_809, %mul3A_810 : vector<16xf32>
        %add3A_812 = arith.addf %add3A_764, %mul3A_811 : vector<16xf32>
        %mul3A_813 = vector.broadcast %squeeze3A_777 : f32 to vector<16xf32>
        %mul3A_814 = arith.mulf %gather3A_809, %mul3A_813 : vector<16xf32>
        %add3A_815 = arith.addf %add3A_767, %mul3A_814 : vector<16xf32>
        %mul3A_816 = vector.broadcast %squeeze3A_779 : f32 to vector<16xf32>
        %mul3A_817 = arith.mulf %gather3A_809, %mul3A_816 : vector<16xf32>
        %add3A_818 = arith.addf %add3A_770, %mul3A_817 : vector<16xf32>
        %mul3A_819 = vector.broadcast %squeeze3A_781 : f32 to vector<16xf32>
        %mul3A_820 = arith.mulf %gather3A_809, %mul3A_819 : vector<16xf32>
        %add3A_821 = arith.addf %add3A_773, %mul3A_820 : vector<16xf32>
        %slice3A_822 = vector.extract_strided_slice %get3A_164 {offsets = [11], sizes = [1], strides = [1]} : vector<16xf32> to vector<1xf32>
        %squeeze3A_823 = vector.extract %slice3A_822[0] : f32 from vector<1xf32>
        %slice3A_824 = vector.extract_strided_slice %get3A_178 {offsets = [11], sizes = [1], strides = [1]} : vector<16xf32> to vector<1xf32>
        %squeeze3A_825 = vector.extract %slice3A_824[0] : f32 from vector<1xf32>
        %slice3A_826 = vector.extract_strided_slice %get3A_192 {offsets = [11], sizes = [1], strides = [1]} : vector<16xf32> to vector<1xf32>
        %squeeze3A_827 = vector.extract %slice3A_826[0] : f32 from vector<1xf32>
        %slice3A_828 = vector.extract_strided_slice %get3A_206 {offsets = [11], sizes = [1], strides = [1]} : vector<16xf32> to vector<1xf32>
        %squeeze3A_829 = vector.extract %slice3A_828[0] : f32 from vector<1xf32>
        %shift_right_arithmetic3A_830 = arith.constant 9 : i32
        %shift_right_arithmetic3A_831 = vector.broadcast %shift_right_arithmetic3A_830 : i32 to vector<16xi32>
        %shift_right_arithmetic3A_832 = arith.shrsi %or3A_658, %shift_right_arithmetic3A_831 : vector<16xi32>
        %and3A_833 = arith.constant 7 : i32
        %and3A_834 = vector.broadcast %and3A_833 : i32 to vector<16xi32>
        %and3A_835 = arith.andi %shift_right_arithmetic3A_832, %and3A_834 : vector<16xi32>
        %add3A_836 = arith.addi %add3A_157, %and3A_835 : vector<16xi32>
        %gather3A_837 = tpu.vector_load_idx %arg8[%add3A_836] : memref<32768xf32, #tpu.memory_space<vmem>>[vector<16xi32>], vector<16xf32>,
        %mul3A_838 = vector.broadcast %squeeze3A_823 : f32 to vector<16xf32>
        %mul3A_839 = arith.mulf %gather3A_837, %mul3A_838 : vector<16xf32>
        %add3A_840 = arith.addf %add3A_792, %mul3A_839 : vector<16xf32>
        %mul3A_841 = vector.broadcast %squeeze3A_825 : f32 to vector<16xf32>
        %mul3A_842 = arith.mulf %gather3A_837, %mul3A_841 : vector<16xf32>
        %add3A_843 = arith.addf %add3A_795, %mul3A_842 : vector<16xf32>
        %mul3A_844 = vector.broadcast %squeeze3A_827 : f32 to vector<16xf32>
        %mul3A_845 = arith.mulf %gather3A_837, %mul3A_844 : vector<16xf32>
        %add3A_846 = arith.addf %add3A_798, %mul3A_845 : vector<16xf32>
        %mul3A_847 = vector.broadcast %squeeze3A_829 : f32 to vector<16xf32>
        %mul3A_848 = arith.mulf %gather3A_837, %mul3A_847 : vector<16xf32>
        %add3A_849 = arith.addf %add3A_801, %mul3A_848 : vector<16xf32>
        %shift_right_arithmetic3A_850 = arith.constant 9 : i32
        %shift_right_arithmetic3A_851 = vector.broadcast %shift_right_arithmetic3A_850 : i32 to vector<16xi32>
        %shift_right_arithmetic3A_852 = arith.shrsi %or3A_677, %shift_right_arithmetic3A_851 : vector<16xi32>
        %and3A_853 = arith.constant 7 : i32
        %and3A_854 = vector.broadcast %and3A_853 : i32 to vector<16xi32>
        %and3A_855 = arith.andi %shift_right_arithmetic3A_852, %and3A_854 : vector<16xi32>
        %add3A_856 = arith.addi %add3A_159, %and3A_855 : vector<16xi32>
        %gather3A_857 = tpu.vector_load_idx %arg8[%add3A_856] : memref<32768xf32, #tpu.memory_space<vmem>>[vector<16xi32>], vector<16xf32>,
        %mul3A_858 = vector.broadcast %squeeze3A_823 : f32 to vector<16xf32>
        %mul3A_859 = arith.mulf %gather3A_857, %mul3A_858 : vector<16xf32>
        %add3A_860 = arith.addf %add3A_812, %mul3A_859 : vector<16xf32>
        %mul3A_861 = vector.broadcast %squeeze3A_825 : f32 to vector<16xf32>
        %mul3A_862 = arith.mulf %gather3A_857, %mul3A_861 : vector<16xf32>
        %add3A_863 = arith.addf %add3A_815, %mul3A_862 : vector<16xf32>
        %mul3A_864 = vector.broadcast %squeeze3A_827 : f32 to vector<16xf32>
        %mul3A_865 = arith.mulf %gather3A_857, %mul3A_864 : vector<16xf32>
        %add3A_866 = arith.addf %add3A_818, %mul3A_865 : vector<16xf32>
        %mul3A_867 = vector.broadcast %squeeze3A_829 : f32 to vector<16xf32>
        %mul3A_868 = arith.mulf %gather3A_857, %mul3A_867 : vector<16xf32>
        %add3A_869 = arith.addf %add3A_821, %mul3A_868 : vector<16xf32>
        %slice3A_870 = vector.extract_strided_slice %get3A_164 {offsets = [12], sizes = [1], strides = [1]} : vector<16xf32> to vector<1xf32>
        %squeeze3A_871 = vector.extract %slice3A_870[0] : f32 from vector<1xf32>
        %slice3A_872 = vector.extract_strided_slice %get3A_178 {offsets = [12], sizes = [1], strides = [1]} : vector<16xf32> to vector<1xf32>
        %squeeze3A_873 = vector.extract %slice3A_872[0] : f32 from vector<1xf32>
        %slice3A_874 = vector.extract_strided_slice %get3A_192 {offsets = [12], sizes = [1], strides = [1]} : vector<16xf32> to vector<1xf32>
        %squeeze3A_875 = vector.extract %slice3A_874[0] : f32 from vector<1xf32>
        %slice3A_876 = vector.extract_strided_slice %get3A_206 {offsets = [12], sizes = [1], strides = [1]} : vector<16xf32> to vector<1xf32>
        %squeeze3A_877 = vector.extract %slice3A_876[0] : f32 from vector<1xf32>
        %shift_right_arithmetic3A_878 = arith.constant 12 : i32
        %shift_right_arithmetic3A_879 = vector.broadcast %shift_right_arithmetic3A_878 : i32 to vector<16xi32>
        %shift_right_arithmetic3A_880 = arith.shrsi %or3A_658, %shift_right_arithmetic3A_879 : vector<16xi32>
        %and3A_881 = arith.constant 7 : i32
        %and3A_882 = vector.broadcast %and3A_881 : i32 to vector<16xi32>
        %and3A_883 = arith.andi %shift_right_arithmetic3A_880, %and3A_882 : vector<16xi32>
        %add3A_884 = arith.addi %add3A_157, %and3A_883 : vector<16xi32>
        %gather3A_885 = tpu.vector_load_idx %arg8[%add3A_884] : memref<32768xf32, #tpu.memory_space<vmem>>[vector<16xi32>], vector<16xf32>,
        %mul3A_886 = vector.broadcast %squeeze3A_871 : f32 to vector<16xf32>
        %mul3A_887 = arith.mulf %gather3A_885, %mul3A_886 : vector<16xf32>
        %add3A_888 = arith.addf %add3A_840, %mul3A_887 : vector<16xf32>
        %mul3A_889 = vector.broadcast %squeeze3A_873 : f32 to vector<16xf32>
        %mul3A_890 = arith.mulf %gather3A_885, %mul3A_889 : vector<16xf32>
        %add3A_891 = arith.addf %add3A_843, %mul3A_890 : vector<16xf32>
        %mul3A_892 = vector.broadcast %squeeze3A_875 : f32 to vector<16xf32>
        %mul3A_893 = arith.mulf %gather3A_885, %mul3A_892 : vector<16xf32>
        %add3A_894 = arith.addf %add3A_846, %mul3A_893 : vector<16xf32>
        %mul3A_895 = vector.broadcast %squeeze3A_877 : f32 to vector<16xf32>
        %mul3A_896 = arith.mulf %gather3A_885, %mul3A_895 : vector<16xf32>
        %add3A_897 = arith.addf %add3A_849, %mul3A_896 : vector<16xf32>
        %shift_right_arithmetic3A_898 = arith.constant 12 : i32
        %shift_right_arithmetic3A_899 = vector.broadcast %shift_right_arithmetic3A_898 : i32 to vector<16xi32>
        %shift_right_arithmetic3A_900 = arith.shrsi %or3A_677, %shift_right_arithmetic3A_899 : vector<16xi32>
        %and3A_901 = arith.constant 7 : i32
        %and3A_902 = vector.broadcast %and3A_901 : i32 to vector<16xi32>
        %and3A_903 = arith.andi %shift_right_arithmetic3A_900, %and3A_902 : vector<16xi32>
        %add3A_904 = arith.addi %add3A_159, %and3A_903 : vector<16xi32>
        %gather3A_905 = tpu.vector_load_idx %arg8[%add3A_904] : memref<32768xf32, #tpu.memory_space<vmem>>[vector<16xi32>], vector<16xf32>,
        %mul3A_906 = vector.broadcast %squeeze3A_871 : f32 to vector<16xf32>
        %mul3A_907 = arith.mulf %gather3A_905, %mul3A_906 : vector<16xf32>
        %add3A_908 = arith.addf %add3A_860, %mul3A_907 : vector<16xf32>
        %mul3A_909 = vector.broadcast %squeeze3A_873 : f32 to vector<16xf32>
        %mul3A_910 = arith.mulf %gather3A_905, %mul3A_909 : vector<16xf32>
        %add3A_911 = arith.addf %add3A_863, %mul3A_910 : vector<16xf32>
        %mul3A_912 = vector.broadcast %squeeze3A_875 : f32 to vector<16xf32>
        %mul3A_913 = arith.mulf %gather3A_905, %mul3A_912 : vector<16xf32>
        %add3A_914 = arith.addf %add3A_866, %mul3A_913 : vector<16xf32>
        %mul3A_915 = vector.broadcast %squeeze3A_877 : f32 to vector<16xf32>
        %mul3A_916 = arith.mulf %gather3A_905, %mul3A_915 : vector<16xf32>
        %add3A_917 = arith.addf %add3A_869, %mul3A_916 : vector<16xf32>
        %slice3A_918 = vector.extract_strided_slice %get3A_164 {offsets = [13], sizes = [1], strides = [1]} : vector<16xf32> to vector<1xf32>
        %squeeze3A_919 = vector.extract %slice3A_918[0] : f32 from vector<1xf32>
        %slice3A_920 = vector.extract_strided_slice %get3A_178 {offsets = [13], sizes = [1], strides = [1]} : vector<16xf32> to vector<1xf32>
        %squeeze3A_921 = vector.extract %slice3A_920[0] : f32 from vector<1xf32>
        %slice3A_922 = vector.extract_strided_slice %get3A_192 {offsets = [13], sizes = [1], strides = [1]} : vector<16xf32> to vector<1xf32>
        %squeeze3A_923 = vector.extract %slice3A_922[0] : f32 from vector<1xf32>
        %slice3A_924 = vector.extract_strided_slice %get3A_206 {offsets = [13], sizes = [1], strides = [1]} : vector<16xf32> to vector<1xf32>
        %squeeze3A_925 = vector.extract %slice3A_924[0] : f32 from vector<1xf32>
        %shift_right_arithmetic3A_926 = arith.constant 15 : i32
        %shift_right_arithmetic3A_927 = vector.broadcast %shift_right_arithmetic3A_926 : i32 to vector<16xi32>
        %shift_right_arithmetic3A_928 = arith.shrsi %or3A_658, %shift_right_arithmetic3A_927 : vector<16xi32>
        %and3A_929 = arith.constant 7 : i32
        %and3A_930 = vector.broadcast %and3A_929 : i32 to vector<16xi32>
        %and3A_931 = arith.andi %shift_right_arithmetic3A_928, %and3A_930 : vector<16xi32>
        %add3A_932 = arith.addi %add3A_157, %and3A_931 : vector<16xi32>
        %gather3A_933 = tpu.vector_load_idx %arg8[%add3A_932] : memref<32768xf32, #tpu.memory_space<vmem>>[vector<16xi32>], vector<16xf32>,
        %mul3A_934 = vector.broadcast %squeeze3A_919 : f32 to vector<16xf32>
        %mul3A_935 = arith.mulf %gather3A_933, %mul3A_934 : vector<16xf32>
        %add3A_936 = arith.addf %add3A_888, %mul3A_935 : vector<16xf32>
        %mul3A_937 = vector.broadcast %squeeze3A_921 : f32 to vector<16xf32>
        %mul3A_938 = arith.mulf %gather3A_933, %mul3A_937 : vector<16xf32>
        %add3A_939 = arith.addf %add3A_891, %mul3A_938 : vector<16xf32>
        %mul3A_940 = vector.broadcast %squeeze3A_923 : f32 to vector<16xf32>
        %mul3A_941 = arith.mulf %gather3A_933, %mul3A_940 : vector<16xf32>
        %add3A_942 = arith.addf %add3A_894, %mul3A_941 : vector<16xf32>
        %mul3A_943 = vector.broadcast %squeeze3A_925 : f32 to vector<16xf32>
        %mul3A_944 = arith.mulf %gather3A_933, %mul3A_943 : vector<16xf32>
        %add3A_945 = arith.addf %add3A_897, %mul3A_944 : vector<16xf32>
        %shift_right_arithmetic3A_946 = arith.constant 15 : i32
        %shift_right_arithmetic3A_947 = vector.broadcast %shift_right_arithmetic3A_946 : i32 to vector<16xi32>
        %shift_right_arithmetic3A_948 = arith.shrsi %or3A_677, %shift_right_arithmetic3A_947 : vector<16xi32>
        %and3A_949 = arith.constant 7 : i32
        %and3A_950 = vector.broadcast %and3A_949 : i32 to vector<16xi32>
        %and3A_951 = arith.andi %shift_right_arithmetic3A_948, %and3A_950 : vector<16xi32>
        %add3A_952 = arith.addi %add3A_159, %and3A_951 : vector<16xi32>
        %gather3A_953 = tpu.vector_load_idx %arg8[%add3A_952] : memref<32768xf32, #tpu.memory_space<vmem>>[vector<16xi32>], vector<16xf32>,
        %mul3A_954 = vector.broadcast %squeeze3A_919 : f32 to vector<16xf32>
        %mul3A_955 = arith.mulf %gather3A_953, %mul3A_954 : vector<16xf32>
        %add3A_956 = arith.addf %add3A_908, %mul3A_955 : vector<16xf32>
        %mul3A_957 = vector.broadcast %squeeze3A_921 : f32 to vector<16xf32>
        %mul3A_958 = arith.mulf %gather3A_953, %mul3A_957 : vector<16xf32>
        %add3A_959 = arith.addf %add3A_911, %mul3A_958 : vector<16xf32>
        %mul3A_960 = vector.broadcast %squeeze3A_923 : f32 to vector<16xf32>
        %mul3A_961 = arith.mulf %gather3A_953, %mul3A_960 : vector<16xf32>
        %add3A_962 = arith.addf %add3A_914, %mul3A_961 : vector<16xf32>
        %mul3A_963 = vector.broadcast %squeeze3A_925 : f32 to vector<16xf32>
        %mul3A_964 = arith.mulf %gather3A_953, %mul3A_963 : vector<16xf32>
        %add3A_965 = arith.addf %add3A_917, %mul3A_964 : vector<16xf32>
        %slice3A_966 = vector.extract_strided_slice %get3A_164 {offsets = [14], sizes = [1], strides = [1]} : vector<16xf32> to vector<1xf32>
        %squeeze3A_967 = vector.extract %slice3A_966[0] : f32 from vector<1xf32>
        %slice3A_968 = vector.extract_strided_slice %get3A_178 {offsets = [14], sizes = [1], strides = [1]} : vector<16xf32> to vector<1xf32>
        %squeeze3A_969 = vector.extract %slice3A_968[0] : f32 from vector<1xf32>
        %slice3A_970 = vector.extract_strided_slice %get3A_192 {offsets = [14], sizes = [1], strides = [1]} : vector<16xf32> to vector<1xf32>
        %squeeze3A_971 = vector.extract %slice3A_970[0] : f32 from vector<1xf32>
        %slice3A_972 = vector.extract_strided_slice %get3A_206 {offsets = [14], sizes = [1], strides = [1]} : vector<16xf32> to vector<1xf32>
        %squeeze3A_973 = vector.extract %slice3A_972[0] : f32 from vector<1xf32>
        %shift_right_arithmetic3A_974 = arith.constant 18 : i32
        %shift_right_arithmetic3A_975 = vector.broadcast %shift_right_arithmetic3A_974 : i32 to vector<16xi32>
        %shift_right_arithmetic3A_976 = arith.shrsi %or3A_658, %shift_right_arithmetic3A_975 : vector<16xi32>
        %and3A_977 = arith.constant 7 : i32
        %and3A_978 = vector.broadcast %and3A_977 : i32 to vector<16xi32>
        %and3A_979 = arith.andi %shift_right_arithmetic3A_976, %and3A_978 : vector<16xi32>
        %add3A_980 = arith.addi %add3A_157, %and3A_979 : vector<16xi32>
        %gather3A_981 = tpu.vector_load_idx %arg8[%add3A_980] : memref<32768xf32, #tpu.memory_space<vmem>>[vector<16xi32>], vector<16xf32>,
        %mul3A_982 = vector.broadcast %squeeze3A_967 : f32 to vector<16xf32>
        %mul3A_983 = arith.mulf %gather3A_981, %mul3A_982 : vector<16xf32>
        %add3A_984 = arith.addf %add3A_936, %mul3A_983 : vector<16xf32>
        %mul3A_985 = vector.broadcast %squeeze3A_969 : f32 to vector<16xf32>
        %mul3A_986 = arith.mulf %gather3A_981, %mul3A_985 : vector<16xf32>
        %add3A_987 = arith.addf %add3A_939, %mul3A_986 : vector<16xf32>
        %mul3A_988 = vector.broadcast %squeeze3A_971 : f32 to vector<16xf32>
        %mul3A_989 = arith.mulf %gather3A_981, %mul3A_988 : vector<16xf32>
        %add3A_990 = arith.addf %add3A_942, %mul3A_989 : vector<16xf32>
        %mul3A_991 = vector.broadcast %squeeze3A_973 : f32 to vector<16xf32>
        %mul3A_992 = arith.mulf %gather3A_981, %mul3A_991 : vector<16xf32>
        %add3A_993 = arith.addf %add3A_945, %mul3A_992 : vector<16xf32>
        %shift_right_arithmetic3A_994 = arith.constant 18 : i32
        %shift_right_arithmetic3A_995 = vector.broadcast %shift_right_arithmetic3A_994 : i32 to vector<16xi32>
        %shift_right_arithmetic3A_996 = arith.shrsi %or3A_677, %shift_right_arithmetic3A_995 : vector<16xi32>
        %and3A_997 = arith.constant 7 : i32
        %and3A_998 = vector.broadcast %and3A_997 : i32 to vector<16xi32>
        %and3A_999 = arith.andi %shift_right_arithmetic3A_996, %and3A_998 : vector<16xi32>
        %add3A_1000 = arith.addi %add3A_159, %and3A_999 : vector<16xi32>
        %gather3A_1001 = tpu.vector_load_idx %arg8[%add3A_1000] : memref<32768xf32, #tpu.memory_space<vmem>>[vector<16xi32>], vector<16xf32>,
        %mul3A_1002 = vector.broadcast %squeeze3A_967 : f32 to vector<16xf32>
        %mul3A_1003 = arith.mulf %gather3A_1001, %mul3A_1002 : vector<16xf32>
        %add3A_1004 = arith.addf %add3A_956, %mul3A_1003 : vector<16xf32>
        %mul3A_1005 = vector.broadcast %squeeze3A_969 : f32 to vector<16xf32>
        %mul3A_1006 = arith.mulf %gather3A_1001, %mul3A_1005 : vector<16xf32>
        %add3A_1007 = arith.addf %add3A_959, %mul3A_1006 : vector<16xf32>
        %mul3A_1008 = vector.broadcast %squeeze3A_971 : f32 to vector<16xf32>
        %mul3A_1009 = arith.mulf %gather3A_1001, %mul3A_1008 : vector<16xf32>
        %add3A_1010 = arith.addf %add3A_962, %mul3A_1009 : vector<16xf32>
        %mul3A_1011 = vector.broadcast %squeeze3A_973 : f32 to vector<16xf32>
        %mul3A_1012 = arith.mulf %gather3A_1001, %mul3A_1011 : vector<16xf32>
        %add3A_1013 = arith.addf %add3A_965, %mul3A_1012 : vector<16xf32>
        %slice3A_1014 = vector.extract_strided_slice %get3A_164 {offsets = [15], sizes = [1], strides = [1]} : vector<16xf32> to vector<1xf32>
        %squeeze3A_1015 = vector.extract %slice3A_1014[0] : f32 from vector<1xf32>
        %slice3A_1016 = vector.extract_strided_slice %get3A_178 {offsets = [15], sizes = [1], strides = [1]} : vector<16xf32> to vector<1xf32>
        %squeeze3A_1017 = vector.extract %slice3A_1016[0] : f32 from vector<1xf32>
        %slice3A_1018 = vector.extract_strided_slice %get3A_192 {offsets = [15], sizes = [1], strides = [1]} : vector<16xf32> to vector<1xf32>
        %squeeze3A_1019 = vector.extract %slice3A_1018[0] : f32 from vector<1xf32>
        %slice3A_1020 = vector.extract_strided_slice %get3A_206 {offsets = [15], sizes = [1], strides = [1]} : vector<16xf32> to vector<1xf32>
        %squeeze3A_1021 = vector.extract %slice3A_1020[0] : f32 from vector<1xf32>
        %shift_right_arithmetic3A_1022 = arith.constant 21 : i32
        %shift_right_arithmetic3A_1023 = vector.broadcast %shift_right_arithmetic3A_1022 : i32 to vector<16xi32>
        %shift_right_arithmetic3A_1024 = arith.shrsi %or3A_658, %shift_right_arithmetic3A_1023 : vector<16xi32>
        %and3A_1025 = arith.constant 7 : i32
        %and3A_1026 = vector.broadcast %and3A_1025 : i32 to vector<16xi32>
        %and3A_1027 = arith.andi %shift_right_arithmetic3A_1024, %and3A_1026 : vector<16xi32>
        %add3A_1028 = arith.addi %add3A_157, %and3A_1027 : vector<16xi32>
        %gather3A_1029 = tpu.vector_load_idx %arg8[%add3A_1028] : memref<32768xf32, #tpu.memory_space<vmem>>[vector<16xi32>], vector<16xf32>,
        %mul3A_1030 = vector.broadcast %squeeze3A_1015 : f32 to vector<16xf32>
        %mul3A_1031 = arith.mulf %gather3A_1029, %mul3A_1030 : vector<16xf32>
        %add3A_1032 = arith.addf %add3A_984, %mul3A_1031 : vector<16xf32>
        %mul3A_1033 = vector.broadcast %squeeze3A_1017 : f32 to vector<16xf32>
        %mul3A_1034 = arith.mulf %gather3A_1029, %mul3A_1033 : vector<16xf32>
        %add3A_1035 = arith.addf %add3A_987, %mul3A_1034 : vector<16xf32>
        %mul3A_1036 = vector.broadcast %squeeze3A_1019 : f32 to vector<16xf32>
        %mul3A_1037 = arith.mulf %gather3A_1029, %mul3A_1036 : vector<16xf32>
        %add3A_1038 = arith.addf %add3A_990, %mul3A_1037 : vector<16xf32>
        %mul3A_1039 = vector.broadcast %squeeze3A_1021 : f32 to vector<16xf32>
        %mul3A_1040 = arith.mulf %gather3A_1029, %mul3A_1039 : vector<16xf32>
        %add3A_1041 = arith.addf %add3A_993, %mul3A_1040 : vector<16xf32>
        %shift_right_arithmetic3A_1042 = arith.constant 21 : i32
        %shift_right_arithmetic3A_1043 = vector.broadcast %shift_right_arithmetic3A_1042 : i32 to vector<16xi32>
        %shift_right_arithmetic3A_1044 = arith.shrsi %or3A_677, %shift_right_arithmetic3A_1043 : vector<16xi32>
        %and3A_1045 = arith.constant 7 : i32
        %and3A_1046 = vector.broadcast %and3A_1045 : i32 to vector<16xi32>
        %and3A_1047 = arith.andi %shift_right_arithmetic3A_1044, %and3A_1046 : vector<16xi32>
        %add3A_1048 = arith.addi %add3A_159, %and3A_1047 : vector<16xi32>
        %gather3A_1049 = tpu.vector_load_idx %arg8[%add3A_1048] : memref<32768xf32, #tpu.memory_space<vmem>>[vector<16xi32>], vector<16xf32>,
        %mul3A_1050 = vector.broadcast %squeeze3A_1015 : f32 to vector<16xf32>
        %mul3A_1051 = arith.mulf %gather3A_1049, %mul3A_1050 : vector<16xf32>
        %add3A_1052 = arith.addf %add3A_1004, %mul3A_1051 : vector<16xf32>
        %mul3A_1053 = vector.broadcast %squeeze3A_1017 : f32 to vector<16xf32>
        %mul3A_1054 = arith.mulf %gather3A_1049, %mul3A_1053 : vector<16xf32>
        %add3A_1055 = arith.addf %add3A_1007, %mul3A_1054 : vector<16xf32>
        %mul3A_1056 = vector.broadcast %squeeze3A_1019 : f32 to vector<16xf32>
        %mul3A_1057 = arith.mulf %gather3A_1049, %mul3A_1056 : vector<16xf32>
        %add3A_1058 = arith.addf %add3A_1010, %mul3A_1057 : vector<16xf32>
        %mul3A_1059 = vector.broadcast %squeeze3A_1021 : f32 to vector<16xf32>
        %mul3A_1060 = arith.mulf %gather3A_1049, %mul3A_1059 : vector<16xf32>
        %add3A_1061 = arith.addf %add3A_1013, %mul3A_1060 : vector<16xf32>
        %mul3A_1062 = arith.constant 12 : i32
        %mul3A_1063 = arith.muli %scan3A_145, %mul3A_1062 : i32
        %add3A_1064 = arith.constant 6 : i32
        %add3A_1065 = arith.addi %mul3A_1063, %add3A_1064 : i32
        %add3A_1066 = vector.broadcast %add3A_1065 : i32 to vector<16xi32>
        %add3A_1067 = arith.addi %add3A_33, %add3A_1066 : vector<16xi32>
        %gather3A_1068 = tpu.vector_load_idx %arg7[%add3A_1067] : memref<49152xi32, #tpu.memory_space<vmem>>[vector<16xi32>], vector<16xi32>,
        %add3A_1069 = arith.constant 1 : i32
        %add3A_1070 = vector.broadcast %add3A_1069 : i32 to vector<16xi32>
        %add3A_1071 = arith.addi %add3A_1067, %add3A_1070 : vector<16xi32>
        %gather3A_1072 = tpu.vector_load_idx %arg7[%add3A_1071] : memref<49152xi32, #tpu.memory_space<vmem>>[vector<16xi32>], vector<16xi32>,
        %add3A_1073 = arith.constant 2 : i32
        %add3A_1074 = vector.broadcast %add3A_1073 : i32 to vector<16xi32>
        %add3A_1075 = arith.addi %add3A_1067, %add3A_1074 : vector<16xi32>
        %gather3A_1076 = tpu.vector_load_idx %arg7[%add3A_1075] : memref<49152xi32, #tpu.memory_space<vmem>>[vector<16xi32>], vector<16xi32>,
        %shift_left3A_1077 = arith.constant 8 : i32
        %shift_left3A_1078 = vector.broadcast %shift_left3A_1077 : i32 to vector<16xi32>
        %shift_left3A_1079 = arith.shli %gather3A_1072, %shift_left3A_1078 : vector<16xi32>
        %or3A_1080 = arith.ori %gather3A_1068, %shift_left3A_1079 : vector<16xi32>
        %shift_left3A_1081 = arith.constant 16 : i32
        %shift_left3A_1082 = vector.broadcast %shift_left3A_1081 : i32 to vector<16xi32>
        %shift_left3A_1083 = arith.shli %gather3A_1076, %shift_left3A_1082 : vector<16xi32>
        %or3A_1084 = arith.ori %or3A_1080, %shift_left3A_1083 : vector<16xi32>
        %add3A_1085 = vector.broadcast %add3A_1065 : i32 to vector<16xi32>
        %add3A_1086 = arith.addi %add3A_39, %add3A_1085 : vector<16xi32>
        %gather3A_1087 = tpu.vector_load_idx %arg7[%add3A_1086] : memref<49152xi32, #tpu.memory_space<vmem>>[vector<16xi32>], vector<16xi32>,
        %add3A_1088 = arith.constant 1 : i32
        %add3A_1089 = vector.broadcast %add3A_1088 : i32 to vector<16xi32>
        %add3A_1090 = arith.addi %add3A_1086, %add3A_1089 : vector<16xi32>
        %gather3A_1091 = tpu.vector_load_idx %arg7[%add3A_1090] : memref<49152xi32, #tpu.memory_space<vmem>>[vector<16xi32>], vector<16xi32>,
        %add3A_1092 = arith.constant 2 : i32
        %add3A_1093 = vector.broadcast %add3A_1092 : i32 to vector<16xi32>
        %add3A_1094 = arith.addi %add3A_1086, %add3A_1093 : vector<16xi32>
        %gather3A_1095 = tpu.vector_load_idx %arg7[%add3A_1094] : memref<49152xi32, #tpu.memory_space<vmem>>[vector<16xi32>], vector<16xi32>,
        %shift_left3A_1096 = arith.constant 8 : i32
        %shift_left3A_1097 = vector.broadcast %shift_left3A_1096 : i32 to vector<16xi32>
        %shift_left3A_1098 = arith.shli %gather3A_1091, %shift_left3A_1097 : vector<16xi32>
        %or3A_1099 = arith.ori %gather3A_1087, %shift_left3A_1098 : vector<16xi32>
        %shift_left3A_1100 = arith.constant 16 : i32
        %shift_left3A_1101 = vector.broadcast %shift_left3A_1100 : i32 to vector<16xi32>
        %shift_left3A_1102 = arith.shli %gather3A_1095, %shift_left3A_1101 : vector<16xi32>
        %or3A_1103 = arith.ori %or3A_1099, %shift_left3A_1102 : vector<16xi32>
        %slice3A_1104 = vector.extract_strided_slice %get3A_172 {offsets = [0], sizes = [1], strides = [1]} : vector<16xf32> to vector<1xf32>
        %squeeze3A_1105 = vector.extract %slice3A_1104[0] : f32 from vector<1xf32>
        %slice3A_1106 = vector.extract_strided_slice %get3A_186 {offsets = [0], sizes = [1], strides = [1]} : vector<16xf32> to vector<1xf32>
        %squeeze3A_1107 = vector.extract %slice3A_1106[0] : f32 from vector<1xf32>
        %slice3A_1108 = vector.extract_strided_slice %get3A_200 {offsets = [0], sizes = [1], strides = [1]} : vector<16xf32> to vector<1xf32>
        %squeeze3A_1109 = vector.extract %slice3A_1108[0] : f32 from vector<1xf32>
        %slice3A_1110 = vector.extract_strided_slice %get3A_214 {offsets = [0], sizes = [1], strides = [1]} : vector<16xf32> to vector<1xf32>
        %squeeze3A_1111 = vector.extract %slice3A_1110[0] : f32 from vector<1xf32>
        %shift_right_arithmetic3A_1112 = arith.constant 0 : i32
        %shift_right_arithmetic3A_1113 = vector.broadcast %shift_right_arithmetic3A_1112 : i32 to vector<16xi32>
        %shift_right_arithmetic3A_1114 = arith.shrsi %or3A_1084, %shift_right_arithmetic3A_1113 : vector<16xi32>
        %and3A_1115 = arith.constant 7 : i32
        %and3A_1116 = vector.broadcast %and3A_1115 : i32 to vector<16xi32>
        %and3A_1117 = arith.andi %shift_right_arithmetic3A_1114, %and3A_1116 : vector<16xi32>
        %add3A_1118 = arith.addi %add3A_157, %and3A_1117 : vector<16xi32>
        %gather3A_1119 = tpu.vector_load_idx %arg8[%add3A_1118] : memref<32768xf32, #tpu.memory_space<vmem>>[vector<16xi32>], vector<16xf32>,
        %mul3A_1120 = vector.broadcast %squeeze3A_1105 : f32 to vector<16xf32>
        %mul3A_1121 = arith.mulf %gather3A_1119, %mul3A_1120 : vector<16xf32>
        %add3A_1122 = arith.addf %add3A_1032, %mul3A_1121 : vector<16xf32>
        %mul3A_1123 = vector.broadcast %squeeze3A_1107 : f32 to vector<16xf32>
        %mul3A_1124 = arith.mulf %gather3A_1119, %mul3A_1123 : vector<16xf32>
        %add3A_1125 = arith.addf %add3A_1035, %mul3A_1124 : vector<16xf32>
        %mul3A_1126 = vector.broadcast %squeeze3A_1109 : f32 to vector<16xf32>
        %mul3A_1127 = arith.mulf %gather3A_1119, %mul3A_1126 : vector<16xf32>
        %add3A_1128 = arith.addf %add3A_1038, %mul3A_1127 : vector<16xf32>
        %mul3A_1129 = vector.broadcast %squeeze3A_1111 : f32 to vector<16xf32>
        %mul3A_1130 = arith.mulf %gather3A_1119, %mul3A_1129 : vector<16xf32>
        %add3A_1131 = arith.addf %add3A_1041, %mul3A_1130 : vector<16xf32>
        %shift_right_arithmetic3A_1132 = arith.constant 0 : i32
        %shift_right_arithmetic3A_1133 = vector.broadcast %shift_right_arithmetic3A_1132 : i32 to vector<16xi32>
        %shift_right_arithmetic3A_1134 = arith.shrsi %or3A_1103, %shift_right_arithmetic3A_1133 : vector<16xi32>
        %and3A_1135 = arith.constant 7 : i32
        %and3A_1136 = vector.broadcast %and3A_1135 : i32 to vector<16xi32>
        %and3A_1137 = arith.andi %shift_right_arithmetic3A_1134, %and3A_1136 : vector<16xi32>
        %add3A_1138 = arith.addi %add3A_159, %and3A_1137 : vector<16xi32>
        %gather3A_1139 = tpu.vector_load_idx %arg8[%add3A_1138] : memref<32768xf32, #tpu.memory_space<vmem>>[vector<16xi32>], vector<16xf32>,
        %mul3A_1140 = vector.broadcast %squeeze3A_1105 : f32 to vector<16xf32>
        %mul3A_1141 = arith.mulf %gather3A_1139, %mul3A_1140 : vector<16xf32>
        %add3A_1142 = arith.addf %add3A_1052, %mul3A_1141 : vector<16xf32>
        %mul3A_1143 = vector.broadcast %squeeze3A_1107 : f32 to vector<16xf32>
        %mul3A_1144 = arith.mulf %gather3A_1139, %mul3A_1143 : vector<16xf32>
        %add3A_1145 = arith.addf %add3A_1055, %mul3A_1144 : vector<16xf32>
        %mul3A_1146 = vector.broadcast %squeeze3A_1109 : f32 to vector<16xf32>
        %mul3A_1147 = arith.mulf %gather3A_1139, %mul3A_1146 : vector<16xf32>
        %add3A_1148 = arith.addf %add3A_1058, %mul3A_1147 : vector<16xf32>
        %mul3A_1149 = vector.broadcast %squeeze3A_1111 : f32 to vector<16xf32>
        %mul3A_1150 = arith.mulf %gather3A_1139, %mul3A_1149 : vector<16xf32>
        %add3A_1151 = arith.addf %add3A_1061, %mul3A_1150 : vector<16xf32>
        %slice3A_1152 = vector.extract_strided_slice %get3A_172 {offsets = [1], sizes = [1], strides = [1]} : vector<16xf32> to vector<1xf32>
        %squeeze3A_1153 = vector.extract %slice3A_1152[0] : f32 from vector<1xf32>
        %slice3A_1154 = vector.extract_strided_slice %get3A_186 {offsets = [1], sizes = [1], strides = [1]} : vector<16xf32> to vector<1xf32>
        %squeeze3A_1155 = vector.extract %slice3A_1154[0] : f32 from vector<1xf32>
        %slice3A_1156 = vector.extract_strided_slice %get3A_200 {offsets = [1], sizes = [1], strides = [1]} : vector<16xf32> to vector<1xf32>
        %squeeze3A_1157 = vector.extract %slice3A_1156[0] : f32 from vector<1xf32>
        %slice3A_1158 = vector.extract_strided_slice %get3A_214 {offsets = [1], sizes = [1], strides = [1]} : vector<16xf32> to vector<1xf32>
        %squeeze3A_1159 = vector.extract %slice3A_1158[0] : f32 from vector<1xf32>
        %shift_right_arithmetic3A_1160 = arith.constant 3 : i32
        %shift_right_arithmetic3A_1161 = vector.broadcast %shift_right_arithmetic3A_1160 : i32 to vector<16xi32>
        %shift_right_arithmetic3A_1162 = arith.shrsi %or3A_1084, %shift_right_arithmetic3A_1161 : vector<16xi32>
        %and3A_1163 = arith.constant 7 : i32
        %and3A_1164 = vector.broadcast %and3A_1163 : i32 to vector<16xi32>
        %and3A_1165 = arith.andi %shift_right_arithmetic3A_1162, %and3A_1164 : vector<16xi32>
        %add3A_1166 = arith.addi %add3A_157, %and3A_1165 : vector<16xi32>
        %gather3A_1167 = tpu.vector_load_idx %arg8[%add3A_1166] : memref<32768xf32, #tpu.memory_space<vmem>>[vector<16xi32>], vector<16xf32>,
        %mul3A_1168 = vector.broadcast %squeeze3A_1153 : f32 to vector<16xf32>
        %mul3A_1169 = arith.mulf %gather3A_1167, %mul3A_1168 : vector<16xf32>
        %add3A_1170 = arith.addf %add3A_1122, %mul3A_1169 : vector<16xf32>
        %mul3A_1171 = vector.broadcast %squeeze3A_1155 : f32 to vector<16xf32>
        %mul3A_1172 = arith.mulf %gather3A_1167, %mul3A_1171 : vector<16xf32>
        %add3A_1173 = arith.addf %add3A_1125, %mul3A_1172 : vector<16xf32>
        %mul3A_1174 = vector.broadcast %squeeze3A_1157 : f32 to vector<16xf32>
        %mul3A_1175 = arith.mulf %gather3A_1167, %mul3A_1174 : vector<16xf32>
        %add3A_1176 = arith.addf %add3A_1128, %mul3A_1175 : vector<16xf32>
        %mul3A_1177 = vector.broadcast %squeeze3A_1159 : f32 to vector<16xf32>
        %mul3A_1178 = arith.mulf %gather3A_1167, %mul3A_1177 : vector<16xf32>
        %add3A_1179 = arith.addf %add3A_1131, %mul3A_1178 : vector<16xf32>
        %shift_right_arithmetic3A_1180 = arith.constant 3 : i32
        %shift_right_arithmetic3A_1181 = vector.broadcast %shift_right_arithmetic3A_1180 : i32 to vector<16xi32>
        %shift_right_arithmetic3A_1182 = arith.shrsi %or3A_1103, %shift_right_arithmetic3A_1181 : vector<16xi32>
        %and3A_1183 = arith.constant 7 : i32
        %and3A_1184 = vector.broadcast %and3A_1183 : i32 to vector<16xi32>
        %and3A_1185 = arith.andi %shift_right_arithmetic3A_1182, %and3A_1184 : vector<16xi32>
        %add3A_1186 = arith.addi %add3A_159, %and3A_1185 : vector<16xi32>
        %gather3A_1187 = tpu.vector_load_idx %arg8[%add3A_1186] : memref<32768xf32, #tpu.memory_space<vmem>>[vector<16xi32>], vector<16xf32>,
        %mul3A_1188 = vector.broadcast %squeeze3A_1153 : f32 to vector<16xf32>
        %mul3A_1189 = arith.mulf %gather3A_1187, %mul3A_1188 : vector<16xf32>
        %add3A_1190 = arith.addf %add3A_1142, %mul3A_1189 : vector<16xf32>
        %mul3A_1191 = vector.broadcast %squeeze3A_1155 : f32 to vector<16xf32>
        %mul3A_1192 = arith.mulf %gather3A_1187, %mul3A_1191 : vector<16xf32>
        %add3A_1193 = arith.addf %add3A_1145, %mul3A_1192 : vector<16xf32>
        %mul3A_1194 = vector.broadcast %squeeze3A_1157 : f32 to vector<16xf32>
        %mul3A_1195 = arith.mulf %gather3A_1187, %mul3A_1194 : vector<16xf32>
        %add3A_1196 = arith.addf %add3A_1148, %mul3A_1195 : vector<16xf32>
        %mul3A_1197 = vector.broadcast %squeeze3A_1159 : f32 to vector<16xf32>
        %mul3A_1198 = arith.mulf %gather3A_1187, %mul3A_1197 : vector<16xf32>
        %add3A_1199 = arith.addf %add3A_1151, %mul3A_1198 : vector<16xf32>
        %slice3A_1200 = vector.extract_strided_slice %get3A_172 {offsets = [2], sizes = [1], strides = [1]} : vector<16xf32> to vector<1xf32>
        %squeeze3A_1201 = vector.extract %slice3A_1200[0] : f32 from vector<1xf32>
        %slice3A_1202 = vector.extract_strided_slice %get3A_186 {offsets = [2], sizes = [1], strides = [1]} : vector<16xf32> to vector<1xf32>
        %squeeze3A_1203 = vector.extract %slice3A_1202[0] : f32 from vector<1xf32>
        %slice3A_1204 = vector.extract_strided_slice %get3A_200 {offsets = [2], sizes = [1], strides = [1]} : vector<16xf32> to vector<1xf32>
        %squeeze3A_1205 = vector.extract %slice3A_1204[0] : f32 from vector<1xf32>
        %slice3A_1206 = vector.extract_strided_slice %get3A_214 {offsets = [2], sizes = [1], strides = [1]} : vector<16xf32> to vector<1xf32>
        %squeeze3A_1207 = vector.extract %slice3A_1206[0] : f32 from vector<1xf32>
        %shift_right_arithmetic3A_1208 = arith.constant 6 : i32
        %shift_right_arithmetic3A_1209 = vector.broadcast %shift_right_arithmetic3A_1208 : i32 to vector<16xi32>
        %shift_right_arithmetic3A_1210 = arith.shrsi %or3A_1084, %shift_right_arithmetic3A_1209 : vector<16xi32>
        %and3A_1211 = arith.constant 7 : i32
        %and3A_1212 = vector.broadcast %and3A_1211 : i32 to vector<16xi32>
        %and3A_1213 = arith.andi %shift_right_arithmetic3A_1210, %and3A_1212 : vector<16xi32>
        %add3A_1214 = arith.addi %add3A_157, %and3A_1213 : vector<16xi32>
        %gather3A_1215 = tpu.vector_load_idx %arg8[%add3A_1214] : memref<32768xf32, #tpu.memory_space<vmem>>[vector<16xi32>], vector<16xf32>,
        %mul3A_1216 = vector.broadcast %squeeze3A_1201 : f32 to vector<16xf32>
        %mul3A_1217 = arith.mulf %gather3A_1215, %mul3A_1216 : vector<16xf32>
        %add3A_1218 = arith.addf %add3A_1170, %mul3A_1217 : vector<16xf32>
        %mul3A_1219 = vector.broadcast %squeeze3A_1203 : f32 to vector<16xf32>
        %mul3A_1220 = arith.mulf %gather3A_1215, %mul3A_1219 : vector<16xf32>
        %add3A_1221 = arith.addf %add3A_1173, %mul3A_1220 : vector<16xf32>
        %mul3A_1222 = vector.broadcast %squeeze3A_1205 : f32 to vector<16xf32>
        %mul3A_1223 = arith.mulf %gather3A_1215, %mul3A_1222 : vector<16xf32>
        %add3A_1224 = arith.addf %add3A_1176, %mul3A_1223 : vector<16xf32>
        %mul3A_1225 = vector.broadcast %squeeze3A_1207 : f32 to vector<16xf32>
        %mul3A_1226 = arith.mulf %gather3A_1215, %mul3A_1225 : vector<16xf32>
        %add3A_1227 = arith.addf %add3A_1179, %mul3A_1226 : vector<16xf32>
        %shift_right_arithmetic3A_1228 = arith.constant 6 : i32
        %shift_right_arithmetic3A_1229 = vector.broadcast %shift_right_arithmetic3A_1228 : i32 to vector<16xi32>
        %shift_right_arithmetic3A_1230 = arith.shrsi %or3A_1103, %shift_right_arithmetic3A_1229 : vector<16xi32>
        %and3A_1231 = arith.constant 7 : i32
        %and3A_1232 = vector.broadcast %and3A_1231 : i32 to vector<16xi32>
        %and3A_1233 = arith.andi %shift_right_arithmetic3A_1230, %and3A_1232 : vector<16xi32>
        %add3A_1234 = arith.addi %add3A_159, %and3A_1233 : vector<16xi32>
        %gather3A_1235 = tpu.vector_load_idx %arg8[%add3A_1234] : memref<32768xf32, #tpu.memory_space<vmem>>[vector<16xi32>], vector<16xf32>,
        %mul3A_1236 = vector.broadcast %squeeze3A_1201 : f32 to vector<16xf32>
        %mul3A_1237 = arith.mulf %gather3A_1235, %mul3A_1236 : vector<16xf32>
        %add3A_1238 = arith.addf %add3A_1190, %mul3A_1237 : vector<16xf32>
        %mul3A_1239 = vector.broadcast %squeeze3A_1203 : f32 to vector<16xf32>
        %mul3A_1240 = arith.mulf %gather3A_1235, %mul3A_1239 : vector<16xf32>
        %add3A_1241 = arith.addf %add3A_1193, %mul3A_1240 : vector<16xf32>
        %mul3A_1242 = vector.broadcast %squeeze3A_1205 : f32 to vector<16xf32>
        %mul3A_1243 = arith.mulf %gather3A_1235, %mul3A_1242 : vector<16xf32>
        %add3A_1244 = arith.addf %add3A_1196, %mul3A_1243 : vector<16xf32>
        %mul3A_1245 = vector.broadcast %squeeze3A_1207 : f32 to vector<16xf32>
        %mul3A_1246 = arith.mulf %gather3A_1235, %mul3A_1245 : vector<16xf32>
        %add3A_1247 = arith.addf %add3A_1199, %mul3A_1246 : vector<16xf32>
        %slice3A_1248 = vector.extract_strided_slice %get3A_172 {offsets = [3], sizes = [1], strides = [1]} : vector<16xf32> to vector<1xf32>
        %squeeze3A_1249 = vector.extract %slice3A_1248[0] : f32 from vector<1xf32>
        %slice3A_1250 = vector.extract_strided_slice %get3A_186 {offsets = [3], sizes = [1], strides = [1]} : vector<16xf32> to vector<1xf32>
        %squeeze3A_1251 = vector.extract %slice3A_1250[0] : f32 from vector<1xf32>
        %slice3A_1252 = vector.extract_strided_slice %get3A_200 {offsets = [3], sizes = [1], strides = [1]} : vector<16xf32> to vector<1xf32>
        %squeeze3A_1253 = vector.extract %slice3A_1252[0] : f32 from vector<1xf32>
        %slice3A_1254 = vector.extract_strided_slice %get3A_214 {offsets = [3], sizes = [1], strides = [1]} : vector<16xf32> to vector<1xf32>
        %squeeze3A_1255 = vector.extract %slice3A_1254[0] : f32 from vector<1xf32>
        %shift_right_arithmetic3A_1256 = arith.constant 9 : i32
        %shift_right_arithmetic3A_1257 = vector.broadcast %shift_right_arithmetic3A_1256 : i32 to vector<16xi32>
        %shift_right_arithmetic3A_1258 = arith.shrsi %or3A_1084, %shift_right_arithmetic3A_1257 : vector<16xi32>
        %and3A_1259 = arith.constant 7 : i32
        %and3A_1260 = vector.broadcast %and3A_1259 : i32 to vector<16xi32>
        %and3A_1261 = arith.andi %shift_right_arithmetic3A_1258, %and3A_1260 : vector<16xi32>
        %add3A_1262 = arith.addi %add3A_157, %and3A_1261 : vector<16xi32>
        %gather3A_1263 = tpu.vector_load_idx %arg8[%add3A_1262] : memref<32768xf32, #tpu.memory_space<vmem>>[vector<16xi32>], vector<16xf32>,
        %mul3A_1264 = vector.broadcast %squeeze3A_1249 : f32 to vector<16xf32>
        %mul3A_1265 = arith.mulf %gather3A_1263, %mul3A_1264 : vector<16xf32>
        %add3A_1266 = arith.addf %add3A_1218, %mul3A_1265 : vector<16xf32>
        %mul3A_1267 = vector.broadcast %squeeze3A_1251 : f32 to vector<16xf32>
        %mul3A_1268 = arith.mulf %gather3A_1263, %mul3A_1267 : vector<16xf32>
        %add3A_1269 = arith.addf %add3A_1221, %mul3A_1268 : vector<16xf32>
        %mul3A_1270 = vector.broadcast %squeeze3A_1253 : f32 to vector<16xf32>
        %mul3A_1271 = arith.mulf %gather3A_1263, %mul3A_1270 : vector<16xf32>
        %add3A_1272 = arith.addf %add3A_1224, %mul3A_1271 : vector<16xf32>
        %mul3A_1273 = vector.broadcast %squeeze3A_1255 : f32 to vector<16xf32>
        %mul3A_1274 = arith.mulf %gather3A_1263, %mul3A_1273 : vector<16xf32>
        %add3A_1275 = arith.addf %add3A_1227, %mul3A_1274 : vector<16xf32>
        %shift_right_arithmetic3A_1276 = arith.constant 9 : i32
        %shift_right_arithmetic3A_1277 = vector.broadcast %shift_right_arithmetic3A_1276 : i32 to vector<16xi32>
        %shift_right_arithmetic3A_1278 = arith.shrsi %or3A_1103, %shift_right_arithmetic3A_1277 : vector<16xi32>
        %and3A_1279 = arith.constant 7 : i32
        %and3A_1280 = vector.broadcast %and3A_1279 : i32 to vector<16xi32>
        %and3A_1281 = arith.andi %shift_right_arithmetic3A_1278, %and3A_1280 : vector<16xi32>
        %add3A_1282 = arith.addi %add3A_159, %and3A_1281 : vector<16xi32>
        %gather3A_1283 = tpu.vector_load_idx %arg8[%add3A_1282] : memref<32768xf32, #tpu.memory_space<vmem>>[vector<16xi32>], vector<16xf32>,
        %mul3A_1284 = vector.broadcast %squeeze3A_1249 : f32 to vector<16xf32>
        %mul3A_1285 = arith.mulf %gather3A_1283, %mul3A_1284 : vector<16xf32>
        %add3A_1286 = arith.addf %add3A_1238, %mul3A_1285 : vector<16xf32>
        %mul3A_1287 = vector.broadcast %squeeze3A_1251 : f32 to vector<16xf32>
        %mul3A_1288 = arith.mulf %gather3A_1283, %mul3A_1287 : vector<16xf32>
        %add3A_1289 = arith.addf %add3A_1241, %mul3A_1288 : vector<16xf32>
        %mul3A_1290 = vector.broadcast %squeeze3A_1253 : f32 to vector<16xf32>
        %mul3A_1291 = arith.mulf %gather3A_1283, %mul3A_1290 : vector<16xf32>
        %add3A_1292 = arith.addf %add3A_1244, %mul3A_1291 : vector<16xf32>
        %mul3A_1293 = vector.broadcast %squeeze3A_1255 : f32 to vector<16xf32>
        %mul3A_1294 = arith.mulf %gather3A_1283, %mul3A_1293 : vector<16xf32>
        %add3A_1295 = arith.addf %add3A_1247, %mul3A_1294 : vector<16xf32>
        %slice3A_1296 = vector.extract_strided_slice %get3A_172 {offsets = [4], sizes = [1], strides = [1]} : vector<16xf32> to vector<1xf32>
        %squeeze3A_1297 = vector.extract %slice3A_1296[0] : f32 from vector<1xf32>
        %slice3A_1298 = vector.extract_strided_slice %get3A_186 {offsets = [4], sizes = [1], strides = [1]} : vector<16xf32> to vector<1xf32>
        %squeeze3A_1299 = vector.extract %slice3A_1298[0] : f32 from vector<1xf32>
        %slice3A_1300 = vector.extract_strided_slice %get3A_200 {offsets = [4], sizes = [1], strides = [1]} : vector<16xf32> to vector<1xf32>
        %squeeze3A_1301 = vector.extract %slice3A_1300[0] : f32 from vector<1xf32>
        %slice3A_1302 = vector.extract_strided_slice %get3A_214 {offsets = [4], sizes = [1], strides = [1]} : vector<16xf32> to vector<1xf32>
        %squeeze3A_1303 = vector.extract %slice3A_1302[0] : f32 from vector<1xf32>
        %shift_right_arithmetic3A_1304 = arith.constant 12 : i32
        %shift_right_arithmetic3A_1305 = vector.broadcast %shift_right_arithmetic3A_1304 : i32 to vector<16xi32>
        %shift_right_arithmetic3A_1306 = arith.shrsi %or3A_1084, %shift_right_arithmetic3A_1305 : vector<16xi32>
        %and3A_1307 = arith.constant 7 : i32
        %and3A_1308 = vector.broadcast %and3A_1307 : i32 to vector<16xi32>
        %and3A_1309 = arith.andi %shift_right_arithmetic3A_1306, %and3A_1308 : vector<16xi32>
        %add3A_1310 = arith.addi %add3A_157, %and3A_1309 : vector<16xi32>
        %gather3A_1311 = tpu.vector_load_idx %arg8[%add3A_1310] : memref<32768xf32, #tpu.memory_space<vmem>>[vector<16xi32>], vector<16xf32>,
        %mul3A_1312 = vector.broadcast %squeeze3A_1297 : f32 to vector<16xf32>
        %mul3A_1313 = arith.mulf %gather3A_1311, %mul3A_1312 : vector<16xf32>
        %add3A_1314 = arith.addf %add3A_1266, %mul3A_1313 : vector<16xf32>
        %mul3A_1315 = vector.broadcast %squeeze3A_1299 : f32 to vector<16xf32>
        %mul3A_1316 = arith.mulf %gather3A_1311, %mul3A_1315 : vector<16xf32>
        %add3A_1317 = arith.addf %add3A_1269, %mul3A_1316 : vector<16xf32>
        %mul3A_1318 = vector.broadcast %squeeze3A_1301 : f32 to vector<16xf32>
        %mul3A_1319 = arith.mulf %gather3A_1311, %mul3A_1318 : vector<16xf32>
        %add3A_1320 = arith.addf %add3A_1272, %mul3A_1319 : vector<16xf32>
        %mul3A_1321 = vector.broadcast %squeeze3A_1303 : f32 to vector<16xf32>
        %mul3A_1322 = arith.mulf %gather3A_1311, %mul3A_1321 : vector<16xf32>
        %add3A_1323 = arith.addf %add3A_1275, %mul3A_1322 : vector<16xf32>
        %shift_right_arithmetic3A_1324 = arith.constant 12 : i32
        %shift_right_arithmetic3A_1325 = vector.broadcast %shift_right_arithmetic3A_1324 : i32 to vector<16xi32>
        %shift_right_arithmetic3A_1326 = arith.shrsi %or3A_1103, %shift_right_arithmetic3A_1325 : vector<16xi32>
        %and3A_1327 = arith.constant 7 : i32
        %and3A_1328 = vector.broadcast %and3A_1327 : i32 to vector<16xi32>
        %and3A_1329 = arith.andi %shift_right_arithmetic3A_1326, %and3A_1328 : vector<16xi32>
        %add3A_1330 = arith.addi %add3A_159, %and3A_1329 : vector<16xi32>
        %gather3A_1331 = tpu.vector_load_idx %arg8[%add3A_1330] : memref<32768xf32, #tpu.memory_space<vmem>>[vector<16xi32>], vector<16xf32>,
        %mul3A_1332 = vector.broadcast %squeeze3A_1297 : f32 to vector<16xf32>
        %mul3A_1333 = arith.mulf %gather3A_1331, %mul3A_1332 : vector<16xf32>
        %add3A_1334 = arith.addf %add3A_1286, %mul3A_1333 : vector<16xf32>
        %mul3A_1335 = vector.broadcast %squeeze3A_1299 : f32 to vector<16xf32>
        %mul3A_1336 = arith.mulf %gather3A_1331, %mul3A_1335 : vector<16xf32>
        %add3A_1337 = arith.addf %add3A_1289, %mul3A_1336 : vector<16xf32>
        %mul3A_1338 = vector.broadcast %squeeze3A_1301 : f32 to vector<16xf32>
        %mul3A_1339 = arith.mulf %gather3A_1331, %mul3A_1338 : vector<16xf32>
        %add3A_1340 = arith.addf %add3A_1292, %mul3A_1339 : vector<16xf32>
        %mul3A_1341 = vector.broadcast %squeeze3A_1303 : f32 to vector<16xf32>
        %mul3A_1342 = arith.mulf %gather3A_1331, %mul3A_1341 : vector<16xf32>
        %add3A_1343 = arith.addf %add3A_1295, %mul3A_1342 : vector<16xf32>
        %slice3A_1344 = vector.extract_strided_slice %get3A_172 {offsets = [5], sizes = [1], strides = [1]} : vector<16xf32> to vector<1xf32>
        %squeeze3A_1345 = vector.extract %slice3A_1344[0] : f32 from vector<1xf32>
        %slice3A_1346 = vector.extract_strided_slice %get3A_186 {offsets = [5], sizes = [1], strides = [1]} : vector<16xf32> to vector<1xf32>
        %squeeze3A_1347 = vector.extract %slice3A_1346[0] : f32 from vector<1xf32>
        %slice3A_1348 = vector.extract_strided_slice %get3A_200 {offsets = [5], sizes = [1], strides = [1]} : vector<16xf32> to vector<1xf32>
        %squeeze3A_1349 = vector.extract %slice3A_1348[0] : f32 from vector<1xf32>
        %slice3A_1350 = vector.extract_strided_slice %get3A_214 {offsets = [5], sizes = [1], strides = [1]} : vector<16xf32> to vector<1xf32>
        %squeeze3A_1351 = vector.extract %slice3A_1350[0] : f32 from vector<1xf32>
        %shift_right_arithmetic3A_1352 = arith.constant 15 : i32
        %shift_right_arithmetic3A_1353 = vector.broadcast %shift_right_arithmetic3A_1352 : i32 to vector<16xi32>
        %shift_right_arithmetic3A_1354 = arith.shrsi %or3A_1084, %shift_right_arithmetic3A_1353 : vector<16xi32>
        %and3A_1355 = arith.constant 7 : i32
        %and3A_1356 = vector.broadcast %and3A_1355 : i32 to vector<16xi32>
        %and3A_1357 = arith.andi %shift_right_arithmetic3A_1354, %and3A_1356 : vector<16xi32>
        %add3A_1358 = arith.addi %add3A_157, %and3A_1357 : vector<16xi32>
        %gather3A_1359 = tpu.vector_load_idx %arg8[%add3A_1358] : memref<32768xf32, #tpu.memory_space<vmem>>[vector<16xi32>], vector<16xf32>,
        %mul3A_1360 = vector.broadcast %squeeze3A_1345 : f32 to vector<16xf32>
        %mul3A_1361 = arith.mulf %gather3A_1359, %mul3A_1360 : vector<16xf32>
        %add3A_1362 = arith.addf %add3A_1314, %mul3A_1361 : vector<16xf32>
        %mul3A_1363 = vector.broadcast %squeeze3A_1347 : f32 to vector<16xf32>
        %mul3A_1364 = arith.mulf %gather3A_1359, %mul3A_1363 : vector<16xf32>
        %add3A_1365 = arith.addf %add3A_1317, %mul3A_1364 : vector<16xf32>
        %mul3A_1366 = vector.broadcast %squeeze3A_1349 : f32 to vector<16xf32>
        %mul3A_1367 = arith.mulf %gather3A_1359, %mul3A_1366 : vector<16xf32>
        %add3A_1368 = arith.addf %add3A_1320, %mul3A_1367 : vector<16xf32>
        %mul3A_1369 = vector.broadcast %squeeze3A_1351 : f32 to vector<16xf32>
        %mul3A_1370 = arith.mulf %gather3A_1359, %mul3A_1369 : vector<16xf32>
        %add3A_1371 = arith.addf %add3A_1323, %mul3A_1370 : vector<16xf32>
        %shift_right_arithmetic3A_1372 = arith.constant 15 : i32
        %shift_right_arithmetic3A_1373 = vector.broadcast %shift_right_arithmetic3A_1372 : i32 to vector<16xi32>
        %shift_right_arithmetic3A_1374 = arith.shrsi %or3A_1103, %shift_right_arithmetic3A_1373 : vector<16xi32>
        %and3A_1375 = arith.constant 7 : i32
        %and3A_1376 = vector.broadcast %and3A_1375 : i32 to vector<16xi32>
        %and3A_1377 = arith.andi %shift_right_arithmetic3A_1374, %and3A_1376 : vector<16xi32>
        %add3A_1378 = arith.addi %add3A_159, %and3A_1377 : vector<16xi32>
        %gather3A_1379 = tpu.vector_load_idx %arg8[%add3A_1378] : memref<32768xf32, #tpu.memory_space<vmem>>[vector<16xi32>], vector<16xf32>,
        %mul3A_1380 = vector.broadcast %squeeze3A_1345 : f32 to vector<16xf32>
        %mul3A_1381 = arith.mulf %gather3A_1379, %mul3A_1380 : vector<16xf32>
        %add3A_1382 = arith.addf %add3A_1334, %mul3A_1381 : vector<16xf32>
        %mul3A_1383 = vector.broadcast %squeeze3A_1347 : f32 to vector<16xf32>
        %mul3A_1384 = arith.mulf %gather3A_1379, %mul3A_1383 : vector<16xf32>
        %add3A_1385 = arith.addf %add3A_1337, %mul3A_1384 : vector<16xf32>
        %mul3A_1386 = vector.broadcast %squeeze3A_1349 : f32 to vector<16xf32>
        %mul3A_1387 = arith.mulf %gather3A_1379, %mul3A_1386 : vector<16xf32>
        %add3A_1388 = arith.addf %add3A_1340, %mul3A_1387 : vector<16xf32>
        %mul3A_1389 = vector.broadcast %squeeze3A_1351 : f32 to vector<16xf32>
        %mul3A_1390 = arith.mulf %gather3A_1379, %mul3A_1389 : vector<16xf32>
        %add3A_1391 = arith.addf %add3A_1343, %mul3A_1390 : vector<16xf32>
        %slice3A_1392 = vector.extract_strided_slice %get3A_172 {offsets = [6], sizes = [1], strides = [1]} : vector<16xf32> to vector<1xf32>
        %squeeze3A_1393 = vector.extract %slice3A_1392[0] : f32 from vector<1xf32>
        %slice3A_1394 = vector.extract_strided_slice %get3A_186 {offsets = [6], sizes = [1], strides = [1]} : vector<16xf32> to vector<1xf32>
        %squeeze3A_1395 = vector.extract %slice3A_1394[0] : f32 from vector<1xf32>
        %slice3A_1396 = vector.extract_strided_slice %get3A_200 {offsets = [6], sizes = [1], strides = [1]} : vector<16xf32> to vector<1xf32>
        %squeeze3A_1397 = vector.extract %slice3A_1396[0] : f32 from vector<1xf32>
        %slice3A_1398 = vector.extract_strided_slice %get3A_214 {offsets = [6], sizes = [1], strides = [1]} : vector<16xf32> to vector<1xf32>
        %squeeze3A_1399 = vector.extract %slice3A_1398[0] : f32 from vector<1xf32>
        %shift_right_arithmetic3A_1400 = arith.constant 18 : i32
        %shift_right_arithmetic3A_1401 = vector.broadcast %shift_right_arithmetic3A_1400 : i32 to vector<16xi32>
        %shift_right_arithmetic3A_1402 = arith.shrsi %or3A_1084, %shift_right_arithmetic3A_1401 : vector<16xi32>
        %and3A_1403 = arith.constant 7 : i32
        %and3A_1404 = vector.broadcast %and3A_1403 : i32 to vector<16xi32>
        %and3A_1405 = arith.andi %shift_right_arithmetic3A_1402, %and3A_1404 : vector<16xi32>
        %add3A_1406 = arith.addi %add3A_157, %and3A_1405 : vector<16xi32>
        %gather3A_1407 = tpu.vector_load_idx %arg8[%add3A_1406] : memref<32768xf32, #tpu.memory_space<vmem>>[vector<16xi32>], vector<16xf32>,
        %mul3A_1408 = vector.broadcast %squeeze3A_1393 : f32 to vector<16xf32>
        %mul3A_1409 = arith.mulf %gather3A_1407, %mul3A_1408 : vector<16xf32>
        %add3A_1410 = arith.addf %add3A_1362, %mul3A_1409 : vector<16xf32>
        %mul3A_1411 = vector.broadcast %squeeze3A_1395 : f32 to vector<16xf32>
        %mul3A_1412 = arith.mulf %gather3A_1407, %mul3A_1411 : vector<16xf32>
        %add3A_1413 = arith.addf %add3A_1365, %mul3A_1412 : vector<16xf32>
        %mul3A_1414 = vector.broadcast %squeeze3A_1397 : f32 to vector<16xf32>
        %mul3A_1415 = arith.mulf %gather3A_1407, %mul3A_1414 : vector<16xf32>
        %add3A_1416 = arith.addf %add3A_1368, %mul3A_1415 : vector<16xf32>
        %mul3A_1417 = vector.broadcast %squeeze3A_1399 : f32 to vector<16xf32>
        %mul3A_1418 = arith.mulf %gather3A_1407, %mul3A_1417 : vector<16xf32>
        %add3A_1419 = arith.addf %add3A_1371, %mul3A_1418 : vector<16xf32>
        %shift_right_arithmetic3A_1420 = arith.constant 18 : i32
        %shift_right_arithmetic3A_1421 = vector.broadcast %shift_right_arithmetic3A_1420 : i32 to vector<16xi32>
        %shift_right_arithmetic3A_1422 = arith.shrsi %or3A_1103, %shift_right_arithmetic3A_1421 : vector<16xi32>
        %and3A_1423 = arith.constant 7 : i32
        %and3A_1424 = vector.broadcast %and3A_1423 : i32 to vector<16xi32>
        %and3A_1425 = arith.andi %shift_right_arithmetic3A_1422, %and3A_1424 : vector<16xi32>
        %add3A_1426 = arith.addi %add3A_159, %and3A_1425 : vector<16xi32>
        %gather3A_1427 = tpu.vector_load_idx %arg8[%add3A_1426] : memref<32768xf32, #tpu.memory_space<vmem>>[vector<16xi32>], vector<16xf32>,
        %mul3A_1428 = vector.broadcast %squeeze3A_1393 : f32 to vector<16xf32>
        %mul3A_1429 = arith.mulf %gather3A_1427, %mul3A_1428 : vector<16xf32>
        %add3A_1430 = arith.addf %add3A_1382, %mul3A_1429 : vector<16xf32>
        %mul3A_1431 = vector.broadcast %squeeze3A_1395 : f32 to vector<16xf32>
        %mul3A_1432 = arith.mulf %gather3A_1427, %mul3A_1431 : vector<16xf32>
        %add3A_1433 = arith.addf %add3A_1385, %mul3A_1432 : vector<16xf32>
        %mul3A_1434 = vector.broadcast %squeeze3A_1397 : f32 to vector<16xf32>
        %mul3A_1435 = arith.mulf %gather3A_1427, %mul3A_1434 : vector<16xf32>
        %add3A_1436 = arith.addf %add3A_1388, %mul3A_1435 : vector<16xf32>
        %mul3A_1437 = vector.broadcast %squeeze3A_1399 : f32 to vector<16xf32>
        %mul3A_1438 = arith.mulf %gather3A_1427, %mul3A_1437 : vector<16xf32>
        %add3A_1439 = arith.addf %add3A_1391, %mul3A_1438 : vector<16xf32>
        %slice3A_1440 = vector.extract_strided_slice %get3A_172 {offsets = [7], sizes = [1], strides = [1]} : vector<16xf32> to vector<1xf32>
        %squeeze3A_1441 = vector.extract %slice3A_1440[0] : f32 from vector<1xf32>
        %slice3A_1442 = vector.extract_strided_slice %get3A_186 {offsets = [7], sizes = [1], strides = [1]} : vector<16xf32> to vector<1xf32>
        %squeeze3A_1443 = vector.extract %slice3A_1442[0] : f32 from vector<1xf32>
        %slice3A_1444 = vector.extract_strided_slice %get3A_200 {offsets = [7], sizes = [1], strides = [1]} : vector<16xf32> to vector<1xf32>
        %squeeze3A_1445 = vector.extract %slice3A_1444[0] : f32 from vector<1xf32>
        %slice3A_1446 = vector.extract_strided_slice %get3A_214 {offsets = [7], sizes = [1], strides = [1]} : vector<16xf32> to vector<1xf32>
        %squeeze3A_1447 = vector.extract %slice3A_1446[0] : f32 from vector<1xf32>
        %shift_right_arithmetic3A_1448 = arith.constant 21 : i32
        %shift_right_arithmetic3A_1449 = vector.broadcast %shift_right_arithmetic3A_1448 : i32 to vector<16xi32>
        %shift_right_arithmetic3A_1450 = arith.shrsi %or3A_1084, %shift_right_arithmetic3A_1449 : vector<16xi32>
        %and3A_1451 = arith.constant 7 : i32
        %and3A_1452 = vector.broadcast %and3A_1451 : i32 to vector<16xi32>
        %and3A_1453 = arith.andi %shift_right_arithmetic3A_1450, %and3A_1452 : vector<16xi32>
        %add3A_1454 = arith.addi %add3A_157, %and3A_1453 : vector<16xi32>
        %gather3A_1455 = tpu.vector_load_idx %arg8[%add3A_1454] : memref<32768xf32, #tpu.memory_space<vmem>>[vector<16xi32>], vector<16xf32>,
        %mul3A_1456 = vector.broadcast %squeeze3A_1441 : f32 to vector<16xf32>
        %mul3A_1457 = arith.mulf %gather3A_1455, %mul3A_1456 : vector<16xf32>
        %add3A_1458 = arith.addf %add3A_1410, %mul3A_1457 : vector<16xf32>
        %mul3A_1459 = vector.broadcast %squeeze3A_1443 : f32 to vector<16xf32>
        %mul3A_1460 = arith.mulf %gather3A_1455, %mul3A_1459 : vector<16xf32>
        %add3A_1461 = arith.addf %add3A_1413, %mul3A_1460 : vector<16xf32>
        %mul3A_1462 = vector.broadcast %squeeze3A_1445 : f32 to vector<16xf32>
        %mul3A_1463 = arith.mulf %gather3A_1455, %mul3A_1462 : vector<16xf32>
        %add3A_1464 = arith.addf %add3A_1416, %mul3A_1463 : vector<16xf32>
        %mul3A_1465 = vector.broadcast %squeeze3A_1447 : f32 to vector<16xf32>
        %mul3A_1466 = arith.mulf %gather3A_1455, %mul3A_1465 : vector<16xf32>
        %add3A_1467 = arith.addf %add3A_1419, %mul3A_1466 : vector<16xf32>
        %shift_right_arithmetic3A_1468 = arith.constant 21 : i32
        %shift_right_arithmetic3A_1469 = vector.broadcast %shift_right_arithmetic3A_1468 : i32 to vector<16xi32>
        %shift_right_arithmetic3A_1470 = arith.shrsi %or3A_1103, %shift_right_arithmetic3A_1469 : vector<16xi32>
        %and3A_1471 = arith.constant 7 : i32
        %and3A_1472 = vector.broadcast %and3A_1471 : i32 to vector<16xi32>
        %and3A_1473 = arith.andi %shift_right_arithmetic3A_1470, %and3A_1472 : vector<16xi32>
        %add3A_1474 = arith.addi %add3A_159, %and3A_1473 : vector<16xi32>
        %gather3A_1475 = tpu.vector_load_idx %arg8[%add3A_1474] : memref<32768xf32, #tpu.memory_space<vmem>>[vector<16xi32>], vector<16xf32>,
        %mul3A_1476 = vector.broadcast %squeeze3A_1441 : f32 to vector<16xf32>
        %mul3A_1477 = arith.mulf %gather3A_1475, %mul3A_1476 : vector<16xf32>
        %add3A_1478 = arith.addf %add3A_1430, %mul3A_1477 : vector<16xf32>
        %mul3A_1479 = vector.broadcast %squeeze3A_1443 : f32 to vector<16xf32>
        %mul3A_1480 = arith.mulf %gather3A_1475, %mul3A_1479 : vector<16xf32>
        %add3A_1481 = arith.addf %add3A_1433, %mul3A_1480 : vector<16xf32>
        %mul3A_1482 = vector.broadcast %squeeze3A_1445 : f32 to vector<16xf32>
        %mul3A_1483 = arith.mulf %gather3A_1475, %mul3A_1482 : vector<16xf32>
        %add3A_1484 = arith.addf %add3A_1436, %mul3A_1483 : vector<16xf32>
        %mul3A_1485 = vector.broadcast %squeeze3A_1447 : f32 to vector<16xf32>
        %mul3A_1486 = arith.mulf %gather3A_1475, %mul3A_1485 : vector<16xf32>
        %add3A_1487 = arith.addf %add3A_1439, %mul3A_1486 : vector<16xf32>
        %mul3A_1488 = arith.constant 12 : i32
        %mul3A_1489 = arith.muli %scan3A_145, %mul3A_1488 : i32
        %add3A_1490 = arith.constant 9 : i32
        %add3A_1491 = arith.addi %mul3A_1489, %add3A_1490 : i32
        %add3A_1492 = vector.broadcast %add3A_1491 : i32 to vector<16xi32>
        %add3A_1493 = arith.addi %add3A_33, %add3A_1492 : vector<16xi32>
        %gather3A_1494 = tpu.vector_load_idx %arg7[%add3A_1493] : memref<49152xi32, #tpu.memory_space<vmem>>[vector<16xi32>], vector<16xi32>,
        %add3A_1495 = arith.constant 1 : i32
        %add3A_1496 = vector.broadcast %add3A_1495 : i32 to vector<16xi32>
        %add3A_1497 = arith.addi %add3A_1493, %add3A_1496 : vector<16xi32>
        %gather3A_1498 = tpu.vector_load_idx %arg7[%add3A_1497] : memref<49152xi32, #tpu.memory_space<vmem>>[vector<16xi32>], vector<16xi32>,
        %add3A_1499 = arith.constant 2 : i32
        %add3A_1500 = vector.broadcast %add3A_1499 : i32 to vector<16xi32>
        %add3A_1501 = arith.addi %add3A_1493, %add3A_1500 : vector<16xi32>
        %gather3A_1502 = tpu.vector_load_idx %arg7[%add3A_1501] : memref<49152xi32, #tpu.memory_space<vmem>>[vector<16xi32>], vector<16xi32>,
        %shift_left3A_1503 = arith.constant 8 : i32
        %shift_left3A_1504 = vector.broadcast %shift_left3A_1503 : i32 to vector<16xi32>
        %shift_left3A_1505 = arith.shli %gather3A_1498, %shift_left3A_1504 : vector<16xi32>
        %or3A_1506 = arith.ori %gather3A_1494, %shift_left3A_1505 : vector<16xi32>
        %shift_left3A_1507 = arith.constant 16 : i32
        %shift_left3A_1508 = vector.broadcast %shift_left3A_1507 : i32 to vector<16xi32>
        %shift_left3A_1509 = arith.shli %gather3A_1502, %shift_left3A_1508 : vector<16xi32>
        %or3A_1510 = arith.ori %or3A_1506, %shift_left3A_1509 : vector<16xi32>
        %add3A_1511 = vector.broadcast %add3A_1491 : i32 to vector<16xi32>
        %add3A_1512 = arith.addi %add3A_39, %add3A_1511 : vector<16xi32>
        %gather3A_1513 = tpu.vector_load_idx %arg7[%add3A_1512] : memref<49152xi32, #tpu.memory_space<vmem>>[vector<16xi32>], vector<16xi32>,
        %add3A_1514 = arith.constant 1 : i32
        %add3A_1515 = vector.broadcast %add3A_1514 : i32 to vector<16xi32>
        %add3A_1516 = arith.addi %add3A_1512, %add3A_1515 : vector<16xi32>
        %gather3A_1517 = tpu.vector_load_idx %arg7[%add3A_1516] : memref<49152xi32, #tpu.memory_space<vmem>>[vector<16xi32>], vector<16xi32>,
        %add3A_1518 = arith.constant 2 : i32
        %add3A_1519 = vector.broadcast %add3A_1518 : i32 to vector<16xi32>
        %add3A_1520 = arith.addi %add3A_1512, %add3A_1519 : vector<16xi32>
        %gather3A_1521 = tpu.vector_load_idx %arg7[%add3A_1520] : memref<49152xi32, #tpu.memory_space<vmem>>[vector<16xi32>], vector<16xi32>,
        %shift_left3A_1522 = arith.constant 8 : i32
        %shift_left3A_1523 = vector.broadcast %shift_left3A_1522 : i32 to vector<16xi32>
        %shift_left3A_1524 = arith.shli %gather3A_1517, %shift_left3A_1523 : vector<16xi32>
        %or3A_1525 = arith.ori %gather3A_1513, %shift_left3A_1524 : vector<16xi32>
        %shift_left3A_1526 = arith.constant 16 : i32
        %shift_left3A_1527 = vector.broadcast %shift_left3A_1526 : i32 to vector<16xi32>
        %shift_left3A_1528 = arith.shli %gather3A_1521, %shift_left3A_1527 : vector<16xi32>
        %or3A_1529 = arith.ori %or3A_1525, %shift_left3A_1528 : vector<16xi32>
        %slice3A_1530 = vector.extract_strided_slice %get3A_172 {offsets = [8], sizes = [1], strides = [1]} : vector<16xf32> to vector<1xf32>
        %squeeze3A_1531 = vector.extract %slice3A_1530[0] : f32 from vector<1xf32>
        %slice3A_1532 = vector.extract_strided_slice %get3A_186 {offsets = [8], sizes = [1], strides = [1]} : vector<16xf32> to vector<1xf32>
        %squeeze3A_1533 = vector.extract %slice3A_1532[0] : f32 from vector<1xf32>
        %slice3A_1534 = vector.extract_strided_slice %get3A_200 {offsets = [8], sizes = [1], strides = [1]} : vector<16xf32> to vector<1xf32>
        %squeeze3A_1535 = vector.extract %slice3A_1534[0] : f32 from vector<1xf32>
        %slice3A_1536 = vector.extract_strided_slice %get3A_214 {offsets = [8], sizes = [1], strides = [1]} : vector<16xf32> to vector<1xf32>
        %squeeze3A_1537 = vector.extract %slice3A_1536[0] : f32 from vector<1xf32>
        %shift_right_arithmetic3A_1538 = arith.constant 0 : i32
        %shift_right_arithmetic3A_1539 = vector.broadcast %shift_right_arithmetic3A_1538 : i32 to vector<16xi32>
        %shift_right_arithmetic3A_1540 = arith.shrsi %or3A_1510, %shift_right_arithmetic3A_1539 : vector<16xi32>
        %and3A_1541 = arith.constant 7 : i32
        %and3A_1542 = vector.broadcast %and3A_1541 : i32 to vector<16xi32>
        %and3A_1543 = arith.andi %shift_right_arithmetic3A_1540, %and3A_1542 : vector<16xi32>
        %add3A_1544 = arith.addi %add3A_157, %and3A_1543 : vector<16xi32>
        %gather3A_1545 = tpu.vector_load_idx %arg8[%add3A_1544] : memref<32768xf32, #tpu.memory_space<vmem>>[vector<16xi32>], vector<16xf32>,
        %mul3A_1546 = vector.broadcast %squeeze3A_1531 : f32 to vector<16xf32>
        %mul3A_1547 = arith.mulf %gather3A_1545, %mul3A_1546 : vector<16xf32>
        %add3A_1548 = arith.addf %add3A_1458, %mul3A_1547 : vector<16xf32>
        %mul3A_1549 = vector.broadcast %squeeze3A_1533 : f32 to vector<16xf32>
        %mul3A_1550 = arith.mulf %gather3A_1545, %mul3A_1549 : vector<16xf32>
        %add3A_1551 = arith.addf %add3A_1461, %mul3A_1550 : vector<16xf32>
        %mul3A_1552 = vector.broadcast %squeeze3A_1535 : f32 to vector<16xf32>
        %mul3A_1553 = arith.mulf %gather3A_1545, %mul3A_1552 : vector<16xf32>
        %add3A_1554 = arith.addf %add3A_1464, %mul3A_1553 : vector<16xf32>
        %mul3A_1555 = vector.broadcast %squeeze3A_1537 : f32 to vector<16xf32>
        %mul3A_1556 = arith.mulf %gather3A_1545, %mul3A_1555 : vector<16xf32>
        %add3A_1557 = arith.addf %add3A_1467, %mul3A_1556 : vector<16xf32>
        %shift_right_arithmetic3A_1558 = arith.constant 0 : i32
        %shift_right_arithmetic3A_1559 = vector.broadcast %shift_right_arithmetic3A_1558 : i32 to vector<16xi32>
        %shift_right_arithmetic3A_1560 = arith.shrsi %or3A_1529, %shift_right_arithmetic3A_1559 : vector<16xi32>
        %and3A_1561 = arith.constant 7 : i32
        %and3A_1562 = vector.broadcast %and3A_1561 : i32 to vector<16xi32>
        %and3A_1563 = arith.andi %shift_right_arithmetic3A_1560, %and3A_1562 : vector<16xi32>
        %add3A_1564 = arith.addi %add3A_159, %and3A_1563 : vector<16xi32>
        %gather3A_1565 = tpu.vector_load_idx %arg8[%add3A_1564] : memref<32768xf32, #tpu.memory_space<vmem>>[vector<16xi32>], vector<16xf32>,
        %mul3A_1566 = vector.broadcast %squeeze3A_1531 : f32 to vector<16xf32>
        %mul3A_1567 = arith.mulf %gather3A_1565, %mul3A_1566 : vector<16xf32>
        %add3A_1568 = arith.addf %add3A_1478, %mul3A_1567 : vector<16xf32>
        %mul3A_1569 = vector.broadcast %squeeze3A_1533 : f32 to vector<16xf32>
        %mul3A_1570 = arith.mulf %gather3A_1565, %mul3A_1569 : vector<16xf32>
        %add3A_1571 = arith.addf %add3A_1481, %mul3A_1570 : vector<16xf32>
        %mul3A_1572 = vector.broadcast %squeeze3A_1535 : f32 to vector<16xf32>
        %mul3A_1573 = arith.mulf %gather3A_1565, %mul3A_1572 : vector<16xf32>
        %add3A_1574 = arith.addf %add3A_1484, %mul3A_1573 : vector<16xf32>
        %mul3A_1575 = vector.broadcast %squeeze3A_1537 : f32 to vector<16xf32>
        %mul3A_1576 = arith.mulf %gather3A_1565, %mul3A_1575 : vector<16xf32>
        %add3A_1577 = arith.addf %add3A_1487, %mul3A_1576 : vector<16xf32>
        %slice3A_1578 = vector.extract_strided_slice %get3A_172 {offsets = [9], sizes = [1], strides = [1]} : vector<16xf32> to vector<1xf32>
        %squeeze3A_1579 = vector.extract %slice3A_1578[0] : f32 from vector<1xf32>
        %slice3A_1580 = vector.extract_strided_slice %get3A_186 {offsets = [9], sizes = [1], strides = [1]} : vector<16xf32> to vector<1xf32>
        %squeeze3A_1581 = vector.extract %slice3A_1580[0] : f32 from vector<1xf32>
        %slice3A_1582 = vector.extract_strided_slice %get3A_200 {offsets = [9], sizes = [1], strides = [1]} : vector<16xf32> to vector<1xf32>
        %squeeze3A_1583 = vector.extract %slice3A_1582[0] : f32 from vector<1xf32>
        %slice3A_1584 = vector.extract_strided_slice %get3A_214 {offsets = [9], sizes = [1], strides = [1]} : vector<16xf32> to vector<1xf32>
        %squeeze3A_1585 = vector.extract %slice3A_1584[0] : f32 from vector<1xf32>
        %shift_right_arithmetic3A_1586 = arith.constant 3 : i32
        %shift_right_arithmetic3A_1587 = vector.broadcast %shift_right_arithmetic3A_1586 : i32 to vector<16xi32>
        %shift_right_arithmetic3A_1588 = arith.shrsi %or3A_1510, %shift_right_arithmetic3A_1587 : vector<16xi32>
        %and3A_1589 = arith.constant 7 : i32
        %and3A_1590 = vector.broadcast %and3A_1589 : i32 to vector<16xi32>
        %and3A_1591 = arith.andi %shift_right_arithmetic3A_1588, %and3A_1590 : vector<16xi32>
        %add3A_1592 = arith.addi %add3A_157, %and3A_1591 : vector<16xi32>
        %gather3A_1593 = tpu.vector_load_idx %arg8[%add3A_1592] : memref<32768xf32, #tpu.memory_space<vmem>>[vector<16xi32>], vector<16xf32>,
        %mul3A_1594 = vector.broadcast %squeeze3A_1579 : f32 to vector<16xf32>
        %mul3A_1595 = arith.mulf %gather3A_1593, %mul3A_1594 : vector<16xf32>
        %add3A_1596 = arith.addf %add3A_1548, %mul3A_1595 : vector<16xf32>
        %mul3A_1597 = vector.broadcast %squeeze3A_1581 : f32 to vector<16xf32>
        %mul3A_1598 = arith.mulf %gather3A_1593, %mul3A_1597 : vector<16xf32>
        %add3A_1599 = arith.addf %add3A_1551, %mul3A_1598 : vector<16xf32>
        %mul3A_1600 = vector.broadcast %squeeze3A_1583 : f32 to vector<16xf32>
        %mul3A_1601 = arith.mulf %gather3A_1593, %mul3A_1600 : vector<16xf32>
        %add3A_1602 = arith.addf %add3A_1554, %mul3A_1601 : vector<16xf32>
        %mul3A_1603 = vector.broadcast %squeeze3A_1585 : f32 to vector<16xf32>
        %mul3A_1604 = arith.mulf %gather3A_1593, %mul3A_1603 : vector<16xf32>
        %add3A_1605 = arith.addf %add3A_1557, %mul3A_1604 : vector<16xf32>
        %shift_right_arithmetic3A_1606 = arith.constant 3 : i32
        %shift_right_arithmetic3A_1607 = vector.broadcast %shift_right_arithmetic3A_1606 : i32 to vector<16xi32>
        %shift_right_arithmetic3A_1608 = arith.shrsi %or3A_1529, %shift_right_arithmetic3A_1607 : vector<16xi32>
        %and3A_1609 = arith.constant 7 : i32
        %and3A_1610 = vector.broadcast %and3A_1609 : i32 to vector<16xi32>
        %and3A_1611 = arith.andi %shift_right_arithmetic3A_1608, %and3A_1610 : vector<16xi32>
        %add3A_1612 = arith.addi %add3A_159, %and3A_1611 : vector<16xi32>
        %gather3A_1613 = tpu.vector_load_idx %arg8[%add3A_1612] : memref<32768xf32, #tpu.memory_space<vmem>>[vector<16xi32>], vector<16xf32>,
        %mul3A_1614 = vector.broadcast %squeeze3A_1579 : f32 to vector<16xf32>
        %mul3A_1615 = arith.mulf %gather3A_1613, %mul3A_1614 : vector<16xf32>
        %add3A_1616 = arith.addf %add3A_1568, %mul3A_1615 : vector<16xf32>
        %mul3A_1617 = vector.broadcast %squeeze3A_1581 : f32 to vector<16xf32>
        %mul3A_1618 = arith.mulf %gather3A_1613, %mul3A_1617 : vector<16xf32>
        %add3A_1619 = arith.addf %add3A_1571, %mul3A_1618 : vector<16xf32>
        %mul3A_1620 = vector.broadcast %squeeze3A_1583 : f32 to vector<16xf32>
        %mul3A_1621 = arith.mulf %gather3A_1613, %mul3A_1620 : vector<16xf32>
        %add3A_1622 = arith.addf %add3A_1574, %mul3A_1621 : vector<16xf32>
        %mul3A_1623 = vector.broadcast %squeeze3A_1585 : f32 to vector<16xf32>
        %mul3A_1624 = arith.mulf %gather3A_1613, %mul3A_1623 : vector<16xf32>
        %add3A_1625 = arith.addf %add3A_1577, %mul3A_1624 : vector<16xf32>
        %slice3A_1626 = vector.extract_strided_slice %get3A_172 {offsets = [10], sizes = [1], strides = [1]} : vector<16xf32> to vector<1xf32>
        %squeeze3A_1627 = vector.extract %slice3A_1626[0] : f32 from vector<1xf32>
        %slice3A_1628 = vector.extract_strided_slice %get3A_186 {offsets = [10], sizes = [1], strides = [1]} : vector<16xf32> to vector<1xf32>
        %squeeze3A_1629 = vector.extract %slice3A_1628[0] : f32 from vector<1xf32>
        %slice3A_1630 = vector.extract_strided_slice %get3A_200 {offsets = [10], sizes = [1], strides = [1]} : vector<16xf32> to vector<1xf32>
        %squeeze3A_1631 = vector.extract %slice3A_1630[0] : f32 from vector<1xf32>
        %slice3A_1632 = vector.extract_strided_slice %get3A_214 {offsets = [10], sizes = [1], strides = [1]} : vector<16xf32> to vector<1xf32>
        %squeeze3A_1633 = vector.extract %slice3A_1632[0] : f32 from vector<1xf32>
        %shift_right_arithmetic3A_1634 = arith.constant 6 : i32
        %shift_right_arithmetic3A_1635 = vector.broadcast %shift_right_arithmetic3A_1634 : i32 to vector<16xi32>
        %shift_right_arithmetic3A_1636 = arith.shrsi %or3A_1510, %shift_right_arithmetic3A_1635 : vector<16xi32>
        %and3A_1637 = arith.constant 7 : i32
        %and3A_1638 = vector.broadcast %and3A_1637 : i32 to vector<16xi32>
        %and3A_1639 = arith.andi %shift_right_arithmetic3A_1636, %and3A_1638 : vector<16xi32>
        %add3A_1640 = arith.addi %add3A_157, %and3A_1639 : vector<16xi32>
        %gather3A_1641 = tpu.vector_load_idx %arg8[%add3A_1640] : memref<32768xf32, #tpu.memory_space<vmem>>[vector<16xi32>], vector<16xf32>,
        %mul3A_1642 = vector.broadcast %squeeze3A_1627 : f32 to vector<16xf32>
        %mul3A_1643 = arith.mulf %gather3A_1641, %mul3A_1642 : vector<16xf32>
        %add3A_1644 = arith.addf %add3A_1596, %mul3A_1643 : vector<16xf32>
        %mul3A_1645 = vector.broadcast %squeeze3A_1629 : f32 to vector<16xf32>
        %mul3A_1646 = arith.mulf %gather3A_1641, %mul3A_1645 : vector<16xf32>
        %add3A_1647 = arith.addf %add3A_1599, %mul3A_1646 : vector<16xf32>
        %mul3A_1648 = vector.broadcast %squeeze3A_1631 : f32 to vector<16xf32>
        %mul3A_1649 = arith.mulf %gather3A_1641, %mul3A_1648 : vector<16xf32>
        %add3A_1650 = arith.addf %add3A_1602, %mul3A_1649 : vector<16xf32>
        %mul3A_1651 = vector.broadcast %squeeze3A_1633 : f32 to vector<16xf32>
        %mul3A_1652 = arith.mulf %gather3A_1641, %mul3A_1651 : vector<16xf32>
        %add3A_1653 = arith.addf %add3A_1605, %mul3A_1652 : vector<16xf32>
        %shift_right_arithmetic3A_1654 = arith.constant 6 : i32
        %shift_right_arithmetic3A_1655 = vector.broadcast %shift_right_arithmetic3A_1654 : i32 to vector<16xi32>
        %shift_right_arithmetic3A_1656 = arith.shrsi %or3A_1529, %shift_right_arithmetic3A_1655 : vector<16xi32>
        %and3A_1657 = arith.constant 7 : i32
        %and3A_1658 = vector.broadcast %and3A_1657 : i32 to vector<16xi32>
        %and3A_1659 = arith.andi %shift_right_arithmetic3A_1656, %and3A_1658 : vector<16xi32>
        %add3A_1660 = arith.addi %add3A_159, %and3A_1659 : vector<16xi32>
        %gather3A_1661 = tpu.vector_load_idx %arg8[%add3A_1660] : memref<32768xf32, #tpu.memory_space<vmem>>[vector<16xi32>], vector<16xf32>,
        %mul3A_1662 = vector.broadcast %squeeze3A_1627 : f32 to vector<16xf32>
        %mul3A_1663 = arith.mulf %gather3A_1661, %mul3A_1662 : vector<16xf32>
        %add3A_1664 = arith.addf %add3A_1616, %mul3A_1663 : vector<16xf32>
        %mul3A_1665 = vector.broadcast %squeeze3A_1629 : f32 to vector<16xf32>
        %mul3A_1666 = arith.mulf %gather3A_1661, %mul3A_1665 : vector<16xf32>
        %add3A_1667 = arith.addf %add3A_1619, %mul3A_1666 : vector<16xf32>
        %mul3A_1668 = vector.broadcast %squeeze3A_1631 : f32 to vector<16xf32>
        %mul3A_1669 = arith.mulf %gather3A_1661, %mul3A_1668 : vector<16xf32>
        %add3A_1670 = arith.addf %add3A_1622, %mul3A_1669 : vector<16xf32>
        %mul3A_1671 = vector.broadcast %squeeze3A_1633 : f32 to vector<16xf32>
        %mul3A_1672 = arith.mulf %gather3A_1661, %mul3A_1671 : vector<16xf32>
        %add3A_1673 = arith.addf %add3A_1625, %mul3A_1672 : vector<16xf32>
        %slice3A_1674 = vector.extract_strided_slice %get3A_172 {offsets = [11], sizes = [1], strides = [1]} : vector<16xf32> to vector<1xf32>
        %squeeze3A_1675 = vector.extract %slice3A_1674[0] : f32 from vector<1xf32>
        %slice3A_1676 = vector.extract_strided_slice %get3A_186 {offsets = [11], sizes = [1], strides = [1]} : vector<16xf32> to vector<1xf32>
        %squeeze3A_1677 = vector.extract %slice3A_1676[0] : f32 from vector<1xf32>
        %slice3A_1678 = vector.extract_strided_slice %get3A_200 {offsets = [11], sizes = [1], strides = [1]} : vector<16xf32> to vector<1xf32>
        %squeeze3A_1679 = vector.extract %slice3A_1678[0] : f32 from vector<1xf32>
        %slice3A_1680 = vector.extract_strided_slice %get3A_214 {offsets = [11], sizes = [1], strides = [1]} : vector<16xf32> to vector<1xf32>
        %squeeze3A_1681 = vector.extract %slice3A_1680[0] : f32 from vector<1xf32>
        %shift_right_arithmetic3A_1682 = arith.constant 9 : i32
        %shift_right_arithmetic3A_1683 = vector.broadcast %shift_right_arithmetic3A_1682 : i32 to vector<16xi32>
        %shift_right_arithmetic3A_1684 = arith.shrsi %or3A_1510, %shift_right_arithmetic3A_1683 : vector<16xi32>
        %and3A_1685 = arith.constant 7 : i32
        %and3A_1686 = vector.broadcast %and3A_1685 : i32 to vector<16xi32>
        %and3A_1687 = arith.andi %shift_right_arithmetic3A_1684, %and3A_1686 : vector<16xi32>
        %add3A_1688 = arith.addi %add3A_157, %and3A_1687 : vector<16xi32>
        %gather3A_1689 = tpu.vector_load_idx %arg8[%add3A_1688] : memref<32768xf32, #tpu.memory_space<vmem>>[vector<16xi32>], vector<16xf32>,
        %mul3A_1690 = vector.broadcast %squeeze3A_1675 : f32 to vector<16xf32>
        %mul3A_1691 = arith.mulf %gather3A_1689, %mul3A_1690 : vector<16xf32>
        %add3A_1692 = arith.addf %add3A_1644, %mul3A_1691 : vector<16xf32>
        %mul3A_1693 = vector.broadcast %squeeze3A_1677 : f32 to vector<16xf32>
        %mul3A_1694 = arith.mulf %gather3A_1689, %mul3A_1693 : vector<16xf32>
        %add3A_1695 = arith.addf %add3A_1647, %mul3A_1694 : vector<16xf32>
        %mul3A_1696 = vector.broadcast %squeeze3A_1679 : f32 to vector<16xf32>
        %mul3A_1697 = arith.mulf %gather3A_1689, %mul3A_1696 : vector<16xf32>
        %add3A_1698 = arith.addf %add3A_1650, %mul3A_1697 : vector<16xf32>
        %mul3A_1699 = vector.broadcast %squeeze3A_1681 : f32 to vector<16xf32>
        %mul3A_1700 = arith.mulf %gather3A_1689, %mul3A_1699 : vector<16xf32>
        %add3A_1701 = arith.addf %add3A_1653, %mul3A_1700 : vector<16xf32>
        %shift_right_arithmetic3A_1702 = arith.constant 9 : i32
        %shift_right_arithmetic3A_1703 = vector.broadcast %shift_right_arithmetic3A_1702 : i32 to vector<16xi32>
        %shift_right_arithmetic3A_1704 = arith.shrsi %or3A_1529, %shift_right_arithmetic3A_1703 : vector<16xi32>
        %and3A_1705 = arith.constant 7 : i32
        %and3A_1706 = vector.broadcast %and3A_1705 : i32 to vector<16xi32>
        %and3A_1707 = arith.andi %shift_right_arithmetic3A_1704, %and3A_1706 : vector<16xi32>
        %add3A_1708 = arith.addi %add3A_159, %and3A_1707 : vector<16xi32>
        %gather3A_1709 = tpu.vector_load_idx %arg8[%add3A_1708] : memref<32768xf32, #tpu.memory_space<vmem>>[vector<16xi32>], vector<16xf32>,
        %mul3A_1710 = vector.broadcast %squeeze3A_1675 : f32 to vector<16xf32>
        %mul3A_1711 = arith.mulf %gather3A_1709, %mul3A_1710 : vector<16xf32>
        %add3A_1712 = arith.addf %add3A_1664, %mul3A_1711 : vector<16xf32>
        %mul3A_1713 = vector.broadcast %squeeze3A_1677 : f32 to vector<16xf32>
        %mul3A_1714 = arith.mulf %gather3A_1709, %mul3A_1713 : vector<16xf32>
        %add3A_1715 = arith.addf %add3A_1667, %mul3A_1714 : vector<16xf32>
        %mul3A_1716 = vector.broadcast %squeeze3A_1679 : f32 to vector<16xf32>
        %mul3A_1717 = arith.mulf %gather3A_1709, %mul3A_1716 : vector<16xf32>
        %add3A_1718 = arith.addf %add3A_1670, %mul3A_1717 : vector<16xf32>
        %mul3A_1719 = vector.broadcast %squeeze3A_1681 : f32 to vector<16xf32>
        %mul3A_1720 = arith.mulf %gather3A_1709, %mul3A_1719 : vector<16xf32>
        %add3A_1721 = arith.addf %add3A_1673, %mul3A_1720 : vector<16xf32>
        %slice3A_1722 = vector.extract_strided_slice %get3A_172 {offsets = [12], sizes = [1], strides = [1]} : vector<16xf32> to vector<1xf32>
        %squeeze3A_1723 = vector.extract %slice3A_1722[0] : f32 from vector<1xf32>
        %slice3A_1724 = vector.extract_strided_slice %get3A_186 {offsets = [12], sizes = [1], strides = [1]} : vector<16xf32> to vector<1xf32>
        %squeeze3A_1725 = vector.extract %slice3A_1724[0] : f32 from vector<1xf32>
        %slice3A_1726 = vector.extract_strided_slice %get3A_200 {offsets = [12], sizes = [1], strides = [1]} : vector<16xf32> to vector<1xf32>
        %squeeze3A_1727 = vector.extract %slice3A_1726[0] : f32 from vector<1xf32>
        %slice3A_1728 = vector.extract_strided_slice %get3A_214 {offsets = [12], sizes = [1], strides = [1]} : vector<16xf32> to vector<1xf32>
        %squeeze3A_1729 = vector.extract %slice3A_1728[0] : f32 from vector<1xf32>
        %shift_right_arithmetic3A_1730 = arith.constant 12 : i32
        %shift_right_arithmetic3A_1731 = vector.broadcast %shift_right_arithmetic3A_1730 : i32 to vector<16xi32>
        %shift_right_arithmetic3A_1732 = arith.shrsi %or3A_1510, %shift_right_arithmetic3A_1731 : vector<16xi32>
        %and3A_1733 = arith.constant 7 : i32
        %and3A_1734 = vector.broadcast %and3A_1733 : i32 to vector<16xi32>
        %and3A_1735 = arith.andi %shift_right_arithmetic3A_1732, %and3A_1734 : vector<16xi32>
        %add3A_1736 = arith.addi %add3A_157, %and3A_1735 : vector<16xi32>
        %gather3A_1737 = tpu.vector_load_idx %arg8[%add3A_1736] : memref<32768xf32, #tpu.memory_space<vmem>>[vector<16xi32>], vector<16xf32>,
        %mul3A_1738 = vector.broadcast %squeeze3A_1723 : f32 to vector<16xf32>
        %mul3A_1739 = arith.mulf %gather3A_1737, %mul3A_1738 : vector<16xf32>
        %add3A_1740 = arith.addf %add3A_1692, %mul3A_1739 : vector<16xf32>
        %mul3A_1741 = vector.broadcast %squeeze3A_1725 : f32 to vector<16xf32>
        %mul3A_1742 = arith.mulf %gather3A_1737, %mul3A_1741 : vector<16xf32>
        %add3A_1743 = arith.addf %add3A_1695, %mul3A_1742 : vector<16xf32>
        %mul3A_1744 = vector.broadcast %squeeze3A_1727 : f32 to vector<16xf32>
        %mul3A_1745 = arith.mulf %gather3A_1737, %mul3A_1744 : vector<16xf32>
        %add3A_1746 = arith.addf %add3A_1698, %mul3A_1745 : vector<16xf32>
        %mul3A_1747 = vector.broadcast %squeeze3A_1729 : f32 to vector<16xf32>
        %mul3A_1748 = arith.mulf %gather3A_1737, %mul3A_1747 : vector<16xf32>
        %add3A_1749 = arith.addf %add3A_1701, %mul3A_1748 : vector<16xf32>
        %shift_right_arithmetic3A_1750 = arith.constant 12 : i32
        %shift_right_arithmetic3A_1751 = vector.broadcast %shift_right_arithmetic3A_1750 : i32 to vector<16xi32>
        %shift_right_arithmetic3A_1752 = arith.shrsi %or3A_1529, %shift_right_arithmetic3A_1751 : vector<16xi32>
        %and3A_1753 = arith.constant 7 : i32
        %and3A_1754 = vector.broadcast %and3A_1753 : i32 to vector<16xi32>
        %and3A_1755 = arith.andi %shift_right_arithmetic3A_1752, %and3A_1754 : vector<16xi32>
        %add3A_1756 = arith.addi %add3A_159, %and3A_1755 : vector<16xi32>
        %gather3A_1757 = tpu.vector_load_idx %arg8[%add3A_1756] : memref<32768xf32, #tpu.memory_space<vmem>>[vector<16xi32>], vector<16xf32>,
        %mul3A_1758 = vector.broadcast %squeeze3A_1723 : f32 to vector<16xf32>
        %mul3A_1759 = arith.mulf %gather3A_1757, %mul3A_1758 : vector<16xf32>
        %add3A_1760 = arith.addf %add3A_1712, %mul3A_1759 : vector<16xf32>
        %mul3A_1761 = vector.broadcast %squeeze3A_1725 : f32 to vector<16xf32>
        %mul3A_1762 = arith.mulf %gather3A_1757, %mul3A_1761 : vector<16xf32>
        %add3A_1763 = arith.addf %add3A_1715, %mul3A_1762 : vector<16xf32>
        %mul3A_1764 = vector.broadcast %squeeze3A_1727 : f32 to vector<16xf32>
        %mul3A_1765 = arith.mulf %gather3A_1757, %mul3A_1764 : vector<16xf32>
        %add3A_1766 = arith.addf %add3A_1718, %mul3A_1765 : vector<16xf32>
        %mul3A_1767 = vector.broadcast %squeeze3A_1729 : f32 to vector<16xf32>
        %mul3A_1768 = arith.mulf %gather3A_1757, %mul3A_1767 : vector<16xf32>
        %add3A_1769 = arith.addf %add3A_1721, %mul3A_1768 : vector<16xf32>
        %slice3A_1770 = vector.extract_strided_slice %get3A_172 {offsets = [13], sizes = [1], strides = [1]} : vector<16xf32> to vector<1xf32>
        %squeeze3A_1771 = vector.extract %slice3A_1770[0] : f32 from vector<1xf32>
        %slice3A_1772 = vector.extract_strided_slice %get3A_186 {offsets = [13], sizes = [1], strides = [1]} : vector<16xf32> to vector<1xf32>
        %squeeze3A_1773 = vector.extract %slice3A_1772[0] : f32 from vector<1xf32>
        %slice3A_1774 = vector.extract_strided_slice %get3A_200 {offsets = [13], sizes = [1], strides = [1]} : vector<16xf32> to vector<1xf32>
        %squeeze3A_1775 = vector.extract %slice3A_1774[0] : f32 from vector<1xf32>
        %slice3A_1776 = vector.extract_strided_slice %get3A_214 {offsets = [13], sizes = [1], strides = [1]} : vector<16xf32> to vector<1xf32>
        %squeeze3A_1777 = vector.extract %slice3A_1776[0] : f32 from vector<1xf32>
        %shift_right_arithmetic3A_1778 = arith.constant 15 : i32
        %shift_right_arithmetic3A_1779 = vector.broadcast %shift_right_arithmetic3A_1778 : i32 to vector<16xi32>
        %shift_right_arithmetic3A_1780 = arith.shrsi %or3A_1510, %shift_right_arithmetic3A_1779 : vector<16xi32>
        %and3A_1781 = arith.constant 7 : i32
        %and3A_1782 = vector.broadcast %and3A_1781 : i32 to vector<16xi32>
        %and3A_1783 = arith.andi %shift_right_arithmetic3A_1780, %and3A_1782 : vector<16xi32>
        %add3A_1784 = arith.addi %add3A_157, %and3A_1783 : vector<16xi32>
        %gather3A_1785 = tpu.vector_load_idx %arg8[%add3A_1784] : memref<32768xf32, #tpu.memory_space<vmem>>[vector<16xi32>], vector<16xf32>,
        %mul3A_1786 = vector.broadcast %squeeze3A_1771 : f32 to vector<16xf32>
        %mul3A_1787 = arith.mulf %gather3A_1785, %mul3A_1786 : vector<16xf32>
        %add3A_1788 = arith.addf %add3A_1740, %mul3A_1787 : vector<16xf32>
        %mul3A_1789 = vector.broadcast %squeeze3A_1773 : f32 to vector<16xf32>
        %mul3A_1790 = arith.mulf %gather3A_1785, %mul3A_1789 : vector<16xf32>
        %add3A_1791 = arith.addf %add3A_1743, %mul3A_1790 : vector<16xf32>
        %mul3A_1792 = vector.broadcast %squeeze3A_1775 : f32 to vector<16xf32>
        %mul3A_1793 = arith.mulf %gather3A_1785, %mul3A_1792 : vector<16xf32>
        %add3A_1794 = arith.addf %add3A_1746, %mul3A_1793 : vector<16xf32>
        %mul3A_1795 = vector.broadcast %squeeze3A_1777 : f32 to vector<16xf32>
        %mul3A_1796 = arith.mulf %gather3A_1785, %mul3A_1795 : vector<16xf32>
        %add3A_1797 = arith.addf %add3A_1749, %mul3A_1796 : vector<16xf32>
        %shift_right_arithmetic3A_1798 = arith.constant 15 : i32
        %shift_right_arithmetic3A_1799 = vector.broadcast %shift_right_arithmetic3A_1798 : i32 to vector<16xi32>
        %shift_right_arithmetic3A_1800 = arith.shrsi %or3A_1529, %shift_right_arithmetic3A_1799 : vector<16xi32>
        %and3A_1801 = arith.constant 7 : i32
        %and3A_1802 = vector.broadcast %and3A_1801 : i32 to vector<16xi32>
        %and3A_1803 = arith.andi %shift_right_arithmetic3A_1800, %and3A_1802 : vector<16xi32>
        %add3A_1804 = arith.addi %add3A_159, %and3A_1803 : vector<16xi32>
        %gather3A_1805 = tpu.vector_load_idx %arg8[%add3A_1804] : memref<32768xf32, #tpu.memory_space<vmem>>[vector<16xi32>], vector<16xf32>,
        %mul3A_1806 = vector.broadcast %squeeze3A_1771 : f32 to vector<16xf32>
        %mul3A_1807 = arith.mulf %gather3A_1805, %mul3A_1806 : vector<16xf32>
        %add3A_1808 = arith.addf %add3A_1760, %mul3A_1807 : vector<16xf32>
        %mul3A_1809 = vector.broadcast %squeeze3A_1773 : f32 to vector<16xf32>
        %mul3A_1810 = arith.mulf %gather3A_1805, %mul3A_1809 : vector<16xf32>
        %add3A_1811 = arith.addf %add3A_1763, %mul3A_1810 : vector<16xf32>
        %mul3A_1812 = vector.broadcast %squeeze3A_1775 : f32 to vector<16xf32>
        %mul3A_1813 = arith.mulf %gather3A_1805, %mul3A_1812 : vector<16xf32>
        %add3A_1814 = arith.addf %add3A_1766, %mul3A_1813 : vector<16xf32>
        %mul3A_1815 = vector.broadcast %squeeze3A_1777 : f32 to vector<16xf32>
        %mul3A_1816 = arith.mulf %gather3A_1805, %mul3A_1815 : vector<16xf32>
        %add3A_1817 = arith.addf %add3A_1769, %mul3A_1816 : vector<16xf32>
        %slice3A_1818 = vector.extract_strided_slice %get3A_172 {offsets = [14], sizes = [1], strides = [1]} : vector<16xf32> to vector<1xf32>
        %squeeze3A_1819 = vector.extract %slice3A_1818[0] : f32 from vector<1xf32>
        %slice3A_1820 = vector.extract_strided_slice %get3A_186 {offsets = [14], sizes = [1], strides = [1]} : vector<16xf32> to vector<1xf32>
        %squeeze3A_1821 = vector.extract %slice3A_1820[0] : f32 from vector<1xf32>
        %slice3A_1822 = vector.extract_strided_slice %get3A_200 {offsets = [14], sizes = [1], strides = [1]} : vector<16xf32> to vector<1xf32>
        %squeeze3A_1823 = vector.extract %slice3A_1822[0] : f32 from vector<1xf32>
        %slice3A_1824 = vector.extract_strided_slice %get3A_214 {offsets = [14], sizes = [1], strides = [1]} : vector<16xf32> to vector<1xf32>
        %squeeze3A_1825 = vector.extract %slice3A_1824[0] : f32 from vector<1xf32>
        %shift_right_arithmetic3A_1826 = arith.constant 18 : i32
        %shift_right_arithmetic3A_1827 = vector.broadcast %shift_right_arithmetic3A_1826 : i32 to vector<16xi32>
        %shift_right_arithmetic3A_1828 = arith.shrsi %or3A_1510, %shift_right_arithmetic3A_1827 : vector<16xi32>
        %and3A_1829 = arith.constant 7 : i32
        %and3A_1830 = vector.broadcast %and3A_1829 : i32 to vector<16xi32>
        %and3A_1831 = arith.andi %shift_right_arithmetic3A_1828, %and3A_1830 : vector<16xi32>
        %add3A_1832 = arith.addi %add3A_157, %and3A_1831 : vector<16xi32>
        %gather3A_1833 = tpu.vector_load_idx %arg8[%add3A_1832] : memref<32768xf32, #tpu.memory_space<vmem>>[vector<16xi32>], vector<16xf32>,
        %mul3A_1834 = vector.broadcast %squeeze3A_1819 : f32 to vector<16xf32>
        %mul3A_1835 = arith.mulf %gather3A_1833, %mul3A_1834 : vector<16xf32>
        %add3A_1836 = arith.addf %add3A_1788, %mul3A_1835 : vector<16xf32>
        %mul3A_1837 = vector.broadcast %squeeze3A_1821 : f32 to vector<16xf32>
        %mul3A_1838 = arith.mulf %gather3A_1833, %mul3A_1837 : vector<16xf32>
        %add3A_1839 = arith.addf %add3A_1791, %mul3A_1838 : vector<16xf32>
        %mul3A_1840 = vector.broadcast %squeeze3A_1823 : f32 to vector<16xf32>
        %mul3A_1841 = arith.mulf %gather3A_1833, %mul3A_1840 : vector<16xf32>
        %add3A_1842 = arith.addf %add3A_1794, %mul3A_1841 : vector<16xf32>
        %mul3A_1843 = vector.broadcast %squeeze3A_1825 : f32 to vector<16xf32>
        %mul3A_1844 = arith.mulf %gather3A_1833, %mul3A_1843 : vector<16xf32>
        %add3A_1845 = arith.addf %add3A_1797, %mul3A_1844 : vector<16xf32>
        %shift_right_arithmetic3A_1846 = arith.constant 18 : i32
        %shift_right_arithmetic3A_1847 = vector.broadcast %shift_right_arithmetic3A_1846 : i32 to vector<16xi32>
        %shift_right_arithmetic3A_1848 = arith.shrsi %or3A_1529, %shift_right_arithmetic3A_1847 : vector<16xi32>
        %and3A_1849 = arith.constant 7 : i32
        %and3A_1850 = vector.broadcast %and3A_1849 : i32 to vector<16xi32>
        %and3A_1851 = arith.andi %shift_right_arithmetic3A_1848, %and3A_1850 : vector<16xi32>
        %add3A_1852 = arith.addi %add3A_159, %and3A_1851 : vector<16xi32>
        %gather3A_1853 = tpu.vector_load_idx %arg8[%add3A_1852] : memref<32768xf32, #tpu.memory_space<vmem>>[vector<16xi32>], vector<16xf32>,
        %mul3A_1854 = vector.broadcast %squeeze3A_1819 : f32 to vector<16xf32>
        %mul3A_1855 = arith.mulf %gather3A_1853, %mul3A_1854 : vector<16xf32>
        %add3A_1856 = arith.addf %add3A_1808, %mul3A_1855 : vector<16xf32>
        %mul3A_1857 = vector.broadcast %squeeze3A_1821 : f32 to vector<16xf32>
        %mul3A_1858 = arith.mulf %gather3A_1853, %mul3A_1857 : vector<16xf32>
        %add3A_1859 = arith.addf %add3A_1811, %mul3A_1858 : vector<16xf32>
        %mul3A_1860 = vector.broadcast %squeeze3A_1823 : f32 to vector<16xf32>
        %mul3A_1861 = arith.mulf %gather3A_1853, %mul3A_1860 : vector<16xf32>
        %add3A_1862 = arith.addf %add3A_1814, %mul3A_1861 : vector<16xf32>
        %mul3A_1863 = vector.broadcast %squeeze3A_1825 : f32 to vector<16xf32>
        %mul3A_1864 = arith.mulf %gather3A_1853, %mul3A_1863 : vector<16xf32>
        %add3A_1865 = arith.addf %add3A_1817, %mul3A_1864 : vector<16xf32>
        %slice3A_1866 = vector.extract_strided_slice %get3A_172 {offsets = [15], sizes = [1], strides = [1]} : vector<16xf32> to vector<1xf32>
        %squeeze3A_1867 = vector.extract %slice3A_1866[0] : f32 from vector<1xf32>
        %slice3A_1868 = vector.extract_strided_slice %get3A_186 {offsets = [15], sizes = [1], strides = [1]} : vector<16xf32> to vector<1xf32>
        %squeeze3A_1869 = vector.extract %slice3A_1868[0] : f32 from vector<1xf32>
        %slice3A_1870 = vector.extract_strided_slice %get3A_200 {offsets = [15], sizes = [1], strides = [1]} : vector<16xf32> to vector<1xf32>
        %squeeze3A_1871 = vector.extract %slice3A_1870[0] : f32 from vector<1xf32>
        %slice3A_1872 = vector.extract_strided_slice %get3A_214 {offsets = [15], sizes = [1], strides = [1]} : vector<16xf32> to vector<1xf32>
        %squeeze3A_1873 = vector.extract %slice3A_1872[0] : f32 from vector<1xf32>
        %shift_right_arithmetic3A_1874 = arith.constant 21 : i32
        %shift_right_arithmetic3A_1875 = vector.broadcast %shift_right_arithmetic3A_1874 : i32 to vector<16xi32>
        %shift_right_arithmetic3A_1876 = arith.shrsi %or3A_1510, %shift_right_arithmetic3A_1875 : vector<16xi32>
        %and3A_1877 = arith.constant 7 : i32
        %and3A_1878 = vector.broadcast %and3A_1877 : i32 to vector<16xi32>
        %and3A_1879 = arith.andi %shift_right_arithmetic3A_1876, %and3A_1878 : vector<16xi32>
        %add3A_1880 = arith.addi %add3A_157, %and3A_1879 : vector<16xi32>
        %gather3A_1881 = tpu.vector_load_idx %arg8[%add3A_1880] : memref<32768xf32, #tpu.memory_space<vmem>>[vector<16xi32>], vector<16xf32>,
        %mul3A_1882 = vector.broadcast %squeeze3A_1867 : f32 to vector<16xf32>
        %mul3A_1883 = arith.mulf %gather3A_1881, %mul3A_1882 : vector<16xf32>
        %add3A_1884 = arith.addf %add3A_1836, %mul3A_1883 : vector<16xf32>
        %mul3A_1885 = vector.broadcast %squeeze3A_1869 : f32 to vector<16xf32>
        %mul3A_1886 = arith.mulf %gather3A_1881, %mul3A_1885 : vector<16xf32>
        %add3A_1887 = arith.addf %add3A_1839, %mul3A_1886 : vector<16xf32>
        %mul3A_1888 = vector.broadcast %squeeze3A_1871 : f32 to vector<16xf32>
        %mul3A_1889 = arith.mulf %gather3A_1881, %mul3A_1888 : vector<16xf32>
        %add3A_1890 = arith.addf %add3A_1842, %mul3A_1889 : vector<16xf32>
        %mul3A_1891 = vector.broadcast %squeeze3A_1873 : f32 to vector<16xf32>
        %mul3A_1892 = arith.mulf %gather3A_1881, %mul3A_1891 : vector<16xf32>
        %add3A_1893 = arith.addf %add3A_1845, %mul3A_1892 : vector<16xf32>
        %shift_right_arithmetic3A_1894 = arith.constant 21 : i32
        %shift_right_arithmetic3A_1895 = vector.broadcast %shift_right_arithmetic3A_1894 : i32 to vector<16xi32>
        %shift_right_arithmetic3A_1896 = arith.shrsi %or3A_1529, %shift_right_arithmetic3A_1895 : vector<16xi32>
        %and3A_1897 = arith.constant 7 : i32
        %and3A_1898 = vector.broadcast %and3A_1897 : i32 to vector<16xi32>
        %and3A_1899 = arith.andi %shift_right_arithmetic3A_1896, %and3A_1898 : vector<16xi32>
        %add3A_1900 = arith.addi %add3A_159, %and3A_1899 : vector<16xi32>
        %gather3A_1901 = tpu.vector_load_idx %arg8[%add3A_1900] : memref<32768xf32, #tpu.memory_space<vmem>>[vector<16xi32>], vector<16xf32>,
        %mul3A_1902 = vector.broadcast %squeeze3A_1867 : f32 to vector<16xf32>
        %mul3A_1903 = arith.mulf %gather3A_1901, %mul3A_1902 : vector<16xf32>
        %add3A_1904 = arith.addf %add3A_1856, %mul3A_1903 : vector<16xf32>
        %mul3A_1905 = vector.broadcast %squeeze3A_1869 : f32 to vector<16xf32>
        %mul3A_1906 = arith.mulf %gather3A_1901, %mul3A_1905 : vector<16xf32>
        %add3A_1907 = arith.addf %add3A_1859, %mul3A_1906 : vector<16xf32>
        %mul3A_1908 = vector.broadcast %squeeze3A_1871 : f32 to vector<16xf32>
        %mul3A_1909 = arith.mulf %gather3A_1901, %mul3A_1908 : vector<16xf32>
        %add3A_1910 = arith.addf %add3A_1862, %mul3A_1909 : vector<16xf32>
        %mul3A_1911 = vector.broadcast %squeeze3A_1873 : f32 to vector<16xf32>
        %mul3A_1912 = arith.mulf %gather3A_1901, %mul3A_1911 : vector<16xf32>
        %add3A_1913 = arith.addf %add3A_1865, %mul3A_1912 : vector<16xf32>
        scf.yield %add3A_1884, %add3A_1887, %add3A_1890, %add3A_1893, %add3A_1904, %add3A_1907, %add3A_1910, %add3A_1913 : vector<16xf32>, vector<16xf32>, vector<16xf32>, vector<16xf32>, vector<16xf32>, vector<16xf32>, vector<16xf32>, vector<16xf32>
      }
      %scan3A_80 = arith.constant 128 : i32
      %mul3A_81 = arith.constant 32 : i32
      %mul3A_82 = arith.muli %scan3A_21, %mul3A_81 : i32
      %add3A_83 = arith.constant 0 : i32
      %add3A_84 = arith.addi %add3A_83, %mul3A_82 : i32
      %add3A_85 = arith.constant 0 : i32
      %add3A_86 = arith.addi %add3A_84, %add3A_85 : i32
      %swap3A = arith.index_cast %add3A_86 : i32 to index
      %swap3A_87 = tpu.vector_load %arg9[%swap3A] {strides = array<i32>} : memref<512xf32, #tpu.memory_space<vmem>>, vector<16xf32>,
      tpu.vector_store %arg9[%swap3A], %scan3A_79#0 {strides = array<i32>} : memref<512xf32, #tpu.memory_space<vmem>>, vector<16xf32>,
      %mul3A_88 = arith.constant 32 : i32
      %mul3A_89 = arith.muli %scan3A_21, %mul3A_88 : i32
      %add3A_90 = arith.constant 128 : i32
      %add3A_91 = arith.addi %add3A_90, %mul3A_89 : i32
      %add3A_92 = arith.constant 0 : i32
      %add3A_93 = arith.addi %add3A_91, %add3A_92 : i32
      %swap3A_94 = arith.index_cast %add3A_93 : i32 to index
      %swap3A_95 = tpu.vector_load %arg9[%swap3A_94] {strides = array<i32>} : memref<512xf32, #tpu.memory_space<vmem>>, vector<16xf32>,
      tpu.vector_store %arg9[%swap3A_94], %scan3A_79#1 {strides = array<i32>} : memref<512xf32, #tpu.memory_space<vmem>>, vector<16xf32>,
      %mul3A_96 = arith.constant 32 : i32
      %mul3A_97 = arith.muli %scan3A_21, %mul3A_96 : i32
      %add3A_98 = arith.constant 256 : i32
      %add3A_99 = arith.addi %add3A_98, %mul3A_97 : i32
      %add3A_100 = arith.constant 0 : i32
      %add3A_101 = arith.addi %add3A_99, %add3A_100 : i32
      %swap3A_102 = arith.index_cast %add3A_101 : i32 to index
      %swap3A_103 = tpu.vector_load %arg9[%swap3A_102] {strides = array<i32>} : memref<512xf32, #tpu.memory_space<vmem>>, vector<16xf32>,
      tpu.vector_store %arg9[%swap3A_102], %scan3A_79#2 {strides = array<i32>} : memref<512xf32, #tpu.memory_space<vmem>>, vector<16xf32>,
      %mul3A_104 = arith.constant 32 : i32
      %mul3A_105 = arith.muli %scan3A_21, %mul3A_104 : i32
      %add3A_106 = arith.constant 384 : i32
      %add3A_107 = arith.addi %add3A_106, %mul3A_105 : i32
      %add3A_108 = arith.constant 0 : i32
      %add3A_109 = arith.addi %add3A_107, %add3A_108 : i32
      %swap3A_110 = arith.index_cast %add3A_109 : i32 to index
      %swap3A_111 = tpu.vector_load %arg9[%swap3A_110] {strides = array<i32>} : memref<512xf32, #tpu.memory_space<vmem>>, vector<16xf32>,
      tpu.vector_store %arg9[%swap3A_110], %scan3A_79#3 {strides = array<i32>} : memref<512xf32, #tpu.memory_space<vmem>>, vector<16xf32>,
      %mul3A_112 = arith.constant 32 : i32
      %mul3A_113 = arith.muli %scan3A_21, %mul3A_112 : i32
      %add3A_114 = arith.constant 0 : i32
      %add3A_115 = arith.addi %add3A_114, %mul3A_113 : i32
      %add3A_116 = arith.constant 16 : i32
      %add3A_117 = arith.addi %add3A_115, %add3A_116 : i32
      %swap3A_118 = arith.index_cast %add3A_117 : i32 to index
      %swap3A_119 = tpu.vector_load %arg9[%swap3A_118] {strides = array<i32>} : memref<512xf32, #tpu.memory_space<vmem>>, vector<16xf32>,
      tpu.vector_store %arg9[%swap3A_118], %scan3A_79#4 {strides = array<i32>} : memref<512xf32, #tpu.memory_space<vmem>>, vector<16xf32>,
      %mul3A_120 = arith.constant 32 : i32
      %mul3A_121 = arith.muli %scan3A_21, %mul3A_120 : i32
      %add3A_122 = arith.constant 128 : i32
      %add3A_123 = arith.addi %add3A_122, %mul3A_121 : i32
      %add3A_124 = arith.constant 16 : i32
      %add3A_125 = arith.addi %add3A_123, %add3A_124 : i32
      %swap3A_126 = arith.index_cast %add3A_125 : i32 to index
      %swap3A_127 = tpu.vector_load %arg9[%swap3A_126] {strides = array<i32>} : memref<512xf32, #tpu.memory_space<vmem>>, vector<16xf32>,
      tpu.vector_store %arg9[%swap3A_126], %scan3A_79#5 {strides = array<i32>} : memref<512xf32, #tpu.memory_space<vmem>>, vector<16xf32>,
      %mul3A_128 = arith.constant 32 : i32
      %mul3A_129 = arith.muli %scan3A_21, %mul3A_128 : i32
      %add3A_130 = arith.constant 256 : i32
      %add3A_131 = arith.addi %add3A_130, %mul3A_129 : i32
      %add3A_132 = arith.constant 16 : i32
      %add3A_133 = arith.addi %add3A_131, %add3A_132 : i32
      %swap3A_134 = arith.index_cast %add3A_133 : i32 to index
      %swap3A_135 = tpu.vector_load %arg9[%swap3A_134] {strides = array<i32>} : memref<512xf32, #tpu.memory_space<vmem>>, vector<16xf32>,
      tpu.vector_store %arg9[%swap3A_134], %scan3A_79#6 {strides = array<i32>} : memref<512xf32, #tpu.memory_space<vmem>>, vector<16xf32>,
      %mul3A_136 = arith.constant 32 : i32
      %mul3A_137 = arith.muli %scan3A_21, %mul3A_136 : i32
      %add3A_138 = arith.constant 384 : i32
      %add3A_139 = arith.addi %add3A_138, %mul3A_137 : i32
      %add3A_140 = arith.constant 16 : i32
      %add3A_141 = arith.addi %add3A_139, %add3A_140 : i32
      %swap3A_142 = arith.index_cast %add3A_141 : i32 to index
      %swap3A_143 = tpu.vector_load %arg9[%swap3A_142] {strides = array<i32>} : memref<512xf32, #tpu.memory_space<vmem>>, vector<16xf32>,
      tpu.vector_store %arg9[%swap3A_142], %scan3A_79#7 {strides = array<i32>} : memref<512xf32, #tpu.memory_space<vmem>>, vector<16xf32>,
      %scan3A_144 = arith.constant 0 : i32
      scf.yield %scan3A_144 : i32
    }
    %scan3A_12 = arith.constant 4 : i32
    %add3A_13 = arith.constant 0 : i32
    %add3A_14 = arith.addi %add3A_13, %mul3A_2 : i32
    "tpu.region"() ({
      %run_scoped3A = tpu.sem_alloc : memref<!tpu.dma_semaphore, #tpu.memory_space<semaphore_mem>>
      %dma_start3A = arith.constant 0 : i32
      %dma_start3A_21 = tpu.memref_slice %arg9[%dma_start3A] : memref<512xf32, #tpu.memory_space<vmem>> -> memref<128xf32, #tpu.memory_space<vmem>>
      %dma_start3A_22 = tpu.memref_slice %arg5[%add3A_14] : memref<16384xf32, #tpu.memory_space<hbm>> -> memref<128xf32, #tpu.memory_space<hbm>>
      %dma_start3A_23 = tpu.memref_slice %arg5[%add3A_14] : memref<16384xf32, #tpu.memory_space<hbm>> -> memref<128xf32, #tpu.memory_space<hbm>>
      %dma_start3A_24 = arith.constant 0 : i32
      %dma_start3A_25 = tpu.memref_slice %arg9[%dma_start3A_24] : memref<512xf32, #tpu.memory_space<vmem>> -> memref<128xf32, #tpu.memory_space<vmem>>
      tpu.enqueue_dma source(%dma_start3A_25 : memref<128xf32, #tpu.memory_space<vmem>>) target(%dma_start3A_23 : memref<128xf32, #tpu.memory_space<hbm>>) target_semaphore(%run_scoped3A : memref<!tpu.dma_semaphore, #tpu.memory_space<semaphore_mem>>)
      %dma_wait3A = arith.constant 0 : i32
      %dma_wait3A_26 = tpu.memref_slice %arg9[%dma_wait3A] : memref<512xf32, #tpu.memory_space<vmem>> -> memref<128xf32, #tpu.memory_space<vmem>>
      %dma_wait3A_27 = tpu.memref_slice %arg5[%add3A_14] : memref<16384xf32, #tpu.memory_space<hbm>> -> memref<128xf32, #tpu.memory_space<hbm>>
      %dma_wait3A_28 = tpu.memref_slice %arg5[%add3A_14] : memref<16384xf32, #tpu.memory_space<hbm>> -> memref<128xf32, #tpu.memory_space<hbm>>
      %dma_wait3A_29 = arith.constant 0 : i32
      %dma_wait3A_30 = tpu.memref_slice %arg9[%dma_wait3A_29] : memref<512xf32, #tpu.memory_space<vmem>> -> memref<128xf32, #tpu.memory_space<vmem>>
      tpu.wait_dma2 semaphore(%run_scoped3A : memref<!tpu.dma_semaphore, #tpu.memory_space<semaphore_mem>>) src(%dma_wait3A_30 : memref<128xf32, #tpu.memory_space<vmem>>) dst(%dma_wait3A_28 : memref<128xf32, #tpu.memory_space<hbm>>)
      tpu.yield
    }) : () -> ()
    %add3A_15 = arith.constant 4096 : i32
    %add3A_16 = arith.addi %add3A_15, %mul3A_2 : i32
    "tpu.region"() ({
      %run_scoped3A = tpu.sem_alloc : memref<!tpu.dma_semaphore, #tpu.memory_space<semaphore_mem>>
      %dma_start3A = arith.constant 128 : i32
      %dma_start3A_21 = tpu.memref_slice %arg9[%dma_start3A] : memref<512xf32, #tpu.memory_space<vmem>> -> memref<128xf32, #tpu.memory_space<vmem>>
      %dma_start3A_22 = tpu.memref_slice %arg5[%add3A_16] : memref<16384xf32, #tpu.memory_space<hbm>> -> memref<128xf32, #tpu.memory_space<hbm>>
      %dma_start3A_23 = tpu.memref_slice %arg5[%add3A_16] : memref<16384xf32, #tpu.memory_space<hbm>> -> memref<128xf32, #tpu.memory_space<hbm>>
      %dma_start3A_24 = arith.constant 128 : i32
      %dma_start3A_25 = tpu.memref_slice %arg9[%dma_start3A_24] : memref<512xf32, #tpu.memory_space<vmem>> -> memref<128xf32, #tpu.memory_space<vmem>>
      tpu.enqueue_dma source(%dma_start3A_25 : memref<128xf32, #tpu.memory_space<vmem>>) target(%dma_start3A_23 : memref<128xf32, #tpu.memory_space<hbm>>) target_semaphore(%run_scoped3A : memref<!tpu.dma_semaphore, #tpu.memory_space<semaphore_mem>>)
      %dma_wait3A = arith.constant 128 : i32
      %dma_wait3A_26 = tpu.memref_slice %arg9[%dma_wait3A] : memref<512xf32, #tpu.memory_space<vmem>> -> memref<128xf32, #tpu.memory_space<vmem>>
      %dma_wait3A_27 = tpu.memref_slice %arg5[%add3A_16] : memref<16384xf32, #tpu.memory_space<hbm>> -> memref<128xf32, #tpu.memory_space<hbm>>
      %dma_wait3A_28 = tpu.memref_slice %arg5[%add3A_16] : memref<16384xf32, #tpu.memory_space<hbm>> -> memref<128xf32, #tpu.memory_space<hbm>>
      %dma_wait3A_29 = arith.constant 128 : i32
      %dma_wait3A_30 = tpu.memref_slice %arg9[%dma_wait3A_29] : memref<512xf32, #tpu.memory_space<vmem>> -> memref<128xf32, #tpu.memory_space<vmem>>
      tpu.wait_dma2 semaphore(%run_scoped3A : memref<!tpu.dma_semaphore, #tpu.memory_space<semaphore_mem>>) src(%dma_wait3A_30 : memref<128xf32, #tpu.memory_space<vmem>>) dst(%dma_wait3A_28 : memref<128xf32, #tpu.memory_space<hbm>>)
      tpu.yield
    }) : () -> ()
    %add3A_17 = arith.constant 8192 : i32
    %add3A_18 = arith.addi %add3A_17, %mul3A_2 : i32
    "tpu.region"() ({
      %run_scoped3A = tpu.sem_alloc : memref<!tpu.dma_semaphore, #tpu.memory_space<semaphore_mem>>
      %dma_start3A = arith.constant 256 : i32
      %dma_start3A_21 = tpu.memref_slice %arg9[%dma_start3A] : memref<512xf32, #tpu.memory_space<vmem>> -> memref<128xf32, #tpu.memory_space<vmem>>
      %dma_start3A_22 = tpu.memref_slice %arg5[%add3A_18] : memref<16384xf32, #tpu.memory_space<hbm>> -> memref<128xf32, #tpu.memory_space<hbm>>
      %dma_start3A_23 = tpu.memref_slice %arg5[%add3A_18] : memref<16384xf32, #tpu.memory_space<hbm>> -> memref<128xf32, #tpu.memory_space<hbm>>
      %dma_start3A_24 = arith.constant 256 : i32
      %dma_start3A_25 = tpu.memref_slice %arg9[%dma_start3A_24] : memref<512xf32, #tpu.memory_space<vmem>> -> memref<128xf32, #tpu.memory_space<vmem>>
      tpu.enqueue_dma source(%dma_start3A_25 : memref<128xf32, #tpu.memory_space<vmem>>) target(%dma_start3A_23 : memref<128xf32, #tpu.memory_space<hbm>>) target_semaphore(%run_scoped3A : memref<!tpu.dma_semaphore, #tpu.memory_space<semaphore_mem>>)
      %dma_wait3A = arith.constant 256 : i32
      %dma_wait3A_26 = tpu.memref_slice %arg9[%dma_wait3A] : memref<512xf32, #tpu.memory_space<vmem>> -> memref<128xf32, #tpu.memory_space<vmem>>
      %dma_wait3A_27 = tpu.memref_slice %arg5[%add3A_18] : memref<16384xf32, #tpu.memory_space<hbm>> -> memref<128xf32, #tpu.memory_space<hbm>>
      %dma_wait3A_28 = tpu.memref_slice %arg5[%add3A_18] : memref<16384xf32, #tpu.memory_space<hbm>> -> memref<128xf32, #tpu.memory_space<hbm>>
      %dma_wait3A_29 = arith.constant 256 : i32
      %dma_wait3A_30 = tpu.memref_slice %arg9[%dma_wait3A_29] : memref<512xf32, #tpu.memory_space<vmem>> -> memref<128xf32, #tpu.memory_space<vmem>>
      tpu.wait_dma2 semaphore(%run_scoped3A : memref<!tpu.dma_semaphore, #tpu.memory_space<semaphore_mem>>) src(%dma_wait3A_30 : memref<128xf32, #tpu.memory_space<vmem>>) dst(%dma_wait3A_28 : memref<128xf32, #tpu.memory_space<hbm>>)
      tpu.yield
    }) : () -> ()
    %add3A_19 = arith.constant 12288 : i32
    %add3A_20 = arith.addi %add3A_19, %mul3A_2 : i32
    "tpu.region"() ({
      %run_scoped3A = tpu.sem_alloc : memref<!tpu.dma_semaphore, #tpu.memory_space<semaphore_mem>>
      %dma_start3A = arith.constant 384 : i32
      %dma_start3A_21 = tpu.memref_slice %arg9[%dma_start3A] : memref<512xf32, #tpu.memory_space<vmem>> -> memref<128xf32, #tpu.memory_space<vmem>>
      %dma_start3A_22 = tpu.memref_slice %arg5[%add3A_20] : memref<16384xf32, #tpu.memory_space<hbm>> -> memref<128xf32, #tpu.memory_space<hbm>>
      %dma_start3A_23 = tpu.memref_slice %arg5[%add3A_20] : memref<16384xf32, #tpu.memory_space<hbm>> -> memref<128xf32, #tpu.memory_space<hbm>>
      %dma_start3A_24 = arith.constant 384 : i32
      %dma_start3A_25 = tpu.memref_slice %arg9[%dma_start3A_24] : memref<512xf32, #tpu.memory_space<vmem>> -> memref<128xf32, #tpu.memory_space<vmem>>
      tpu.enqueue_dma source(%dma_start3A_25 : memref<128xf32, #tpu.memory_space<vmem>>) target(%dma_start3A_23 : memref<128xf32, #tpu.memory_space<hbm>>) target_semaphore(%run_scoped3A : memref<!tpu.dma_semaphore, #tpu.memory_space<semaphore_mem>>)
      %dma_wait3A = arith.constant 384 : i32
      %dma_wait3A_26 = tpu.memref_slice %arg9[%dma_wait3A] : memref<512xf32, #tpu.memory_space<vmem>> -> memref<128xf32, #tpu.memory_space<vmem>>
      %dma_wait3A_27 = tpu.memref_slice %arg5[%add3A_20] : memref<16384xf32, #tpu.memory_space<hbm>> -> memref<128xf32, #tpu.memory_space<hbm>>
      %dma_wait3A_28 = tpu.memref_slice %arg5[%add3A_20] : memref<16384xf32, #tpu.memory_space<hbm>> -> memref<128xf32, #tpu.memory_space<hbm>>
      %dma_wait3A_29 = arith.constant 384 : i32
      %dma_wait3A_30 = tpu.memref_slice %arg9[%dma_wait3A_29] : memref<512xf32, #tpu.memory_space<vmem>> -> memref<128xf32, #tpu.memory_space<vmem>>
      tpu.wait_dma2 semaphore(%run_scoped3A : memref<!tpu.dma_semaphore, #tpu.memory_space<semaphore_mem>>) src(%dma_wait3A_30 : memref<128xf32, #tpu.memory_space<vmem>>) dst(%dma_wait3A_28 : memref<128xf32, #tpu.memory_space<hbm>>)
      tpu.yield
    }) : () -> ()
    return
  }
}

</mosaic_0001>

<sc_bundles>
// kernel: kernel.3.cloned.1.call-start
scs
__scs_entry_jumppad:
0x0: {  	(pc) =	sbr.rel $0x88, $3  }
0x1: {  	(tag) =	ssettag $0x0;
	lr =	simm.s32 $0x1  }
0x2: {  	[smem:$0x3F9E] =	sst lr;
	_ =	strace $0xD0000000  }
0x3: {  	_ = 	snop  }
0x4: {  	_ = 	snop  }
0x5: {  	_ = 	snop  }
0x6: {  	_ = 	snop  }
0x7: {  	_ = 	snop  }
__scs_overlays_trampoline_lowered:
0x8: {  	[smem:$0x3FAD] =	sst s0  }
0x9: {  	[smem:$0x3FAE] =	sst s1  }
0xa: {  	[smem:$0x3FAF] =	sst s2  }
0xb: {  	[smem:$0x3FB0] =	sst s3  }
0xc: {  	[smem:$0x3FB1] =	sst s4  }
0xd: {  	[smem:$0x3FB2] =	sst s5  }
0xe: {  	[smem:$0x3FB3] =	sst s6  }
0xf: {  	[smem:$0x3FB4] =	sst s7  }
0x10: {  	[smem:$0x3FB5] =	sst s8  }
0x11: {  	[smem:$0x3FB6] =	sst s9;
	s0 =	simm.s32 @!p0 $0x0  }
0x12: {  	s1 =	sld [smem:$0x3F9C];
	s0 =	simm.s32 @p0 $0x1  }
0x13: {  	[smem:$0x3FB7] =	sst s0;
	s0 =	simm.s32 @!p1 $0x0  }
0x14: {  	s2 =	sld [smem:$0x3F9B];
	s0 =	simm.s32 @p1 $0x1  }
0x15: {  	[smem:$0x3FB8] =	sst s0;
	s0 =	simm.s32 @!p2 $0x0  }
0x16: {  	s3 =	sld [smem:$0x3FDB];
	s0 =	simm.s32 @p2 $0x1  }
0x17: {  	s4 =	simm.s32 $0x1BF5;
	[smem:$0x3FBA] =	sst s0  }
0x18: {  	s0 =	sld [smem:$0x3F9D];
	_ =	swait.ge [sflag:s4], $0x0  }
0x19: {  	s7 =	sld [smem:$0x3F9E]  }
0x1a: {  	s8 =	sadd.s32 $0xFFFFE003, lr  }
0x1b: {  	s9 =	sadd.s32 $0xFFFFFEF7, lr;
	s5 =	simm.s32 $0xFFFFFFFF;
	p2 =	slt.u32 s8, $0xFFFFF086  }
0x1c: {  	p1 =	slt.u32 s9, $0xF7A;
	s5 =	simm.s32 @!p2 $0x0  }
0x1d: {  	s5 =	simm.s32 @p1 $0x1;
	p0 =	seq.s32 s7, s2  }
0x1e: {  	s7 =	smul.u32 @!p0 $0xF7A, s2;
	p2 =	seq.s32 @!p0 s5, $0x0  }
0x1f: {  	s9 =	smul.u32 $0xF7A, s1;
	s8 =	simm.s32 @!p0 $0x1BF5;
	p2 =	por !p2, p0  }
0x20: {  	[sflag:s8] =	ssyncset.s32 @!p0 $0xFFFFF086;
	s6 =	sadd.s32 @!p0 s3, s7;
	s7 =	simm.s32 @!p0 $0x108  }
0x21: {  	s3 =	sadd.s32 s3, s9;
	s6 =	sadd.s32 @!p0 $0x88, s6;
	s7 =	simm.s32 @p2 $0x1082  }
0x22: {  	[simem:s7], [sflag:s8] =	dma.local @!p0 [hbm:s6], $0xF7A  }
0x23: {  	s9 =	sor.u32 $0xD0000000, s2;
	s6 =	simm.s32 $0x108;
	_ =	swait.ge @!p0 [sflag:s8], $0x0  }
0x24: {  	s3 =	sadd.s32 $0x88, s3;
	s6 =	simm.s32 @!p1 $0x1082;
	[sflag:s4] =	ssyncset.s32 $0xFFFFF086  }
0x25: {  	[simem:s6], [sflag:s4] =	dma.local [hbm:s3], $0xF7A  }
0x26: {  	[smem:$0x3F9E] =	sst s1;
	(tag) =	ssettag s2;
	_ =	strace s9  }
0x27: {  	s1 =	sld [smem:$0x3FAE]  }
0x28: {  	s2 =	sld [smem:$0x3FAF]  }
0x29: {  	s4 =	sld [smem:$0x3FB1]  }
0x2a: {  	p0 =	seq.s32 s5, $0x0;
	s5 =	sld [smem:$0x3FB2]  }
0x2b: {  	s6 =	sld [smem:$0x3FB3]  }
0x2c: {  	s7 =	sld [smem:$0x3FB4]  }
0x2d: {  	s3 =	simm.s32 $0x108;
	s8 =	sld [smem:$0x3FB5]  }
0x2e: {  	s3 =	simm.s32 @!p0 $0x1082;
	s9 =	sld [smem:$0x3FB6]  }
0x2f: {  	lr =	sadd.s32 s0, s3;
	s0 =	sld [smem:$0x3FAD]  }
0x30: {  	s3 =	sld [smem:$0x3FB0]  }
0x31: {  	[smem:$0x3FB9] =	sst s10  }
0x32: {  	s10 =	sld [smem:$0x3FB7];
	_ =	sdelay $0x3  }
0x33: {  	p0 =	seq.s32 s10, $0x1;
	s10 =	sld [smem:$0x3FB9];
	_ =	sdelay $0x3  }
0x34: {  	[smem:$0x3FB9] =	sst s10  }
0x35: {  	s10 =	sld [smem:$0x3FB8];
	_ =	sdelay $0x3  }
0x36: {  	p1 =	seq.s32 s10, $0x1;
	s10 =	sld [smem:$0x3FB9];
	_ =	sdelay $0x3  }
0x37: {  	[smem:$0x3FB9] =	sst s10  }
0x38: {  	s10 =	sld [smem:$0x3FBA]  }
0x39: {  	_ = 	snop;
	(pc) =	sbr.ind lr, $3  }
0x3a: {  	_ = 	snop  }
0x3b: {  	_ = 	snop  }
0x3c: {  	p2 =	seq.s32 s10, $0x1;
	s10 =	sld [smem:$0x3FB9]  }
0x3d: {  	_ =	shalt  }
0x3e: {  	_ =	shalt  }
0x3f: {  	_ =	shalt  }
0x40: {  	_ =	shalt  }
0x41: {  	_ =	shalt  }
0x42: {  	_ =	shalt  }
0x43: {  	_ =	shalt  }
0x44: {  	_ =	shalt  }
0x45: {  	_ =	shalt  }
0x46: {  	_ =	shalt  }
0x47: {  	_ =	shalt  }
0x48: {  	_ =	shalt  }
0x49: {  	_ =	shalt  }
0x4a: {  	_ =	shalt  }
0x4b: {  	_ =	shalt  }
0x4c: {  	_ =	shalt  }
0x4d: {  	_ =	shalt  }
0x4e: {  	_ =	shalt  }
0x4f: {  	_ =	shalt  }
0x50: {  	_ =	shalt  }
0x51: {  	_ =	shalt  }
0x52: {  	_ =	shalt  }
0x53: {  	_ =	shalt  }
0x54: {  	_ =	shalt  }
0x55: {  	_ =	shalt  }
0x56: {  	_ =	shalt  }
0x57: {  	_ =	shalt  }
0x58: {  	_ =	shalt  }
0x59: {  	_ =	shalt  }
0x5a: {  	_ =	shalt  }
0x5b: {  	_ =	shalt  }
0x5c: {  	_ =	shalt  }
0x5d: {  	_ =	shalt  }
0x5e: {  	_ =	shalt  }
0x5f: {  	_ =	shalt  }
0x60: {  	_ =	shalt  }
0x61: {  	_ =	shalt  }
0x62: {  	_ =	shalt  }
0x63: {  	_ =	shalt  }
0x64: {  	_ =	shalt  }
0x65: {  	_ =	shalt  }
0x66: {  	_ =	shalt  }
0x67: {  	_ =	shalt  }
0x68: {  	_ =	shalt  }
0x69: {  	_ =	shalt  }
0x6a: {  	_ =	shalt  }
0x6b: {  	_ =	shalt  }
0x6c: {  	_ =	shalt  }
0x6d: {  	_ =	shalt  }
0x6e: {  	_ =	shalt  }
0x6f: {  	_ =	shalt  }
0x70: {  	_ =	shalt  }
0x71: {  	_ =	shalt  }
0x72: {  	_ =	shalt  }
0x73: {  	_ =	shalt  }
0x74: {  	_ =	shalt  }
0x75: {  	_ =	shalt  }
0x76: {  	_ =	shalt  }
0x77: {  	_ =	shalt  }
0x78: {  	_ =	shalt  }
0x79: {  	_ =	shalt  }
0x7a: {  	_ =	shalt  }
0x7b: {  	_ =	shalt  }
0x7c: {  	_ =	shalt  }
0x7d: {  	_ =	shalt  }
0x7e: {  	_ =	shalt  }
0x7f: {  	_ =	shalt  }
0x80: {  	_ =	shalt  }
0x81: {  	_ =	shalt  }
0x82: {  	_ =	shalt  }
0x83: {  	_ =	shalt  }
0x84: {  	_ =	shalt  }
0x85: {  	_ =	shalt  }
0x86: {  	_ =	shalt  }
0x87: {  	_ =	shalt  }
.Lfunc_end0:
.L_simem_size_0:
called_computation_lowered:
.L_overlay_start_0:
0x88: {  	s2 =	sld [smem:$0x3FD9]  }
0x89: {  	s3 =	sld [smem:$0x3FFE];
	_ =	sdelay $0x1  }
0x8a: {  	s1 =	srdreg.scid  }
0x8b: {  	s0 =	sand.u32 $0x1, s1  }
0x8c: {  	s17 =	sshll.u32 s0, $0xA;
	s2 =	sadd.s32 s3, s2  }
0x8d: {  	s2 =	sadd.s32 s2, s17  }
0x8e: {  	[smem:$0x3FC5] =	sst s2  }
0x8f: {  	_ = 	snop  }
0x90: {  	s2 =	sld [smem:$0x3FC8]  }
0x91: {  	s18 =	sld [smem:$0x3FD0];
	(tm) =	ssettm $0x1  }
0x92: {  	s4 =	sld [smem:$0x3FFB];
	_ =	sdelay $0x3  }
0x93: {  	_ =	strace s4  }
0x94: {  	s4 =	sld [smem:$0x3FFC];
	_ =	sdelay $0x3  }
0x95: {  	_ =	strace s4  }
0x96: {  	s4 =	sld [smem:$0x3FFD];
	_ =	sdelay $0x3  }
0x97: {  	_ =	strace s4  }
0x98: {  	_ =	strace $0x8FFFFFFF  }
0x99: {  	s19 =	sld [smem:$0x3FDB];
	_ =	sdelay $0x1  }
0x9a: {  	s5 =	simm.s32 $_scs_section_size  }
0x9b: {  	s6 =	simm.s32 $_size__tile_overlayer_lowered;
	s7 =	simm.s32 $_tile_overlayer_lowered  }
0x9c: {  	s22 =	simm.s32 $0x1BFF;
	s21 =	sshll.u32 s7, $0x1;
	s4 =	sadd.s32 s5, s19  }
0x9d: {  	s8 =	simm.s32 $0x0;
	s20 =	sshll.u32 s6, $0x1;
	s6 =	sadd.s32 s21, s4  }
0x9e: {  	[timem:s8], [sflag:s22] =	dma.local [hbm:s6], s20  }
0x9f: {  	_ =	swait.ge [sflag:s22], s20  }
0xa0: {  	s5 =	ssub.s32 $0x0, s20;
	[sflag:s22] =	ssyncset.done $0x0  }
0xa1: {  	[sflag:s22] =	ssyncadd.s32 s5;
	_ =	sdelay $0x1  }
0xa2: {  	s23 =	simm.s32 $0x1B8B  }
0xa3: {  	_ =	swait.ge [sflag:s23], $0x1  }
0xa4: {  	[sflag:s23] =	ssyncset.done $0x0  }
0xa5: {  	s25 =	simm.s32 $0x1B8E;
	s24 =	sld [smem:$0x3FFE];
	[sflag:s23] =	ssyncadd.s32 $0xFFFFFFFF  }
0xa6: {  	s26 =	simm.s32 $execute0_lowered;
	[smem:$0x3FD2] =	sst s25  }
0xa7: {  	s6 =	sshll.u32 s26, $0x1;
	_ =	strace $0x80000046;
	[dreg:$0x1] =	wrdreg $0xFFFFFFFF  }
0xa8: {  	s28 =	simm.s32 $_size_execute0_lowered;
	s4 =	sadd.s32 s4, s6;
	[dreg:$0x0] =	wrdreg $0x0  }
0xa9: {  	s6 =	sshll.u32 s28, $0x1;
	[dreg:$0x2] =	wrdreg s4  }
0xaa: {  	[dreg:$0x3] =	wrdreg s6  }
0xab: {  	[dreg:$0x4] =	wrdreg $0xC0  }
0xac: {  	_ =	task [dreg:s8], $0x5FFFF  }
0xad: {  	[dreg:$0x1] =	wrdreg $0xFFFFFFFF  }
0xae: {  	[dreg:$0x0] =	wrdreg $0x60  }
0xaf: {  	[dreg:$0x2] =	wrdreg s18  }
0xb0: {  	[dreg:$0x3] =	wrdreg s2  }
0xb1: {  	[dreg:$0x4] =	wrdreg s24  }
0xb2: {  	[dreg:$0x5] =	wrdreg $0x9  }
0xb3: {  	_ =	task.clear_ibuf [dreg:s8], $0x6FFFF;
	_ =	strace $0x90000046  }
0xb4: {  	s29 =	simm.s32 $0x9;
	_ =	strace $0x80000048  }
0xb5: {  	_ =	swait.ge [sflag:s29], $0x1  }
0xb6: {  	[sflag:s29] =	ssyncadd.s32 $0xFFFFFFFF  }
0xb7: {  	_ =	strace $0x90000048  }
0xb8: {  	_ =	sfence  }
0xb9: {  	s30 =	sld [smem:$0x0];
	_ =	sdelay $0x2  }
0xba: {  	s31 =	sshll.u32 s1, $0xD;
	s1 =	sshrl.u32 s1, $0x2  }
0xbb: {  	s3 =	sand.u32 $0x4000, s31;
	s1 =	sadd.s32 s1, s30  }
0xbc: {  	s0 =	sor.u32 s3, s0;
	s1 =	sshll.u32 s1, $0x11  }
0xbd: {  	s0 =	sor.u32 s1, s0  }
0xbe: {  	s0 =	sadd.s32 $0x8F2B, s0  }
0xbf: {  	[sflag:s0] =	ssyncadd.remote.s32 $0x1  }
0xc0: {  	_ =	sfence.sel $0xFFFF  }
0xc1: {  	[dreg:$0x0] =	wrdreg $0xFFFFFFFF;
	(pc) =	sbr.abs _section_cstart, $3  }
0xc2: {  	[dreg:$0x1] =	wrdreg $0xFFFFFFFF  }
0xc3: {  	_ =	task.clear_ibuf [dreg:s8], $0x2FFFF;
	_ =	strace $0x9FFFFFFF  }
0xc4: {  	(tm) =	ssettm $0x7FFFFFFF  }
0xc5: {  	_ =	shalt  }
tec
execute0_lowered:
.L_overlay_start_1:
0x0: {  	(tag) =	ssettag $0x1  }
0x1: {  	s1 =	rddreg [dreg:$0x0]  }
0x2: {  	s2 =	rddreg [dreg:$0x1]  }
0x3: {  	s5 =	rddreg [dreg:$0x2];
	s3 =	srdreg.scid;
	v0 =	vlaneseq.u32  }
0x4: {  	s0 =	rddreg [dreg:$0x3];
	s4 =	simm.s32 $0x0;
	s13 =	simm.s32 $0x10000;
	v1 =	vmul.u32 $0x100, v0  }
0x5: {  	s14 =	simm.s32 $0x4000;
	s15 =	simm.s32 $0x18000;
	[smem:$0x7FF] =	sst s4;
	v11 =	vmul.u32 $0x600, v0  }
0x6: {  	s16 =	simm.s32 $0x18080;
	s6 =	sand.u32 $0x1, s3;
	_ =	strace $0x80000047;
	[tilespmem:$0x1FF80] =	vst v1  }
0x7: {  	s17 =	simm.s32 $0x18100;
	s3 =	stileid.u32;
	s7 =	sshll.u32 s6, $0x4;
	v63 =	vor.u32 $0x1000, v1;
	[tilespmem:$0x1FFB0] =	vst v11  }
0x8: {  	s18 =	simm.s32 $0x18180;
	s6 =	ssub.s32 $0x2, s6;
	s7 =	sor.u32 s3, s7;
	v35 =	vadd.s32 $0x6000, v11;
	[tilespmem:$0x1FF90] =	vst v63  }
0x9: {  	s19 =	simm.s32 $0x0;
	s10 =	sshrl.u32 s6, $0x1;
	v54 =	vadd.s32 $0x6001, v11;
	s8 =	sshll.u32 s7, $0xC;
	[tilespmem:$0x1FFA0] =	vst v35  }
0xa: {  	v56 =	vadd.s32 $0x6002, v11;
	s9 =	sshll.u32 s7, $0x4;
	s12 =	ssub.s32 s6, s10;
	[tilespmem:$0x1FFC0] =	vst v54;
	s8 =	sadd.s32 s8, s5  }
0xb: {  	v14 =	vor.u32 $0x1, v11;
	[tilespmem:$0x1FFD0] =	vst v56;
	s11 =	sadd.s32 s9, s5;
	s5 =	sshll.u32 s7, $0x7;
	s6 =	sadd.s32 $0x200600, s8  }
0xc: {  	v16 =	vor.u32 $0x2, v11;
	[tilespmem:$0x1FFE0] =	vst v14;
	s7 =	sadd.s32 $0x600, s11;
	s8 =	sadd.s32 $0x800, s11;
	s9 =	sadd.s32 $0xA00, s11  }
0xd: {  	[tilespmem:$0x1FFF0] =	vst v16;
	s10 =	sadd.s32 $0xC00, s11;
	s11 =	smax.u32 s12, $0x1;
	s12 =	simm.s32 $0x1  }
.LBB2_1:
0xe: {  	[tilespmem:s4], [sflag:$0x1] =	stream.linear.gather [hbm4b:s1+s4], $0x4000, $0x38;
	[tilespmem:$0x18200] =	vst v63  }
0xf: {  	_ =	swait.ge [sflag:s12], $0x4000  }
0x10: {  	[sflag:s12] =	ssyncset.done $0x0  }
0x11: {  	[sflag:s12] =	ssyncadd.s32 $0xFFFFC000  }
0x12: {  	[tilespmem:s13], [sflag:$0x1] =	stream.linear.gather [hbm4b:s6+s4], $0x8000, $0x38;
	[tilespmem:$0x18200] =	vst v63  }
0x13: {  	_ =	swait.ge [sflag:s12], $0x8000  }
0x14: {  	[sflag:s12] =	ssyncset.done $0x0  }
0x15: {  	s20 =	simm.s32 $0x0;
	[sflag:s12] =	ssyncadd.s32 $0xFFFF8000  }
.LBB2_2:
0x16: {  	s21 =	sshll.u32 s20, $0x5  }
0x17: {  	s22 =	sadd.s32 s5, s21  }
0x18: {  	s22 =	smul.u32 $0xC0, s22;
	_ =	sdelay $0x1  }
0x19: {  	s23 =	sadd.s32 s2, s22;
	s22 =	simm.s32 $0x0  }
0x1a: {  	[tilespmem:s14], [sflag:$0x1] =	stream.linear.gather [hbm4b:s23+s22], $0xC000, $0x38;
	[tilespmem:$0x18200] =	vst v63  }
0x1b: {  	_ =	swait.ge [sflag:s12], $0xC000  }
0x1c: {  	v0 =	vld [tilespmem:$0x1FF80];
	_ =	sdelay $0x2  }
0x1d: {  	v3 =	vmov s21  }
0x1e: {  	v3 =	vshll.u32 v3, $0x8  }
0x1f: {  	v31 =	vor.u32 v0, v3;
	v0 =	vld [tilespmem:$0x1FF90];
	_ =	sdelay $0x3  }
0x20: {  	s24 =	simm.s32 $0x3  }
0x21: {  	v32 =	vor.u32 v0, v3;
	v3 =	vadd.s32 s24, v11;
	_ =	sdelay $0x1  }
0x22: {  	v15 =	vadd.s32 s24, v35  }
0x23: {  	s25 =	simm.s32 $0x9;
	[sflag:s12] =	ssyncset.done $0x0  }
0x24: {  	v6 =	vmov s25;
	v9 =	vadd.s32 s25, v11;
	v10 =	vadd.s32 s25, v35;
	[sflag:s12] =	ssyncadd.s32 $0xFFFF4000  }
0x25: {  	v22 =	vand.u32 $0xFFF8, v9;
	v23 =	vand.u32 $0x5, v6;
	v25 =	vand.u32 $0x1FFF8, v10;
	v0 =	vld.idx.msk [tilespmem:v3+s14+$0x0], $0xffff  }
0x26: {  	v22 =	vor.u32 v23, v22;
	v23 =	vor.u32 v23, v25  }
0x27: {  	v15 =	vld.idx.msk [tilespmem:v15+s14+$0x0], $0xffff;
	_ =	sdelay $0x1  }
0x28: {  	s30 =	sand.u32 $0xF8, s22  }
0x29: {  	v8 =	vadd.s32 s25, v16;
	v3 =	vor.u32 s30, v31;
	v52 =	vand.u32 $0x7, v0  }
0x2a: {  	s23 =	simm.s32 $0x2000;
	v42 =	vld.idx.msk [tilespmem:v23+s14+$0x0], $0xffff;
	v23 =	vor.u32 v3, v52  }
0x2b: {  	s26 =	simm.s32 $0x6;
	s31 =	simm.s32 $0x0;
	v36 =	vld [tilespmem:s23+$0xFFFFE000];
	v57 =	vand.u32 $0x7, v15;
	v49 =	vor.u32 s30, v32  }
0x2c: {  	v51 =	vadd.s32 s26, v35;
	v38 =	vld.idx.msk [tilespmem:v22+s14+$0x0], $0xffff;
	v22 =	vadd.s32 s31, v35;
	v35 =	vor.u32 v49, v57  }
0x2d: {  	v58 =	vld [tilespmem:s23+$0x1000]  }
0x2e: {  	v8 =	vld.idx.msk [tilespmem:v8+s14+$0x0], $0xffff  }
0x2f: {  	v23 =	vld.idx.msk [tilespmem:v23+s13+$0x0], $0xffff  }
0x30: {  	v50 =	vld [tilespmem:s23+$0xFFFFF000]  }
0x31: {  	v34 =	vadd.s32 s31, v11;
	v60 =	vld.idx.msk [tilespmem:v35+s13+$0x0], $0xffff  }
0x32: {  	v25 =	vadd.s32 s26, v11;
	v41 =	vbroadcast v36, $0x8;
	v45 =	vbroadcast v58, $0x8  }
0x33: {  	v55 =	vld [tilespmem:s23+$0x0];
	v46 =	vand.u32 $0x7, v38;
	v11 =	vshll.u32 v8, $0x10;
	v8 =	vshrl.u32 v38, $0x3  }
0x34: {  	v46 =	vor.u32 v3, v46;
	v52 =	vand.u32 $0x7, v8;
	v8 =	vmul.f32 v23, v45;
	_ =	sdelay $0x1  }
0x35: {  	v43 =	vbroadcast v50, $0x8;
	[tilespmem:$0x1F7F0] =	vst v8;
	v8 =	vmul.f32 v60, v41  }
0x36: {  	v7 =	vadd.s32 s25, v14;
	v28 =	vmov s26;
	v2 =	vld [tilespmem:s23+$0xFFFFE010];
	v47 =	vand.u32 $0x7, v42  }
0x37: {  	v4 =	vld [tilespmem:s23+$0xFFFFF010];
	v44 =	vbroadcast v55, $0x8;
	v47 =	vor.u32 v49, v47;
	[tilespmem:$0x1F200] =	vst v8;
	v8 =	vmul.f32 v60, v43  }
0x38: {  	v28 =	vand.u32 $0x6, v28;
	v25 =	vand.u32 $0xFFF8, v25;
	[tilespmem:$0x1F1F0] =	vst v32;
	v46 =	vld.idx.msk [tilespmem:v46+s13+$0x0], $0xffff  }
0x39: {  	v5 =	vld [tilespmem:s23+$0x10];
	v32 =	vand.u32 $0x1FFF8, v51;
	v59 =	vshrl.u32 v0, $0x3;
	[tilespmem:$0x1F210] =	vst v8;
	v8 =	vmul.f32 v60, v44  }
0x3a: {  	v25 =	vor.u32 v28, v25;
	v24 =	vld [tilespmem:s23+$0x1010];
	v28 =	vor.u32 v28, v32;
	v32 =	vand.u32 $0x7, v59  }
0x3b: {  	v7 =	vld.idx.msk [tilespmem:v7+s14+$0x0], $0xffff;
	v12 =	vbroadcast v2, $0x8;
	v32 =	vor.u32 v3, v32;
	[tilespmem:$0x1F220] =	vst v8;
	v8 =	vmul.f32 v60, v45  }
0x3c: {  	v47 =	vld.idx.msk [tilespmem:v47+s13+$0x0], $0xffff  }
0x3d: {  	v13 =	vbroadcast v4, $0x8;
	[tilespmem:$0x1F230] =	vst v8;
	v8 =	vmul.f32 v46, v12;
	_ =	sdelay $0x1  }
0x3e: {  	v1 =	vbroadcast v5, $0x8;
	[tilespmem:$0x1F240] =	vst v8;
	v8 =	vmul.f32 v46, v13  }
0x3f: {  	v18 =	vbroadcast v24, $0x8;
	v48 =	vshll.u32 v7, $0x8;
	v32 =	vld.idx.msk [tilespmem:v32+s13+$0x0], $0xffff  }
0x40: {  	v7 =	vshrl.u32 v15, $0x3;
	[tilespmem:$0x1F250] =	vst v8;
	v8 =	vmul.f32 v46, v1;
	v1 =	vmul.f32 v47, v1  }
0x41: {  	v61 =	vand.u32 $0x7, v7  }
0x42: {  	v10 =	vbroadcast v36, $0x9;
	v7 =	vld.idx.msk [tilespmem:v25+s14+$0x0], $0xffff;
	v25 =	vor.u32 v49, v61;
	[tilespmem:$0x1F2A0] =	vst v1;
	v1 =	vmul.f32 v47, v18  }
0x43: {  	v6 =	vmul.f32 v23, v41  }
0x44: {  	v37 =	vbroadcast v50, $0x9;
	[tilespmem:$0x1F2B0] =	vst v1;
	v1 =	vmul.f32 v32, v10  }
0x45: {  	[tilespmem:$0x1F7C0] =	vst v6;
	v6 =	vmul.f32 v23, v43  }
0x46: {  	v39 =	vbroadcast v55, $0x9;
	[tilespmem:$0x1F800] =	vst v1;
	v1 =	vmul.f32 v32, v37  }
0x47: {  	v25 =	vld.idx.msk [tilespmem:v25+s13+$0x0], $0xffff;
	[tilespmem:$0x1F7D0] =	vst v6;
	v6 =	vmul.f32 v23, v44  }
0x48: {  	v40 =	vbroadcast v58, $0x9;
	[tilespmem:$0x1F840] =	vst v1;
	v1 =	vmul.f32 v32, v39  }
0x49: {  	[tilespmem:$0x1F7E0] =	vst v6  }
0x4a: {  	v6 =	vld.idx.msk [tilespmem:v28+s14+$0x0], $0xffff;
	v28 =	vor.u32 v3, v52;
	[tilespmem:$0x1F890] =	vst v1;
	v1 =	vmul.f32 v32, v40;
	_ =	sdelay $0x1  }
0x4b: {  	[tilespmem:$0x1F8C0] =	vst v1;
	v1 =	vmul.f32 v25, v10;
	_ =	sdelay $0x1  }
0x4c: {  	[tilespmem:$0x1F2C0] =	vst v1;
	v1 =	vmul.f32 v25, v37  }
0x4d: {  	v28 =	vld.idx.msk [tilespmem:v28+s13+$0x0], $0xffff  }
0x4e: {  	v51 =	vshrl.u32 v42, $0x3;
	[tilespmem:$0x1F2D0] =	vst v1;
	v1 =	vmul.f32 v25, v39  }
0x4f: {  	v23 =	vand.u32 $0x7, v51  }
0x50: {  	v17 =	vbroadcast v2, $0x9;
	v63 =	vor.u32 v49, v23;
	[tilespmem:$0x1F2E0] =	vst v1;
	v1 =	vmul.f32 v25, v40;
	_ =	sdelay $0x1  }
0x51: {  	v53 =	vbroadcast v4, $0x9;
	[tilespmem:$0x1F2F0] =	vst v1;
	v1 =	vmul.f32 v28, v17;
	_ =	sdelay $0x1  }
0x52: {  	v19 =	vbroadcast v5, $0x9;
	[tilespmem:$0x1F300] =	vst v1;
	v1 =	vmul.f32 v28, v53  }
0x53: {  	v52 =	vld.idx.msk [tilespmem:v63+s13+$0x0], $0xffff  }
0x54: {  	v20 =	vbroadcast v24, $0x9;
	[tilespmem:$0x1F310] =	vst v1;
	v1 =	vmul.f32 v28, v19  }
0x55: {  	v23 =	vand.u32 $0x7, v7  }
0x56: {  	v51 =	vor.u32 v3, v23;
	[tilespmem:$0x1F320] =	vst v1;
	v1 =	vmul.f32 v28, v20;
	_ =	sdelay $0x1  }
0x57: {  	v33 =	vmov s31;
	[tilespmem:$0x1F330] =	vst v1;
	v1 =	vmul.f32 v52, v17  }
0x58: {  	v34 =	vand.u32 $0xFFF8, v34;
	v33 =	vand.u32 $0x4, v33;
	[tilespmem:$0x1F260] =	vst v8;
	v8 =	vmul.f32 v46, v18  }
0x59: {  	v34 =	vor.u32 v33, v34;
	v22 =	vand.u32 $0x1FFF8, v22;
	[tilespmem:$0x1F340] =	vst v1;
	v1 =	vmul.f32 v52, v53  }
0x5a: {  	v22 =	vor.u32 v33, v22;
	v33 =	vld.idx.msk [tilespmem:v51+s13+$0x0], $0xffff;
	[tilespmem:$0x1F270] =	vst v8;
	v8 =	vmul.f32 v47, v12  }
0x5b: {  	[tilespmem:$0x1F350] =	vst v1;
	v1 =	vmul.f32 v52, v19  }
0x5c: {  	v21 =	vadd.s32 s25, v54;
	[tilespmem:$0x1F280] =	vst v8;
	v8 =	vmul.f32 v47, v13;
	v13 =	vand.u32 $0x7, v6  }
0x5d: {  	v29 =	vbroadcast v2, $0x0;
	v18 =	vor.u32 v49, v13;
	[tilespmem:$0x1F360] =	vst v1;
	v1 =	vmul.f32 v52, v20;
	_ =	sdelay $0x1  }
0x5e: {  	v9 =	vadd.s32 s25, v56;
	v30 =	vbroadcast v4, $0x0;
	[tilespmem:$0x1F370] =	vst v1;
	v1 =	vmul.f32 v33, v29  }
0x5f: {  	[tilespmem:$0x1F1E0] =	vst v31;
	v12 =	vld.idx.msk [tilespmem:v34+s14+$0x0], $0xffff  }
0x60: {  	v21 =	vld.idx.msk [tilespmem:v21+s14+$0x0], $0xffff;
	v31 =	vbroadcast v5, $0x0;
	[tilespmem:$0x1FD70] =	vst v1;
	v1 =	vmul.f32 v33, v30  }
0x61: {  	v18 =	vld.idx.msk [tilespmem:v18+s13+$0x0], $0xffff  }
0x62: {  	v27 =	vadd.s32 s26, v16;
	v13 =	vld.idx.msk [tilespmem:v22+s14+$0x0], $0xffff;
	v19 =	vbroadcast v24, $0x0;
	[tilespmem:$0x1FDB0] =	vst v1;
	v1 =	vmul.f32 v33, v31  }
0x63: {  	v26 =	vadd.s32 s26, v14;
	v62 =	vld.idx.msk [tilespmem:v9+s14+$0x0], $0xffff  }
0x64: {  	v25 =	vand.u32 $0x7, v12;
	[tilespmem:$0x1FDF0] =	vst v1;
	v1 =	vmul.f32 v33, v19  }
0x65: {  	v25 =	vor.u32 v3, v25  }
0x66: {  	[tilespmem:$0x1FE20] =	vst v1;
	v1 =	vmul.f32 v18, v29  }
0x67: {  	v27 =	vld.idx.msk [tilespmem:v27+s14+$0x0], $0xffff;
	v21 =	vshll.u32 v21, $0x8;
	v17 =	vand.u32 $0x7, v13  }
0x68: {  	v41 =	vshll.u32 v62, $0x10;
	v20 =	vld.idx.msk [tilespmem:v26+s14+$0x0], $0xffff;
	v26 =	vor.u32 v49, v17;
	[tilespmem:$0x1F380] =	vst v1;
	v1 =	vmul.f32 v18, v30  }
0x69: {  	v21 =	vor.u32 v41, v21;
	[tilespmem:$0x1F290] =	vst v8  }
0x6a: {  	v8 =	vor.u32 v42, v21;
	v21 =	vld.idx.msk [tilespmem:v25+s13+$0x0], $0xffff;
	[tilespmem:$0x1F390] =	vst v1;
	v1 =	vmul.f32 v18, v31;
	_ =	sdelay $0x1  }
0x6b: {  	[tilespmem:$0x1F3A0] =	vst v1;
	v1 =	vmul.f32 v18, v19  }
0x6c: {  	v18 =	vshll.u32 v20, $0x8;
	v20 =	vld.idx.msk [tilespmem:v26+s13+$0x0], $0xffff;
	v26 =	vshll.u32 v27, $0x10;
	v27 =	vbroadcast v36, $0x0;
	_ =	sdelay $0x1  }
0x6d: {  	v30 =	vbroadcast v50, $0x0;
	[tilespmem:$0x1F3B0] =	vst v1;
	v1 =	vmul.f32 v21, v27;
	_ =	sdelay $0x1  }
0x6e: {  	v31 =	vbroadcast v55, $0x0;
	[tilespmem:$0x1F5D0] =	vst v1;
	v1 =	vmul.f32 v21, v30;
	_ =	sdelay $0x1  }
0x6f: {  	v59 =	vbroadcast v58, $0x0;
	v29 =	vshrl.u32 v7, $0x3;
	[tilespmem:$0x1F5E0] =	vst v1;
	v1 =	vmul.f32 v21, v31  }
0x70: {  	v19 =	vand.u32 $0x7, v29  }
0x71: {  	v19 =	vor.u32 v3, v19;
	[tilespmem:$0x1F630] =	vst v1;
	v1 =	vmul.f32 v21, v59;
	_ =	sdelay $0x1  }
0x72: {  	[tilespmem:$0x1F650] =	vst v1;
	v1 =	vmul.f32 v20, v27;
	_ =	sdelay $0x1  }
0x73: {  	[tilespmem:$0x1F3C0] =	vst v1;
	v1 =	vmul.f32 v20, v30  }
0x74: {  	v19 =	vld.idx.msk [tilespmem:v19+s13+$0x0], $0xffff  }
0x75: {  	v29 =	vshrl.u32 v6, $0x3;
	[tilespmem:$0x1F3D0] =	vst v1;
	v1 =	vmul.f32 v20, v31  }
0x76: {  	v29 =	vand.u32 $0x7, v29  }
0x77: {  	v61 =	vbroadcast v2, $0x1;
	v60 =	vor.u32 v49, v29;
	[tilespmem:$0x1F3E0] =	vst v1;
	v1 =	vmul.f32 v20, v59;
	_ =	sdelay $0x1  }
0x78: {  	v63 =	vbroadcast v4, $0x1;
	v25 =	vadd.s32 s26, v54;
	[tilespmem:$0x1F3F0] =	vst v1;
	v1 =	vmul.f32 v19, v61  }
0x79: {  	v28 =	vadd.s32 s26, v56  }
0x7a: {  	v44 =	vbroadcast v5, $0x1;
	[tilespmem:$0x1FE60] =	vst v1;
	v1 =	vmul.f32 v19, v63  }
0x7b: {  	v30 =	vld.idx.msk [tilespmem:v60+s13+$0x0], $0xffff  }
0x7c: {  	v45 =	vbroadcast v24, $0x1;
	[tilespmem:$0x1FE90] =	vst v1;
	v1 =	vmul.f32 v19, v44  }
0x7d: {  	v25 =	vld.idx.msk [tilespmem:v25+s14+$0x0], $0xffff;
	v18 =	vor.u32 v26, v18;
	v26 =	vshrl.u32 v12, $0x3  }
0x7e: {  	v28 =	vld.idx.msk [tilespmem:v28+s14+$0x0], $0xffff;
	v26 =	vand.u32 $0x7, v26;
	[tilespmem:$0x1FEC0] =	vst v1;
	v1 =	vmul.f32 v19, v45  }
0x7f: {  	v26 =	vor.u32 v3, v26;
	v31 =	vshrl.u32 v13, $0x3  }
0x80: {  	v31 =	vand.u32 $0x7, v31;
	[tilespmem:$0x1FF00] =	vst v1;
	v1 =	vmul.f32 v30, v61  }
0x81: {  	v31 =	vor.u32 v49, v31  }
0x82: {  	[tilespmem:$0x1F400] =	vst v1;
	v1 =	vmul.f32 v30, v63  }
0x83: {  	v25 =	vshll.u32 v25, $0x8;
	v28 =	vshll.u32 v28, $0x10  }
0x84: {  	v28 =	vor.u32 v28, v25;
	v25 =	vld.idx.msk [tilespmem:v26+s13+$0x0], $0xffff;
	[tilespmem:$0x1F410] =	vst v1;
	v1 =	vmul.f32 v30, v44;
	_ =	sdelay $0x1  }
0x85: {  	[tilespmem:$0x1F420] =	vst v1;
	v1 =	vmul.f32 v30, v45;
	v30 =	vld.idx.msk [tilespmem:v31+s13+$0x0], $0xffff  }
0x86: {  	v26 =	vadd.s32 s31, v54;
	v27 =	vadd.s32 s24, v54;
	v54 =	vbroadcast v58, $0x1;
	_ =	sdelay $0x1  }
0x87: {  	v51 =	vbroadcast v36, $0x1;
	[tilespmem:$0x1F430] =	vst v1;
	v1 =	vmul.f32 v25, v54;
	_ =	sdelay $0x1  }
0x88: {  	v52 =	vbroadcast v50, $0x1;
	[tilespmem:$0x1F660] =	vst v1;
	v1 =	vmul.f32 v30, v51;
	_ =	sdelay $0x1  }
0x89: {  	v53 =	vbroadcast v55, $0x1;
	[tilespmem:$0x1F440] =	vst v1;
	v1 =	vmul.f32 v30, v52;
	_ =	sdelay $0x1  }
0x8a: {  	[tilespmem:$0x1F450] =	vst v1;
	v1 =	vmul.f32 v30, v53;
	_ =	sdelay $0x1  }
0x8b: {  	[tilespmem:$0x1F460] =	vst v1;
	v1 =	vmul.f32 v30, v54;
	_ =	sdelay $0x1  }
0x8c: {  	v21 =	vadd.s32 s24, v14;
	[tilespmem:$0x1F470] =	vst v1;
	v1 =	vbroadcast v2, $0xE  }
0x8d: {  	v20 =	vadd.s32 s24, v16  }
0x8e: {  	[tilespmem:$0x1F970] =	vst v1;
	v1 =	vbroadcast v2, $0xD;
	_ =	sdelay $0x1  }
0x8f: {  	v62 =	vadd.s32 s24, v56;
	[tilespmem:$0x1FA70] =	vst v1;
	v1 =	vbroadcast v2, $0xC  }
0x90: {  	v57 =	vor.u32 v11, v48;
	v46 =	vadd.s32 s31, v14;
	v47 =	vadd.s32 s31, v16;
	v21 =	vld.idx.msk [tilespmem:v21+s14+$0x0], $0xffff  }
0x91: {  	v39 =	vbroadcast v2, $0xF;
	v17 =	vor.u32 v38, v57;
	v20 =	vld.idx.msk [tilespmem:v20+s14+$0x0], $0xffff;
	[tilespmem:$0x1FBE0] =	vst v1;
	v1 =	vbroadcast v2, $0xB  }
0x92: {  	v34 =	vor.u32 v6, v28;
	v33 =	vbroadcast v4, $0xB;
	v7 =	vor.u32 v7, v18;
	v26 =	vld.idx.msk [tilespmem:v26+s14+$0x0], $0xffff  }
0x93: {  	v29 =	vbroadcast v4, $0xF;
	v18 =	vshrl.u32 v17, $0xC;
	v27 =	vld.idx.msk [tilespmem:v27+s14+$0x0], $0xffff;
	[tilespmem:$0x1FA00] =	vst v1;
	v1 =	vbroadcast v2, $0xA  }
0x94: {  	v18 =	vand.u32 $0x7, v18;
	v32 =	vshrl.u32 v7, $0x12;
	v40 =	vshrl.u32 v7, $0xC;
	v19 =	vld.idx.msk [tilespmem:v62+s14+$0x0], $0xffff  }
0x95: {  	v41 =	vshrl.u32 v7, $0xF;
	v38 =	vshrl.u32 v7, $0x9;
	[tilespmem:$0x1F8D0] =	vst v1;
	v1 =	vbroadcast v2, $0x7  }
0x96: {  	v38 =	vand.u32 $0x7, v38;
	v21 =	vshll.u32 v21, $0x8;
	v20 =	vshll.u32 v20, $0x10  }
0x97: {  	v59 =	vmul.f32 v25, v53;
	v20 =	vor.u32 v20, v21;
	v21 =	vld.idx.msk [tilespmem:v47+s14+$0x0], $0xffff;
	[tilespmem:$0x1FD90] =	vst v1;
	v1 =	vbroadcast v2, $0x6  }
0x98: {  	v26 =	vshll.u32 v26, $0x8;
	v27 =	vshll.u32 v27, $0x8;
	v61 =	vmul.f32 v25, v51  }
0x99: {  	v48 =	vld.idx.msk [tilespmem:v46+s14+$0x0], $0xffff;
	v47 =	vmul.f32 v25, v52;
	v19 =	vshll.u32 v19, $0x10;
	[tilespmem:$0x1FE40] =	vst v1;
	v1 =	vbroadcast v2, $0x4  }
0x9a: {  	v63 =	vor.u32 v19, v27;
	v27 =	vbroadcast v2, $0x5;
	v31 =	vadd.s32 s31, v56  }
0x9b: {  	v43 =	vor.u32 v15, v63;
	v15 =	vshrl.u32 v17, $0x12;
	[tilespmem:$0x1FAF0] =	vst v1;
	v1 =	vbroadcast v2, $0x3  }
0x9c: {  	v21 =	vshll.u32 v21, $0x10;
	v15 =	vand.u32 $0x7, v15;
	v56 =	vbroadcast v5, $0x6  }
0x9d: {  	[tilespmem:$0x1FF20] =	vst v1;
	v1 =	vbroadcast v2, $0x2;
	v2 =	vor.u32 v0, v20;
	v0 =	vbroadcast v4, $0xD  }
0x9e: {  	v11 =	vshrl.u32 v43, $0x15;
	v14 =	vshrl.u32 v43, $0xF;
	v25 =	vshll.u32 v48, $0x8  }
0x9f: {  	v9 =	vshrl.u32 v43, $0xC;
	v21 =	vor.u32 v21, v25;
	v31 =	vld.idx.msk [tilespmem:v31+s14+$0x0], $0xffff;
	[tilespmem:$0x1FA90] =	vst v0;
	v0 =	vbroadcast v4, $0xC  }
0xa0: {  	v12 =	vor.u32 v12, v21;
	v21 =	vshrl.u32 v7, $0x15;
	v7 =	vshrl.u32 v7, $0x6  }
0xa1: {  	v57 =	vshrl.u32 v12, $0x15;
	v60 =	vshrl.u32 v12, $0xF;
	[tilespmem:$0x1FC00] =	vst v0;
	v0 =	vbroadcast v4, $0xA  }
0xa2: {  	v62 =	vshrl.u32 v12, $0x9;
	v63 =	vshrl.u32 v12, $0xC;
	v7 =	vand.u32 $0x7, v7  }
0xa3: {  	v60 =	vand.u32 $0x7, v60;
	v63 =	vand.u32 $0x7, v63;
	[tilespmem:$0x1F960] =	vst v0;
	v0 =	vbroadcast v4, $0x7  }
0xa4: {  	v62 =	vand.u32 $0x7, v62;
	v52 =	vbroadcast v4, $0xE;
	v31 =	vshll.u32 v31, $0x10  }
0xa5: {  	v37 =	vor.u32 v31, v26;
	v30 =	vbroadcast v5, $0xD;
	[tilespmem:$0x1FDA0] =	vst v0;
	v0 =	vbroadcast v4, $0x6  }
0xa6: {  	v26 =	vbroadcast v5, $0xB;
	v45 =	vor.u32 v13, v37;
	v13 =	vshrl.u32 v17, $0xF  }
0xa7: {  	v37 =	vshrl.u32 v12, $0x12;
	v20 =	vshrl.u32 v17, $0x6;
	[tilespmem:$0x1FE50] =	vst v0;
	v0 =	vbroadcast v4, $0x5  }
0xa8: {  	v12 =	vshrl.u32 v12, $0x6;
	v13 =	vand.u32 $0x7, v13;
	v20 =	vand.u32 $0x7, v20  }
0xa9: {  	v44 =	vshrl.u32 v2, $0x12;
	v46 =	vshrl.u32 v2, $0x15;
	[tilespmem:$0x1FF10] =	vst v0;
	v0 =	vbroadcast v4, $0x4  }
0xaa: {  	v35 =	vshrl.u32 v2, $0xF;
	v53 =	vshrl.u32 v2, $0x9;
	v51 =	vshrl.u32 v2, $0xC  }
0xab: {  	v2 =	vshrl.u32 v2, $0x6;
	v44 =	vand.u32 $0x7, v44;
	[tilespmem:$0x1F900] =	vst v0;
	v0 =	vbroadcast v4, $0x3  }
0xac: {  	v35 =	vand.u32 $0x7, v35;
	v54 =	vand.u32 $0x7, v51;
	v53 =	vand.u32 $0x7, v53  }
0xad: {  	v6 =	vand.u32 $0x7, v2;
	[tilespmem:$0x1FF30] =	vst v0;
	v0 =	vbroadcast v4, $0x2;
	v4 =	vshrl.u32 v17, $0x15  }
0xae: {  	[tilespmem:$0x1FEE0] =	vst v1;
	v1 =	vand.u32 $0x7, v37;
	v2 =	vand.u32 $0x7, v12;
	v4 =	vand.u32 $0x7, v4  }
0xaf: {  	v51 =	vbroadcast v5, $0xA;
	v22 =	vor.u32 v3, v1;
	[tilespmem:$0x1FEF0] =	vst v0;
	v0 =	vor.u32 v3, v4  }
0xb0: {  	v48 =	vor.u32 v3, v6;
	v4 =	vand.u32 $0x7, v21;
	[tilespmem:$0x1F7B0] =	vst v0;
	v0 =	vor.u32 v3, v13  }
0xb1: {  	v1 =	vshrl.u32 v8, $0x15;
	v6 =	vshrl.u32 v8, $0x9;
	v4 =	vor.u32 v3, v4;
	[tilespmem:$0x1F920] =	vst v0  }
0xb2: {  	v6 =	vand.u32 $0x7, v6;
	v17 =	vshrl.u32 v17, $0x9;
	v0 =	vor.u32 v3, v15;
	[tilespmem:$0x1FCB0] =	vst v4  }
0xb3: {  	v17 =	vand.u32 $0x7, v17;
	v21 =	vor.u32 v3, v63;
	[tilespmem:$0x1F810] =	vst v0;
	v0 =	vor.u32 v3, v18  }
0xb4: {  	v13 =	vand.u32 $0x7, v41;
	v41 =	vor.u32 v3, v60;
	[tilespmem:$0x1FAC0] =	vst v0;
	v0 =	vor.u32 v3, v20  }
0xb5: {  	v60 =	vor.u32 v3, v62;
	[tilespmem:$0x1FC80] =	vst v0;
	v0 =	vor.u32 v3, v17;
	v17 =	vand.u32 $0x7, v32  }
0xb6: {  	v62 =	vor.u32 v3, v53;
	v53 =	vshrl.u32 v34, $0x12;
	[tilespmem:$0x1FBA0] =	vst v0;
	v4 =	vor.u32 v3, v17  }
0xb7: {  	v18 =	vand.u32 $0x7, v40;
	v0 =	vand.u32 $0x7, v57;
	[tilespmem:$0x1FD10] =	vst v4;
	v4 =	vor.u32 v3, v13  }
0xb8: {  	v25 =	vor.u32 v3, v0;
	v0 =	vbroadcast v5, $0x5;
	[tilespmem:$0x1FEA0] =	vst v4;
	v4 =	vor.u32 v3, v18  }
0xb9: {  	v15 =	vand.u32 $0x7, v1;
	v1 =	vshrl.u32 v43, $0x12;
	v40 =	vbroadcast v5, $0x2;
	[tilespmem:$0x1FED0] =	vst v4  }
0xba: {  	v20 =	vbroadcast v5, $0xC;
	v32 =	vand.u32 $0x7, v46;
	v4 =	vor.u32 v3, v38;
	[tilespmem:$0x1F480] =	vst v0  }
0xbb: {  	v46 =	vor.u32 v3, v2;
	v0 =	vbroadcast v5, $0x4;
	[tilespmem:$0x1FE30] =	vst v4;
	v4 =	vor.u32 v3, v7  }
0xbc: {  	v2 =	vshrl.u32 v8, $0x12;
	v57 =	vbroadcast v5, $0xE;
	v13 =	vshrl.u32 v43, $0x6;
	[tilespmem:$0x1FDE0] =	vst v4  }
0xbd: {  	v4 =	vor.u32 v3, v32;
	v32 =	vbroadcast v5, $0x7;
	[tilespmem:$0x1F490] =	vst v0;
	v0 =	vbroadcast v5, $0x3  }
0xbe: {  	[tilespmem:$0x1FBD0] =	vst v4;
	v4 =	vor.u32 v3, v44;
	v44 =	vbroadcast v5, $0xF;
	v5 =	vshrl.u32 v8, $0xF  }
0xbf: {  	v38 =	vshrl.u32 v34, $0xF;
	[tilespmem:$0x1FB30] =	vst v4;
	v4 =	vor.u32 v3, v35;
	v19 =	vand.u32 $0x7, v5  }
0xc0: {  	[tilespmem:$0x1FA50] =	vst v4;
	v4 =	vor.u32 v3, v54;
	v3 =	vshrl.u32 v8, $0xC;
	v8 =	vshrl.u32 v8, $0x6  }
0xc1: {  	[tilespmem:$0x1FF40] =	vst v0;
	v0 =	vshrl.u32 v34, $0xC;
	v3 =	vand.u32 $0x7, v3;
	v18 =	vand.u32 $0x7, v8  }
0xc2: {  	[tilespmem:$0x1F950] =	vst v4;
	v42 =	vor.u32 v49, v3;
	v3 =	vor.u32 v49, v6;
	v6 =	vor.u32 v49, v18  }
0xc3: {  	v4 =	vshrl.u32 v43, $0x9;
	v43 =	vor.u32 v49, v19;
	[tilespmem:$0x1F4B0] =	vst v6;
	v6 =	vand.u32 $0x7, v53  }
0xc4: {  	v19 =	vand.u32 $0x7, v38;
	v18 =	vand.u32 $0x7, v0;
	v0 =	vor.u32 v49, v6  }
0xc5: {  	v37 =	vshrl.u32 v34, $0x15;
	v17 =	vshrl.u32 v34, $0x9;
	[tilespmem:$0x1FD80] =	vst v0;
	v0 =	vor.u32 v49, v19  }
0xc6: {  	v17 =	vand.u32 $0x7, v17;
	v34 =	vshrl.u32 v34, $0x6;
	[tilespmem:$0x1FF50] =	vst v0;
	v0 =	vor.u32 v49, v18  }
0xc7: {  	v34 =	vand.u32 $0x7, v34;
	[tilespmem:$0x1F4C0] =	vst v0;
	v0 =	vor.u32 v49, v17  }
0xc8: {  	v11 =	vand.u32 $0x7, v11;
	[tilespmem:$0x1F4D0] =	vst v0;
	v0 =	vor.u32 v49, v34  }
0xc9: {  	v1 =	vand.u32 $0x7, v1;
	[tilespmem:$0x1F4E0] =	vst v0;
	v0 =	vor.u32 v49, v11  }
0xca: {  	v14 =	vand.u32 $0x7, v14;
	[tilespmem:$0x1F4F0] =	vst v0;
	v0 =	vor.u32 v49, v1  }
0xcb: {  	v9 =	vand.u32 $0x7, v9;
	[tilespmem:$0x1F500] =	vst v0;
	v0 =	vor.u32 v49, v14  }
0xcc: {  	v4 =	vand.u32 $0x7, v4;
	[tilespmem:$0x1F510] =	vst v0;
	v0 =	vor.u32 v49, v9  }
0xcd: {  	v13 =	vand.u32 $0x7, v13;
	v8 =	vshrl.u32 v45, $0x15;
	[tilespmem:$0x1F520] =	vst v0;
	v0 =	vor.u32 v49, v4  }
0xce: {  	v5 =	vshrl.u32 v45, $0x12;
	v8 =	vand.u32 $0x7, v8;
	[tilespmem:$0x1F530] =	vst v0;
	v0 =	vor.u32 v49, v13  }
0xcf: {  	v12 =	vshrl.u32 v45, $0xF;
	v5 =	vand.u32 $0x7, v5;
	[tilespmem:$0x1F540] =	vst v0;
	v0 =	vor.u32 v49, v8  }
0xd0: {  	v10 =	vshrl.u32 v45, $0xC;
	v12 =	vand.u32 $0x7, v12;
	[tilespmem:$0x1F550] =	vst v0;
	v0 =	vor.u32 v49, v5  }
0xd1: {  	v10 =	vand.u32 $0x7, v10;
	v7 =	vshrl.u32 v45, $0x9;
	[tilespmem:$0x1F560] =	vst v0;
	v0 =	vor.u32 v49, v12  }
0xd2: {  	v16 =	vshrl.u32 v45, $0x6;
	v7 =	vand.u32 $0x7, v7;
	[tilespmem:$0x1F570] =	vst v0;
	v0 =	vor.u32 v49, v10  }
0xd3: {  	v16 =	vand.u32 $0x7, v16;
	[tilespmem:$0x1F580] =	vst v0;
	v0 =	vor.u32 v49, v7  }
0xd4: {  	[tilespmem:$0x1F590] =	vst v0;
	v0 =	vor.u32 v49, v16  }
0xd5: {  	[tilespmem:$0x1F5A0] =	vst v0;
	v0 =	vld [tilespmem:$0x1F5D0]  }
0xd6: {  	v4 =	vbroadcast v24, $0x5;
	_ =	sdelay $0x1  }
0xd7: {  	[tilespmem:$0x1F5B0] =	vst v4;
	v4 =	vbroadcast v24, $0x4  }
0xd8: {  	v12 =	vimm.f32 $0.0e+00  }
0xd9: {  	[tilespmem:$0x1F5C0] =	vst v4;
	v4 =	vadd.f32 v0, v12;
	v0 =	vld [tilespmem:$0x1F5E0]  }
0xda: {  	v1 =	vld.idx.msk [tilespmem:v46+s13+$0x0], $0xffff  }
0xdb: {  	v2 =	vand.u32 $0x7, v2  }
0xdc: {  	v45 =	vor.u32 v49, v2;
	[tilespmem:$0x1F4A0] =	vst v3;
	v3 =	vand.u32 $0x7, v37  }
0xdd: {  	v53 =	vor.u32 v49, v3;
	v3 =	vbroadcast v55, $0x2;
	v7 =	vbroadcast v36, $0x2  }
0xde: {  	v2 =	vbroadcast v50, $0x2;
	v5 =	vadd.f32 v0, v12;
	v0 =	vbroadcast v58, $0x2  }
0xdf: {  	v8 =	vmul.f32 v1, v3;
	[tilespmem:$0x1F5F0] =	vst v7;
	v6 =	vmul.f32 v1, v7  }
0xe0: {  	v7 =	vmul.f32 v1, v2;
	[tilespmem:$0x1F620] =	vst v0;
	v1 =	vmul.f32 v1, v0;
	v0 =	vld [tilespmem:$0x1F630];
	_ =	sdelay $0x4  }
0xe1: {  	v9 =	vadd.f32 v0, v12;
	v0 =	vld [tilespmem:$0x1F650];
	_ =	sdelay $0x3  }
0xe2: {  	v23 =	vbroadcast v36, $0x3;
	v11 =	vimm.f32 $0.0e+00;
	v10 =	vld.idx.msk [tilespmem:v60+s13+$0x0], $0xffff  }
0xe3: {  	v28 =	vbroadcast v24, $0xA;
	v35 =	vbroadcast v24, $0xC;
	[tilespmem:$0x1F640] =	vst v11;
	v11 =	vadd.f32 v0, v12;
	v0 =	vld [tilespmem:$0x1F660]  }
0xe4: {  	v38 =	vbroadcast v24, $0x2;
	v37 =	vbroadcast v24, $0xB;
	v4 =	vadd.f32 v61, v4  }
0xe5: {  	[tilespmem:$0x1F610] =	vst v3;
	v3 =	vbroadcast v36, $0x5;
	v5 =	vadd.f32 v47, v5;
	v9 =	vadd.f32 v59, v9  }
0xe6: {  	[tilespmem:$0x1F600] =	vst v2;
	v16 =	vbroadcast v50, $0x3;
	v2 =	vbroadcast v55, $0x3;
	v4 =	vadd.f32 v6, v4  }
0xe7: {  	v6 =	vld.idx.msk [tilespmem:v21+s13+$0x0], $0xffff;
	v5 =	vadd.f32 v7, v5;
	v7 =	vadd.f32 v8, v9;
	v8 =	vmul.f32 v10, v23  }
0xe8: {  	[tilespmem:$0x1F680] =	vst v16;
	v9 =	vmul.f32 v10, v16;
	v16 =	vbroadcast v50, $0x4;
	v11 =	vadd.f32 v0, v11  }
0xe9: {  	v12 =	vbroadcast v36, $0x6;
	v4 =	vadd.f32 v8, v4;
	v0 =	vbroadcast v58, $0x3  }
0xea: {  	[tilespmem:$0x1F690] =	vst v2;
	v8 =	vmul.f32 v10, v2;
	v1 =	vadd.f32 v1, v11;
	v11 =	vbroadcast v36, $0x4  }
0xeb: {  	v5 =	vadd.f32 v9, v5;
	v9 =	vld.idx.msk [tilespmem:v41+s13+$0x0], $0xffff;
	v2 =	vbroadcast v55, $0x4;
	[tilespmem:$0x1F6C0] =	vst v16;
	v10 =	vmul.f32 v10, v0  }
0xec: {  	v7 =	vadd.f32 v8, v7;
	[tilespmem:$0x1F6A0] =	vst v0;
	v0 =	vbroadcast v58, $0x4;
	v8 =	vmul.f32 v6, v11  }
0xed: {  	[tilespmem:$0x1F6B0] =	vst v11;
	v1 =	vadd.f32 v10, v1;
	v10 =	vmul.f32 v6, v16;
	v11 =	vmul.f32 v6, v2  }
0xee: {  	[tilespmem:$0x1F6D0] =	vst v2;
	v6 =	vmul.f32 v6, v0;
	v16 =	vbroadcast v50, $0x5;
	v4 =	vadd.f32 v8, v4;
	v8 =	vld.idx.msk [tilespmem:v22+s13+$0x0], $0xffff  }
0xef: {  	[tilespmem:$0x1F6E0] =	vst v0;
	v2 =	vbroadcast v55, $0x5;
	v0 =	vbroadcast v58, $0x5;
	v5 =	vadd.f32 v10, v5  }
0xf0: {  	v7 =	vadd.f32 v11, v7;
	v10 =	vmul.f32 v9, v3;
	v11 =	vmul.f32 v9, v16  }
0xf1: {  	[tilespmem:$0x1F6F0] =	vst v3;
	v1 =	vadd.f32 v6, v1;
	v6 =	vmul.f32 v9, v2;
	v9 =	vmul.f32 v9, v0  }
0xf2: {  	[tilespmem:$0x1F710] =	vst v2;
	v2 =	vbroadcast v50, $0x6;
	v3 =	vbroadcast v55, $0x6;
	v4 =	vadd.f32 v10, v4;
	v10 =	vld.idx.msk [tilespmem:v25+s13+$0x0], $0xffff  }
0xf3: {  	[tilespmem:$0x1F720] =	vst v0;
	v0 =	vbroadcast v58, $0x6;
	v5 =	vadd.f32 v11, v5;
	v11 =	vmul.f32 v8, v12  }
0xf4: {  	[tilespmem:$0x1F730] =	vst v12;
	v6 =	vadd.f32 v6, v7;
	v7 =	vmul.f32 v8, v2;
	v12 =	vmul.f32 v8, v3  }
0xf5: {  	v1 =	vadd.f32 v9, v1;
	[tilespmem:$0x1F760] =	vst v0;
	v8 =	vmul.f32 v8, v0;
	v0 =	vbroadcast v50, $0x7  }
0xf6: {  	v18 =	vbroadcast v24, $0xF;
	v34 =	vbroadcast v24, $0x7  }
0xf7: {  	v46 =	vbroadcast v24, $0x6;
	v1 =	vadd.f32 v8, v1;
	[tilespmem:$0x1F780] =	vst v0;
	v8 =	vmul.f32 v10, v0;
	v0 =	vld [tilespmem:$0x1F7B0]  }
0xf8: {  	v14 =	vbroadcast v24, $0xE;
	v13 =	vbroadcast v24, $0xD  }
0xf9: {  	v15 =	vor.u32 v49, v15;
	v49 =	vbroadcast v24, $0x3;
	v24 =	vmovc v27;
	v27 =	vbroadcast v36, $0x7  }
0xfa: {  	v4 =	vadd.f32 v11, v4  }
0xfb: {  	v5 =	vadd.f32 v7, v5;
	v11 =	vbroadcast v55, $0x7;
	v7 =	vmul.f32 v10, v27;
	_ =	sdelay $0x1  }
0xfc: {  	v6 =	vadd.f32 v12, v6;
	v4 =	vadd.f32 v7, v4;
	v7 =	vmul.f32 v10, v11;
	_ =	sdelay $0x1  }
0xfd: {  	v6 =	vadd.f32 v7, v6;
	v7 =	vld.idx.msk [tilespmem:v0+s13+$0x0], $0xffff;
	_ =	sdelay $0x2  }
0xfe: {  	v9 =	vbroadcast v58, $0x7;
	_ =	sdelay $0x1  }
0xff: {  	v5 =	vadd.f32 v8, v5;
	v8 =	vmul.f32 v10, v9;
	v10 =	vmul.f32 v7, v39;
	_ =	sdelay $0x1  }
0x100: {  	v1 =	vadd.f32 v8, v1;
	v8 =	vld [tilespmem:$0x1F7D0];
	[tilespmem:$0x1F820] =	vst v10;
	v10 =	vmul.f32 v7, v29  }
0x101: {  	[tilespmem:$0x1F7A0] =	vst v9;
	v9 =	vld [tilespmem:$0x1F7E0]  }
0x102: {  	[tilespmem:$0x1F830] =	vst v10;
	v10 =	vld [tilespmem:$0x1F840]  }
0x103: {  	v0 =	vld [tilespmem:$0x1F7C0];
	_ =	sdelay $0x1  }
0x104: {  	v5 =	vadd.f32 v8, v5;
	_ =	sdelay $0x1  }
0x105: {  	v6 =	vadd.f32 v9, v6;
	v9 =	vld [tilespmem:$0x1F7F0];
	v5 =	vadd.f32 v10, v5;
	v10 =	vmul.f32 v7, v44  }
0x106: {  	v4 =	vadd.f32 v0, v4;
	v0 =	vld.idx.msk [tilespmem:v15+s13+$0x0], $0xffff  }
0x107: {  	[tilespmem:$0x1F860] =	vst v10;
	v10 =	vld [tilespmem:$0x1F890];
	_ =	sdelay $0x3  }
0x108: {  	v1 =	vadd.f32 v9, v1  }
0x109: {  	v9 =	vld [tilespmem:$0x1F800];
	[tilespmem:$0x1F8E0] =	vst v0;
	v6 =	vadd.f32 v10, v6;
	v10 =	vmul.f32 v0, v39;
	v0 =	vmul.f32 v0, v29;
	_ =	sdelay $0x1  }
0x10a: {  	[tilespmem:$0x1F8F0] =	vst v0;
	v0 =	vld [tilespmem:$0x1F920]  }
0x10b: {  	v8 =	vld.idx.msk [tilespmem:v48+s13+$0x0], $0xffff;
	_ =	sdelay $0x1  }
0x10c: {  	v4 =	vadd.f32 v9, v4;
	v9 =	vld [tilespmem:$0x1F810]  }
0x10d: {  	v54 =	vbroadcast v36, $0xA;
	_ =	sdelay $0x1  }
0x10e: {  	[tilespmem:$0x1F8A0] =	vst v10;
	v10 =	vmul.f32 v8, v54;
	_ =	sdelay $0x1  }
0x10f: {  	v4 =	vadd.f32 v10, v4;
	v10 =	vld.idx.msk [tilespmem:v0+s13+$0x0], $0xffff  }
0x110: {  	v0 =	vld [tilespmem:$0x1F950];
	_ =	sdelay $0x1  }
0x111: {  	v9 =	vld.idx.msk [tilespmem:v9+s13+$0x0], $0xffff  }
0x112: {  	[tilespmem:$0x1F8B0] =	vst v54;
	v54 =	vld [tilespmem:$0x1F970]  }
0x113: {  	[tilespmem:$0x1F790] =	vst v11;
	v11 =	vbroadcast v50, $0xA  }
0x114: {  	[tilespmem:$0x1F870] =	vst v18  }
0x115: {  	[tilespmem:$0x1F910] =	vst v11;
	v11 =	vmul.f32 v8, v11;
	v7 =	vmul.f32 v7, v18;
	v18 =	vld [tilespmem:$0x1F8C0];
	_ =	sdelay $0x1  }
0x116: {  	v5 =	vadd.f32 v11, v5;
	v11 =	vld.idx.msk [tilespmem:v0+s13+$0x0], $0xffff;
	v0 =	vmul.f32 v9, v54;
	_ =	sdelay $0x1  }
0x117: {  	[tilespmem:$0x1F980] =	vst v0;
	v0 =	vmul.f32 v9, v52  }
0x118: {  	v1 =	vadd.f32 v18, v1;
	v18 =	vld.idx.msk [tilespmem:v45+s13+$0x0], $0xffff  }
0x119: {  	[tilespmem:$0x1F990] =	vst v0;
	v0 =	vmul.f32 v9, v57;
	_ =	sdelay $0x1  }
0x11a: {  	[tilespmem:$0x1F9B0] =	vst v0;
	v0 =	vmul.f32 v9, v14  }
0x11b: {  	[tilespmem:$0x1F880] =	vst v7  }
0x11c: {  	v7 =	vld.idx.msk [tilespmem:v62+s13+$0x0], $0xffff;
	[tilespmem:$0x1F9E0] =	vst v0;
	v0 =	vmul.f32 v18, v54  }
0x11d: {  	v12 =	vbroadcast v55, $0xA  }
0x11e: {  	[tilespmem:$0x1FA10] =	vst v0;
	v0 =	vmul.f32 v18, v52  }
0x11f: {  	v59 =	vbroadcast v55, $0xB;
	[tilespmem:$0x1F930] =	vst v12;
	v12 =	vmul.f32 v8, v12  }
0x120: {  	[tilespmem:$0x1FA40] =	vst v0;
	v0 =	vld [tilespmem:$0x1FA50]  }
0x121: {  	v17 =	vbroadcast v36, $0xC;
	v6 =	vadd.f32 v12, v6;
	v9 =	vmul.f32 v7, v59  }
0x122: {  	v15 =	vbroadcast v58, $0xA  }
0x123: {  	[tilespmem:$0x1FA80] =	vst v17;
	v6 =	vadd.f32 v9, v6;
	v9 =	vmul.f32 v11, v17;
	v17 =	vld [tilespmem:$0x1FA90]  }
0x124: {  	v60 =	vbroadcast v50, $0xB;
	v8 =	vmul.f32 v8, v15;
	_ =	sdelay $0x1  }
0x125: {  	v1 =	vadd.f32 v8, v1;
	v8 =	vmul.f32 v7, v60;
	_ =	sdelay $0x1  }
0x126: {  	v5 =	vadd.f32 v8, v5;
	v8 =	vld.idx.msk [tilespmem:v0+s13+$0x0], $0xffff;
	v0 =	vmul.f32 v10, v17;
	_ =	sdelay $0x1  }
0x127: {  	[tilespmem:$0x1FAA0] =	vst v0;
	v0 =	vld [tilespmem:$0x1FAC0];
	_ =	sdelay $0x1  }
0x128: {  	v47 =	vbroadcast v36, $0xB;
	_ =	sdelay $0x1  }
0x129: {  	v12 =	vmul.f32 v7, v47;
	_ =	sdelay $0x1  }
0x12a: {  	v4 =	vadd.f32 v12, v4  }
0x12b: {  	[tilespmem:$0x1F770] =	vst v27;
	v27 =	vmov v30  }
0x12c: {  	v4 =	vadd.f32 v9, v4;
	v9 =	vld.idx.msk [tilespmem:v0+s13+$0x0], $0xffff;
	v0 =	vmul.f32 v10, v27;
	_ =	sdelay $0x1  }
0x12d: {  	[tilespmem:$0x1FAE0] =	vst v0;
	v0 =	vmul.f32 v10, v13;
	_ =	sdelay $0x1  }
0x12e: {  	[tilespmem:$0x1FB20] =	vst v0;
	v0 =	vld [tilespmem:$0x1FB30];
	_ =	sdelay $0x1  }
0x12f: {  	v63 =	vbroadcast v58, $0xB;
	[tilespmem:$0x1F9A0] =	vst v57;
	v57 =	vld.idx.msk [tilespmem:v43+s13+$0x0], $0xffff  }
0x130: {  	[tilespmem:$0x1FA30] =	vst v18;
	v18 =	vld [tilespmem:$0x1FA70]  }
0x131: {  	[tilespmem:$0x1F740] =	vst v2;
	v2 =	vbroadcast v50, $0xC;
	v7 =	vmul.f32 v7, v63;
	_ =	sdelay $0x1  }
0x132: {  	v1 =	vadd.f32 v7, v1;
	v7 =	vmul.f32 v11, v2;
	_ =	sdelay $0x1  }
0x133: {  	v5 =	vadd.f32 v7, v5;
	v7 =	vld.idx.msk [tilespmem:v0+s13+$0x0], $0xffff;
	v0 =	vmul.f32 v57, v18;
	_ =	sdelay $0x1  }
0x134: {  	[tilespmem:$0x1FB50] =	vst v0;
	v0 =	vmul.f32 v57, v17;
	_ =	sdelay $0x1  }
0x135: {  	[tilespmem:$0x1FB80] =	vst v0;
	v0 =	vld [tilespmem:$0x1FBA0]  }
0x136: {  	[tilespmem:$0x1F670] =	vst v23;
	v21 =	vbroadcast v55, $0xF;
	v23 =	vbroadcast v50, $0xF  }
0x137: {  	v41 =	vbroadcast v55, $0xD;
	[tilespmem:$0x1F700] =	vst v16;
	v16 =	vbroadcast v50, $0xE  }
0x138: {  	v22 =	vbroadcast v55, $0xE;
	[tilespmem:$0x1F750] =	vst v3;
	v3 =	vbroadcast v50, $0xD  }
0x139: {  	v50 =	vbroadcast v55, $0xC;
	v55 =	vbroadcast v58, $0xC;
	_ =	sdelay $0x1  }
0x13a: {  	[tilespmem:$0x1F9F0] =	vst v60;
	v60 =	vmul.f32 v10, v18;
	v10 =	vmul.f32 v11, v55;
	_ =	sdelay $0x1  }
0x13b: {  	v1 =	vadd.f32 v10, v1;
	v10 =	vld.idx.msk [tilespmem:v0+s13+$0x0], $0xffff  }
0x13c: {  	v0 =	vld [tilespmem:$0x1FBD0];
	_ =	sdelay $0x1  }
0x13d: {  	[tilespmem:$0x1FAB0] =	vst v2  }
0x13e: {  	[tilespmem:$0x1FB90] =	vst v3;
	v2 =	vmul.f32 v8, v3;
	v3 =	vld [tilespmem:$0x1FBE0];
	_ =	sdelay $0x1  }
0x13f: {  	[tilespmem:$0x1FB10] =	vst v13;
	v13 =	vld [tilespmem:$0x1FC00];
	_ =	sdelay $0x2  }
0x140: {  	v2 =	vadd.f32 v2, v5;
	v5 =	vld.idx.msk [tilespmem:v0+s13+$0x0], $0xffff;
	v0 =	vmul.f32 v9, v3  }
0x141: {  	v12 =	vmul.f32 v11, v50  }
0x142: {  	[tilespmem:$0x1FBF0] =	vst v0;
	v0 =	vmul.f32 v9, v13  }
0x143: {  	v6 =	vadd.f32 v12, v6;
	v12 =	vld.idx.msk [tilespmem:v42+s13+$0x0], $0xffff  }
0x144: {  	[tilespmem:$0x1FC10] =	vst v0;
	v0 =	vmul.f32 v9, v20;
	_ =	sdelay $0x1  }
0x145: {  	[tilespmem:$0x1FC30] =	vst v0;
	v0 =	vmul.f32 v9, v35;
	_ =	sdelay $0x1  }
0x146: {  	[tilespmem:$0x1FC50] =	vst v0;
	v0 =	vmul.f32 v12, v3;
	_ =	sdelay $0x1  }
0x147: {  	v19 =	vbroadcast v36, $0xD;
	[tilespmem:$0x1FC70] =	vst v0;
	v0 =	vld [tilespmem:$0x1FC80];
	_ =	sdelay $0x1  }
0x148: {  	v48 =	vbroadcast v58, $0xD;
	v11 =	vmul.f32 v8, v19;
	_ =	sdelay $0x1  }
0x149: {  	v4 =	vadd.f32 v11, v4;
	v11 =	vmul.f32 v8, v41;
	v8 =	vmul.f32 v8, v48;
	_ =	sdelay $0x1  }
0x14a: {  	v1 =	vadd.f32 v8, v1;
	v8 =	vmul.f32 v7, v16;
	_ =	sdelay $0x1  }
0x14b: {  	v2 =	vadd.f32 v8, v2;
	v8 =	vld.idx.msk [tilespmem:v0+s13+$0x0], $0xffff;
	v0 =	vmul.f32 v12, v13;
	_ =	sdelay $0x1  }
0x14c: {  	[tilespmem:$0x1FCA0] =	vst v0;
	v0 =	vld [tilespmem:$0x1FCB0];
	_ =	sdelay $0x2  }
0x14d: {  	v31 =	vbroadcast v36, $0xE  }
0x14e: {  	v61 =	vbroadcast v36, $0xF;
	v36 =	vbroadcast v58, $0xE  }
0x14f: {  	v6 =	vadd.f32 v11, v6;
	v11 =	vmul.f32 v7, v31  }
0x150: {  	v9 =	vmul.f32 v7, v22;
	v7 =	vmul.f32 v7, v36;
	_ =	sdelay $0x1  }
0x151: {  	v1 =	vadd.f32 v7, v1;
	v7 =	vld.idx.msk [tilespmem:v0+s13+$0x0], $0xffff;
	v0 =	vmul.f32 v10, v33;
	_ =	sdelay $0x1  }
0x152: {  	[tilespmem:$0x1FCD0] =	vst v0;
	v0 =	vmul.f32 v10, v37;
	_ =	sdelay $0x1  }
0x153: {  	[tilespmem:$0x1FD00] =	vst v0;
	v0 =	vld [tilespmem:$0x1FD10]  }
0x154: {  	v25 =	vbroadcast v58, $0xF  }
0x155: {  	v58 =	vld [tilespmem:$0x1FA00];
	v4 =	vadd.f32 v11, v4;
	v6 =	vadd.f32 v9, v6;
	v9 =	vmul.f32 v5, v61  }
0x156: {  	[tilespmem:$0x1F940] =	vst v15;
	v15 =	vld [tilespmem:$0x1F960]  }
0x157: {  	v9 =	vadd.f32 v9, v4;
	v4 =	vmul.f32 v5, v21;
	_ =	sdelay $0x1  }
0x158: {  	v11 =	vmul.f32 v5, v23;
	v3 =	vmul.f32 v5, v25;
	v5 =	vadd.f32 v4, v6;
	v4 =	vld [tilespmem:$0x1FDF0]  }
0x159: {  	[tilespmem:$0x1FCE0] =	vst v26;
	v45 =	vld [tilespmem:$0x1F8D0];
	v26 =	vmul.f32 v10, v26  }
0x15a: {  	v54 =	vmov v22;
	v22 =	vmul.f32 v10, v58;
	v10 =	vld.idx.msk [tilespmem:v0+s13+$0x0], $0xffff;
	v0 =	vmul.f32 v8, v15;
	_ =	sdelay $0x1  }
0x15b: {  	v6 =	vld [tilespmem:$0x1FD90];
	[tilespmem:$0x1FD20] =	vst v0;
	v0 =	vmul.f32 v8, v51  }
0x15c: {  	[tilespmem:$0x1FB40] =	vst v55;
	v5 =	vadd.f32 v4, v5;
	v4 =	vld [tilespmem:$0x1FE20]  }
0x15d: {  	v55 =	vmov v25;
	v25 =	vmul.f32 v8, v45;
	[tilespmem:$0x1FD40] =	vst v0;
	v0 =	vmul.f32 v8, v28;
	v8 =	vld [tilespmem:$0x1FDA0];
	_ =	sdelay $0x1  }
0x15e: {  	[tilespmem:$0x1FC20] =	vst v20  }
0x15f: {  	v30 =	vmov v32;
	v1 =	vadd.f32 v3, v1;
	[tilespmem:$0x1FD60] =	vst v0;
	v0 =	vld [tilespmem:$0x1FD70]  }
0x160: {  	[tilespmem:$0x1FCF0] =	vst v37;
	v52 =	vmov v21;
	v37 =	vmul.f32 v7, v6;
	v21 =	vmul.f32 v7, v30  }
0x161: {  	[tilespmem:$0x1FDC0] =	vst v30;
	v30 =	vmul.f32 v7, v34;
	v20 =	vmul.f32 v7, v8;
	v7 =	vadd.f32 v4, v1;
	v1 =	vld [tilespmem:$0x1FE30];
	_ =	sdelay $0x2  }
0x162: {  	v3 =	vadd.f32 v0, v9;
	v0 =	vld [tilespmem:$0x1FD80];
	_ =	sdelay $0x2  }
0x163: {  	v62 =	vld.idx.msk [tilespmem:v53+s13+$0x0], $0xffff;
	_ =	sdelay $0x1  }
0x164: {  	v13 =	vld.idx.msk [tilespmem:v1+s13+$0x0], $0xffff  }
0x165: {  	v1 =	vld [tilespmem:$0x1FE60]  }
0x166: {  	v4 =	vld [tilespmem:$0x1FE40]  }
0x167: {  	[tilespmem:$0x1FC40] =	vst v35;
	v6 =	vmul.f32 v62, v6;
	v35 =	vld.idx.msk [tilespmem:v0+s13+$0x0], $0xffff  }
0x168: {  	v0 =	vld [tilespmem:$0x1FDB0]  }
0x169: {  	[tilespmem:$0x1FE00] =	vst v6;
	v6 =	vmul.f32 v62, v8;
	v8 =	vld [tilespmem:$0x1FE50]  }
0x16a: {  	v3 =	vadd.f32 v1, v3;
	v1 =	vld [tilespmem:$0x1FE90]  }
0x16b: {  	v2 =	vadd.f32 v11, v2;
	_ =	sdelay $0x1  }
0x16c: {  	v0 =	vadd.f32 v0, v2  }
0x16d: {  	v39 =	vmul.f32 v10, v56;
	v9 =	vmul.f32 v10, v46  }
0x16e: {  	[tilespmem:$0x1FE10] =	vst v6;
	v6 =	vmul.f32 v10, v4;
	v43 =	vmul.f32 v10, v8;
	v10 =	vadd.f32 v1, v0;
	v0 =	vld [tilespmem:$0x1FEA0];
	_ =	sdelay $0x7  }
0x16f: {  	v42 =	vld.idx.msk [tilespmem:v0+s13+$0x0], $0xffff;
	v0 =	vmul.f32 v35, v8;
	_ =	sdelay $0x1  }
0x170: {  	[tilespmem:$0x1FEB0] =	vst v0;
	v0 =	vld [tilespmem:$0x1FEC0];
	_ =	sdelay $0x3  }
0x171: {  	v2 =	vld [tilespmem:$0x1FDE0]  }
0x172: {  	v5 =	vadd.f32 v0, v5;
	v0 =	vld [tilespmem:$0x1FED0];
	_ =	sdelay $0x4  }
0x173: {  	[tilespmem:$0x1FD50] =	vst v28  }
0x174: {  	[tilespmem:$0x1FA20] =	vst v59;
	v59 =	vmul.f32 v35, v4;
	v4 =	vld [tilespmem:$0x1FEF0]  }
0x175: {  	[tilespmem:$0x1FCC0] =	vst v33;
	v2 =	vld.idx.msk [tilespmem:v2+s13+$0x0], $0xffff  }
0x176: {  	[tilespmem:$0x1FE70] =	vst v56;
	v1 =	vld.idx.msk [tilespmem:v0+s13+$0x0], $0xffff  }
0x177: {  	[tilespmem:$0x1FD30] =	vst v51;
	v0 =	vld [tilespmem:$0x1FEE0]  }
0x178: {  	[tilespmem:$0x1FA60] =	vst v63  }
0x179: {  	[tilespmem:$0x1FE80] =	vst v46  }
0x17a: {  	[tilespmem:$0x1FC90] =	vst v12;
	v46 =	vmov v4;
	v12 =	vmul.f32 v2, v4;
	v4 =	vld [tilespmem:$0x1FF00]  }
0x17b: {  	[tilespmem:$0x1F850] =	vst v44  }
0x17c: {  	[tilespmem:$0x1FB70] =	vst v57;
	v57 =	vmov v0;
	v0 =	vmul.f32 v2, v0  }
0x17d: {  	[tilespmem:$0x1FB60] =	vst v19;
	v53 =	vld [tilespmem:$0x1FF20]  }
0x17e: {  	[tilespmem:$0x1FDD0] =	vst v34;
	v11 =	vadd.f32 v0, v3;
	v3 =	vld [tilespmem:$0x1FF30]  }
0x17f: {  	[tilespmem:$0x1FC60] =	vst v16;
	v29 =	vld [tilespmem:$0x1F900];
	v15 =	vmul.f32 v2, v40;
	v16 =	vadd.f32 v4, v7;
	v2 =	vmul.f32 v2, v38  }
0x180: {  	[tilespmem:$0x1F9D0] =	vst v14;
	v28 =	vld [tilespmem:$0x1FF10]  }
0x181: {  	[tilespmem:$0x1F9C0] =	vst v47;
	v18 =	vadd.f32 v2, v16;
	v2 =	vld [tilespmem:$0x1FF50]  }
0x182: {  	[tilespmem:$0x1FAD0] =	vst v27;
	v27 =	vld [tilespmem:$0x1FAF0]  }
0x183: {  	[tilespmem:$0x1FBB0] =	vst v41;
	v44 =	vmov v3;
	v7 =	vmul.f32 v13, v3;
	v3 =	vld [tilespmem:$0x1FF40]  }
0x184: {  	[tilespmem:$0x1FB00] =	vst v50  }
0x185: {  	v32 =	vmov v61;
	[tilespmem:$0x1FBC0] =	vst v48;
	v14 =	vimm.f32 $0.0e+00  }
0x186: {  	v47 =	vmovc v40;
	v63 =	vmovc v36;
	[tilespmem:$0x1FF60] =	vst v14;
	v14 =	vimm.f32 $0.0e+00;
	v15 =	vadd.f32 v15, v5;
	v5 =	vmul.f32 v42, v28  }
0x187: {  	[tilespmem:$0x1FF70] =	vst v14;
	v41 =	vmovc v31;
	v36 =	vmov v23;
	v33 =	vmul.f32 v1, v27;
	v40 =	vmul.f32 v1, v29  }
0x188: {  	v58 =	vmovc v49;
	v12 =	vadd.f32 v12, v10;
	v0 =	vmul.f32 v13, v53;
	v10 =	vmul.f32 v13, v3  }
0x189: {  	s24 =	simm.s32 $0x15;
	v51 =	vmovc v38;
	v38 =	vimm.f32 $0.0e+00;
	v2 =	vld.idx.msk [tilespmem:v2+s13+$0x0], $0xffff;
	v56 =	vmovc v3;
	v13 =	vmul.f32 v13, v49;
	v3 =	vmul.f32 v42, v24  }
.LBB2_3:
0x18a: {  	v4 =	vld [tilespmem:$0x1F4F0];
	_ =	sdelay $0x2  }
0x18b: {  	v49 =	vld [tilespmem:$0x1F490]  }
0x18c: {  	v11 =	vadd.f32 v0, v11;
	v0 =	vld [tilespmem:$0x1F4C0]  }
0x18d: {  	v50 =	vld [tilespmem:$0x1F5C0]  }
0x18e: {  	v48 =	vld [tilespmem:$0x1F480]  }
0x18f: {  	v61 =	vld [tilespmem:$0x1F5B0];
	v11 =	vadd.f32 v33, v11  }
0x190: {  	v12 =	vadd.f32 v7, v12;
	v7 =	vld.idx.msk [tilespmem:v4+s13+$0x0], $0xffff  }
0x191: {  	v11 =	vadd.f32 v3, v11;
	v4 =	vld [tilespmem:$0x1F520]  }
0x192: {  	v14 =	vld [tilespmem:$0x1F240];
	v10 =	vadd.f32 v10, v15;
	v16 =	vmul.f32 v1, v49  }
0x193: {  	v13 =	vadd.f32 v13, v18;
	v1 =	vmul.f32 v1, v50;
	v11 =	vadd.f32 v6, v11  }
0x194: {  	v12 =	vadd.f32 v40, v12;
	v15 =	vmul.f32 v42, v48;
	v10 =	vadd.f32 v16, v10;
	v0 =	vld.idx.msk [tilespmem:v0+s13+$0x0], $0xffff  }
0x195: {  	v13 =	vadd.f32 v1, v13;
	v16 =	vmul.f32 v42, v61;
	v11 =	vadd.f32 v37, v11  }
0x196: {  	v5 =	vadd.f32 v5, v12;
	v12 =	vadd.f32 v15, v10  }
0x197: {  	v13 =	vadd.f32 v16, v13;
	v16 =	vadd.f32 v14, v11;
	v14 =	vld [tilespmem:$0x1F260]  }
0x198: {  	v12 =	vadd.f32 v39, v12  }
0x199: {  	v15 =	vadd.f32 v43, v5;
	v5 =	vmul.f32 v0, v29;
	v29 =	vld.idx.msk [tilespmem:v4+s13+$0x0], $0xffff  }
0x19a: {  	v12 =	vadd.f32 v21, v12;
	v4 =	vld [tilespmem:$0x1F550]  }
0x19b: {  	v9 =	vadd.f32 v9, v13  }
0x19c: {  	v13 =	vadd.f32 v20, v15;
	v20 =	vadd.f32 v14, v12;
	v14 =	vld [tilespmem:$0x1F300];
	_ =	sdelay $0x3  }
0x19d: {  	v11 =	vld [tilespmem:$0x1F250]  }
0x19e: {  	v16 =	vadd.f32 v14, v16;
	v14 =	vld [tilespmem:$0x1F310]  }
0x19f: {  	v19 =	vld.idx.msk [tilespmem:v4+s13+$0x0], $0xffff  }
0x1a0: {  	v4 =	vld [tilespmem:$0x1F560];
	_ =	sdelay $0x2  }
0x1a1: {  	v13 =	vadd.f32 v11, v13;
	_ =	sdelay $0x1  }
0x1a2: {  	v18 =	vmul.f32 v2, v28;
	v28 =	vadd.f32 v14, v13;
	v14 =	vld [tilespmem:$0x1F320];
	_ =	sdelay $0x1  }
0x1a3: {  	v12 =	vld [tilespmem:$0x1F270]  }
0x1a4: {  	v21 =	vld.idx.msk [tilespmem:v4+s13+$0x0], $0xffff  }
0x1a5: {  	v4 =	vld [tilespmem:$0x1F570]  }
0x1a6: {  	v20 =	vadd.f32 v14, v20;
	v14 =	vld [tilespmem:$0x1F330]  }
0x1a7: {  	v15 =	vadd.f32 v30, v9;
	_ =	sdelay $0x1  }
0x1a8: {  	v15 =	vadd.f32 v12, v15;
	_ =	sdelay $0x1  }
0x1a9: {  	v31 =	vadd.f32 v14, v15;
	v14 =	vld [tilespmem:$0x1FA80];
	_ =	sdelay $0x1  }
0x1aa: {  	v17 =	vld.idx.msk [tilespmem:v4+s13+$0x0], $0xffff  }
0x1ab: {  	v4 =	vld [tilespmem:$0x1FD20];
	_ =	sdelay $0x1  }
0x1ac: {  	v15 =	vmul.f32 v29, v14;
	v14 =	vld [tilespmem:$0x1FAB0];
	_ =	sdelay $0x2  }
0x1ad: {  	v28 =	vadd.f32 v4, v28;
	v4 =	vld [tilespmem:$0x1FD40];
	_ =	sdelay $0x1  }
0x1ae: {  	v25 =	vadd.f32 v25, v16;
	v16 =	vmul.f32 v29, v14;
	v14 =	vld [tilespmem:$0x1F580];
	_ =	sdelay $0x2  }
0x1af: {  	v20 =	vadd.f32 v4, v20;
	v4 =	vld [tilespmem:$0x1FD60];
	_ =	sdelay $0x4  }
0x1b0: {  	v4 =	vadd.f32 v4, v31;
	v31 =	vld.idx.msk [tilespmem:v14+s13+$0x0], $0xffff  }
0x1b1: {  	v14 =	vld [tilespmem:$0x1F770];
	_ =	sdelay $0x4  }
0x1b2: {  	v6 =	vmul.f32 v7, v32;
	v32 =	vmul.f32 v19, v14;
	v14 =	vld [tilespmem:$0x1FCD0];
	_ =	sdelay $0x4  }
0x1b3: {  	v23 =	vadd.f32 v14, v28;
	v14 =	vld [tilespmem:$0x1F780];
	_ =	sdelay $0x4  }
0x1b4: {  	v28 =	vmul.f32 v19, v14;
	v14 =	vld [tilespmem:$0x1FD00];
	_ =	sdelay $0x4  }
0x1b5: {  	v4 =	vadd.f32 v14, v4;
	v14 =	vld [tilespmem:$0x1F590];
	_ =	sdelay $0x4  }
0x1b6: {  	v1 =	vld [tilespmem:$0x1F500];
	_ =	sdelay $0x2  }
0x1b7: {  	v25 =	vadd.f32 v22, v25;
	v22 =	vld.idx.msk [tilespmem:v14+s13+$0x0], $0xffff  }
0x1b8: {  	v14 =	vld [tilespmem:$0x1F730];
	_ =	sdelay $0x3  }
0x1b9: {  	v33 =	vld.idx.msk [tilespmem:v1+s13+$0x0], $0xffff  }
0x1ba: {  	v1 =	vmul.f32 v2, v24;
	v24 =	vmul.f32 v21, v14;
	v14 =	vld [tilespmem:$0x1FBF0];
	_ =	sdelay $0x4  }
0x1bb: {  	v25 =	vadd.f32 v14, v25;
	v14 =	vld [tilespmem:$0x1FC10];
	_ =	sdelay $0x1  }
0x1bc: {  	v30 =	vld [tilespmem:$0x1FAA0];
	_ =	sdelay $0x1  }
0x1bd: {  	v42 =	vld [tilespmem:$0x1F990]  }
0x1be: {  	v23 =	vadd.f32 v14, v23;
	_ =	sdelay $0x1  }
0x1bf: {  	v9 =	vmul.f32 v33, v41;
	v41 =	vld [tilespmem:$0x1F980];
	v23 =	vadd.f32 v30, v23  }
0x1c0: {  	v14 =	vld [tilespmem:$0x1F740]  }
0x1c1: {  	v23 =	vadd.f32 v42, v23;
	v42 =	vld [tilespmem:$0x1F820]  }
0x1c2: {  	v25 =	vadd.f32 v60, v25;
	_ =	sdelay $0x1  }
0x1c3: {  	v25 =	vadd.f32 v41, v25;
	_ =	sdelay $0x1  }
0x1c4: {  	v20 =	vadd.f32 v26, v20;
	v26 =	vmul.f32 v21, v14;
	v14 =	vld [tilespmem:$0x1FC30];
	v25 =	vadd.f32 v42, v25  }
0x1c5: {  	v34 =	vld [tilespmem:$0x1FAE0]  }
0x1c6: {  	[tilespmem:$0x1EFA0] =	vst v25;
	v25 =	vld [tilespmem:$0x1F830]  }
0x1c7: {  	v40 =	vld [tilespmem:$0x1F6B0]  }
0x1c8: {  	v60 =	vld [tilespmem:$0x1F9B0]  }
0x1c9: {  	v20 =	vadd.f32 v14, v20;
	v14 =	vld [tilespmem:$0x1FC50]  }
0x1ca: {  	v39 =	vld [tilespmem:$0x1FB20]  }
0x1cb: {  	v23 =	vadd.f32 v25, v23;
	v25 =	vld [tilespmem:$0x1F860]  }
0x1cc: {  	v20 =	vadd.f32 v34, v20  }
0x1cd: {  	v34 =	vmul.f32 v31, v40;
	v40 =	vld [tilespmem:$0x1F9E0]  }
0x1ce: {  	v20 =	vadd.f32 v60, v20;
	v4 =	vadd.f32 v14, v4;
	v14 =	vld [tilespmem:$0x1F5A0]  }
0x1cf: {  	v60 =	vld [tilespmem:$0x1F3F0]  }
0x1d0: {  	v4 =	vadd.f32 v39, v4;
	v39 =	vld [tilespmem:$0x1FF70];
	v20 =	vadd.f32 v25, v20;
	_ =	sdelay $0x1  }
0x1d1: {  	[tilespmem:$0x1EFC0] =	vst v20;
	v20 =	vld [tilespmem:$0x1F880];
	_ =	sdelay $0x2  }
0x1d2: {  	v4 =	vadd.f32 v40, v4;
	v39 =	vadd.f32 v60, v39;
	v60 =	vld [tilespmem:$0x1F600]  }
0x1d3: {  	v14 =	vld.idx.msk [tilespmem:v14+s13+$0x0], $0xffff  }
0x1d4: {  	v4 =	vadd.f32 v20, v4  }
0x1d5: {  	v20 =	vld [tilespmem:$0x1F3C0]  }
0x1d6: {  	[tilespmem:$0x1EFD0] =	vst v4;
	v4 =	vld [tilespmem:$0x1F640];
	_ =	sdelay $0x1  }
0x1d7: {  	v40 =	vmul.f32 v14, v60;
	v60 =	vld [tilespmem:$0x1F440];
	_ =	sdelay $0x1  }
0x1d8: {  	v25 =	vld [tilespmem:$0x1F3D0]  }
0x1d9: {  	v4 =	vadd.f32 v20, v4;
	v20 =	vld [tilespmem:$0x1FF60];
	_ =	sdelay $0x1  }
0x1da: {  	v4 =	vadd.f32 v60, v4;
	v60 =	vld [tilespmem:$0x1F450];
	_ =	sdelay $0x2  }
0x1db: {  	v43 =	vld [tilespmem:$0x1F6C0];
	v20 =	vadd.f32 v25, v20  }
0x1dc: {  	v41 =	vld [tilespmem:$0x1F670]  }
0x1dd: {  	v20 =	vadd.f32 v60, v20;
	v60 =	vld [tilespmem:$0x1F610];
	_ =	sdelay $0x2  }
0x1de: {  	v8 =	vmul.f32 v7, v36;
	v36 =	vmul.f32 v31, v43;
	v43 =	vld [tilespmem:$0x1F3E0];
	_ =	sdelay $0x1  }
0x1df: {  	v37 =	vmul.f32 v22, v41;
	v41 =	vmul.f32 v14, v60;
	v60 =	vld [tilespmem:$0x1F460];
	_ =	sdelay $0x2  }
0x1e0: {  	v38 =	vadd.f32 v43, v38  }
0x1e1: {  	v25 =	vld [tilespmem:$0x1F5F0]  }
0x1e2: {  	v38 =	vadd.f32 v60, v38;
	v60 =	vld [tilespmem:$0x1F470];
	_ =	sdelay $0x3  }
0x1e3: {  	v42 =	vld [tilespmem:$0x1F6A0]  }
0x1e4: {  	v25 =	vmul.f32 v14, v25;
	v39 =	vadd.f32 v60, v39;
	v60 =	vld [tilespmem:$0x1F620]  }
0x1e5: {  	[tilespmem:$0x1EFB0] =	vst v23;
	v23 =	vld [tilespmem:$0x1F680]  }
0x1e6: {  	v4 =	vadd.f32 v25, v4;
	v25 =	vld [tilespmem:$0x1F690];
	_ =	sdelay $0x1  }
0x1e7: {  	v3 =	vld [tilespmem:$0x1F510]  }
0x1e8: {  	v14 =	vmul.f32 v14, v60  }
0x1e9: {  	v23 =	vmul.f32 v22, v23  }
0x1ea: {  	v25 =	vmul.f32 v22, v25;
	v22 =	vmul.f32 v22, v42;
	v14 =	vadd.f32 v14, v39  }
0x1eb: {  	v20 =	vadd.f32 v40, v20  }
0x1ec: {  	v14 =	vadd.f32 v22, v14;
	v22 =	vld [tilespmem:$0x1F6E0]  }
0x1ed: {  	v20 =	vadd.f32 v23, v20;
	v23 =	vld [tilespmem:$0x1F6D0];
	_ =	sdelay $0x1  }
0x1ee: {  	v10 =	vld.idx.msk [tilespmem:v3+s13+$0x0], $0xffff  }
0x1ef: {  	v3 =	vmul.f32 v0, v27;
	v27 =	vld [tilespmem:$0x1F6F0]  }
0x1f0: {  	v30 =	vld [tilespmem:$0x1F700];
	v22 =	vmul.f32 v31, v22  }
0x1f1: {  	v23 =	vmul.f32 v31, v23;
	v31 =	vld [tilespmem:$0x1F710]  }
0x1f2: {  	v14 =	vadd.f32 v22, v14;
	v22 =	vld [tilespmem:$0x1F720];
	_ =	sdelay $0x3  }
0x1f3: {  	v27 =	vmul.f32 v17, v27;
	v30 =	vmul.f32 v17, v30  }
0x1f4: {  	v31 =	vmul.f32 v17, v31;
	v17 =	vmul.f32 v17, v22  }
0x1f5: {  	v22 =	vld [tilespmem:$0x1F750]  }
0x1f6: {  	v14 =	vadd.f32 v17, v14;
	v17 =	vld [tilespmem:$0x1F760];
	_ =	sdelay $0x1  }
0x1f7: {  	v38 =	vadd.f32 v41, v38;
	_ =	sdelay $0x1  }
0x1f8: {  	v25 =	vadd.f32 v25, v38  }
0x1f9: {  	v22 =	vmul.f32 v21, v22;
	v17 =	vmul.f32 v21, v17;
	v21 =	vld [tilespmem:$0x1F790]  }
0x1fa: {  	v43 =	vld [tilespmem:$0x1F530];
	v23 =	vadd.f32 v23, v25  }
0x1fb: {  	v4 =	vadd.f32 v37, v4  }
0x1fc: {  	v23 =	vadd.f32 v31, v23  }
0x1fd: {  	v4 =	vadd.f32 v34, v4;
	v25 =	vld [tilespmem:$0x1F540]  }
0x1fe: {  	v22 =	vadd.f32 v22, v23;
	v23 =	vld [tilespmem:$0x1F220];
	v21 =	vmul.f32 v19, v21  }
0x1ff: {  	v4 =	vadd.f32 v27, v4;
	v14 =	vadd.f32 v17, v14;
	v17 =	vld [tilespmem:$0x1F7A0]  }
0x200: {  	v21 =	vadd.f32 v21, v22;
	v22 =	vld [tilespmem:$0x1F200]  }
0x201: {  	v4 =	vadd.f32 v24, v4  }
0x202: {  	v20 =	vadd.f32 v36, v20;
	v34 =	vld.idx.msk [tilespmem:v43+s13+$0x0], $0xffff  }
0x203: {  	v4 =	vadd.f32 v32, v4;
	v21 =	vadd.f32 v23, v21;
	v23 =	vld [tilespmem:$0x1F230]  }
0x204: {  	v20 =	vadd.f32 v30, v20;
	v24 =	vld [tilespmem:$0x1F2C0];
	v17 =	vmul.f32 v19, v17  }
0x205: {  	v4 =	vadd.f32 v22, v4;
	v22 =	vld [tilespmem:$0x1F210]  }
0x206: {  	v20 =	vadd.f32 v26, v20;
	v26 =	vld [tilespmem:$0x1F2E0];
	v14 =	vadd.f32 v17, v14  }
0x207: {  	v25 =	vld.idx.msk [tilespmem:v25+s13+$0x0], $0xffff  }
0x208: {  	v19 =	vadd.f32 v28, v20;
	v14 =	vadd.f32 v23, v14;
	v23 =	vld [tilespmem:$0x1F910]  }
0x209: {  	v4 =	vadd.f32 v24, v4;
	v24 =	vld [tilespmem:$0x1F2D0]  }
0x20a: {  	v19 =	vadd.f32 v22, v19;
	v22 =	vld [tilespmem:$0x1F8B0]  }
0x20b: {  	v20 =	vld [tilespmem:$0x1F9C0]  }
0x20c: {  	v17 =	vld [tilespmem:$0x1F9F0]  }
0x20d: {  	v21 =	vadd.f32 v26, v21;
	v26 =	vld [tilespmem:$0x1F2F0]  }
0x20e: {  	v12 =	vld [tilespmem:$0x1FB60]  }
0x20f: {  	v23 =	vmul.f32 v25, v23;
	v19 =	vadd.f32 v24, v19;
	v24 =	vld [tilespmem:$0x1F930];
	v22 =	vmul.f32 v25, v22  }
0x210: {  	v13 =	vld [tilespmem:$0x1FB90];
	v20 =	vmul.f32 v34, v20  }
0x211: {  	v17 =	vmul.f32 v34, v17;
	v19 =	vadd.f32 v23, v19;
	v4 =	vadd.f32 v22, v4;
	v22 =	vld [tilespmem:$0x1FA20]  }
0x212: {  	v14 =	vadd.f32 v26, v14;
	v26 =	vld [tilespmem:$0x1F940]  }
0x213: {  	v17 =	vadd.f32 v17, v19;
	v19 =	vld [tilespmem:$0x1FB00];
	v4 =	vadd.f32 v20, v4  }
0x214: {  	v23 =	vld [tilespmem:$0x1FA60];
	v24 =	vmul.f32 v25, v24  }
0x215: {  	v4 =	vadd.f32 v15, v4;
	v15 =	vadd.f32 v16, v17;
	v16 =	vld [tilespmem:$0x1FBB0]  }
0x216: {  	v11 =	vld [tilespmem:$0x1FC60];
	v21 =	vadd.f32 v24, v21;
	v22 =	vmul.f32 v34, v22  }
0x217: {  	v12 =	vmul.f32 v10, v12;
	v25 =	vmul.f32 v25, v26  }
0x218: {  	v13 =	vmul.f32 v10, v13;
	v19 =	vmul.f32 v29, v19;
	v20 =	vadd.f32 v22, v21  }
0x219: {  	v14 =	vadd.f32 v25, v14;
	v23 =	vmul.f32 v34, v23;
	v4 =	vadd.f32 v12, v4;
	v21 =	vld [tilespmem:$0x1FB40]  }
0x21a: {  	v12 =	vadd.f32 v13, v15;
	v15 =	vld [tilespmem:$0x1F4E0];
	v16 =	vmul.f32 v10, v16;
	v19 =	vadd.f32 v19, v20  }
0x21b: {  	v11 =	vmul.f32 v33, v11;
	v20 =	vld [tilespmem:$0x1FBC0]  }
0x21c: {  	v14 =	vadd.f32 v23, v14;
	v13 =	vmul.f32 v33, v54;
	v16 =	vadd.f32 v16, v19  }
0x21d: {  	v4 =	vadd.f32 v9, v4;
	v9 =	vadd.f32 v11, v12  }
0x21e: {  	v11 =	vmul.f32 v7, v52;
	v21 =	vmul.f32 v29, v21;
	v12 =	vadd.f32 v13, v16  }
0x21f: {  	v17 =	vld [tilespmem:$0x1F4D0];
	v4 =	vadd.f32 v6, v4;
	v6 =	vadd.f32 v8, v9  }
0x220: {  	v14 =	vadd.f32 v21, v14;
	v10 =	vmul.f32 v10, v20;
	v9 =	vadd.f32 v11, v12;
	v11 =	vld [tilespmem:$0x1F380]  }
0x221: {  	v12 =	vld [tilespmem:$0x1F3A0]  }
0x222: {  	v13 =	vld [tilespmem:$0x1F400];
	v10 =	vadd.f32 v10, v14;
	v14 =	vmul.f32 v33, v63  }
0x223: {  	v15 =	vld.idx.msk [tilespmem:v15+s13+$0x0], $0xffff  }
0x224: {  	v10 =	vadd.f32 v14, v10;
	v14 =	vld [tilespmem:$0x1F420]  }
0x225: {  	v4 =	vadd.f32 v11, v4;
	v11 =	vld [tilespmem:$0x1F390]  }
0x226: {  	v9 =	vadd.f32 v12, v9;
	v12 =	vld [tilespmem:$0x1F3B0]  }
0x227: {  	v7 =	vmul.f32 v7, v55;
	v4 =	vadd.f32 v13, v4;
	v13 =	vld [tilespmem:$0x1F410]  }
0x228: {  	v17 =	vld.idx.msk [tilespmem:v17+s13+$0x0], $0xffff  }
0x229: {  	v7 =	vadd.f32 v7, v10  }
0x22a: {  	v9 =	vadd.f32 v14, v9;
	v14 =	vld [tilespmem:$0x1F430];
	v6 =	vadd.f32 v11, v6  }
0x22b: {  	v11 =	vmul.f32 v15, v57;
	v7 =	vadd.f32 v12, v7  }
0x22c: {  	v12 =	vmul.f32 v15, v46;
	v6 =	vadd.f32 v13, v6;
	v13 =	vmul.f32 v15, v47  }
0x22d: {  	v8 =	vmul.f32 v17, v53;
	v10 =	vmul.f32 v17, v44;
	v4 =	vadd.f32 v11, v4  }
0x22e: {  	v11 =	vmul.f32 v17, v56;
	v6 =	vadd.f32 v12, v6;
	v9 =	vadd.f32 v13, v9  }
0x22f: {  	v7 =	vadd.f32 v14, v7;
	v14 =	vmul.f32 v15, v51;
	v4 =	vadd.f32 v8, v4  }
0x230: {  	v8 =	vmul.f32 v0, v49;
	v6 =	vadd.f32 v10, v6;
	v9 =	vadd.f32 v11, v9  }
0x231: {  	v12 =	vmul.f32 v17, v58;
	v7 =	vadd.f32 v14, v7;
	v3 =	vadd.f32 v3, v4  }
0x232: {  	v4 =	vadd.f32 v5, v6;
	v5 =	vmul.f32 v2, v48;
	v8 =	vadd.f32 v8, v9;
	_ =	sdelay $0x1  }
0x233: {  	v0 =	vmul.f32 v0, v50;
	v7 =	vadd.f32 v12, v7;
	v5 =	vadd.f32 v5, v8;
	v8 =	vld [tilespmem:$0x1FEB0];
	_ =	sdelay $0x1  }
0x234: {  	v2 =	vmul.f32 v2, v61;
	v0 =	vadd.f32 v0, v7  }
0x235: {  	v1 =	vadd.f32 v1, v3;
	v3 =	vadd.f32 v18, v4;
	v4 =	vld [tilespmem:$0x1FE70]  }
0x236: {  	v0 =	vadd.f32 v2, v0;
	v2 =	vld [tilespmem:$0x1FE80]  }
0x237: {  	v3 =	vadd.f32 v8, v3;
	v8 =	vld [tilespmem:$0x1FDC0];
	_ =	sdelay $0x1  }
0x238: {  	v10 =	vld [tilespmem:$0x1F340]  }
0x239: {  	v11 =	vld [tilespmem:$0x1F360];
	v4 =	vmul.f32 v35, v4  }
0x23a: {  	v9 =	vld [tilespmem:$0x1F2A0];
	v2 =	vmul.f32 v35, v2  }
0x23b: {  	v4 =	vadd.f32 v4, v5;
	v5 =	vld [tilespmem:$0x1FE00];
	v8 =	vmul.f32 v62, v8  }
0x23c: {  	v0 =	vadd.f32 v2, v0;
	v2 =	vld [tilespmem:$0x1FDD0]  }
0x23d: {  	v4 =	vadd.f32 v8, v4;
	v8 =	vld [tilespmem:$0x1F280]  }
0x23e: {  	v7 =	vld [tilespmem:$0x1F4B0];
	v1 =	vadd.f32 v59, v1  }
0x23f: {  	v6 =	vld [tilespmem:$0x1F4A0]  }
0x240: {  	v1 =	vadd.f32 v5, v1;
	v5 =	vld [tilespmem:$0x1FE10]  }
0x241: {  	v4 =	vadd.f32 v9, v4;
	v9 =	vld [tilespmem:$0x1F2B0]  }
0x242: {  	v2 =	vmul.f32 v62, v2;
	v1 =	vadd.f32 v8, v1;
	v8 =	vld [tilespmem:$0x1F290]  }
0x243: {  	v4 =	vadd.f32 v11, v4;
	v11 =	vld [tilespmem:$0x1F370]  }
0x244: {  	v0 =	vadd.f32 v2, v0;
	v1 =	vadd.f32 v10, v1;
	v10 =	vld [tilespmem:$0x1F350]  }
0x245: {  	v3 =	vadd.f32 v5, v3  }
0x246: {  	v7 =	vld.idx.msk [tilespmem:v7+s13+$0x0], $0xffff;
	v0 =	vadd.f32 v9, v0  }
0x247: {  	v9 =	vld [tilespmem:$0x1F960];
	v3 =	vadd.f32 v8, v3  }
0x248: {  	v0 =	vadd.f32 v11, v0;
	v11 =	vld [tilespmem:$0x1FD50]  }
0x249: {  	v3 =	vadd.f32 v10, v3;
	v10 =	vld [tilespmem:$0x1FD30];
	_ =	sdelay $0x2  }
0x24a: {  	v6 =	vld.idx.msk [tilespmem:v6+s13+$0x0], $0xffff  }
0x24b: {  	v2 =	vld [tilespmem:$0x1FCC0];
	v8 =	vmul.f32 v7, v45;
	v9 =	vmul.f32 v7, v9  }
0x24c: {  	v5 =	vld [tilespmem:$0x1FA00];
	v10 =	vmul.f32 v7, v10;
	v7 =	vmul.f32 v7, v11  }
0x24d: {  	v1 =	vadd.f32 v8, v1;
	v8 =	vld [tilespmem:$0x1FCE0]  }
0x24e: {  	v0 =	vadd.f32 v7, v0;
	v7 =	vld [tilespmem:$0x1FCF0];
	_ =	sdelay $0x1  }
0x24f: {  	v2 =	vmul.f32 v6, v2;
	v3 =	vadd.f32 v9, v3;
	_ =	sdelay $0x1  }
0x250: {  	v5 =	vmul.f32 v6, v5;
	v3 =	vadd.f32 v2, v3;
	v2 =	vld [tilespmem:$0x1FC20]  }
0x251: {  	v8 =	vmul.f32 v6, v8;
	v6 =	vmul.f32 v6, v7;
	v7 =	vld [tilespmem:$0x1FC90];
	_ =	sdelay $0x4  }
0x252: {  	v1 =	vadd.f32 v5, v1;
	v5 =	vmul.f32 v7, v2;
	v2 =	vld [tilespmem:$0x1FC40];
	_ =	sdelay $0x2  }
0x253: {  	v4 =	vadd.f32 v10, v4;
	_ =	sdelay $0x1  }
0x254: {  	v4 =	vadd.f32 v8, v4;
	v0 =	vadd.f32 v6, v0;
	v6 =	vmul.f32 v7, v2;
	v7 =	vld [tilespmem:$0x1FC70];
	_ =	sdelay $0x1  }
0x255: {  	v9 =	vadd.f32 v5, v4;
	v5 =	vld [tilespmem:$0x1FB50]  }
0x256: {  	v10 =	vld [tilespmem:$0x1FB70]  }
0x257: {  	v4 =	vld [tilespmem:$0x1FB10]  }
0x258: {  	v1 =	vadd.f32 v7, v1;
	v7 =	vld [tilespmem:$0x1FCA0];
	_ =	sdelay $0x1  }
0x259: {  	v1 =	vadd.f32 v5, v1;
	v5 =	vld [tilespmem:$0x1FB80];
	_ =	sdelay $0x1  }
0x25a: {  	v11 =	vld [tilespmem:$0x1FA30];
	v0 =	vadd.f32 v6, v0;
	v6 =	vmul.f32 v10, v4  }
0x25b: {  	v7 =	vadd.f32 v7, v3;
	v3 =	vld [tilespmem:$0x1FAD0]  }
0x25c: {  	v0 =	vadd.f32 v6, v0;
	v6 =	vld [tilespmem:$0x1F9D0]  }
0x25d: {  	v7 =	vadd.f32 v5, v7;
	v5 =	vld [tilespmem:$0x1F9A0]  }
0x25e: {  	s23 =	sadd.s32 $0x20, s23  }
0x25f: {  	v2 =	vld [tilespmem:s23+$0xFFFFE010]  }
0x260: {  	v8 =	vmul.f32 v10, v3;
	_ =	sdelay $0x1  }
0x261: {  	v6 =	vmul.f32 v11, v6;
	v10 =	vmul.f32 v11, v5;
	v8 =	vadd.f32 v8, v9  }
0x262: {  	v9 =	vld [tilespmem:$0x1FA10]  }
0x263: {  	v0 =	vadd.f32 v6, v0;
	v6 =	vld [tilespmem:$0x1F870];
	v8 =	vadd.f32 v10, v8;
	v10 =	vbroadcast v2, $0xF  }
0x264: {  	v11 =	vld [tilespmem:$0x1F8E0]  }
0x265: {  	[tilespmem:$0x1EDD0] =	vst v10;
	v10 =	vld [tilespmem:$0x1F8A0];
	_ =	sdelay $0x1  }
0x266: {  	v1 =	vadd.f32 v9, v1;
	v9 =	vld [tilespmem:$0x1FA40]  }
0x267: {  	v4 =	vld [tilespmem:s23+$0x10]  }
0x268: {  	v6 =	vmul.f32 v11, v6  }
0x269: {  	v5 =	vld [tilespmem:s23+$0x1010];
	v1 =	vadd.f32 v10, v1  }
0x26a: {  	v3 =	vld [tilespmem:s23+$0xFFFFF010];
	v0 =	vadd.f32 v6, v0  }
0x26b: {  	v7 =	vadd.f32 v9, v7;
	v9 =	vld [tilespmem:$0x1F850];
	[tilespmem:$0x1F640] =	vst v1  }
0x26c: {  	[tilespmem:$0x1FF70] =	vst v0;
	v0 =	vbroadcast v4, $0xF;
	_ =	sdelay $0x1  }
0x26d: {  	[tilespmem:$0x1F850] =	vst v0;
	v0 =	vbroadcast v5, $0xF;
	_ =	sdelay $0x1  }
0x26e: {  	[tilespmem:$0x1F870] =	vst v0;
	v0 =	vbroadcast v2, $0xE;
	_ =	sdelay $0x1  }
0x26f: {  	[tilespmem:$0x1EE10] =	vst v0;
	v0 =	vbroadcast v3, $0xE;
	_ =	sdelay $0x1  }
0x270: {  	[tilespmem:$0x1EE20] =	vst v0;
	v0 =	vbroadcast v4, $0xE;
	_ =	sdelay $0x1  }
0x271: {  	[tilespmem:$0x1F9A0] =	vst v0;
	v0 =	vbroadcast v5, $0xE;
	_ =	sdelay $0x1  }
0x272: {  	[tilespmem:$0x1F9D0] =	vst v0;
	v0 =	vbroadcast v2, $0xD;
	_ =	sdelay $0x1  }
0x273: {  	[tilespmem:$0x1EE40] =	vst v0;
	v0 =	vbroadcast v3, $0xD;
	_ =	sdelay $0x1  }
0x274: {  	[tilespmem:$0x1EE50] =	vst v0;
	v0 =	vbroadcast v4, $0xD;
	_ =	sdelay $0x1  }
0x275: {  	[tilespmem:$0x1FAD0] =	vst v0;
	v0 =	vbroadcast v5, $0xD;
	_ =	sdelay $0x1  }
0x276: {  	[tilespmem:$0x1FB10] =	vst v0;
	v0 =	vbroadcast v2, $0xC;
	_ =	sdelay $0x1  }
0x277: {  	[tilespmem:$0x1EE60] =	vst v0;
	v0 =	vbroadcast v3, $0xC;
	_ =	sdelay $0x1  }
0x278: {  	[tilespmem:$0x1EE70] =	vst v0;
	v0 =	vbroadcast v4, $0xC;
	_ =	sdelay $0x1  }
0x279: {  	[tilespmem:$0x1FC20] =	vst v0;
	v0 =	vbroadcast v5, $0xC;
	_ =	sdelay $0x1  }
0x27a: {  	[tilespmem:$0x1FC40] =	vst v0;
	v0 =	vbroadcast v2, $0xB;
	_ =	sdelay $0x1  }
0x27b: {  	[tilespmem:$0x1FA00] =	vst v0;
	v0 =	vbroadcast v3, $0xB;
	_ =	sdelay $0x1  }
0x27c: {  	[tilespmem:$0x1FCC0] =	vst v0;
	v0 =	vbroadcast v4, $0xB;
	_ =	sdelay $0x1  }
0x27d: {  	[tilespmem:$0x1FCE0] =	vst v0;
	v0 =	vbroadcast v5, $0xB;
	_ =	sdelay $0x1  }
0x27e: {  	[tilespmem:$0x1FCF0] =	vst v0;
	v0 =	vbroadcast v2, $0xA;
	_ =	sdelay $0x1  }
0x27f: {  	[tilespmem:$0x1F8D0] =	vst v0;
	v0 =	vbroadcast v3, $0xA;
	_ =	sdelay $0x1  }
0x280: {  	[tilespmem:$0x1F960] =	vst v0;
	v0 =	vbroadcast v4, $0xA;
	_ =	sdelay $0x1  }
0x281: {  	[tilespmem:$0x1FD30] =	vst v0;
	v0 =	vbroadcast v5, $0xA;
	_ =	sdelay $0x1  }
0x282: {  	[tilespmem:$0x1FD50] =	vst v0;
	v0 =	vbroadcast v2, $0x9;
	_ =	sdelay $0x1  }
0x283: {  	[tilespmem:$0x1ECE0] =	vst v0;
	v0 =	vbroadcast v3, $0x9;
	_ =	sdelay $0x1  }
0x284: {  	[tilespmem:$0x1ECF0] =	vst v0;
	v0 =	vbroadcast v4, $0x9;
	_ =	sdelay $0x1  }
0x285: {  	[tilespmem:$0x1ED00] =	vst v0;
	v0 =	vbroadcast v5, $0x9;
	_ =	sdelay $0x1  }
0x286: {  	[tilespmem:$0x1ED10] =	vst v0;
	v0 =	vbroadcast v2, $0x8;
	_ =	sdelay $0x1  }
0x287: {  	[tilespmem:$0x1EC60] =	vst v0;
	v0 =	vbroadcast v3, $0x8;
	_ =	sdelay $0x1  }
0x288: {  	v1 =	vld [tilespmem:$0x1F8F0];
	[tilespmem:$0x1EC70] =	vst v0;
	v0 =	vbroadcast v4, $0x8  }
0x289: {  	v10 =	vbroadcast v4, $0x4  }
0x28a: {  	[tilespmem:$0x1EC80] =	vst v0;
	v0 =	vbroadcast v5, $0x8  }
0x28b: {  	[tilespmem:$0x1F490] =	vst v10;
	v10 =	vbroadcast v5, $0x4  }
0x28c: {  	[tilespmem:$0x1EC90] =	vst v0;
	v0 =	vbroadcast v2, $0x7  }
0x28d: {  	[tilespmem:$0x1F5C0] =	vst v10;
	v1 =	vadd.f32 v1, v7  }
0x28e: {  	[tilespmem:$0x1EF00] =	vst v0;
	v0 =	vbroadcast v3, $0x7  }
0x28f: {  	v9 =	vmul.f32 v11, v9;
	[tilespmem:$0x1FF60] =	vst v1;
	v1 =	vbroadcast v3, $0xF  }
0x290: {  	[tilespmem:$0x1EF10] =	vst v0;
	v0 =	vbroadcast v4, $0x7  }
0x291: {  	[tilespmem:$0x1EDE0] =	vst v1;
	v1 =	vadd.f32 v9, v8  }
0x292: {  	[tilespmem:$0x1FDC0] =	vst v0;
	v0 =	vbroadcast v5, $0x7  }
0x293: {  	v9 =	vbroadcast v2, $0x4;
	[tilespmem:$0x1EFE0] =	vst v1  }
0x294: {  	[tilespmem:$0x1FDD0] =	vst v0;
	v0 =	vbroadcast v2, $0x6  }
0x295: {  	v17 =	vld [tilespmem:$0x1FFA0];
	v1 =	vbroadcast v4, $0x5;
	[tilespmem:$0x1FAF0] =	vst v9  }
0x296: {  	[tilespmem:$0x1EF20] =	vst v0;
	v0 =	vbroadcast v3, $0x6  }
0x297: {  	v20 =	vld [tilespmem:$0x1FFB0];
	v9 =	vbroadcast v3, $0x4;
	[tilespmem:$0x1F480] =	vst v1  }
0x298: {  	[tilespmem:$0x1EF30] =	vst v0;
	v0 =	vbroadcast v4, $0x6  }
0x299: {  	v1 =	vbroadcast v5, $0x5;
	[tilespmem:$0x1F900] =	vst v9  }
0x29a: {  	v9 =	vadd.s32 s24, v17;
	[tilespmem:$0x1FE70] =	vst v0;
	v0 =	vbroadcast v5, $0x6  }
0x29b: {  	v15 =	vand.u32 $0x1FFF8, v9;
	v9 =	vbroadcast v4, $0x2;
	[tilespmem:$0x1F5B0] =	vst v1  }
0x29c: {  	v1 =	vadd.s32 s24, v20;
	[tilespmem:$0x1FE80] =	vst v0;
	v0 =	vbroadcast v2, $0x5  }
0x29d: {  	v13 =	vand.u32 $0xFFF8, v1;
	v1 =	vbroadcast v2, $0x3;
	[tilespmem:$0x1F180] =	vst v9  }
0x29e: {  	[tilespmem:$0x1EF40] =	vst v0;
	v0 =	vbroadcast v3, $0x5  }
0x29f: {  	v9 =	vbroadcast v5, $0x2;
	[tilespmem:$0x1FF20] =	vst v1  }
0x2a0: {  	v1 =	vbroadcast v3, $0x3;
	[tilespmem:$0x1FF10] =	vst v0;
	v0 =	vmov s24  }
0x2a1: {  	[tilespmem:$0x1F1B0] =	vst v9;
	v14 =	vand.u32 $0x5, v0;
	v0 =	vbroadcast v4, $0x3  }
0x2a2: {  	v9 =	vbroadcast v2, $0x1;
	[tilespmem:$0x1FF30] =	vst v1  }
0x2a3: {  	[tilespmem:$0x1FF40] =	vst v0;
	v0 =	vbroadcast v5, $0x3  }
0x2a4: {  	[tilespmem:$0x1EE80] =	vst v9;
	v9 =	vbroadcast v3, $0x1  }
0x2a5: {  	v10 =	vld [tilespmem:s23+$0xFFFFE000];
	[tilespmem:$0x1F1D0] =	vst v0;
	v0 =	vbroadcast v2, $0x2  }
0x2a6: {  	[tilespmem:$0x1EE90] =	vst v9;
	v9 =	vbroadcast v4, $0x1  }
0x2a7: {  	v1 =	vld [tilespmem:s23+$0xFFFFF000];
	[tilespmem:$0x1FEE0] =	vst v0;
	v0 =	vbroadcast v3, $0x2  }
0x2a8: {  	[tilespmem:$0x1EEA0] =	vst v9;
	v9 =	vbroadcast v5, $0x1  }
0x2a9: {  	[tilespmem:$0x1FEF0] =	vst v0;
	v0 =	vld [tilespmem:s23+$0x0]  }
0x2aa: {  	[tilespmem:$0x1EEB0] =	vst v9;
	v9 =	vbroadcast v10, $0xE  }
0x2ab: {  	v12 =	vld [tilespmem:s23+$0x1000]  }
0x2ac: {  	[tilespmem:$0x1EF90] =	vst v9;
	v9 =	vbroadcast v1, $0xE;
	_ =	sdelay $0x1  }
0x2ad: {  	[tilespmem:$0x1FC60] =	vst v9;
	v9 =	vbroadcast v0, $0xE;
	_ =	sdelay $0x1  }
0x2ae: {  	[tilespmem:$0x1F0A0] =	vst v9;
	v9 =	vbroadcast v12, $0xE;
	_ =	sdelay $0x1  }
0x2af: {  	[tilespmem:$0x1F0C0] =	vst v9;
	v9 =	vbroadcast v10, $0xD;
	_ =	sdelay $0x1  }
0x2b0: {  	[tilespmem:$0x1FB60] =	vst v9;
	v9 =	vbroadcast v1, $0xD;
	_ =	sdelay $0x1  }
0x2b1: {  	[tilespmem:$0x1FB90] =	vst v9;
	v9 =	vbroadcast v0, $0xD;
	_ =	sdelay $0x1  }
0x2b2: {  	[tilespmem:$0x1FBB0] =	vst v9;
	v9 =	vbroadcast v12, $0xD;
	_ =	sdelay $0x1  }
0x2b3: {  	[tilespmem:$0x1FBC0] =	vst v9;
	v9 =	vbroadcast v10, $0xC;
	_ =	sdelay $0x1  }
0x2b4: {  	[tilespmem:$0x1FA80] =	vst v9;
	v9 =	vbroadcast v1, $0xC;
	_ =	sdelay $0x1  }
0x2b5: {  	[tilespmem:$0x1FAB0] =	vst v9;
	v9 =	vbroadcast v0, $0xC;
	_ =	sdelay $0x1  }
0x2b6: {  	[tilespmem:$0x1FB00] =	vst v9;
	v9 =	vbroadcast v12, $0xC;
	_ =	sdelay $0x1  }
0x2b7: {  	[tilespmem:$0x1FB40] =	vst v9;
	v9 =	vbroadcast v10, $0xB;
	_ =	sdelay $0x1  }
0x2b8: {  	[tilespmem:$0x1F9C0] =	vst v9;
	v9 =	vbroadcast v1, $0xB;
	_ =	sdelay $0x1  }
0x2b9: {  	[tilespmem:$0x1F9F0] =	vst v9;
	v9 =	vbroadcast v0, $0xB;
	_ =	sdelay $0x1  }
0x2ba: {  	[tilespmem:$0x1FA20] =	vst v9;
	v9 =	vbroadcast v12, $0xB;
	_ =	sdelay $0x1  }
0x2bb: {  	[tilespmem:$0x1FA60] =	vst v9;
	v9 =	vbroadcast v10, $0xA;
	_ =	sdelay $0x1  }
0x2bc: {  	[tilespmem:$0x1F8B0] =	vst v9;
	v9 =	vbroadcast v1, $0xA;
	_ =	sdelay $0x1  }
0x2bd: {  	[tilespmem:$0x1F910] =	vst v9;
	v9 =	vbroadcast v0, $0xA;
	_ =	sdelay $0x1  }
0x2be: {  	[tilespmem:$0x1F930] =	vst v9;
	v9 =	vbroadcast v12, $0xA;
	_ =	sdelay $0x1  }
0x2bf: {  	[tilespmem:$0x1F940] =	vst v9;
	v9 =	vbroadcast v10, $0x9  }
0x2c0: {  	v2 =	vbroadcast v2, $0x0  }
0x2c1: {  	[tilespmem:$0x1ECA0] =	vst v9;
	v9 =	vbroadcast v1, $0x9  }
0x2c2: {  	[tilespmem:$0x1ED20] =	vst v2;
	v2 =	vbroadcast v3, $0x0;
	v3 =	vbroadcast v4, $0x0  }
0x2c3: {  	[tilespmem:$0x1ECB0] =	vst v9;
	v9 =	vbroadcast v0, $0x9  }
0x2c4: {  	[tilespmem:$0x1ED40] =	vst v3;
	v3 =	vbroadcast v5, $0x0  }
0x2c5: {  	[tilespmem:$0x1ECC0] =	vst v9;
	v9 =	vbroadcast v12, $0x9  }
0x2c6: {  	[tilespmem:$0x1ED50] =	vst v3;
	v3 =	vbroadcast v10, $0xF  }
0x2c7: {  	[tilespmem:$0x1ECD0] =	vst v9;
	v9 =	vbroadcast v10, $0x8  }
0x2c8: {  	s25 =	sadd.s32 $0xFFFFFFFD, s24;
	[tilespmem:$0x1EF60] =	vst v3;
	v3 =	vbroadcast v1, $0xF  }
0x2c9: {  	v22 =	vmov s25;
	[tilespmem:$0x1EC20] =	vst v9;
	v9 =	vbroadcast v1, $0x8  }
0x2ca: {  	v13 =	vor.u32 v14, v13;
	v14 =	vor.u32 v14, v15;
	[tilespmem:$0x1EF70] =	vst v3;
	v3 =	vadd.s32 s25, v17  }
0x2cb: {  	v15 =	vand.u32 $0x6, v22;
	v22 =	vand.u32 $0x1FFF8, v3;
	v3 =	vld [tilespmem:$0x1F1E0];
	[tilespmem:$0x1EC30] =	vst v9;
	v9 =	vbroadcast v0, $0x8;
	_ =	sdelay $0x1  }
0x2cc: {  	[tilespmem:$0x1EC40] =	vst v9;
	v9 =	vbroadcast v12, $0x8  }
0x2cd: {  	s22 =	sadd.s32 $0x2, s22;
	[tilespmem:$0x1ED30] =	vst v2;
	v5 =	vbroadcast v0, $0xF  }
0x2ce: {  	s31 =	sand.u32 $0xF8, s22;
	[tilespmem:$0x1EC50] =	vst v9;
	v9 =	vbroadcast v10, $0x7  }
0x2cf: {  	[tilespmem:$0x1F0E0] =	vst v5;
	v53 =	vor.u32 s31, v3;
	v3 =	vbroadcast v0, $0x6  }
0x2d0: {  	[tilespmem:$0x1F770] =	vst v9;
	v9 =	vbroadcast v1, $0x7  }
0x2d1: {  	v27 =	vld [tilespmem:$0x1FFE0];
	v2 =	vadd.s32 s25, v20;
	[tilespmem:$0x1F750] =	vst v3;
	v3 =	vbroadcast v12, $0x6  }
0x2d2: {  	v30 =	vld [tilespmem:$0x1FFF0];
	v2 =	vand.u32 $0xFFF8, v2;
	[tilespmem:$0x1F780] =	vst v9;
	v9 =	vbroadcast v0, $0x7  }
0x2d3: {  	v29 =	vld [tilespmem:$0x1FFD0];
	v62 =	vor.u32 v15, v2;
	v2 =	vbroadcast v0, $0x3;
	[tilespmem:$0x1F760] =	vst v3  }
0x2d4: {  	v3 =	vld [tilespmem:$0x1F1F0];
	[tilespmem:$0x1F790] =	vst v9;
	v9 =	vbroadcast v12, $0x7  }
0x2d5: {  	v5 =	vbroadcast v12, $0xF;
	[tilespmem:$0x1F690] =	vst v2  }
0x2d6: {  	v28 =	vld [tilespmem:$0x1FFC0];
	v6 =	vadd.s32 s24, v27;
	[tilespmem:$0x1F7A0] =	vst v9;
	v9 =	vbroadcast v10, $0x6  }
0x2d7: {  	v7 =	vadd.s32 s24, v30;
	v2 =	vbroadcast v12, $0x3;
	[tilespmem:$0x1F0F0] =	vst v5  }
0x2d8: {  	v11 =	vadd.s32 s24, v29;
	[tilespmem:$0x1F730] =	vst v9;
	v9 =	vbroadcast v1, $0x6  }
0x2d9: {  	s26 =	sadd.s32 $0xFFFFFFFA, s24;
	v18 =	vadd.s32 s25, v30;
	[tilespmem:$0x1F6A0] =	vst v2;
	v49 =	vor.u32 s31, v3;
	v3 =	vbroadcast v10, $0x5  }
0x2da: {  	v24 =	vadd.s32 s26, v17;
	[tilespmem:$0x1F740] =	vst v9;
	v9 =	vbroadcast v10, $0x4  }
0x2db: {  	s30 =	sadd.s32 $0xFFFFFFF7, s24;
	v25 =	vadd.s32 s26, v28;
	v6 =	vld.idx.msk [tilespmem:v6+s14+$0x0], $0xffff;
	[tilespmem:$0x1F6F0] =	vst v3;
	v3 =	vbroadcast v1, $0x5  }
0x2dc: {  	v58 =	vmov s30;
	v26 =	vadd.s32 s26, v29;
	v7 =	vld.idx.msk [tilespmem:v7+s14+$0x0], $0xffff;
	[tilespmem:$0x1F6B0] =	vst v9;
	v9 =	vbroadcast v1, $0x4  }
0x2dd: {  	v16 =	vadd.s32 s25, v27;
	v11 =	vld.idx.msk [tilespmem:v11+s14+$0x0], $0xffff;
	v4 =	vadd.s32 s26, v20;
	[tilespmem:$0x1F700] =	vst v3;
	v3 =	vbroadcast v0, $0x5  }
0x2de: {  	v18 =	vld.idx.msk [tilespmem:v18+s14+$0x0], $0xffff;
	v5 =	vadd.s32 s26, v27;
	v27 =	vadd.s32 s30, v27;
	[tilespmem:$0x1F6C0] =	vst v9;
	v9 =	vbroadcast v0, $0x4  }
0x2df: {  	v23 =	vadd.s32 s26, v30;
	v8 =	vadd.s32 s24, v28;
	v24 =	vld.idx.msk [tilespmem:v24+s14+$0x0], $0xffff;
	[tilespmem:$0x1F710] =	vst v3;
	v3 =	vbroadcast v12, $0x5  }
0x2e0: {  	v30 =	vadd.s32 s30, v30;
	v59 =	vadd.s32 s30, v20;
	v2 =	vld.idx.msk [tilespmem:v25+s14+$0x0], $0xffff;
	[tilespmem:$0x1F6D0] =	vst v9;
	v9 =	vbroadcast v12, $0x4  }
0x2e1: {  	v60 =	vadd.s32 s30, v17;
	v36 =	vand.u32 $0xFFF8, v59;
	v15 =	vor.u32 v15, v22;
	v25 =	vld.idx.msk [tilespmem:v26+s14+$0x0], $0xffff;
	[tilespmem:$0x1F720] =	vst v3  }
0x2e2: {  	v61 =	vand.u32 $0x1FFF8, v60;
	v3 =	vld.idx.msk [tilespmem:v4+s14+$0x0], $0xffff;
	v4 =	vand.u32 $0x4, v58;
	[tilespmem:$0x1F6E0] =	vst v9;
	v9 =	vbroadcast v10, $0x3  }
0x2e3: {  	v26 =	vld.idx.msk [tilespmem:v27+s14+$0x0], $0xffff;
	v22 =	vor.u32 v4, v36;
	v27 =	vor.u32 v4, v61;
	v4 =	vbroadcast v0, $0x2  }
0x2e4: {  	v8 =	vld.idx.msk [tilespmem:v8+s14+$0x0], $0xffff;
	v6 =	vshll.u32 v6, $0x8;
	v7 =	vshll.u32 v7, $0x10;
	[tilespmem:$0x1F670] =	vst v9;
	v9 =	vbroadcast v1, $0x3  }
0x2e5: {  	v6 =	vor.u32 v7, v6;
	v7 =	vld.idx.msk [tilespmem:v14+s14+$0x0], $0xffff;
	[tilespmem:$0x1F610] =	vst v4;
	v4 =	vbroadcast v12, $0x2  }
0x2e6: {  	v19 =	vadd.s32 s25, v28;
	v15 =	vld.idx.msk [tilespmem:v15+s14+$0x0], $0xffff;
	[tilespmem:$0x1F680] =	vst v9;
	v9 =	vbroadcast v10, $0x2  }
0x2e7: {  	v57 =	vadd.s32 s30, v29;
	v5 =	vld.idx.msk [tilespmem:v5+s14+$0x0], $0xffff;
	[tilespmem:$0x1F620] =	vst v4  }
0x2e8: {  	v56 =	vadd.s32 s30, v28;
	v4 =	vld.idx.msk [tilespmem:v30+s14+$0x0], $0xffff;
	[tilespmem:$0x1F5F0] =	vst v9;
	v9 =	vbroadcast v1, $0x2  }
0x2e9: {  	v22 =	vld.idx.msk [tilespmem:v22+s14+$0x0], $0xffff  }
0x2ea: {  	v21 =	vadd.s32 s25, v29;
	v14 =	vshrl.u32 v24, $0x3;
	v27 =	vld.idx.msk [tilespmem:v27+s14+$0x0], $0xffff;
	[tilespmem:$0x1F600] =	vst v9;
	v9 =	vbroadcast v10, $0x1  }
0x2eb: {  	v19 =	vld.idx.msk [tilespmem:v19+s14+$0x0], $0xffff;
	v14 =	vand.u32 $0x7, v14;
	v32 =	vand.u32 $0x7, v7  }
0x2ec: {  	v63 =	vld.idx.msk [tilespmem:v57+s14+$0x0], $0xffff;
	v2 =	vshll.u32 v2, $0x8;
	v50 =	vshrl.u32 v15, $0x3;
	[tilespmem:$0x1EEC0] =	vst v9;
	v9 =	vbroadcast v1, $0x1  }
0x2ed: {  	v5 =	vshll.u32 v5, $0x8;
	v54 =	vor.u32 v49, v32;
	v30 =	vld.idx.msk [tilespmem:v56+s14+$0x0], $0xffff;
	v1 =	vbroadcast v1, $0x0  }
0x2ee: {  	v57 =	vor.u32 v49, v14;
	v4 =	vshll.u32 v4, $0x10;
	v40 =	vshrl.u32 v22, $0x3;
	[tilespmem:$0x1EED0] =	vst v9  }
0x2ef: {  	v21 =	vld.idx.msk [tilespmem:v21+s14+$0x0], $0xffff;
	v59 =	vand.u32 $0x7, v27;
	v9 =	vbroadcast v0, $0x1;
	[tilespmem:$0x1ED70] =	vst v1;
	v1 =	vshll.u32 v8, $0x8  }
0x2f0: {  	v0 =	vbroadcast v0, $0x0;
	v8 =	vshll.u32 v11, $0x10;
	v11 =	vshll.u32 v19, $0x8  }
0x2f1: {  	v19 =	vshll.u32 v26, $0x8;
	v26 =	vshll.u32 v63, $0x10;
	v1 =	vor.u32 v8, v1  }
0x2f2: {  	v8 =	vshll.u32 v18, $0x10;
	v18 =	vshll.u32 v25, $0x10;
	v25 =	vshll.u32 v30, $0x8;
	[tilespmem:$0x1EEE0] =	vst v9  }
0x2f3: {  	v16 =	vld.idx.msk [tilespmem:v16+s14+$0x0], $0xffff;
	v19 =	vor.u32 v4, v19;
	v9 =	vbroadcast v12, $0x1;
	[tilespmem:$0x1ED80] =	vst v0;
	v0 =	vbroadcast v12, $0x0  }
0x2f4: {  	v23 =	vld.idx.msk [tilespmem:v23+s14+$0x0], $0xffff;
	v12 =	vshll.u32 v21, $0x10;
	v21 =	vand.u32 $0x7, v3;
	v1 =	vor.u32 v7, v1  }
0x2f5: {  	v7 =	vshrl.u32 v7, $0x3;
	v52 =	vor.u32 v53, v21;
	v21 =	vor.u32 v26, v25  }
0x2f6: {  	v25 =	vshrl.u32 v1, $0x15;
	v38 =	vshrl.u32 v1, $0x12;
	v37 =	vshrl.u32 v1, $0xC  }
0x2f7: {  	v44 =	vshrl.u32 v1, $0xF;
	v47 =	vshrl.u32 v1, $0x9;
	v7 =	vand.u32 $0x7, v7  }
0x2f8: {  	v1 =	vshrl.u32 v1, $0x6;
	[tilespmem:$0x1EEF0] =	vst v9;
	v9 =	vbroadcast v10, $0x0;
	v10 =	vshll.u32 v16, $0x8  }
0x2f9: {  	[tilespmem:$0x1ED90] =	vst v0;
	v0 =	vld.idx.msk [tilespmem:v13+s14+$0x0], $0xffff;
	v13 =	vshrl.u32 v3, $0x3;
	v16 =	vshll.u32 v23, $0x10;
	v23 =	vand.u32 $0x7, v24  }
0x2fa: {  	v14 =	vor.u32 v27, v21;
	v27 =	vshrl.u32 v27, $0x3;
	v25 =	vand.u32 $0x7, v25  }
0x2fb: {  	v29 =	vand.u32 $0x7, v44;
	v34 =	vand.u32 $0x7, v1;
	v13 =	vand.u32 $0x7, v13  }
0x2fc: {  	v8 =	vor.u32 v8, v10;
	v10 =	vor.u32 v12, v11;
	v11 =	vor.u32 v16, v5  }
0x2fd: {  	v12 =	vor.u32 v18, v2;
	v58 =	vor.u32 v49, v23;
	v18 =	vand.u32 $0x7, v47  }
0x2fe: {  	v47 =	vor.u32 v49, v7;
	v55 =	vshrl.u32 v14, $0xF;
	v48 =	vshrl.u32 v14, $0x12  }
0x2ff: {  	v56 =	vor.u32 v53, v13;
	v3 =	vor.u32 v3, v11;
	v11 =	vor.u32 v24, v12  }
0x300: {  	[tilespmem:$0x1ED60] =	vst v9;
	v12 =	vor.u32 v22, v19;
	v22 =	vand.u32 $0x7, v22;
	v9 =	vand.u32 $0x7, v38  }
0x301: {  	v16 =	vld.idx.msk [tilespmem:v62+s14+$0x0], $0xffff;
	v32 =	vshrl.u32 v3, $0x12;
	v38 =	vshrl.u32 v3, $0x9;
	v39 =	vshrl.u32 v3, $0x6  }
0x302: {  	v42 =	vshrl.u32 v12, $0x15;
	v51 =	vshrl.u32 v12, $0xF;
	v62 =	vshrl.u32 v12, $0xC  }
0x303: {  	v6 =	vor.u32 v0, v6;
	v30 =	vshrl.u32 v0, $0x3;
	v0 =	vand.u32 $0x7, v0  }
0x304: {  	v23 =	vshrl.u32 v6, $0x15;
	v26 =	vshrl.u32 v6, $0xF;
	v33 =	vshrl.u32 v6, $0x12  }
0x305: {  	v36 =	vshrl.u32 v6, $0xC;
	v45 =	vshrl.u32 v6, $0x6;
	v6 =	vshrl.u32 v6, $0x9  }
0x306: {  	v13 =	vand.u32 $0x7, v16;
	v61 =	vand.u32 $0x7, v33;
	v31 =	vand.u32 $0x7, v6  }
0x307: {  	v6 =	vand.u32 $0x7, v36;
	v43 =	vor.u32 v53, v13;
	v13 =	vshrl.u32 v3, $0x15  }
0x308: {  	v33 =	vshrl.u32 v3, $0xF;
	v36 =	vshrl.u32 v3, $0xC;
	v3 =	vshrl.u32 v12, $0x9  }
0x309: {  	v8 =	vor.u32 v16, v8;
	v60 =	vor.u32 v53, v0;
	[tilespmem:$0x1EDB0] =	vst v3;
	v3 =	vshrl.u32 v14, $0xC  }
0x30a: {  	v0 =	vor.u32 v15, v10;
	v63 =	vand.u32 $0x7, v23;
	[tilespmem:$0x1EDA0] =	vst v3;
	v3 =	vshrl.u32 v12, $0x6  }
0x30b: {  	v17 =	vand.u32 $0x7, v45;
	v19 =	vshrl.u32 v8, $0x15;
	[tilespmem:$0x1EDF0] =	vst v3;
	v3 =	vshrl.u32 v14, $0x6  }
0x30c: {  	v23 =	vshrl.u32 v8, $0x12;
	v45 =	vshrl.u32 v14, $0x15;
	[tilespmem:$0x1EE00] =	vst v3;
	v3 =	vshrl.u32 v14, $0x9  }
0x30d: {  	v14 =	vor.u32 v53, v22;
	v22 =	vor.u32 v49, v25;
	v25 =	vor.u32 v53, v61  }
0x30e: {  	v61 =	vor.u32 v49, v9;
	v9 =	vld.idx.msk [tilespmem:v52+s13+$0x0], $0xffff;
	v52 =	vor.u32 v53, v17;
	v17 =	vor.u32 v49, v18  }
0x30f: {  	v21 =	vshrl.u32 v0, $0x12;
	v1 =	vshrl.u32 v0, $0x15;
	v7 =	vshrl.u32 v8, $0xC;
	[tilespmem:$0x1F4A0] =	vst v17;
	v17 =	vld.idx.msk [tilespmem:v58+s13+$0x0], $0xffff  }
0x310: {  	v2 =	vshrl.u32 v8, $0xF;
	v20 =	vshrl.u32 v0, $0xF;
	v5 =	vshrl.u32 v8, $0x6;
	v58 =	vld.idx.msk [tilespmem:v60+s13+$0x0], $0xffff  }
0x311: {  	v28 =	vshrl.u32 v8, $0x9;
	v4 =	vshrl.u32 v0, $0xC;
	v60 =	vand.u32 $0x7, v5;
	v5 =	vld [tilespmem:$0x1EC20]  }
0x312: {  	v8 =	vand.u32 $0x7, v50;
	v50 =	vshrl.u32 v12, $0x12;
	v12 =	vor.u32 v53, v63  }
0x313: {  	v63 =	vor.u32 v49, v29;
	v29 =	vand.u32 $0x7, v2;
	v2 =	vand.u32 $0x7, v21;
	v18 =	vld [tilespmem:$0x1EC30]  }
0x314: {  	[tilespmem:$0x1EDC0] =	vst v3;
	v3 =	vand.u32 $0x7, v27;
	v27 =	vor.u32 v53, v6;
	v6 =	vor.u32 v53, v31  }
0x315: {  	v21 =	vld [tilespmem:$0x1EC40];
	v31 =	vand.u32 $0x7, v1;
	v1 =	vor.u32 v49, v34;
	[tilespmem:$0x1EE30] =	vst v3;
	v3 =	vor.u32 v49, v59  }
0x316: {  	[tilespmem:$0x1F4B0] =	vst v1;
	v1 =	vand.u32 $0x7, v23;
	v23 =	vand.u32 $0x7, v4;
	v4 =	vmul.f32 v9, v5  }
0x317: {  	v59 =	vand.u32 $0x7, v19;
	v19 =	vand.u32 $0x7, v20;
	v20 =	vand.u32 $0x7, v28;
	v28 =	vld [tilespmem:$0x1EC50]  }
0x318: {  	[tilespmem:$0x1EFF0] =	vst v4;
	v4 =	vmul.f32 v9, v18;
	_ =	sdelay $0x1  }
0x319: {  	[tilespmem:$0x1F000] =	vst v4;
	v4 =	vmul.f32 v9, v21  }
0x31a: {  	v10 =	vshrl.u32 v16, $0x3;
	v5 =	vmul.f32 v17, v5  }
0x31b: {  	v15 =	vand.u32 $0x7, v15;
	v10 =	vand.u32 $0x7, v10;
	[tilespmem:$0x1F010] =	vst v4;
	v4 =	vmul.f32 v9, v28  }
0x31c: {  	v46 =	vor.u32 v49, v15;
	v15 =	vshrl.u32 v11, $0x15;
	[tilespmem:$0x1F200] =	vst v5;
	v5 =	vmul.f32 v17, v18  }
0x31d: {  	[tilespmem:$0x1F020] =	vst v4;
	v4 =	vor.u32 v53, v10;
	v10 =	vand.u32 $0x7, v15;
	v15 =	vld [tilespmem:$0x1EC60]  }
0x31e: {  	[tilespmem:$0x1F210] =	vst v5;
	v5 =	vor.u32 v49, v8;
	v8 =	vmul.f32 v17, v21;
	v9 =	vld.idx.msk [tilespmem:v56+s13+$0x0], $0xffff  }
0x31f: {  	v56 =	vld [tilespmem:$0x1EC70]  }
0x320: {  	[tilespmem:$0x1F220] =	vst v8;
	v8 =	vmul.f32 v17, v28  }
0x321: {  	v24 =	vshrl.u32 v0, $0x9;
	v0 =	vshrl.u32 v0, $0x6;
	v17 =	vld [tilespmem:$0x1EC80]  }
0x322: {  	v34 =	vand.u32 $0x7, v24;
	v24 =	vand.u32 $0x7, v0;
	v0 =	vld.idx.msk [tilespmem:v54+s13+$0x0], $0xffff;
	[tilespmem:$0x1F230] =	vst v8;
	v8 =	vmul.f32 v58, v15;
	_ =	sdelay $0x1  }
0x323: {  	v28 =	vld [tilespmem:$0x1EC90];
	[tilespmem:$0x1F240] =	vst v8;
	v8 =	vmul.f32 v58, v56;
	_ =	sdelay $0x1  }
0x324: {  	[tilespmem:$0x1F250] =	vst v8;
	v8 =	vmul.f32 v58, v17  }
0x325: {  	v17 =	vmul.f32 v0, v17  }
0x326: {  	[tilespmem:$0x1F260] =	vst v8  }
0x327: {  	v8 =	vmul.f32 v58, v28;
	[tilespmem:$0x1F2A0] =	vst v17;
	v17 =	vld [tilespmem:$0x1ECC0];
	_ =	sdelay $0x1  }
0x328: {  	[tilespmem:$0x1F270] =	vst v8;
	v8 =	vmul.f32 v0, v15  }
0x329: {  	v30 =	vand.u32 $0x7, v30  }
0x32a: {  	v44 =	vor.u32 v53, v30;
	v30 =	vshrl.u32 v11, $0x12;
	[tilespmem:$0x1F280] =	vst v8;
	v8 =	vmul.f32 v0, v56  }
0x32b: {  	v54 =	vand.u32 $0x7, v30;
	v0 =	vmul.f32 v0, v28;
	v28 =	vld [tilespmem:$0x1ECA0];
	v30 =	vmul.f32 v9, v17  }
0x32c: {  	v56 =	vld [tilespmem:$0x1ECB0]  }
0x32d: {  	[tilespmem:$0x1F050] =	vst v30;
	v30 =	vld [tilespmem:$0x1ECD0];
	_ =	sdelay $0x1  }
0x32e: {  	v21 =	vand.u32 $0x7, v13;
	v13 =	vld.idx.msk [tilespmem:v57+s13+$0x0], $0xffff  }
0x32f: {  	[tilespmem:$0x1F2B0] =	vst v0;
	v0 =	vmul.f32 v9, v28;
	_ =	sdelay $0x1  }
0x330: {  	[tilespmem:$0x1F030] =	vst v0;
	v0 =	vmul.f32 v9, v56;
	v9 =	vmul.f32 v9, v30;
	_ =	sdelay $0x1  }
0x331: {  	[tilespmem:$0x1F060] =	vst v9;
	v9 =	vmul.f32 v13, v28;
	_ =	sdelay $0x1  }
0x332: {  	[tilespmem:$0x1F2C0] =	vst v9;
	v9 =	vmul.f32 v13, v56  }
0x333: {  	v15 =	vld.idx.msk [tilespmem:v44+s13+$0x0], $0xffff  }
0x334: {  	[tilespmem:$0x1F2D0] =	vst v9;
	v9 =	vmul.f32 v13, v17;
	v17 =	vld [tilespmem:$0x1ECE0];
	_ =	sdelay $0x1  }
0x335: {  	v35 =	vshrl.u32 v11, $0xF;
	v41 =	vshrl.u32 v11, $0x6;
	v57 =	vld [tilespmem:$0x1ECF0];
	[tilespmem:$0x1F2E0] =	vst v9;
	v9 =	vmul.f32 v13, v30  }
0x336: {  	v16 =	vand.u32 $0x7, v37;
	v37 =	vshrl.u32 v11, $0xC;
	v11 =	vshrl.u32 v11, $0x9  }
0x337: {  	[tilespmem:$0x1F2F0] =	vst v9;
	v9 =	vand.u32 $0x7, v11  }
0x338: {  	v30 =	vld [tilespmem:$0x1ED00];
	[tilespmem:$0x1EF50] =	vst v9;
	v9 =	vmul.f32 v15, v17;
	_ =	sdelay $0x1  }
0x339: {  	v58 =	vld [tilespmem:$0x1ED10];
	[tilespmem:$0x1F300] =	vst v9;
	v9 =	vmul.f32 v15, v57  }
0x33a: {  	[tilespmem:$0x1F040] =	vst v0  }
0x33b: {  	v0 =	vld.idx.msk [tilespmem:v47+s13+$0x0], $0xffff;
	[tilespmem:$0x1F310] =	vst v9;
	v9 =	vand.u32 $0x7, v39  }
0x33c: {  	[tilespmem:$0x1EF80] =	vst v9;
	v9 =	vmul.f32 v15, v30;
	_ =	sdelay $0x1  }
0x33d: {  	[tilespmem:$0x1F320] =	vst v9;
	v9 =	vmul.f32 v15, v58;
	_ =	sdelay $0x1  }
0x33e: {  	[tilespmem:$0x1F330] =	vst v9;
	v9 =	vmul.f32 v0, v17;
	_ =	sdelay $0x1  }
0x33f: {  	[tilespmem:$0x1F340] =	vst v9;
	v9 =	vmul.f32 v0, v57  }
0x340: {  	v28 =	vld.idx.msk [tilespmem:v43+s13+$0x0], $0xffff  }
0x341: {  	v15 =	vld [tilespmem:$0x1ED40];
	[tilespmem:$0x1F350] =	vst v9;
	v9 =	vmul.f32 v0, v30;
	v0 =	vmul.f32 v0, v58  }
0x342: {  	v11 =	vld.idx.msk [tilespmem:v46+s13+$0x0], $0xffff  }
0x343: {  	[tilespmem:$0x1F370] =	vst v0;
	v0 =	vld.idx.msk [tilespmem:v3+s13+$0x0], $0xffff  }
0x344: {  	v3 =	vld [tilespmem:$0x1ED20];
	_ =	sdelay $0x1  }
0x345: {  	v44 =	vld [tilespmem:$0x1ED30];
	v30 =	vmul.f32 v28, v15;
	_ =	sdelay $0x1  }
0x346: {  	[tilespmem:$0x1F140] =	vst v30;
	v30 =	vld [tilespmem:$0x1ED50]  }
0x347: {  	[tilespmem:$0x1F360] =	vst v9;
	v9 =	vmul.f32 v28, v3;
	v3 =	vmul.f32 v11, v3;
	_ =	sdelay $0x1  }
0x348: {  	v43 =	vld.idx.msk [tilespmem:v14+s13+$0x0], $0xffff;
	[tilespmem:$0x1F380] =	vst v3;
	v3 =	vmul.f32 v11, v44  }
0x349: {  	v13 =	vld [tilespmem:$0x1ED70]  }
0x34a: {  	[tilespmem:$0x1F390] =	vst v3;
	v3 =	vld.idx.msk [tilespmem:v12+s13+$0x0], $0xffff;
	v12 =	vmul.f32 v11, v15;
	v11 =	vmul.f32 v11, v30  }
0x34b: {  	v39 =	vld.idx.msk [tilespmem:v22+s13+$0x0], $0xffff  }
0x34c: {  	[tilespmem:$0x1F3B0] =	vst v11;
	v11 =	vld [tilespmem:$0x1ED60]  }
0x34d: {  	v22 =	vld [tilespmem:$0x1ED80]  }
0x34e: {  	v57 =	vand.u32 $0x7, v45;
	v45 =	vld [tilespmem:$0x1ED90];
	_ =	sdelay $0x1  }
0x34f: {  	[tilespmem:$0x1F120] =	vst v9;
	v9 =	vmul.f32 v28, v44;
	v28 =	vmul.f32 v28, v30  }
0x350: {  	[tilespmem:$0x1F290] =	vst v8;
	v8 =	vand.u32 $0x7, v33;
	v30 =	vmul.f32 v43, v11;
	v11 =	vmul.f32 v0, v11  }
0x351: {  	v33 =	vand.u32 $0x7, v38;
	v38 =	vmul.f32 v43, v22;
	v22 =	vmul.f32 v0, v22  }
0x352: {  	[tilespmem:$0x1F3C0] =	vst v11;
	v11 =	vmul.f32 v0, v13;
	v0 =	vmul.f32 v0, v45  }
0x353: {  	[tilespmem:$0x1F3A0] =	vst v12;
	v12 =	vld.idx.msk [tilespmem:v25+s13+$0x0], $0xffff  }
0x354: {  	[tilespmem:$0x1F3F0] =	vst v0;
	v0 =	vld [tilespmem:$0x1EDB0]  }
0x355: {  	v25 =	vld [tilespmem:$0x1F850];
	_ =	sdelay $0x1  }
0x356: {  	v46 =	vand.u32 $0x7, v55;
	v55 =	vld [tilespmem:$0x1EDE0]  }
0x357: {  	[tilespmem:$0x1F150] =	vst v28;
	v28 =	vand.u32 $0x7, v51;
	v51 =	vld [tilespmem:$0x1EDD0]  }
0x358: {  	v56 =	vand.u32 $0x7, v0;
	v0 =	vld [tilespmem:$0x1EDC0]  }
0x359: {  	[tilespmem:$0x1F130] =	vst v9;
	v9 =	vand.u32 $0x7, v50;
	v50 =	vld.idx.msk [tilespmem:v61+s13+$0x0], $0xffff;
	v25 =	vmul.f32 v3, v25  }
0x35a: {  	v61 =	vld [tilespmem:$0x1EE10]  }
0x35b: {  	[tilespmem:$0x1F860] =	vst v25;
	v25 =	vld [tilespmem:$0x1F870];
	_ =	sdelay $0x1  }
0x35c: {  	v58 =	vand.u32 $0x7, v62;
	v62 =	vld [tilespmem:$0x1EE20];
	v44 =	vand.u32 $0x7, v0;
	v0 =	vmul.f32 v3, v51;
	_ =	sdelay $0x1  }
0x35d: {  	[tilespmem:$0x1F820] =	vst v0;
	v0 =	vmul.f32 v3, v55  }
0x35e: {  	v3 =	vmul.f32 v3, v25;
	v25 =	vld.idx.msk [tilespmem:v27+s13+$0x0], $0xffff;
	v27 =	vmul.f32 v12, v61;
	_ =	sdelay $0x1  }
0x35f: {  	[tilespmem:$0x1F980] =	vst v27;
	v27 =	vmul.f32 v12, v62;
	_ =	sdelay $0x1  }
0x360: {  	[tilespmem:$0x1F990] =	vst v27;
	v27 =	vld [tilespmem:$0x1F9A0];
	_ =	sdelay $0x4  }
0x361: {  	v27 =	vmul.f32 v12, v27;
	_ =	sdelay $0x1  }
0x362: {  	v26 =	vand.u32 $0x7, v26;
	v16 =	vor.u32 v49, v16;
	[tilespmem:$0x1F9B0] =	vst v27;
	v27 =	vld [tilespmem:$0x1F9D0]  }
0x363: {  	v26 =	vor.u32 v53, v26;
	_ =	sdelay $0x3  }
0x364: {  	[tilespmem:$0x1F3E0] =	vst v22;
	v12 =	vmul.f32 v12, v27;
	v27 =	vld.idx.msk [tilespmem:v16+s13+$0x0], $0xffff;
	v16 =	vmul.f32 v50, v61  }
0x365: {  	v22 =	vld.idx.msk [tilespmem:v26+s13+$0x0], $0xffff;
	[tilespmem:$0x1FA30] =	vst v50  }
0x366: {  	[tilespmem:$0x1FA10] =	vst v16;
	v16 =	vmul.f32 v50, v62;
	v50 =	vld [tilespmem:$0x1EE50];
	_ =	sdelay $0x3  }
0x367: {  	v26 =	vld.idx.msk [tilespmem:v63+s13+$0x0], $0xffff;
	[tilespmem:$0x1F880] =	vst v3  }
0x368: {  	v3 =	vld [tilespmem:$0x1EE00];
	[tilespmem:$0x1FA40] =	vst v16;
	v16 =	vor.u32 v49, v31;
	v31 =	vmul.f32 v22, v50  }
0x369: {  	v14 =	vand.u32 $0x7, v41;
	v41 =	vmul.f32 v43, v45;
	v45 =	vld [tilespmem:$0x1EE40]  }
0x36a: {  	[tilespmem:$0x1FAA0] =	vst v31;
	v31 =	vld [tilespmem:$0x1FAD0];
	_ =	sdelay $0x2  }
0x36b: {  	v18 =	vand.u32 $0x7, v32;
	v32 =	vand.u32 $0x7, v3  }
0x36c: {  	v3 =	vmul.f32 v39, v51;
	v51 =	vor.u32 v49, v2;
	v2 =	vmul.f32 v26, v45  }
0x36d: {  	v31 =	vmul.f32 v22, v31  }
0x36e: {  	v15 =	vmul.f32 v43, v13;
	v13 =	vld [tilespmem:$0x1EE30];
	[tilespmem:$0x1FB50] =	vst v2  }
0x36f: {  	v2 =	vmul.f32 v26, v50;
	[tilespmem:$0x1FAE0] =	vst v31;
	v31 =	vld [tilespmem:$0x1FB10];
	_ =	sdelay $0x1  }
0x370: {  	[tilespmem:$0x1FB80] =	vst v2;
	v2 =	vld [tilespmem:$0x1EE60];
	_ =	sdelay $0x2  }
0x371: {  	v63 =	vor.u32 v49, v13;
	v13 =	vmul.f32 v22, v45;
	v22 =	vmul.f32 v22, v31;
	_ =	sdelay $0x1  }
0x372: {  	[tilespmem:$0x1FB20] =	vst v22;
	v22 =	vmul.f32 v25, v2;
	_ =	sdelay $0x1  }
0x373: {  	[tilespmem:$0x1FBF0] =	vst v22;
	v22 =	vld [tilespmem:$0x1EE70];
	_ =	sdelay $0x2  }
0x374: {  	v2 =	vmul.f32 v27, v2;
	_ =	sdelay $0x1  }
0x375: {  	[tilespmem:$0x1FC70] =	vst v2;
	v2 =	vmul.f32 v27, v22;
	_ =	sdelay $0x1  }
0x376: {  	v6 =	vld.idx.msk [tilespmem:v6+s13+$0x0], $0xffff;
	[tilespmem:$0x1FCA0] =	vst v2;
	v2 =	vor.u32 v49, v23  }
0x377: {  	[tilespmem:$0x1F4C0] =	vst v2;
	v2 =	vld [tilespmem:$0x1FA00];
	_ =	sdelay $0x4  }
0x378: {  	v2 =	vmul.f32 v6, v2;
	_ =	sdelay $0x1  }
0x379: {  	[tilespmem:$0x1F0D0] =	vst v2;
	v2 =	vld [tilespmem:$0x1FCC0];
	_ =	sdelay $0x4  }
0x37a: {  	v2 =	vmul.f32 v6, v2;
	_ =	sdelay $0x1  }
0x37b: {  	[tilespmem:$0x1FCD0] =	vst v2;
	v2 =	vor.u32 v53, v20  }
0x37c: {  	[tilespmem:$0x1F080] =	vst v2;
	v2 =	vld [tilespmem:$0x1FCE0];
	_ =	sdelay $0x4  }
0x37d: {  	v2 =	vmul.f32 v6, v2  }
0x37e: {  	[tilespmem:$0x1FB70] =	vst v26  }
0x37f: {  	v26 =	vmul.f32 v25, v22;
	[tilespmem:$0x1F100] =	vst v2;
	v2 =	vld [tilespmem:$0x1FCF0]  }
0x380: {  	v31 =	vld.idx.msk [tilespmem:v52+s13+$0x0], $0xffff  }
0x381: {  	[tilespmem:$0x1FC10] =	vst v26;
	v26 =	vld [tilespmem:$0x1F8D0];
	_ =	sdelay $0x2  }
0x382: {  	v2 =	vmul.f32 v6, v2;
	_ =	sdelay $0x1  }
0x383: {  	[tilespmem:$0x1FD00] =	vst v2;
	v2 =	vmul.f32 v31, v26;
	_ =	sdelay $0x1  }
0x384: {  	[tilespmem:$0x1F090] =	vst v2;
	v2 =	vld [tilespmem:$0x1F960];
	_ =	sdelay $0x4  }
0x385: {  	v52 =	vld.idx.msk [tilespmem:v4+s13+$0x0], $0xffff;
	v4 =	vor.u32 v49, v19;
	v2 =	vmul.f32 v31, v2  }
0x386: {  	[tilespmem:$0x1F1C0] =	vst v4;
	v4 =	vld [tilespmem:$0x1FC20]  }
0x387: {  	[tilespmem:$0x1FD20] =	vst v2;
	v2 =	vor.u32 v53, v60  }
0x388: {  	[tilespmem:$0x1F0B0] =	vst v2;
	v2 =	vld [tilespmem:$0x1FD30];
	_ =	sdelay $0x2  }
0x389: {  	v4 =	vmul.f32 v25, v4;
	_ =	sdelay $0x1  }
0x38a: {  	[tilespmem:$0x1FC30] =	vst v4;
	v4 =	vld [tilespmem:$0x1FC40];
	v2 =	vmul.f32 v31, v2;
	_ =	sdelay $0x1  }
0x38b: {  	[tilespmem:$0x1FD40] =	vst v2;
	v2 =	vld [tilespmem:$0x1FD50];
	_ =	sdelay $0x1  }
0x38c: {  	v20 =	vld [tilespmem:$0x1EE80]  }
0x38d: {  	[tilespmem:$0x1F830] =	vst v0;
	v4 =	vmul.f32 v25, v4  }
0x38e: {  	[tilespmem:$0x1F8A0] =	vst v3;
	v23 =	vld [tilespmem:$0x1EE90]  }
0x38f: {  	[tilespmem:$0x1FC50] =	vst v4;
	v4 =	vor.u32 v49, v34;
	v2 =	vmul.f32 v31, v2  }
0x390: {  	[tilespmem:$0x1F4D0] =	vst v4;
	v4 =	vld [tilespmem:$0x1EEA0]  }
0x391: {  	v0 =	vld [tilespmem:$0x1EDF0];
	v19 =	vor.u32 v49, v24;
	[tilespmem:$0x1FD60] =	vst v2;
	v2 =	vmul.f32 v52, v20  }
0x392: {  	v29 =	vor.u32 v53, v29;
	v3 =	vmul.f32 v39, v55;
	[tilespmem:$0x1F4E0] =	vst v19;
	v19 =	vld [tilespmem:$0x1EEB0]  }
0x393: {  	v40 =	vand.u32 $0x7, v40;
	[tilespmem:$0x1F160] =	vst v2;
	v2 =	vmul.f32 v52, v23  }
0x394: {  	v5 =	vld.idx.msk [tilespmem:v5+s13+$0x0], $0xffff;
	[tilespmem:$0x1F8F0] =	vst v3;
	v3 =	vor.u32 v53, v40  }
0x395: {  	v24 =	vor.u32 v53, v21;
	[tilespmem:$0x1F170] =	vst v2;
	v2 =	vmul.f32 v52, v4;
	_ =	sdelay $0x1  }
0x396: {  	v17 =	vand.u32 $0x7, v42;
	v42 =	vld.idx.msk [tilespmem:v29+s13+$0x0], $0xffff;
	v0 =	vand.u32 $0x7, v0;
	[tilespmem:$0x1F190] =	vst v2;
	v2 =	vmul.f32 v52, v19  }
0x397: {  	v29 =	vor.u32 v53, v0;
	v0 =	vld [tilespmem:$0x1EF50];
	[tilespmem:$0x1F9E0] =	vst v12;
	v12 =	vor.u32 v53, v59  }
0x398: {  	v3 =	vld.idx.msk [tilespmem:v3+s13+$0x0], $0xffff;
	[tilespmem:$0x1F1A0] =	vst v2;
	v2 =	vor.u32 v49, v10;
	v10 =	vmul.f32 v5, v20  }
0x399: {  	v45 =	vld.idx.msk [tilespmem:v24+s13+$0x0], $0xffff  }
0x39a: {  	v6 =	vld.idx.msk [tilespmem:v63+s13+$0x0], $0xffff;
	[tilespmem:$0x1F400] =	vst v10;
	v10 =	vmul.f32 v5, v23  }
0x39b: {  	v60 =	vld [tilespmem:$0x1EF60]  }
0x39c: {  	v1 =	vor.u32 v53, v1;
	[tilespmem:$0x1F410] =	vst v10;
	v10 =	vld.idx.msk [tilespmem:v12+s13+$0x0], $0xffff  }
0x39d: {  	v0 =	vor.u32 v49, v0;
	v12 =	vor.u32 v53, v18;
	v18 =	vmul.f32 v5, v4;
	v4 =	vld [tilespmem:$0x1EEC0]  }
0x39e: {  	[tilespmem:$0x1F530] =	vst v0;
	v62 =	vld.idx.msk [tilespmem:v16+s13+$0x0], $0xffff  }
0x39f: {  	[tilespmem:$0x1F420] =	vst v18;
	v18 =	vld [tilespmem:$0x1EED0]  }
0x3a0: {  	v16 =	vld [tilespmem:$0x1EEF0];
	[tilespmem:$0x1F4F0] =	vst v2;
	v2 =	vor.u32 v49, v54;
	v5 =	vmul.f32 v5, v19  }
0x3a1: {  	v0 =	vmul.f32 v45, v60;
	[tilespmem:$0x1F500] =	vst v2;
	v2 =	vld [tilespmem:$0x1EEE0]  }
0x3a2: {  	[tilespmem:$0x1F430] =	vst v5;
	v5 =	vld.idx.msk [tilespmem:v1+s13+$0x0], $0xffff;
	v1 =	vmul.f32 v6, v4  }
0x3a3: {  	v48 =	vand.u32 $0x7, v48;
	[tilespmem:$0x1F110] =	vst v0;
	v0 =	vld [tilespmem:$0x1EF80]  }
0x3a4: {  	v23 =	vor.u32 v49, v48;
	[tilespmem:$0x1F440] =	vst v1;
	v1 =	vmul.f32 v6, v18  }
0x3a5: {  	v35 =	vand.u32 $0x7, v35;
	[tilespmem:$0x1F560] =	vst v23  }
0x3a6: {  	v61 =	vmul.f32 v3, v16;
	v23 =	vld [tilespmem:$0x1F770];
	v54 =	vmul.f32 v3, v2;
	[tilespmem:$0x1F450] =	vst v1;
	v1 =	vor.u32 v49, v35  }
0x3a7: {  	v17 =	vor.u32 v53, v17;
	v34 =	vmul.f32 v3, v4;
	v4 =	vld [tilespmem:$0x1EF10];
	[tilespmem:$0x1F510] =	vst v1;
	v1 =	vmul.f32 v6, v2  }
0x3a8: {  	[tilespmem:$0x1FC90] =	vst v27;
	v27 =	vmul.f32 v3, v18;
	v3 =	vor.u32 v53, v8;
	v8 =	vor.u32 v53, v0;
	v0 =	vld [tilespmem:$0x1FC60]  }
0x3a9: {  	[tilespmem:$0x1F460] =	vst v1;
	v1 =	vmul.f32 v6, v16;
	v6 =	vld [tilespmem:$0x1FDC0]  }
0x3aa: {  	v35 =	vld.idx.msk [tilespmem:v51+s13+$0x0], $0xffff  }
0x3ab: {  	v51 =	vld.idx.msk [tilespmem:v12+s13+$0x0], $0xffff  }
0x3ac: {  	v18 =	vor.u32 v53, v28;
	v28 =	vor.u32 v53, v56;
	v56 =	vld.idx.msk [tilespmem:v17+s13+$0x0], $0xffff  }
0x3ad: {  	v2 =	vld [tilespmem:$0x1EF00]  }
0x3ae: {  	v7 =	vand.u32 $0x7, v7;
	v21 =	vmul.f32 v10, v6;
	v6 =	vld [tilespmem:$0x1FDD0]  }
0x3af: {  	v7 =	vor.u32 v53, v7;
	v47 =	vand.u32 $0x7, v36;
	v12 =	vld.idx.msk [tilespmem:v3+s13+$0x0], $0xffff  }
0x3b0: {  	v16 =	vor.u32 v53, v47;
	v22 =	vmul.f32 v51, v0;
	v0 =	vor.u32 v49, v14;
	v14 =	vld [tilespmem:$0x1FB90]  }
0x3b1: {  	v37 =	vand.u32 $0x7, v37;
	v48 =	vmul.f32 v56, v23;
	v23 =	vld [tilespmem:$0x1F780]  }
0x3b2: {  	v20 =	vmul.f32 v10, v4;
	[tilespmem:$0x1F470] =	vst v1;
	v1 =	vor.u32 v49, v37  }
0x3b3: {  	[tilespmem:$0x1F070] =	vst v13;
	v37 =	vmul.f32 v10, v2;
	v13 =	vmul.f32 v10, v6;
	v10 =	vor.u32 v53, v9  }
0x3b4: {  	[tilespmem:$0x1F520] =	vst v1;
	v1 =	vld.idx.msk [tilespmem:v7+s13+$0x0], $0xffff  }
0x3b5: {  	v7 =	vld.idx.msk [tilespmem:v16+s13+$0x0], $0xffff;
	v16 =	vmul.f32 v12, v14  }
0x3b6: {  	v14 =	vor.u32 v49, v57;
	v57 =	vmul.f32 v56, v23;
	v23 =	vor.u32 v49, v46  }
0x3b7: {  	[tilespmem:$0x1F570] =	vst v23;
	v23 =	vld [tilespmem:$0x1F730]  }
0x3b8: {  	v24 =	vor.u32 v53, v58;
	v58 =	vld.idx.msk [tilespmem:v10+s13+$0x0], $0xffff;
	_ =	sdelay $0x4  }
0x3b9: {  	v46 =	vmul.f32 v58, v23;
	v23 =	vld [tilespmem:$0x1F740];
	_ =	sdelay $0x3  }
0x3ba: {  	v47 =	vld.idx.msk [tilespmem:v18+s13+$0x0], $0xffff  }
0x3bb: {  	v50 =	vmul.f32 v58, v23;
	v23 =	vld [tilespmem:$0x1F700];
	_ =	sdelay $0x4  }
0x3bc: {  	v24 =	vld.idx.msk [tilespmem:v24+s13+$0x0], $0xffff;
	v55 =	vmul.f32 v47, v23;
	v23 =	vor.u32 v49, v44  }
0x3bd: {  	[tilespmem:$0x1F590] =	vst v23;
	v23 =	vld [tilespmem:$0x1F6B0];
	_ =	sdelay $0x4  }
0x3be: {  	v44 =	vmul.f32 v24, v23;
	v23 =	vld [tilespmem:$0x1F6C0];
	_ =	sdelay $0x4  }
0x3bf: {  	v28 =	vld.idx.msk [tilespmem:v28+s13+$0x0], $0xffff;
	v63 =	vmul.f32 v24, v23;
	v23 =	vor.u32 v49, v32  }
0x3c0: {  	[tilespmem:$0x1F5A0] =	vst v23;
	v23 =	vld [tilespmem:$0x1F670];
	_ =	sdelay $0x3  }
0x3c1: {  	[tilespmem:$0x1F3D0] =	vst v11;
	v11 =	vld [tilespmem:$0x1EDA0]  }
0x3c2: {  	v32 =	vmul.f32 v28, v23;
	v23 =	vld [tilespmem:$0x1F680];
	_ =	sdelay $0x3  }
0x3c3: {  	v11 =	vand.u32 $0x7, v11  }
0x3c4: {  	v11 =	vor.u32 v49, v11;
	v49 =	vmul.f32 v28, v23;
	v23 =	vld [tilespmem:$0x1EFA0];
	_ =	sdelay $0x4  }
0x3c5: {  	v30 =	vadd.f32 v30, v23;
	v23 =	vld [tilespmem:$0x1EFB0];
	_ =	sdelay $0x3  }
0x3c6: {  	v29 =	vld.idx.msk [tilespmem:v29+s13+$0x0], $0xffff  }
0x3c7: {  	v15 =	vadd.f32 v15, v23;
	v23 =	vld [tilespmem:$0x1F5F0];
	_ =	sdelay $0x4  }
0x3c8: {  	v52 =	vmul.f32 v29, v23;
	v23 =	vld [tilespmem:$0x1EFC0];
	_ =	sdelay $0x4  }
0x3c9: {  	v38 =	vadd.f32 v38, v23;
	v23 =	vld [tilespmem:$0x1EFD0];
	_ =	sdelay $0x3  }
0x3ca: {  	v19 =	vld [tilespmem:$0x1EF90]  }
0x3cb: {  	v41 =	vadd.f32 v41, v23;
	_ =	sdelay $0x1  }
0x3cc: {  	v15 =	vadd.f32 v27, v15;
	v27 =	vld [tilespmem:$0x1F610]  }
0x3cd: {  	v23 =	vld [tilespmem:$0x1F600]  }
0x3ce: {  	v10 =	vmul.f32 v51, v19;
	v61 =	vadd.f32 v61, v41;
	v41 =	vmov v19;
	v19 =	vld [tilespmem:$0x1F620];
	_ =	sdelay $0x3  }
0x3cf: {  	v27 =	vmul.f32 v29, v27  }
0x3d0: {  	v23 =	vmul.f32 v29, v23;
	v29 =	vmul.f32 v29, v19;
	v19 =	vld [tilespmem:$0x1F690];
	_ =	sdelay $0x4  }
0x3d1: {  	v15 =	vadd.f32 v23, v15;
	v23 =	vmul.f32 v28, v19;
	v19 =	vld [tilespmem:$0x1F6A0];
	_ =	sdelay $0x4  }
0x3d2: {  	v28 =	vmul.f32 v28, v19;
	v19 =	vld [tilespmem:$0x1F6D0];
	_ =	sdelay $0x2  }
0x3d3: {  	v54 =	vadd.f32 v54, v38;
	_ =	sdelay $0x1  }
0x3d4: {  	v27 =	vadd.f32 v27, v54;
	v54 =	vmul.f32 v24, v19;
	v19 =	vld [tilespmem:$0x1F6E0];
	_ =	sdelay $0x4  }
0x3d5: {  	v30 =	vadd.f32 v34, v30;
	v24 =	vmul.f32 v24, v19;
	v19 =	vld [tilespmem:$0x1F710];
	_ =	sdelay $0x1  }
0x3d6: {  	v30 =	vadd.f32 v52, v30  }
0x3d7: {  	v29 =	vadd.f32 v29, v61  }
0x3d8: {  	v30 =	vadd.f32 v32, v30  }
0x3d9: {  	v23 =	vadd.f32 v23, v27;
	v27 =	vadd.f32 v28, v29;
	v29 =	vmul.f32 v47, v19;
	v19 =	vld [tilespmem:$0x1F720]  }
0x3da: {  	v28 =	vadd.f32 v44, v30;
	v30 =	vld.idx.msk [tilespmem:v8+s13+$0x0], $0xffff  }
0x3db: {  	v8 =	vld [tilespmem:$0x1F760];
	_ =	sdelay $0x2  }
0x3dc: {  	v24 =	vadd.f32 v24, v27;
	v27 =	vmul.f32 v47, v19;
	_ =	sdelay $0x1  }
0x3dd: {  	v24 =	vadd.f32 v27, v24;
	v27 =	vmul.f32 v58, v8;
	v8 =	vld [tilespmem:$0x1F790];
	_ =	sdelay $0x2  }
0x3de: {  	v23 =	vadd.f32 v54, v23  }
0x3df: {  	v17 =	vor.u32 v53, v33  }
0x3e0: {  	v23 =	vadd.f32 v29, v23;
	v29 =	vmul.f32 v56, v8;
	v8 =	vld [tilespmem:$0x1F7A0]  }
0x3e1: {  	[tilespmem:$0x1F580] =	vst v11;
	v11 =	vld [tilespmem:$0x1F6F0];
	_ =	sdelay $0x1  }
0x3e2: {  	v19 =	vld [tilespmem:$0x1F750]  }
0x3e3: {  	v17 =	vld.idx.msk [tilespmem:v17+s13+$0x0], $0xffff  }
0x3e4: {  	v24 =	vadd.f32 v27, v24;
	v27 =	vmul.f32 v56, v8;
	v8 =	vld [tilespmem:$0x1F9C0]  }
0x3e5: {  	v11 =	vmul.f32 v47, v11;
	_ =	sdelay $0x1  }
0x3e6: {  	v11 =	vadd.f32 v11, v28;
	v28 =	vmul.f32 v58, v19;
	_ =	sdelay $0x1  }
0x3e7: {  	v23 =	vadd.f32 v28, v23;
	v28 =	vmul.f32 v17, v8;
	v8 =	vld [tilespmem:$0x1F9F0];
	_ =	sdelay $0x4  }
0x3e8: {  	v15 =	vadd.f32 v49, v15;
	v24 =	vadd.f32 v27, v24;
	v27 =	vmul.f32 v17, v8;
	v8 =	vld [tilespmem:$0x1EFF0]  }
0x3e9: {  	v11 =	vadd.f32 v46, v11  }
0x3ea: {  	v15 =	vadd.f32 v63, v15  }
0x3eb: {  	v11 =	vadd.f32 v48, v11  }
0x3ec: {  	v15 =	vadd.f32 v55, v15  }
0x3ed: {  	v11 =	vadd.f32 v8, v11;
	v8 =	vld [tilespmem:$0x1F000]  }
0x3ee: {  	v15 =	vadd.f32 v50, v15;
	_ =	sdelay $0x1  }
0x3ef: {  	v15 =	vadd.f32 v57, v15;
	_ =	sdelay $0x1  }
0x3f0: {  	v15 =	vadd.f32 v8, v15;
	v8 =	vld [tilespmem:$0x1F8B0];
	_ =	sdelay $0x4  }
0x3f1: {  	v23 =	vadd.f32 v29, v23;
	v29 =	vmul.f32 v30, v8;
	v8 =	vld [tilespmem:$0x1F010];
	_ =	sdelay $0x4  }
0x3f2: {  	v23 =	vadd.f32 v8, v23;
	v8 =	vld [tilespmem:$0x1F020];
	_ =	sdelay $0x4  }
0x3f3: {  	v24 =	vadd.f32 v8, v24;
	v8 =	vld [tilespmem:$0x1F910];
	_ =	sdelay $0x4  }
0x3f4: {  	v19 =	vmul.f32 v30, v8;
	v8 =	vld [tilespmem:$0x1F030];
	_ =	sdelay $0x4  }
0x3f5: {  	v11 =	vadd.f32 v8, v11;
	v8 =	vld [tilespmem:$0x1F040];
	_ =	sdelay $0x4  }
0x3f6: {  	v15 =	vadd.f32 v8, v15;
	v8 =	vld [tilespmem:$0x1F930];
	_ =	sdelay $0x4  }
0x3f7: {  	v58 =	vmul.f32 v30, v8;
	v8 =	vld [tilespmem:$0x1F050];
	_ =	sdelay $0x1  }
0x3f8: {  	v3 =	vld [tilespmem:$0x1FE70];
	_ =	sdelay $0x2  }
0x3f9: {  	v23 =	vadd.f32 v8, v23;
	v8 =	vld [tilespmem:$0x1F060];
	_ =	sdelay $0x1  }
0x3fa: {  	[tilespmem:$0x1F8E0] =	vst v39;
	v39 =	vmul.f32 v5, v3;
	v3 =	vld [tilespmem:$0x1FE80];
	v6 =	vmul.f32 v62, v2  }
0x3fb: {  	v2 =	vld [tilespmem:$0x1EF20]  }
0x3fc: {  	[tilespmem:$0x1FE00] =	vst v6;
	v6 =	vmul.f32 v62, v4;
	v4 =	vld [tilespmem:$0x1EF30]  }
0x3fd: {  	v24 =	vadd.f32 v8, v24;
	v8 =	vld [tilespmem:$0x1F940]  }
0x3fe: {  	v59 =	vld [tilespmem:$0x1FF10];
	_ =	sdelay $0x1  }
0x3ff: {  	[tilespmem:$0x1F550] =	vst v14;
	v9 =	vmul.f32 v5, v3  }
0x400: {  	v14 =	vld [tilespmem:$0x1FA80];
	[tilespmem:$0x1FE10] =	vst v6;
	v6 =	vmul.f32 v5, v2;
	v2 =	vmul.f32 v35, v2;
	v11 =	vadd.f32 v29, v11  }
0x401: {  	v43 =	vmul.f32 v5, v4;
	v29 =	vld [tilespmem:$0x1FA20];
	v30 =	vmul.f32 v30, v8  }
0x402: {  	v5 =	vmul.f32 v42, v59;
	v11 =	vadd.f32 v28, v11;
	v28 =	vmovc v59;
	v59 =	vmov v2;
	v2 =	vld [tilespmem:$0x1FB00]  }
0x403: {  	v24 =	vadd.f32 v30, v24;
	v30 =	vld [tilespmem:$0x1FA60];
	_ =	sdelay $0x2  }
0x404: {  	v53 =	vmul.f32 v7, v14;
	v14 =	vld [tilespmem:$0x1FAB0]  }
0x405: {  	v3 =	vmul.f32 v35, v4;
	v4 =	vld [tilespmem:$0x1F900];
	v8 =	vmul.f32 v17, v29  }
0x406: {  	v17 =	vmul.f32 v17, v30;
	v30 =	vmov v13;
	v13 =	vmul.f32 v7, v2;
	v2 =	vld [tilespmem:$0x1FB40];
	_ =	sdelay $0x2  }
0x407: {  	[tilespmem:$0x1F540] =	vst v0;
	v0 =	vld [tilespmem:$0x1FB60]  }
0x408: {  	v40 =	vmul.f32 v1, v4;
	v29 =	vmov v4;
	v4 =	vld [tilespmem:$0x1FBC0]  }
0x409: {  	v14 =	vmul.f32 v7, v14;
	v7 =	vmul.f32 v7, v2;
	v2 =	vld [tilespmem:$0x1FBB0]  }
0x40a: {  	v15 =	vadd.f32 v19, v15;
	_ =	sdelay $0x1  }
0x40b: {  	v15 =	vadd.f32 v27, v15  }
0x40c: {  	v0 =	vmul.f32 v12, v0  }
0x40d: {  	v14 =	vadd.f32 v14, v15;
	v15 =	vmul.f32 v12, v2;
	v12 =	vmul.f32 v12, v4;
	v4 =	vld [tilespmem:$0x1F0A0];
	_ =	sdelay $0x2  }
0x40e: {  	v11 =	vadd.f32 v53, v11;
	_ =	sdelay $0x1  }
0x40f: {  	v0 =	vadd.f32 v0, v11;
	v11 =	vadd.f32 v16, v14;
	v54 =	vmovc v4;
	v14 =	vmul.f32 v51, v4;
	v4 =	vld [tilespmem:$0x1F0B0];
	_ =	sdelay $0x7  }
0x410: {  	v16 =	vld.idx.msk [tilespmem:v4+s13+$0x0], $0xffff  }
0x411: {  	v4 =	vld [tilespmem:$0x1F0C0]  }
0x412: {  	v17 =	vadd.f32 v17, v24;
	_ =	sdelay $0x1  }
0x413: {  	v7 =	vadd.f32 v7, v17;
	_ =	sdelay $0x1  }
0x414: {  	v7 =	vadd.f32 v12, v7;
	v63 =	vmov v4;
	v12 =	vmul.f32 v51, v4;
	v4 =	vld [tilespmem:$0x1F0E0];
	_ =	sdelay $0x3  }
0x415: {  	v2 =	vld [tilespmem:$0x1F080]  }
0x416: {  	v0 =	vadd.f32 v10, v0;
	v10 =	vadd.f32 v22, v11;
	v52 =	vmovc v4;
	v11 =	vmul.f32 v45, v4;
	v4 =	vld [tilespmem:$0x1F0F0];
	_ =	sdelay $0x3  }
0x417: {  	v23 =	vadd.f32 v58, v23  }
0x418: {  	v7 =	vadd.f32 v12, v7;
	v55 =	vmov v4;
	v12 =	vmul.f32 v45, v4;
	v4 =	vld [tilespmem:$0x1F110]  }
0x419: {  	v23 =	vadd.f32 v8, v23;
	_ =	sdelay $0x1  }
0x41a: {  	v24 =	vld.idx.msk [tilespmem:v2+s13+$0x0], $0xffff;
	v2 =	vadd.f32 v13, v23;
	_ =	sdelay $0x1  }
0x41b: {  	v2 =	vadd.f32 v15, v2;
	v13 =	vadd.f32 v4, v0;
	v4 =	vld [tilespmem:$0x1F120]  }
0x41c: {  	v36 =	vld [tilespmem:$0x1EF70]  }
0x41d: {  	v2 =	vadd.f32 v14, v2;
	_ =	sdelay $0x1  }
0x41e: {  	v2 =	vadd.f32 v11, v2  }
0x41f: {  	v11 =	vadd.f32 v12, v7;
	v12 =	vadd.f32 v4, v13;
	v4 =	vld [tilespmem:$0x1F130]  }
0x420: {  	v18 =	vmul.f32 v45, v36;
	_ =	sdelay $0x1  }
0x421: {  	v10 =	vadd.f32 v18, v10;
	_ =	sdelay $0x1  }
0x422: {  	v10 =	vadd.f32 v4, v10;
	v4 =	vld [tilespmem:$0x1F140];
	_ =	sdelay $0x4  }
0x423: {  	v2 =	vadd.f32 v4, v2;
	v4 =	vld [tilespmem:$0x1F150];
	_ =	sdelay $0x4  }
0x424: {  	v11 =	vadd.f32 v4, v11;
	v4 =	vld [tilespmem:$0x1F160];
	_ =	sdelay $0x4  }
0x425: {  	v12 =	vadd.f32 v4, v12;
	v4 =	vld [tilespmem:$0x1F170];
	_ =	sdelay $0x4  }
0x426: {  	v10 =	vadd.f32 v4, v10;
	v4 =	vld [tilespmem:$0x1F190];
	_ =	sdelay $0x4  }
0x427: {  	v17 =	vadd.f32 v4, v2;
	v2 =	vld [tilespmem:$0x1F1A0];
	_ =	sdelay $0x1  }
0x428: {  	v15 =	vld [tilespmem:$0x1F180]  }
0x429: {  	v14 =	vld [tilespmem:$0x1FEF0]  }
0x42a: {  	v13 =	vld [tilespmem:$0x1FEE0]  }
0x42b: {  	v18 =	vadd.f32 v2, v11;
	v2 =	vld [tilespmem:$0x1F1B0];
	_ =	sdelay $0x3  }
0x42c: {  	v47 =	vmovc v15;
	v46 =	vmov v14;
	v14 =	vmul.f32 v16, v14;
	v15 =	vmul.f32 v16, v15  }
0x42d: {  	v57 =	vmovc v13;
	v13 =	vmul.f32 v16, v13;
	v51 =	vmov v2;
	v16 =	vmul.f32 v16, v2;
	v2 =	vld [tilespmem:$0x1FF40];
	_ =	sdelay $0x1  }
0x42e: {  	v25 =	vld [tilespmem:$0x1FAF0]  }
0x42f: {  	v31 =	vld [tilespmem:$0x1EF40]  }
0x430: {  	v32 =	vmov v60;
	v60 =	vld [tilespmem:$0x1F070]  }
0x431: {  	v11 =	vadd.f32 v13, v12;
	v12 =	vadd.f32 v14, v10;
	v56 =	vmovc v2;
	v10 =	vmul.f32 v24, v2;
	v2 =	vld [tilespmem:$0x1F1C0]  }
0x432: {  	v53 =	vld [tilespmem:$0x1FF20]  }
0x433: {  	v7 =	vld [tilespmem:$0x1FF30]  }
0x434: {  	p0 =	sne.s32 s24, $0x5FD;
	v13 =	vld [tilespmem:$0x1F1D0]  }
.Ltmp0:
0x435: {  	v38 =	vld [tilespmem:$0x1EFE0];
	(pc) =	sbr.rel @p0 .LBB2_3-.Ltmp0, $4  }
0x436: {  	v33 =	vmul.f32 v1, v25;
	v27 =	vmov v25;
	v25 =	vld [tilespmem:$0x1F090]  }
0x437: {  	[tilespmem:$0x1FEB0] =	vst v3;
	v3 =	vmul.f32 v42, v31;
	v22 =	vld [tilespmem:$0x1F0D0];
	v45 =	vmov v26  }
0x438: {  	v26 =	vld [tilespmem:$0x1F100];
	v0 =	vmul.f32 v24, v53;
	v44 =	vmovc v7;
	v7 =	vmul.f32 v24, v7;
	v15 =	vadd.f32 v15, v17  }
0x439: {  	s24 =	sadd.s32 $0xC, s24;
	v58 =	vmovc v13;
	v13 =	vmul.f32 v24, v13;
	v18 =	vadd.f32 v16, v18;
	v24 =	vmov v31;
	v2 =	vld.idx.msk [tilespmem:v2+s13+$0x0], $0xffff  }
0x43a: {  	v17 =	vld [tilespmem:$0x1F490]  }
0x43b: {  	v23 =	vld [tilespmem:$0x1F5C0]  }
0x43c: {  	v16 =	vld [tilespmem:$0x1F480]  }
0x43d: {  	v49 =	vld [tilespmem:$0x1F240]  }
0x43e: {  	v0 =	vadd.f32 v0, v11;
	v50 =	vld [tilespmem:$0x1F250]  }
0x43f: {  	v61 =	vld [tilespmem:$0x1F260]  }
0x440: {  	v31 =	vld [tilespmem:$0x1F320];
	v0 =	vadd.f32 v33, v0  }
0x441: {  	v7 =	vadd.f32 v7, v12;
	v12 =	vadd.f32 v13, v18;
	v18 =	vld [tilespmem:$0x1F5B0]  }
0x442: {  	v4 =	vld [tilespmem:$0x1FD20];
	v0 =	vadd.f32 v3, v0  }
0x443: {  	v10 =	vadd.f32 v10, v15;
	v8 =	vld [tilespmem:$0x1F3D0];
	v11 =	vmul.f32 v1, v17;
	v34 =	vmul.f32 v1, v23  }
0x444: {  	v15 =	vld [tilespmem:$0x1F620];
	v7 =	vadd.f32 v40, v7;
	v0 =	vadd.f32 v6, v0  }
0x445: {  	v33 =	vld [tilespmem:$0x1F330];
	v10 =	vadd.f32 v11, v10;
	v1 =	vadd.f32 v34, v12  }
0x446: {  	v11 =	vmul.f32 v42, v16;
	v12 =	vmul.f32 v42, v18;
	v42 =	vadd.f32 v5, v7;
	v34 =	vld [tilespmem:$0x1FD40]  }
0x447: {  	v0 =	vadd.f32 v37, v0;
	v37 =	vld [tilespmem:$0x1FD60]  }
0x448: {  	v3 =	vadd.f32 v43, v42;
	v42 =	vld [tilespmem:$0x1FD00]  }
0x449: {  	v48 =	vadd.f32 v11, v10;
	v10 =	vld [tilespmem:$0x1FF70]  }
0x44a: {  	v1 =	vadd.f32 v12, v1;
	v11 =	vld [tilespmem:$0x1F3F0]  }
0x44b: {  	v12 =	vld [tilespmem:$0x1F460];
	v5 =	vadd.f32 v39, v48  }
0x44c: {  	v0 =	vadd.f32 v49, v0;
	v49 =	vld [tilespmem:$0x1FC30];
	v1 =	vadd.f32 v9, v1  }
0x44d: {  	v3 =	vadd.f32 v20, v3;
	v20 =	vld [tilespmem:$0x1F270];
	v5 =	vadd.f32 v21, v5  }
0x44e: {  	v1 =	vadd.f32 v30, v1;
	v30 =	vld [tilespmem:$0x1F310]  }
0x44f: {  	v21 =	vld [tilespmem:$0x1F300];
	v5 =	vadd.f32 v61, v5  }
0x450: {  	v39 =	vld [tilespmem:$0x1FCD0]  }
0x451: {  	v48 =	vld [tilespmem:$0x1FC10];
	v3 =	vadd.f32 v50, v3;
	v5 =	vadd.f32 v31, v5  }
0x452: {  	v9 =	vld [tilespmem:$0x1F3E0];
	v1 =	vadd.f32 v20, v1  }
0x453: {  	v50 =	vld [tilespmem:$0x1FC50];
	v3 =	vadd.f32 v30, v3;
	v5 =	vadd.f32 v34, v5  }
0x454: {  	v61 =	vld [tilespmem:$0x1FAE0];
	v0 =	vadd.f32 v21, v0;
	v1 =	vadd.f32 v33, v1  }
0x455: {  	v31 =	vld [tilespmem:$0x1F5A0];
	v3 =	vadd.f32 v4, v3;
	v40 =	vadd.f32 v26, v5  }
0x456: {  	v0 =	vadd.f32 v25, v0;
	v1 =	vadd.f32 v37, v1;
	v25 =	vld [tilespmem:$0x1F9B0]  }
0x457: {  	v3 =	vadd.f32 v39, v3;
	v4 =	vadd.f32 v49, v40;
	v40 =	vld [tilespmem:$0x1F860]  }
0x458: {  	v1 =	vadd.f32 v42, v1;
	v49 =	vld [tilespmem:$0x1F3C0]  }
0x459: {  	v9 =	vadd.f32 v9, v38;
	v3 =	vadd.f32 v48, v3;
	v48 =	vld [tilespmem:$0x1F640]  }
0x45a: {  	v1 =	vadd.f32 v50, v1;
	v50 =	vld [tilespmem:$0x1FF60];
	v4 =	vadd.f32 v61, v4  }
0x45b: {  	v10 =	vadd.f32 v11, v10;
	v11 =	vld [tilespmem:$0x1F440]  }
0x45c: {  	v9 =	vadd.f32 v12, v9;
	v12 =	vld [tilespmem:$0x1F470];
	v5 =	vadd.f32 v25, v4  }
0x45d: {  	v33 =	vld.idx.msk [tilespmem:v31+s13+$0x0], $0xffff  }
0x45e: {  	v14 =	vld [tilespmem:$0x1F610];
	v42 =	vadd.f32 v40, v5;
	v5 =	vadd.f32 v49, v48  }
0x45f: {  	v6 =	vadd.f32 v8, v50;
	v8 =	vld [tilespmem:$0x1F590]  }
0x460: {  	v5 =	vadd.f32 v11, v5;
	v11 =	vld [tilespmem:$0x1F450]  }
0x461: {  	v13 =	vld [tilespmem:$0x1F600]  }
0x462: {  	v10 =	vadd.f32 v12, v10;
	v12 =	vld [tilespmem:$0x1F580];
	v7 =	vmul.f32 v33, v15  }
0x463: {  	v15 =	vld [tilespmem:$0x1F680]  }
0x464: {  	v14 =	vmul.f32 v33, v14;
	v7 =	vadd.f32 v7, v10;
	v10 =	vld [tilespmem:$0x1F690]  }
0x465: {  	v6 =	vadd.f32 v11, v6;
	v11 =	vld [tilespmem:$0x1F5F0]  }
0x466: {  	v13 =	vmul.f32 v33, v13;
	v9 =	vadd.f32 v14, v9;
	v14 =	vld [tilespmem:$0x1F6A0]  }
0x467: {  	v8 =	vld.idx.msk [tilespmem:v8+s13+$0x0], $0xffff  }
0x468: {  	v6 =	vadd.f32 v13, v6;
	v13 =	vld [tilespmem:$0x1F670];
	_ =	sdelay $0x1  }
0x469: {  	v11 =	vmul.f32 v33, v11  }
0x46a: {  	v12 =	vld.idx.msk [tilespmem:v12+s13+$0x0], $0xffff  }
0x46b: {  	v15 =	vmul.f32 v8, v15;
	v10 =	vmul.f32 v8, v10;
	v5 =	vadd.f32 v11, v5;
	v11 =	vld [tilespmem:$0x1F570]  }
0x46c: {  	v13 =	vmul.f32 v8, v13;
	v8 =	vmul.f32 v8, v14;
	v14 =	vld [tilespmem:$0x1F6C0]  }
0x46d: {  	v6 =	vadd.f32 v15, v6;
	v15 =	vld [tilespmem:$0x1F6E0]  }
0x46e: {  	v5 =	vadd.f32 v13, v5;
	v13 =	vld [tilespmem:$0x1F6B0]  }
0x46f: {  	v7 =	vadd.f32 v8, v7;
	v8 =	vld [tilespmem:$0x1F6D0];
	_ =	sdelay $0x2  }
0x470: {  	v9 =	vadd.f32 v10, v9;
	v10 =	vld [tilespmem:$0x1F560];
	v14 =	vmul.f32 v12, v14  }
0x471: {  	v13 =	vmul.f32 v12, v13  }
0x472: {  	v8 =	vmul.f32 v12, v8;
	v12 =	vmul.f32 v12, v15;
	v6 =	vadd.f32 v14, v6;
	v14 =	vld [tilespmem:$0x1F710]  }
0x473: {  	v11 =	vld.idx.msk [tilespmem:v11+s13+$0x0], $0xffff  }
0x474: {  	v7 =	vadd.f32 v12, v7;
	v12 =	vld [tilespmem:$0x1F700]  }
0x475: {  	v5 =	vadd.f32 v13, v5;
	v13 =	vld [tilespmem:$0x1F6F0]  }
0x476: {  	v15 =	vld [tilespmem:$0x1F720];
	_ =	sdelay $0x1  }
0x477: {  	v10 =	vld.idx.msk [tilespmem:v10+s13+$0x0], $0xffff;
	v8 =	vadd.f32 v8, v9;
	v14 =	vmul.f32 v11, v14  }
0x478: {  	v9 =	vld [tilespmem:$0x1F550];
	v12 =	vmul.f32 v11, v12  }
0x479: {  	v13 =	vmul.f32 v11, v13;
	v8 =	vadd.f32 v14, v8;
	v14 =	vld [tilespmem:$0x1F760]  }
0x47a: {  	v11 =	vmul.f32 v11, v15;
	v6 =	vadd.f32 v12, v6;
	v12 =	vld [tilespmem:$0x1F730]  }
0x47b: {  	v5 =	vadd.f32 v13, v5;
	v13 =	vld [tilespmem:$0x1F740]  }
0x47c: {  	v7 =	vadd.f32 v11, v7;
	v11 =	vld [tilespmem:$0x1F750];
	_ =	sdelay $0x3  }
0x47d: {  	v12 =	vmul.f32 v10, v12;
	v13 =	vmul.f32 v10, v13  }
0x47e: {  	v11 =	vmul.f32 v10, v11;
	v10 =	vmul.f32 v10, v14  }
0x47f: {  	v9 =	vld.idx.msk [tilespmem:v9+s13+$0x0], $0xffff  }
0x480: {  	v7 =	vadd.f32 v10, v7;
	v10 =	vld [tilespmem:$0x1F790];
	_ =	sdelay $0x3  }
0x481: {  	v8 =	vadd.f32 v11, v8;
	v11 =	vld [tilespmem:$0x1F770]  }
0x482: {  	v5 =	vadd.f32 v12, v5;
	v12 =	vld [tilespmem:$0x1F780];
	v10 =	vmul.f32 v9, v10  }
0x483: {  	v6 =	vadd.f32 v13, v6;
	v13 =	vld [tilespmem:$0x1F7A0]  }
0x484: {  	v8 =	vadd.f32 v10, v8;
	v10 =	vld [tilespmem:$0x1F220];
	_ =	sdelay $0x3  }
0x485: {  	v11 =	vmul.f32 v9, v11  }
0x486: {  	v12 =	vmul.f32 v9, v12;
	v9 =	vmul.f32 v9, v13;
	v8 =	vadd.f32 v10, v8;
	v10 =	vld [tilespmem:$0x1F230];
	_ =	sdelay $0x1  }
0x487: {  	v7 =	vadd.f32 v9, v7;
	v9 =	vld [tilespmem:$0x1F200]  }
0x488: {  	v13 =	vld [tilespmem:$0x1F540];
	_ =	sdelay $0x1  }
0x489: {  	v5 =	vadd.f32 v11, v5;
	v7 =	vadd.f32 v10, v7;
	v10 =	vld [tilespmem:$0x1F2C0]  }
0x48a: {  	v15 =	vld [tilespmem:$0x1F940]  }
0x48b: {  	v5 =	vadd.f32 v9, v5;
	v9 =	vld [tilespmem:$0x1F210]  }
0x48c: {  	v11 =	vld [tilespmem:$0x1F2E0]  }
0x48d: {  	v14 =	vld [tilespmem:$0x1F930]  }
0x48e: {  	v6 =	vadd.f32 v12, v6;
	v5 =	vadd.f32 v10, v5;
	v10 =	vld [tilespmem:$0x1F2D0]  }
0x48f: {  	v13 =	vld.idx.msk [tilespmem:v13+s13+$0x0], $0xffff  }
0x490: {  	v6 =	vadd.f32 v9, v6;
	v9 =	vld [tilespmem:$0x1F530]  }
0x491: {  	v8 =	vadd.f32 v11, v8;
	v11 =	vld [tilespmem:$0x1F2F0]  }
0x492: {  	v12 =	vld [tilespmem:$0x1F910]  }
0x493: {  	v6 =	vadd.f32 v10, v6;
	v10 =	vld [tilespmem:$0x1F8B0];
	_ =	sdelay $0x1  }
0x494: {  	v14 =	vmul.f32 v13, v14  }
0x495: {  	v7 =	vadd.f32 v11, v7;
	v11 =	vld [tilespmem:$0x1F520]  }
0x496: {  	v12 =	vmul.f32 v13, v12;
	v8 =	vadd.f32 v14, v8;
	v14 =	vld [tilespmem:$0x1FA60]  }
0x497: {  	v9 =	vld.idx.msk [tilespmem:v9+s13+$0x0], $0xffff;
	v10 =	vmul.f32 v13, v10;
	v13 =	vmul.f32 v13, v15  }
0x498: {  	v6 =	vadd.f32 v12, v6;
	v12 =	vld [tilespmem:$0x1F9C0]  }
0x499: {  	v7 =	vadd.f32 v13, v7;
	v13 =	vld [tilespmem:$0x1FA20]  }
0x49a: {  	v15 =	vld [tilespmem:$0x1F9F0];
	_ =	sdelay $0x3  }
0x49b: {  	v5 =	vadd.f32 v10, v5;
	v10 =	vld [tilespmem:$0x1F510];
	v12 =	vmul.f32 v9, v12;
	v13 =	vmul.f32 v9, v13  }
0x49c: {  	v11 =	vld.idx.msk [tilespmem:v11+s13+$0x0], $0xffff;
	v15 =	vmul.f32 v9, v15;
	v9 =	vmul.f32 v9, v14  }
0x49d: {  	v8 =	vadd.f32 v13, v8;
	v13 =	vld [tilespmem:$0x1FA80]  }
0x49e: {  	v7 =	vadd.f32 v9, v7;
	v9 =	vld [tilespmem:$0x1FB00];
	_ =	sdelay $0x1  }
0x49f: {  	v14 =	vld [tilespmem:$0x1FAB0]  }
0x4a0: {  	v6 =	vadd.f32 v15, v6;
	v15 =	vld [tilespmem:$0x1FB40]  }
0x4a1: {  	v5 =	vadd.f32 v12, v5;
	v12 =	vld [tilespmem:$0x1F500];
	v13 =	vmul.f32 v11, v13  }
0x4a2: {  	v10 =	vld.idx.msk [tilespmem:v10+s13+$0x0], $0xffff;
	v9 =	vmul.f32 v11, v9  }
0x4a3: {  	v5 =	vadd.f32 v13, v5;
	v13 =	vld [tilespmem:$0x1FB60]  }
0x4a4: {  	v14 =	vmul.f32 v11, v14;
	v8 =	vadd.f32 v9, v8;
	v9 =	vld [tilespmem:$0x1F4F0]  }
0x4a5: {  	v11 =	vmul.f32 v11, v15  }
0x4a6: {  	v6 =	vadd.f32 v14, v6;
	v14 =	vld [tilespmem:$0x1FBB0]  }
0x4a7: {  	v7 =	vadd.f32 v11, v7;
	v11 =	vld [tilespmem:$0x1FB90]  }
0x4a8: {  	v15 =	vld [tilespmem:$0x1FBC0]  }
0x4a9: {  	v12 =	vld.idx.msk [tilespmem:v12+s13+$0x0], $0xffff;
	v13 =	vmul.f32 v10, v13;
	_ =	sdelay $0x1  }
0x4aa: {  	v5 =	vadd.f32 v13, v5;
	v13 =	vld [tilespmem:$0x1FC60]  }
0x4ab: {  	v11 =	vmul.f32 v10, v11;
	v9 =	vld.idx.msk [tilespmem:v9+s13+$0x0], $0xffff  }
0x4ac: {  	v14 =	vmul.f32 v10, v14;
	v10 =	vmul.f32 v10, v15  }
0x4ad: {  	v6 =	vadd.f32 v11, v6;
	v11 =	vmul.f32 v12, v41  }
0x4ae: {  	v8 =	vadd.f32 v14, v8;
	v7 =	vadd.f32 v10, v7;
	v10 =	vmul.f32 v12, v54  }
0x4af: {  	v5 =	vadd.f32 v11, v5;
	v13 =	vmul.f32 v12, v13;
	v12 =	vmul.f32 v12, v63  }
0x4b0: {  	v8 =	vadd.f32 v10, v8;
	v10 =	vmul.f32 v9, v32;
	v11 =	vmul.f32 v9, v36  }
0x4b1: {  	v7 =	vadd.f32 v12, v7;
	v12 =	vmul.f32 v9, v52;
	v9 =	vmul.f32 v9, v55  }
0x4b2: {  	v5 =	vadd.f32 v10, v5;
	v10 =	vld [tilespmem:$0x1F3A0]  }
0x4b3: {  	v7 =	vadd.f32 v9, v7;
	v9 =	vld [tilespmem:$0x1F380]  }
0x4b4: {  	v6 =	vadd.f32 v13, v6  }
0x4b5: {  	v8 =	vadd.f32 v12, v8  }
0x4b6: {  	v6 =	vadd.f32 v11, v6;
	v11 =	vld [tilespmem:$0x1F420]  }
0x4b7: {  	v8 =	vadd.f32 v10, v8;
	v10 =	vld [tilespmem:$0x1F3B0]  }
0x4b8: {  	v5 =	vadd.f32 v9, v5;
	v9 =	vld [tilespmem:$0x1F390]  }
0x4b9: {  	v13 =	vld [tilespmem:$0x1F4E0];
	_ =	sdelay $0x1  }
0x4ba: {  	v8 =	vadd.f32 v11, v8;
	v11 =	vld [tilespmem:$0x1F430]  }
0x4bb: {  	v7 =	vadd.f32 v10, v7;
	v10 =	vld [tilespmem:$0x1F400]  }
0x4bc: {  	v6 =	vadd.f32 v9, v6;
	v9 =	vld [tilespmem:$0x1F4D0];
	_ =	sdelay $0x2  }
0x4bd: {  	v7 =	vadd.f32 v11, v7;
	v11 =	vld [tilespmem:$0x1F4C0]  }
0x4be: {  	v13 =	vld.idx.msk [tilespmem:v13+s13+$0x0], $0xffff  }
0x4bf: {  	v5 =	vadd.f32 v10, v5;
	v10 =	vld [tilespmem:$0x1F410];
	_ =	sdelay $0x2  }
0x4c0: {  	v9 =	vld.idx.msk [tilespmem:v9+s13+$0x0], $0xffff;
	_ =	sdelay $0x1  }
0x4c1: {  	v12 =	vmul.f32 v13, v46;
	v14 =	vmul.f32 v13, v47;
	v6 =	vadd.f32 v10, v6  }
0x4c2: {  	v10 =	vmul.f32 v13, v57;
	v11 =	vld.idx.msk [tilespmem:v11+s13+$0x0], $0xffff;
	v13 =	vmul.f32 v13, v51  }
0x4c3: {  	v8 =	vadd.f32 v14, v8;
	v6 =	vadd.f32 v12, v6  }
0x4c4: {  	v7 =	vadd.f32 v13, v7;
	v12 =	vmul.f32 v9, v44;
	v13 =	vmul.f32 v9, v56  }
0x4c5: {  	v5 =	vadd.f32 v10, v5;
	v10 =	vmul.f32 v9, v53;
	v9 =	vmul.f32 v9, v58  }
0x4c6: {  	v6 =	vadd.f32 v12, v6;
	v8 =	vadd.f32 v13, v8  }
0x4c7: {  	v12 =	vmul.f32 v11, v29;
	v7 =	vadd.f32 v9, v7;
	v9 =	vmul.f32 v11, v17;
	_ =	sdelay $0x1  }
0x4c8: {  	v6 =	vadd.f32 v12, v6;
	v8 =	vadd.f32 v9, v8;
	v9 =	vmul.f32 v2, v28;
	_ =	sdelay $0x1  }
0x4c9: {  	v6 =	vadd.f32 v9, v6;
	v9 =	vld [tilespmem:$0x1FE70];
	_ =	sdelay $0x2  }
0x4ca: {  	v12 =	vmul.f32 v2, v16;
	_ =	sdelay $0x1  }
0x4cb: {  	v53 =	vld [tilespmem:$0x1FE80];
	v8 =	vadd.f32 v12, v8;
	v9 =	vmul.f32 v35, v9  }
0x4cc: {  	v5 =	vadd.f32 v10, v5;
	v10 =	vmul.f32 v11, v27;
	v11 =	vmul.f32 v11, v23  }
0x4cd: {  	v8 =	vadd.f32 v9, v8;
	v9 =	vld [tilespmem:$0x1FDD0]  }
0x4ce: {  	v52 =	vmul.f32 v2, v18;
	v7 =	vadd.f32 v11, v7  }
0x4cf: {  	v5 =	vadd.f32 v10, v5  }
0x4d0: {  	v10 =	vmul.f32 v2, v24;
	v2 =	vadd.f32 v52, v7;
	v7 =	vmul.f32 v35, v53;
	_ =	sdelay $0x1  }
0x4d1: {  	v11 =	vld [tilespmem:$0x1FE00];
	v2 =	vadd.f32 v7, v2;
	v9 =	vmul.f32 v62, v9  }
0x4d2: {  	v5 =	vadd.f32 v10, v5  }
0x4d3: {  	v2 =	vadd.f32 v9, v2;
	v9 =	vld [tilespmem:$0x1F280]  }
0x4d4: {  	v10 =	vld [tilespmem:$0x1FEB0];
	v5 =	vadd.f32 v59, v5;
	_ =	sdelay $0x1  }
0x4d5: {  	v5 =	vadd.f32 v11, v5;
	v11 =	vld [tilespmem:$0x1FE10];
	_ =	sdelay $0x1  }
0x4d6: {  	v5 =	vadd.f32 v9, v5;
	v9 =	vld [tilespmem:$0x1F290]  }
0x4d7: {  	v54 =	vld [tilespmem:$0x1FDC0];
	v6 =	vadd.f32 v10, v6;
	_ =	sdelay $0x1  }
0x4d8: {  	v6 =	vadd.f32 v11, v6;
	_ =	sdelay $0x1  }
0x4d9: {  	v6 =	vadd.f32 v9, v6;
	v9 =	vld [tilespmem:$0x1F2A0]  }
0x4da: {  	v7 =	vmul.f32 v62, v54;
	_ =	sdelay $0x1  }
0x4db: {  	v7 =	vadd.f32 v7, v8;
	_ =	sdelay $0x1  }
0x4dc: {  	v7 =	vadd.f32 v9, v7;
	v9 =	vld [tilespmem:$0x1F2B0]  }
0x4dd: {  	v10 =	vld [tilespmem:$0x1F4B0];
	_ =	sdelay $0x3  }
0x4de: {  	v2 =	vadd.f32 v9, v2;
	v9 =	vld [tilespmem:$0x1F340];
	_ =	sdelay $0x1  }
0x4df: {  	v8 =	vld [tilespmem:$0x1F4A0];
	_ =	sdelay $0x1  }
0x4e0: {  	v10 =	vld.idx.msk [tilespmem:v10+s13+$0x0], $0xffff  }
0x4e1: {  	v5 =	vadd.f32 v9, v5;
	v9 =	vld [tilespmem:$0x1F350]  }
0x4e2: {  	v11 =	vld [tilespmem:$0x1F360];
	_ =	sdelay $0x3  }
0x4e3: {  	v8 =	vld.idx.msk [tilespmem:v8+s13+$0x0], $0xffff;
	v6 =	vadd.f32 v9, v6;
	v9 =	vmul.f32 v10, v45  }
0x4e4: {  	v7 =	vadd.f32 v11, v7;
	v11 =	vld [tilespmem:$0x1F370]  }
0x4e5: {  	v5 =	vadd.f32 v9, v5;
	v9 =	vld [tilespmem:$0x1FA00];
	_ =	sdelay $0x3  }
0x4e6: {  	v12 =	vld [tilespmem:$0x1FD30]  }
0x4e7: {  	v2 =	vadd.f32 v11, v2;
	v11 =	vld [tilespmem:$0x1F960];
	v9 =	vmul.f32 v8, v9  }
0x4e8: {  	v13 =	vld [tilespmem:$0x1FD50]  }
0x4e9: {  	v5 =	vadd.f32 v9, v5;
	v9 =	vld [tilespmem:$0x1FCE0];
	_ =	sdelay $0x2  }
0x4ea: {  	v12 =	vmul.f32 v10, v12;
	v11 =	vmul.f32 v10, v11  }
0x4eb: {  	v10 =	vmul.f32 v10, v13  }
0x4ec: {  	v7 =	vadd.f32 v12, v7;
	v6 =	vadd.f32 v11, v6;
	v11 =	vld [tilespmem:$0x1FCC0];
	v9 =	vmul.f32 v8, v9  }
0x4ed: {  	v2 =	vadd.f32 v10, v2;
	v10 =	vld [tilespmem:$0x1FCF0]  }
0x4ee: {  	v7 =	vadd.f32 v9, v7;
	v9 =	vld [tilespmem:$0x1FC70];
	_ =	sdelay $0x3  }
0x4ef: {  	v11 =	vmul.f32 v8, v11;
	v8 =	vmul.f32 v8, v10;
	v10 =	vld [tilespmem:$0x1FC90]  }
0x4f0: {  	v5 =	vadd.f32 v9, v5;
	v9 =	vld [tilespmem:$0x1FC20]  }
0x4f1: {  	v2 =	vadd.f32 v8, v2;
	v8 =	vld [tilespmem:$0x1FC40];
	_ =	sdelay $0x3  }
0x4f2: {  	v9 =	vmul.f32 v10, v9  }
0x4f3: {  	v8 =	vmul.f32 v10, v8;
	v10 =	vld [tilespmem:$0x1FCA0]  }
0x4f4: {  	v7 =	vadd.f32 v9, v7;
	v9 =	vld [tilespmem:$0x1FB50]  }
0x4f5: {  	v43 =	vld [tilespmem:$0x1FBF0]  }
0x4f6: {  	v20 =	vld [tilespmem:$0x1FB20];
	v6 =	vadd.f32 v11, v6  }
0x4f7: {  	v21 =	vld [tilespmem:$0x1F980]  }
0x4f8: {  	v0 =	vadd.f32 v22, v0;
	v6 =	vadd.f32 v10, v6;
	v10 =	vld [tilespmem:$0x1FB70]  }
0x4f9: {  	v5 =	vadd.f32 v9, v5;
	v9 =	vld [tilespmem:$0x1FAD0]  }
0x4fa: {  	v34 =	vld [tilespmem:$0x1F820];
	v0 =	vadd.f32 v43, v0  }
0x4fb: {  	v26 =	vld [tilespmem:$0x1F9E0]  }
0x4fc: {  	v0 =	vadd.f32 v60, v0;
	v60 =	vld [tilespmem:$0x1FAA0]  }
0x4fd: {  	v2 =	vadd.f32 v8, v2;
	v8 =	vld [tilespmem:$0x1FB10]  }
0x4fe: {  	v22 =	vld [tilespmem:$0x1F990];
	v9 =	vmul.f32 v10, v9  }
0x4ff: {  	v39 =	vld [tilespmem:$0x1F830]  }
0x500: {  	v7 =	vadd.f32 v9, v7;
	v9 =	vld [tilespmem:$0x1FA10]  }
0x501: {  	v43 =	vld [tilespmem:$0x1F880]  }
0x502: {  	v3 =	vadd.f32 v60, v3;
	v60 =	vld [tilespmem:$0x1F870];
	v8 =	vmul.f32 v10, v8  }
0x503: {  	v55 =	vld [tilespmem:$0x1F9A0]  }
0x504: {  	v2 =	vadd.f32 v8, v2;
	v8 =	vld [tilespmem:$0x1F9D0]  }
0x505: {  	v5 =	vadd.f32 v9, v5;
	v9 =	vld [tilespmem:$0x1FA30]  }
0x506: {  	v58 =	vld [tilespmem:$0x1F850]  }
0x507: {  	v1 =	vadd.f32 v20, v1;
	v59 =	vld [tilespmem:$0x1F8E0]  }
0x508: {  	v0 =	vadd.f32 v21, v0;
	v10 =	vld [tilespmem:$0x1FB80]  }
0x509: {  	v30 =	vadd.f32 v26, v1;
	v3 =	vadd.f32 v22, v3;
	v57 =	vld [tilespmem:$0x1F8A0]  }
0x50a: {  	v37 =	vadd.f32 v34, v0;
	v4 =	vmul.f32 v9, v55;
	v8 =	vmul.f32 v9, v8;
	v9 =	vld [tilespmem:$0x1FA40]  }
0x50b: {  	v3 =	vadd.f32 v39, v3  }
0x50c: {  	v61 =	vld [tilespmem:$0x1F8F0];
	v0 =	vadd.f32 v43, v30;
	[tilespmem:s21+$0x18000] =	vst v37  }
0x50d: {  	s20 =	sadd.s32 $0x1, s20;
	v1 =	vmul.f32 v59, v58;
	[tilespmem:s21+$0x18080] =	vst v3;
	v6 =	vadd.f32 v10, v6;
	v56 =	vadd.f32 v4, v7  }
0x50e: {  	p0 =	sne.s32 s20, $0x4;
	v14 =	vld [tilespmem:$0x1FFE0];
	[tilespmem:s21+$0x18100] =	vst v42;
	v4 =	vadd.f32 v57, v5;
	v2 =	vadd.f32 v8, v2;
	v5 =	vmul.f32 v59, v60  }
.Ltmp1:
0x50f: {  	v16 =	vld [tilespmem:$0x1FFF0];
	[tilespmem:s21+$0x18180] =	vst v0;
	v62 =	vadd.f32 v1, v56;
	v6 =	vadd.f32 v9, v6;
	(pc) =	sbr.rel @p0 .LBB2_2-.Ltmp1, $4  }
0x510: {  	v54 =	vld [tilespmem:$0x1FFC0];
	[tilespmem:s21+$0x18010] =	vst v4;
	v63 =	vadd.f32 v5, v2  }
0x511: {  	v35 =	vld [tilespmem:$0x1FFA0];
	[tilespmem:s21+$0x18110] =	vst v62;
	v6 =	vadd.f32 v61, v6  }
0x512: {  	v11 =	vld [tilespmem:$0x1FFB0];
	[tilespmem:s21+$0x18190] =	vst v63  }
0x513: {  	v56 =	vld [tilespmem:$0x1FFD0];
	[tilespmem:s21+$0x18090] =	vst v6  }
0x514: {  	[hbm4b:s7+s4] =	stream.linear.scatter [tilespmem:s15], [sflag:$0x1], $0x80, $0x38;
	[tilespmem:$0x18200] =	vst v63  }
0x515: {  	_ =	swait.ge [sflag:s12], $0x80  }
0x516: {  	[sflag:s12] =	ssyncset.done $0x0  }
0x517: {  	[sflag:s12] =	ssyncadd.s32 $0xFFFFFF80  }
0x518: {  	[hbm4b:s8+s4] =	stream.linear.scatter [tilespmem:s16], [sflag:$0x1], $0x80, $0x38;
	[tilespmem:$0x18200] =	vst v63  }
0x519: {  	_ =	swait.ge [sflag:s12], $0x80  }
0x51a: {  	[sflag:s12] =	ssyncset.done $0x0  }
0x51b: {  	[sflag:s12] =	ssyncadd.s32 $0xFFFFFF80  }
0x51c: {  	[hbm4b:s9+s4] =	stream.linear.scatter [tilespmem:s17], [sflag:$0x1], $0x80, $0x38;
	[tilespmem:$0x18200] =	vst v63  }
0x51d: {  	s19 =	sadd.s32 $0x1, s19;
	_ =	swait.ge [sflag:s12], $0x80  }
0x51e: {  	p0 =	sne.s32 s19, s11;
	[sflag:s12] =	ssyncset.done $0x0  }
.Ltmp2:
0x51f: {  	[sflag:s12] =	ssyncadd.s32 $0xFFFFFF80;
	(pc) =	sbr.rel @p0 .LBB2_1-.Ltmp2, $4  }
0x520: {  	[hbm4b:s10+s4] =	stream.linear.scatter [tilespmem:s18], [sflag:$0x1], $0x80, $0x38;
	[tilespmem:$0x18200] =	vst v63  }
0x521: {  	_ =	swait.ge [sflag:s12], $0x80  }
0x522: {  	[sflag:s12] =	ssyncset.done $0x0  }
0x523: {  	[sflag:s12] =	ssyncadd.s32 $0xFFFFFF80  }
0x524: {  	_ =	sfence.sel $0x180000  }
0x525: {  	[bflag:$0x0] =	sbarrier.arrive $0xFFFF  }
0x526: {  	p0 =	sne.s32 s3, $0x0;
	_ =	strace $0x90000047  }
0x527: {  	s0 =	sadd.s32 @!p0 $0x100000, s0;
	[bflag:$0x2] =	sbarrier.arrive $0xFFFF  }
0x528: {  	[sflag:s0] =	ssyncadd.tile.s32 @!p0 $0x1;
	_ =	shalt  }
.Lfunc_end2:
_tile_overlayer_lowered:
.L_overlay_start_2:
0x529: {  	(tag) =	ssettag $0x2  }
0x52a: {  	s0 =	rddreg [dreg:$0x0];
	s2 =	stileid.u32  }
0x52b: {  	s1 =	rddreg [dreg:$0x1];
	p0 =	sne.s32 s2, $0x0  }
0x52c: {  	s3 =	rddreg [dreg:$0x2];
	[bflag:$0x3] =	sbarrier.arrive $0xFFFF;
	s2 =	simm.s32 @!p0 $0x1C01  }
0x52d: {  	[timem:s3], [sflag:s2] =	dma.local @!p0 [hbm:s0], s1  }
0x52e: {  	s0 =	simm.s32 @!p0 $0x1  }
0x52f: {  	_ =	swait.ge @!p0 [sflag:s0], s1  }
0x530: {  	s1 =	ssub.s32 @!p0 $0x0, s1;
	[sflag:s0] =	ssyncset.done @!p0 $0x0  }
0x531: {  	[sflag:s0] =	ssyncadd.s32 @!p0 s1  }
0x532: {  	[bflag:$0x3] =	sbarrier.arrive $0xFFFF  }
0x533: {  	_ =	shalt  }

</sc_bundles>
